<compile_context>
chip_gen: v7x
topology: tpu7x:2x2x1
jax: 0.10.2.dev20260603
libtpu: 0.0.44.dev20260713+nightly
codegen_flags: <defaults>
</compile_context>

<pallas_src>
import functools

import jax
import jax.numpy as jnp
import numpy as np
from jax import lax
from jax.experimental import pallas as pl
from jax.experimental.pallas import tpu as pltpu
from jax.experimental.pallas import tpu_sc as plsc

B, N, M, D, C = 4, 8192, 1024, 3, 32
K = 32
R2 = np.float32(0.6 ** 2)
OP_CH, OUT_CH = 64, 128
XP = 40
CP = 8
BM = B * M
BN = B * N
NW = 32
RPW = BM // NW
GR = 8
NG = RPW // GR
GI = GR * K // 128
PW = 128
CH0 = 256
NS0 = CH0 // 16
CHF = 512
NSF = CHF // 16
NCF = N // CHF
NEG = np.float32(-3.0e38)


def _point_mlp_body(pos_ref, feat_ref, wp_ref, wf_ref, o_ref):
    p = (jnp.dot(pos_ref[...], wp_ref[...],
                 preferred_element_type=jnp.float32)
         + jnp.dot(feat_ref[...], wf_ref[...],
                   preferred_element_type=jnp.float32))
    o_ref[...] = jnp.concatenate(
        [p, jnp.zeros((p.shape[0], PW - OP_CH), jnp.float32)], axis=1)


def _head_body(q_ref, c_ref, wp_ref, bop_ref, wa_ref, ba_ref, o_ref):
    cq = jnp.dot(c_ref[...], wp_ref[...], preferred_element_type=jnp.float32)
    pooled = jnp.maximum(q_ref[:, :OP_CH] - cq + bop_ref[...], 0.0)
    o_ref[...] = jnp.maximum(
        jnp.dot(pooled, wa_ref[...], preferred_element_type=jnp.float32)
        + ba_ref[...], 0.0)


def _lane_gather(x, idx):
    return lax.gather(
        x, idx[:, None],
        dimension_numbers=lax.GatherDimensionNumbers(
            offset_dims=(), collapsed_slice_dims=(0,), start_index_map=(0,)),
        slice_sizes=(1,),
        mode=lax.GatherScatterMode.PROMISE_IN_BOUNDS)


def _sc_body(dist_hbm, p_hbm, q_hbm,
             dbuf, fbuf, ids, idsall, prows, qloc, cnts, cnt_ref,
             gsem, hsem):
    cid = lax.axis_index("c")
    sid = lax.axis_index("s")
    wid = sid * 2 + cid
    row0 = wid * RPW
    gbase = (row0 // M) * N
    iot = lax.iota(jnp.int32, 16)
    one = jnp.full((16,), 1, jnp.int32)
    zero = jnp.full((16,), 0, jnp.int32)
    negv = jnp.full((16,), NEG, jnp.float32)

    pidx = [jnp.maximum(iot - s, 0) for s in (1, 2, 4, 8)]
    pmsk = [iot >= s for s in (1, 2, 4, 8)]

    def subchunk(v, base, c):
        m = v < R2
        x = jnp.where(m, one, zero)
        for i in range(4):
            sh = _lane_gather(x, pidx[i])
            x = x + jnp.where(pmsk[i], sh, zero)
        pc = x[15]
        r = zero
        for s in (8, 4, 2, 1):
            t = r + s
            ok = _lane_gather(x, t - 1) <= iot
            r = jnp.where(ok, t, r)
        ids[pl.ds(jnp.minimum(c, 34), 16)] = r + base
        return c + pc

    def scan_row(r, grow0, par):
        cnt_ref[0] = jnp.int32(0)
        prow = par * GR + r

        def head(jq, carry):
            @pl.when(cnt_ref[0] < K)
            def _():
                c = cnt_ref[0]
                for j4 in range(4):
                    j = jq * 4 + j4
                    c = subchunk(dbuf[prow, pl.ds(j * 16, 16)],
                                 j * 16 + gbase, c)
                cnt_ref[0] = c
            return carry

        lax.fori_loop(0, NS0 // 4, head, 0)

        @pl.when(cnt_ref[0] < K)
        def _():
            def fb_chunk(f, carry):
                @pl.when(cnt_ref[0] < K)
                def _():
                    pltpu.sync_copy(
                        dist_hbm.at[pl.ds(grow0, GR), pl.ds(f * CHF, CHF)],
                        fbuf)

                    def fb_sub(j, c2):
                        @pl.when(cnt_ref[0] < K)
                        def _():
                            cnt_ref[0] = subchunk(
                                fbuf[r, pl.ds(j * 16, 16)],
                                f * CHF + j * 16 + gbase, cnt_ref[0])
                        return c2

                    lax.fori_loop(0, NSF, fb_sub, 0)
                return carry

            lax.fori_loop(1, NCF, fb_chunk, 0)

        cnt = cnt_ref[0]
        cntc = jnp.minimum(cnt, K)
        fill = _lane_gather(ids[pl.ds(0, 16)], zero)
        ids[pl.ds(cntc, 16)] = fill
        ids[pl.ds(cntc + 16, 16)] = fill
        rq = par * GI + r // 4
        rr = (r % 4) * K
        idsall[rq, pl.ds(rr, 16)] = ids[pl.ds(0, 16)]
        idsall[rq, pl.ds(rr + 16, 16)] = ids[pl.ds(16, 16)]
        cnts[prow] = cnt

    def head_copy(g, par):
        return pltpu.make_async_copy(
            dist_hbm.at[pl.ds(row0 + g * GR, GR), pl.ds(0, CH0)],
            dbuf.at[pl.ds(par * GR, GR)], hsem)

    def gather_copy(par, gi):
        return pltpu.make_async_copy(
            p_hbm.at[idsall.at[par * GI + gi]],
            prows.at[pl.ds(par * GR * K + gi * 128, 128)], gsem)

    def max_group(gq, par):
        def mrow(r, c2):
            accs = [negv] * 4
            for k in range(K):
                for t in range(4):
                    v = prows[par * GR * K + r * K + k, pl.ds(t * 16, 16)]
                    accs[t] = jnp.maximum(accs[t], v)
            valid = cnts[par * GR + r] > 0

            @pl.when(valid)
            def _():
                for t in range(4):
                    qloc[gq * GR + r, pl.ds(t * 16, 16)] = accs[t]

            @pl.when(jnp.logical_not(valid))
            def _():
                for t in range(4):
                    qloc[gq * GR + r, pl.ds(t * 16, 16)] = negv
            return c2

        lax.fori_loop(0, GR, mrow, 0)

    head_copy(0, 0).start()

    def group(g, carry):
        par = g & 1
        parp = 1 - par
        grow0 = row0 + g * GR
        head_copy(g, par).wait()

        @pl.when(g + 1 < NG)
        def _():
            head_copy(g + 1, parp).start()

        def srow(r, c2):
            scan_row(r, grow0, par)
            return c2

        lax.fori_loop(0, GR, srow, 0)

        @pl.when(g > 0)
        def _():
            for gi in range(GI):
                gather_copy(parp, gi).wait()
            max_group(g - 1, parp)

        for gi in range(GI):
            gather_copy(par, gi).start()
        return carry

    lax.fori_loop(0, NG, group, 0)
    parl = (NG - 1) & 1
    for gi in range(GI):
        gather_copy(parl, gi).wait()
    max_group(NG - 1, parl)
    pltpu.sync_copy(qloc, q_hbm.at[pl.ds(row0, RPW)])


_sc_ball = functools.partial(
    pl.kernel,
    out_type=jax.ShapeDtypeStruct((BM, PW), jnp.float32),
    mesh=plsc.VectorSubcoreMesh(core_axis_name="c", subcore_axis_name="s"),
    compiler_params=pltpu.CompilerParams(use_tc_tiling_on_sc=True),
    scratch_types=[
        pltpu.VMEM((2 * GR, CH0), jnp.float32),
        pltpu.VMEM((GR, CHF), jnp.float32),
        pltpu.VMEM((64,), jnp.int32),
        pltpu.VMEM((2 * GI, 128), jnp.int32),
        pltpu.VMEM((2 * GR * K, PW), jnp.float32),
        pltpu.VMEM((RPW, PW), jnp.float32),
        pltpu.SMEM((2 * GR,), jnp.int32),
        pltpu.SMEM((1,), jnp.int32),
        pltpu.SemaphoreType.DMA,
        pltpu.SemaphoreType.DMA,
    ],
)(_sc_body)


@jax.jit
def kernel(positions, features, centers, distances, W_op, b_op, W_agg, b_agg):
    c8 = jnp.pad(centers.reshape(BM, D), ((0, 0), (0, CP - D)))
    wp8 = jnp.pad(W_op[:D], ((0, CP - D), (0, 0)))

    p = pl.pallas_call(
        _point_mlp_body,
        grid=(BN // 8192,),
        in_specs=[pl.BlockSpec((8192, D), lambda i: (i, 0)),
                  pl.BlockSpec((8192, C), lambda i: (i, 0)),
                  pl.BlockSpec((D, OP_CH), lambda i: (0, 0)),
                  pl.BlockSpec((C, OP_CH), lambda i: (0, 0))],
        out_specs=pl.BlockSpec((8192, PW), lambda i: (i, 0)),
        out_shape=jax.ShapeDtypeStruct((BN, PW), jnp.float32),
    )(positions.reshape(BN, D), features.reshape(BN, C),
      W_op[:D], W_op[D:])

    q = _sc_ball(distances.reshape(BM, N), p)

    out = pl.pallas_call(
        _head_body,
        grid=(BM // 2048,),
        in_specs=[pl.BlockSpec((2048, PW), lambda i: (i, 0)),
                  pl.BlockSpec((2048, CP), lambda i: (i, 0)),
                  pl.BlockSpec((CP, OP_CH), lambda i: (0, 0)),
                  pl.BlockSpec((1, OP_CH), lambda i: (0, 0)),
                  pl.BlockSpec((OP_CH, OUT_CH), lambda i: (0, 0)),
                  pl.BlockSpec((1, OUT_CH), lambda i: (0, 0))],
        out_specs=pl.BlockSpec((2048, OUT_CH), lambda i: (i, 0)),
        out_shape=jax.ShapeDtypeStruct((BM, OUT_CH), jnp.float32),
    )(q, c8, wp8, b_op.reshape(1, OP_CH), W_agg, b_agg.reshape(1, OUT_CH))

    return out.reshape(B, M, OUT_CH)

# --- scband reference (transcript-rebuilt; emitter-appended) ---
"""Pipeline reference for scband-point-net-sampler-11433202942130 (READ-ONLY COPY).

The authoritative reference and input builder live on the scoring server;
editing this copy changes nothing except your own understanding.
"""

import jax, jax.numpy as jnp
import numpy as np

B, N, M, D, C = 4, 8192, 1024, 3, 32
K = 32
RADIUS = 0.6
OP_CH = 64
OUT_CH = 128


def setup_inputs(seed: int = 0) -> dict:
    key = jax.random.key(seed)
    k1, k2, k3, k4, k5, k6 = jax.random.split(key, 6)
    positions = jax.random.normal(k1, (B, N, D), dtype=jnp.float32)
    features = jax.random.normal(k2, (B, N, C), dtype=jnp.float32)
    centers = jax.random.normal(k3, (B, M, D), dtype=jnp.float32)
    distances = jax.random.uniform(k4, (B, M, N), dtype=jnp.float32)
    W_op = jax.random.normal(k5, (D + C, OP_CH), dtype=jnp.float32) * 0.1
    b_op = jnp.zeros((OP_CH,), dtype=jnp.float32)
    W_agg = jax.random.normal(k6, (OP_CH, OUT_CH), dtype=jnp.float32) * 0.1
    b_agg = jnp.zeros((OUT_CH,), dtype=jnp.float32)
    return {"positions": positions, "features": features, "centers": centers,
            "distances": distances, "W_op": W_op, "b_op": b_op,
            "W_agg": W_agg, "b_agg": b_agg}


def ball_query(distances, radius, k):
    # excluded: points with squared distance >= radius^2
    Bq, Mq, Nq = distances.shape
    excluded = distances >= radius ** 2
    ar = jnp.broadcast_to(jnp.arange(Nq, dtype=jnp.int32), (Bq, Mq, Nq))
    ret = jnp.where(excluded, jnp.int32(Nq), ar)
    ret = jnp.sort(ret, axis=-1)
    return ret[:, :, :k]


def reference(positions, features, centers, distances, W_op, b_op, W_agg, b_agg):
    Bq, Nq, Dq = positions.shape
    Mq = centers.shape[1]
    ids = ball_query(distances, RADIUS, K)          # (B, M, K), invalid == N
    mask = ids != Nq                                 # (B, M, K)
    safe = jnp.minimum(ids, Nq - 1)
    batch_idx = jnp.arange(Bq, dtype=jnp.int32).reshape(Bq, 1, 1)
    gidx = safe + batch_idx * Nq                     # global point indices
    c_idx = jnp.broadcast_to(
        jnp.arange(Mq, dtype=jnp.int32).reshape(1, Mq, 1) + batch_idx * Mq,
        (Bq, Mq, K))
    pos_flat = positions.reshape(Bq * Nq, Dq)
    feat_flat = features.reshape(Bq * Nq, -1)
    cent_flat = centers.reshape(Bq * Mq, Dq)
    nb_pos = jnp.take(pos_flat, gidx.reshape(-1), axis=0)
    nb_feat = jnp.take(feat_flat, gidx.reshape(-1), axis=0)
    ctr = jnp.take(cent_flat, c_idx.reshape(-1), axis=0)
    # NeighborOperator: pointwise MLP on (relative position, feature)
    rel = nb_pos - ctr
    h = jax.nn.relu(jnp.concatenate([rel, nb_feat], axis=-1) @ W_op + b_op)
    h = h.reshape(Bq, Mq, K, OP_CH)
    # invalid neighbor slots gather the zeros row in the torch code
    h = jnp.where(mask[..., None], h, 0.0)
    pooled = jnp.max(h, axis=2)                      # (B, M, OP_CH)
    # Conv1dBlock with kernel size 1 == per-point linear + relu
    out = jax.nn.relu(pooled @ W_agg + b_agg)        # (B, M, OUT_CH)
    return out

if __name__ == "__main__":
    import jax
    _d = setup_inputs()
    print(jax.jit(kernel)(*tuple(_d.values())))

</pallas_src>

<mosaic_0001>
#map = affine_map<(d0, d1) -> (0, 0)>
module attributes {stable_mosaic.version = 14 : i64} {
  func.func @_sc_body(%arg0: i32, %arg1: i32, %arg2: memref<4096x8192xf32, #tpu.memory_space<hbm>>, %arg3: memref<32768x128xf32, #tpu.memory_space<hbm>>, %arg4: memref<4096x128xf32, #tpu.memory_space<hbm>>, %arg5: memref<16x256xf32, #tpu.memory_space<vmem>>, %arg6: memref<8x512xf32, #tpu.memory_space<vmem>>, %arg7: memref<64xi32, #tpu.memory_space<vmem>>, %arg8: memref<4x128xi32, #tpu.memory_space<vmem>>, %arg9: memref<512x128xf32, #tpu.memory_space<vmem>>, %arg10: memref<128x128xf32, #tpu.memory_space<vmem>>, %arg11: memref<16xi32, #tpu.memory_space<smem>>, %arg12: memref<1xi32, #tpu.memory_space<smem>>, %arg13: memref<!tpu.dma_semaphore, #tpu.memory_space<semaphore_mem>>, %arg14: memref<!tpu.dma_semaphore, #tpu.memory_space<semaphore_mem>>) attributes {dimension_semantics = [#tpu.dimension_semantics<core_parallel>, #tpu.dimension_semantics<subcore_parallel>], iteration_bounds = array<i64: 2, 16>, scalar_prefetch = 0 : i64, scratch_operands = 10 : i64, tpu.core_type = #tpu.core_type<sc_vector_subcore>, window_params = [{transform_indices = #map}, {transform_indices = #map}, {transform_indices = #map}]} {
    %mul3A = arith.constant 2 : i32
    %mul3A_0 = arith.muli %arg1, %mul3A : i32
    %add3A = arith.addi %mul3A_0, %arg0 : i32
    %mul3A_1 = arith.constant 128 : i32
    %mul3A_2 = arith.muli %add3A, %mul3A_1 : i32
    %jit3A = arith.constant 1024 : i32
    %div3A = arith.divsi %mul3A_2, %jit3A : i32
    %sign3A = arith.constant 0 : i32
    %sign3A_3 = arith.cmpi sgt, %mul3A_2, %sign3A : i32
    %sign3A_4 = arith.extui %sign3A_3 : i1 to i32
    %sign3A_5 = arith.constant 0 : i32
    %sign3A_6 = arith.cmpi slt, %mul3A_2, %sign3A_5 : i32
    %sign3A_7 = arith.extui %sign3A_6 : i1 to i32
    %sign3A_8 = arith.subi %sign3A_4, %sign3A_7 : i32
    %sign3A_9 = arith.constant 0 : i32
    %sign3A_10 = arith.cmpi sgt, %jit3A, %sign3A_9 : i32
    %sign3A_11 = arith.extui %sign3A_10 : i1 to i32
    %sign3A_12 = arith.constant 0 : i32
    %sign3A_13 = arith.cmpi slt, %jit3A, %sign3A_12 : i32
    %sign3A_14 = arith.extui %sign3A_13 : i1 to i32
    %sign3A_15 = arith.subi %sign3A_11, %sign3A_14 : i32
    %ne3A = arith.cmpi ne, %sign3A_8, %sign3A_15 : i32
    %rem3A = arith.remsi %mul3A_2, %jit3A : i32
    %ne3A_16 = arith.constant 0 : i32
    %ne3A_17 = arith.cmpi ne, %rem3A, %ne3A_16 : i32
    %and3A = arith.andi %ne3A, %ne3A_17 : i1
    %sub3A = arith.constant 1 : i32
    %sub3A_18 = arith.subi %div3A, %sub3A : i32
    %select_n3A = arith.select %and3A, %sub3A_18, %div3A : i32
    %mul3A_19 = arith.constant 8192 : i32
    %mul3A_20 = arith.muli %select_n3A, %mul3A_19 : i32
    %iota3A = tpu.iota {dimensions = array<i32: 0>} : vector<16xi32>
    %broadcast_in_dim3A = arith.constant 1 : i32
    %broadcast_in_dim3A_21 = vector.broadcast %broadcast_in_dim3A : i32 to vector<16xi32>
    %broadcast_in_dim3A_22 = arith.constant 0 : i32
    %broadcast_in_dim3A_23 = vector.broadcast %broadcast_in_dim3A_22 : i32 to vector<16xi32>
    %broadcast_in_dim3A_24 = arith.constant -3.000000e+38 : f32
    %broadcast_in_dim3A_25 = vector.broadcast %broadcast_in_dim3A_24 : f32 to vector<16xf32>
    %sub3A_26 = arith.constant 1 : i32
    %sub3A_27 = vector.broadcast %sub3A_26 : i32 to vector<16xi32>
    %sub3A_28 = arith.subi %iota3A, %sub3A_27 : vector<16xi32>
    %max3A = arith.constant 0 : i32
    %max3A_29 = vector.broadcast %max3A : i32 to vector<16xi32>
    %max3A_30 = arith.maxsi %sub3A_28, %max3A_29 : vector<16xi32>
    %sub3A_31 = arith.constant 2 : i32
    %sub3A_32 = vector.broadcast %sub3A_31 : i32 to vector<16xi32>
    %sub3A_33 = arith.subi %iota3A, %sub3A_32 : vector<16xi32>
    %max3A_34 = arith.constant 0 : i32
    %max3A_35 = vector.broadcast %max3A_34 : i32 to vector<16xi32>
    %max3A_36 = arith.maxsi %sub3A_33, %max3A_35 : vector<16xi32>
    %sub3A_37 = arith.constant 4 : i32
    %sub3A_38 = vector.broadcast %sub3A_37 : i32 to vector<16xi32>
    %sub3A_39 = arith.subi %iota3A, %sub3A_38 : vector<16xi32>
    %max3A_40 = arith.constant 0 : i32
    %max3A_41 = vector.broadcast %max3A_40 : i32 to vector<16xi32>
    %max3A_42 = arith.maxsi %sub3A_39, %max3A_41 : vector<16xi32>
    %sub3A_43 = arith.constant 8 : i32
    %sub3A_44 = vector.broadcast %sub3A_43 : i32 to vector<16xi32>
    %sub3A_45 = arith.subi %iota3A, %sub3A_44 : vector<16xi32>
    %max3A_46 = arith.constant 0 : i32
    %max3A_47 = vector.broadcast %max3A_46 : i32 to vector<16xi32>
    %max3A_48 = arith.maxsi %sub3A_45, %max3A_47 : vector<16xi32>
    %ge3A = arith.constant 1 : i32
    %ge3A_49 = vector.broadcast %ge3A : i32 to vector<16xi32>
    %ge3A_50 = arith.cmpi sge, %iota3A, %ge3A_49 : vector<16xi32>
    %ge3A_51 = arith.constant 2 : i32
    %ge3A_52 = vector.broadcast %ge3A_51 : i32 to vector<16xi32>
    %ge3A_53 = arith.cmpi sge, %iota3A, %ge3A_52 : vector<16xi32>
    %ge3A_54 = arith.constant 4 : i32
    %ge3A_55 = vector.broadcast %ge3A_54 : i32 to vector<16xi32>
    %ge3A_56 = arith.cmpi sge, %iota3A, %ge3A_55 : vector<16xi32>
    %ge3A_57 = arith.constant 8 : i32
    %ge3A_58 = vector.broadcast %ge3A_57 : i32 to vector<16xi32>
    %ge3A_59 = arith.cmpi sge, %iota3A, %ge3A_58 : vector<16xi32>
    %add3A_60 = arith.constant 0 : i32
    %add3A_61 = arith.addi %mul3A_2, %add3A_60 : i32
    %dma_start3A = arith.constant 0 : i32
    %dma_start3A_62 = arith.constant 0 : i32
    %dma_start3A_63 = tpu.memref_slice %arg5[%dma_start3A, %dma_start3A_62] : memref<16x256xf32, #tpu.memory_space<vmem>> -> memref<8x256xf32, #tpu.memory_space<vmem>>
    %dma_start3A_64 = arith.constant 0 : i32
    %dma_start3A_65 = tpu.memref_slice %arg2[%add3A_61, %dma_start3A_64] : memref<4096x8192xf32, #tpu.memory_space<hbm>> -> memref<8x256xf32, #tpu.memory_space<hbm>>
    %dma_start3A_66 = arith.constant 0 : i32
    %dma_start3A_67 = arith.constant 0 : i32
    %dma_start3A_68 = tpu.memref_slice %arg5[%dma_start3A_66, %dma_start3A_67] : memref<16x256xf32, #tpu.memory_space<vmem>> -> memref<8x256xf32, #tpu.memory_space<vmem>>
    %dma_start3A_69 = arith.constant 0 : i32
    %dma_start3A_70 = tpu.memref_slice %arg2[%add3A_61, %dma_start3A_69] : memref<4096x8192xf32, #tpu.memory_space<hbm>> -> memref<8x256xf32, #tpu.memory_space<hbm>>
    tpu.enqueue_dma source(%dma_start3A_70 : memref<8x256xf32, #tpu.memory_space<hbm>>) target(%dma_start3A_68 : memref<8x256xf32, #tpu.memory_space<vmem>>) target_semaphore(%arg14 : memref<!tpu.dma_semaphore, #tpu.memory_space<semaphore_mem>>)
    %scan3A = arith.constant 0 : i32
    %scan3A_71 = arith.constant 0 : i32
    %scan3A_72 = arith.constant 16 : i32
    %scan3A_73 = arith.addi %scan3A_71, %scan3A_72 : i32
    %scan3A_74 = arith.constant 1 : i32
    scf.for %scan3A_101 = %scan3A_71 to %scan3A_73 step %scan3A_74  : i32 {
      %and3A_102 = arith.constant 1 : i32
      %and3A_103 = arith.andi %scan3A_101, %and3A_102 : i32
      %sub3A_104 = arith.constant 1 : i32
      %sub3A_105 = arith.subi %sub3A_104, %and3A_103 : i32
      %mul3A_106 = arith.constant 8 : i32
      %mul3A_107 = arith.muli %scan3A_101, %mul3A_106 : i32
      %add3A_108 = arith.addi %mul3A_2, %mul3A_107 : i32
      %mul3A_109 = arith.constant 8 : i32
      %mul3A_110 = arith.muli %scan3A_101, %mul3A_109 : i32
      %add3A_111 = arith.addi %mul3A_2, %mul3A_110 : i32
      %mul3A_112 = arith.constant 8 : i32
      %mul3A_113 = arith.muli %and3A_103, %mul3A_112 : i32
      %dma_wait3A_114 = arith.constant 0 : i32
      %dma_wait3A_115 = tpu.memref_slice %arg5[%mul3A_113, %dma_wait3A_114] : memref<16x256xf32, #tpu.memory_space<vmem>> -> memref<8x256xf32, #tpu.memory_space<vmem>>
      %dma_wait3A_116 = arith.constant 0 : i32
      %dma_wait3A_117 = tpu.memref_slice %arg2[%add3A_111, %dma_wait3A_116] : memref<4096x8192xf32, #tpu.memory_space<hbm>> -> memref<8x256xf32, #tpu.memory_space<hbm>>
      %dma_wait3A_118 = arith.constant 0 : i32
      %dma_wait3A_119 = tpu.memref_slice %arg5[%mul3A_113, %dma_wait3A_118] : memref<16x256xf32, #tpu.memory_space<vmem>> -> memref<8x256xf32, #tpu.memory_space<vmem>>
      %dma_wait3A_120 = arith.constant 0 : i32
      %dma_wait3A_121 = tpu.memref_slice %arg2[%add3A_111, %dma_wait3A_120] : memref<4096x8192xf32, #tpu.memory_space<hbm>> -> memref<8x256xf32, #tpu.memory_space<hbm>>
      tpu.wait_dma2 semaphore(%arg14 : memref<!tpu.dma_semaphore, #tpu.memory_space<semaphore_mem>>) src(%dma_wait3A_121 : memref<8x256xf32, #tpu.memory_space<hbm>>) dst(%dma_wait3A_119 : memref<8x256xf32, #tpu.memory_space<vmem>>)
      %add3A_122 = arith.constant 1 : i32
      %add3A_123 = arith.addi %scan3A_101, %add3A_122 : i32
      %lt3A = arith.constant 16 : i32
      %lt3A_124 = arith.cmpi slt, %add3A_123, %lt3A : i32
      %convert_element_type3A = arith.extui %lt3A_124 : i1 to i32
      %cond3A = arith.constant 0 : i32
      %cond3A_125 = arith.cmpi ne, %convert_element_type3A, %cond3A : i32
      scf.if %cond3A_125 {
        %add3A_172 = arith.constant 1 : i32
        %add3A_173 = arith.addi %scan3A_101, %add3A_172 : i32
        %mul3A_174 = arith.constant 8 : i32
        %mul3A_175 = arith.muli %add3A_173, %mul3A_174 : i32
        %add3A_176 = arith.addi %mul3A_2, %mul3A_175 : i32
        %mul3A_177 = arith.constant 8 : i32
        %mul3A_178 = arith.muli %sub3A_105, %mul3A_177 : i32
        %dma_start3A_179 = arith.constant 0 : i32
        %dma_start3A_180 = tpu.memref_slice %arg5[%mul3A_178, %dma_start3A_179] : memref<16x256xf32, #tpu.memory_space<vmem>> -> memref<8x256xf32, #tpu.memory_space<vmem>>
        %dma_start3A_181 = arith.constant 0 : i32
        %dma_start3A_182 = tpu.memref_slice %arg2[%add3A_176, %dma_start3A_181] : memref<4096x8192xf32, #tpu.memory_space<hbm>> -> memref<8x256xf32, #tpu.memory_space<hbm>>
        %dma_start3A_183 = arith.constant 0 : i32
        %dma_start3A_184 = tpu.memref_slice %arg5[%mul3A_178, %dma_start3A_183] : memref<16x256xf32, #tpu.memory_space<vmem>> -> memref<8x256xf32, #tpu.memory_space<vmem>>
        %dma_start3A_185 = arith.constant 0 : i32
        %dma_start3A_186 = tpu.memref_slice %arg2[%add3A_176, %dma_start3A_185] : memref<4096x8192xf32, #tpu.memory_space<hbm>> -> memref<8x256xf32, #tpu.memory_space<hbm>>
        tpu.enqueue_dma source(%dma_start3A_186 : memref<8x256xf32, #tpu.memory_space<hbm>>) target(%dma_start3A_184 : memref<8x256xf32, #tpu.memory_space<vmem>>) target_semaphore(%arg14 : memref<!tpu.dma_semaphore, #tpu.memory_space<semaphore_mem>>)
      } else {
      }
      %scan3A_126 = arith.constant 0 : i32
      %scan3A_127 = arith.constant 0 : i32
      %scan3A_128 = arith.constant 8 : i32
      %scan3A_129 = arith.addi %scan3A_127, %scan3A_128 : i32
      %scan3A_130 = arith.constant 1 : i32
      scf.for %scan3A_172 = %scan3A_127 to %scan3A_129 step %scan3A_130  : i32 {
        %swap3A = arith.constant 0 : i32
        %swap3A_173 = arith.constant 0 : i32
        %swap3A_174 = arith.index_cast %swap3A_173 : i32 to index
        %swap3A_175 = memref.load %arg12[%swap3A_174] : memref<1xi32, #tpu.memory_space<smem>>
        memref.store %swap3A, %arg12[%swap3A_174] : memref<1xi32, #tpu.memory_space<smem>>
        %mul3A_176 = arith.constant 8 : i32
        %mul3A_177 = arith.muli %and3A_103, %mul3A_176 : i32
        %add3A_178 = arith.addi %mul3A_177, %scan3A_172 : i32
        %scan3A_179 = arith.constant 0 : i32
        %scan3A_180 = arith.constant 0 : i32
        %scan3A_181 = arith.constant 4 : i32
        %scan3A_182 = arith.addi %scan3A_180, %scan3A_181 : i32
        %scan3A_183 = arith.constant 1 : i32
        scf.for %scan3A_275 = %scan3A_180 to %scan3A_182 step %scan3A_183  : i32 {
          %get3A_276 = arith.constant 0 : i32
          %get3A_277 = arith.index_cast %get3A_276 : i32 to index
          %get3A_278 = memref.load %arg12[%get3A_277] : memref<1xi32, #tpu.memory_space<smem>>
          %lt3A_279 = arith.constant 32 : i32
          %lt3A_280 = arith.cmpi slt, %get3A_278, %lt3A_279 : i32
          %convert_element_type3A_281 = arith.extui %lt3A_280 : i1 to i32
          %cond3A_282 = arith.constant 0 : i32
          %cond3A_283 = arith.cmpi ne, %convert_element_type3A_281, %cond3A_282 : i32
          scf.if %cond3A_283 {
            %get3A_284 = arith.constant 0 : i32
            %get3A_285 = arith.index_cast %get3A_284 : i32 to index
            %get3A_286 = memref.load %arg12[%get3A_285] : memref<1xi32, #tpu.memory_space<smem>>
            %mul3A_287 = arith.constant 4 : i32
            %mul3A_288 = arith.muli %scan3A_275, %mul3A_287 : i32
            %add3A_289 = arith.constant 0 : i32
            %add3A_290 = arith.addi %mul3A_288, %add3A_289 : i32
            %mul3A_291 = arith.constant 16 : i32
            %mul3A_292 = arith.muli %add3A_290, %mul3A_291 : i32
            %get3A_293 = arith.index_cast %add3A_178 : i32 to index
            %get3A_294 = arith.index_cast %mul3A_292 : i32 to index
            %get3A_295 = tpu.vector_load %arg5[%get3A_293, %get3A_294] {strides = array<i32>} : memref<16x256xf32, #tpu.memory_space<vmem>>, vector<1x16xf32>,
            %get3A_296 = vector.shape_cast %get3A_295 : vector<1x16xf32> to vector<16xf32>
            %mul3A_297 = arith.constant 16 : i32
            %mul3A_298 = arith.muli %add3A_290, %mul3A_297 : i32
            %add3A_299 = arith.addi %mul3A_298, %mul3A_20 : i32
            %lt3A_300 = arith.constant 3.600000e-01 : f32
            %lt3A_301 = vector.broadcast %lt3A_300 : f32 to vector<16xf32>
            %lt3A_302 = arith.cmpf olt, %get3A_296, %lt3A_301 : vector<16xf32>
            %select_n3A_303 = arith.select %lt3A_302, %broadcast_in_dim3A_21, %broadcast_in_dim3A_23 : vector<16xi1>, vector<16xi32>
            %broadcast_in_dim3A_304 = vector.shape_cast %max3A_30 : vector<16xi32> to vector<16x1xi32>
            %gather3A_305 = vector.shape_cast %broadcast_in_dim3A_304 : vector<16x1xi32> to vector<16xi32>
            %gather3A_306 = tpu.dynamic_gather %select_n3A_303[%gather3A_305] in [0] : vector<16xi32>, vector<16xi32> -> vector<16xi32>
            %select_n3A_307 = arith.select %ge3A_50, %gather3A_306, %broadcast_in_dim3A_23 : vector<16xi1>, vector<16xi32>
            %add3A_308 = arith.addi %select_n3A_303, %select_n3A_307 : vector<16xi32>
            %broadcast_in_dim3A_309 = vector.shape_cast %max3A_36 : vector<16xi32> to vector<16x1xi32>
            %gather3A_310 = vector.shape_cast %broadcast_in_dim3A_309 : vector<16x1xi32> to vector<16xi32>
            %gather3A_311 = tpu.dynamic_gather %add3A_308[%gather3A_310] in [0] : vector<16xi32>, vector<16xi32> -> vector<16xi32>
            %select_n3A_312 = arith.select %ge3A_53, %gather3A_311, %broadcast_in_dim3A_23 : vector<16xi1>, vector<16xi32>
            %add3A_313 = arith.addi %add3A_308, %select_n3A_312 : vector<16xi32>
            %broadcast_in_dim3A_314 = vector.shape_cast %max3A_42 : vector<16xi32> to vector<16x1xi32>
            %gather3A_315 = vector.shape_cast %broadcast_in_dim3A_314 : vector<16x1xi32> to vector<16xi32>
            %gather3A_316 = tpu.dynamic_gather %add3A_313[%gather3A_315] in [0] : vector<16xi32>, vector<16xi32> -> vector<16xi32>
            %select_n3A_317 = arith.select %ge3A_56, %gather3A_316, %broadcast_in_dim3A_23 : vector<16xi1>, vector<16xi32>
            %add3A_318 = arith.addi %add3A_313, %select_n3A_317 : vector<16xi32>
            %broadcast_in_dim3A_319 = vector.shape_cast %max3A_48 : vector<16xi32> to vector<16x1xi32>
            %gather3A_320 = vector.shape_cast %broadcast_in_dim3A_319 : vector<16x1xi32> to vector<16xi32>
            %gather3A_321 = tpu.dynamic_gather %add3A_318[%gather3A_320] in [0] : vector<16xi32>, vector<16xi32> -> vector<16xi32>
            %select_n3A_322 = arith.select %ge3A_59, %gather3A_321, %broadcast_in_dim3A_23 : vector<16xi1>, vector<16xi32>
            %add3A_323 = arith.addi %add3A_318, %select_n3A_322 : vector<16xi32>
            %slice3A = vector.extract_strided_slice %add3A_323 {offsets = [15], sizes = [1], strides = [1]} : vector<16xi32> to vector<1xi32>
            %squeeze3A = vector.extract %slice3A[0] : i32 from vector<1xi32>
            %add3A_324 = arith.constant 8 : i32
            %add3A_325 = vector.broadcast %add3A_324 : i32 to vector<16xi32>
            %add3A_326 = arith.addi %broadcast_in_dim3A_23, %add3A_325 : vector<16xi32>
            %sub3A_327 = arith.constant 1 : i32
            %sub3A_328 = vector.broadcast %sub3A_327 : i32 to vector<16xi32>
            %sub3A_329 = arith.subi %add3A_326, %sub3A_328 : vector<16xi32>
            %broadcast_in_dim3A_330 = vector.shape_cast %sub3A_329 : vector<16xi32> to vector<16x1xi32>
            %gather3A_331 = vector.shape_cast %broadcast_in_dim3A_330 : vector<16x1xi32> to vector<16xi32>
            %gather3A_332 = tpu.dynamic_gather %add3A_323[%gather3A_331] in [0] : vector<16xi32>, vector<16xi32> -> vector<16xi32>
            %le3A = arith.cmpi sle, %gather3A_332, %iota3A : vector<16xi32>
            %select_n3A_333 = arith.select %le3A, %add3A_326, %broadcast_in_dim3A_23 : vector<16xi1>, vector<16xi32>
            %add3A_334 = arith.constant 4 : i32
            %add3A_335 = vector.broadcast %add3A_334 : i32 to vector<16xi32>
            %add3A_336 = arith.addi %select_n3A_333, %add3A_335 : vector<16xi32>
            %sub3A_337 = arith.constant 1 : i32
            %sub3A_338 = vector.broadcast %sub3A_337 : i32 to vector<16xi32>
            %sub3A_339 = arith.subi %add3A_336, %sub3A_338 : vector<16xi32>
            %broadcast_in_dim3A_340 = vector.shape_cast %sub3A_339 : vector<16xi32> to vector<16x1xi32>
            %gather3A_341 = vector.shape_cast %broadcast_in_dim3A_340 : vector<16x1xi32> to vector<16xi32>
            %gather3A_342 = tpu.dynamic_gather %add3A_323[%gather3A_341] in [0] : vector<16xi32>, vector<16xi32> -> vector<16xi32>
            %le3A_343 = arith.cmpi sle, %gather3A_342, %iota3A : vector<16xi32>
            %select_n3A_344 = arith.select %le3A_343, %add3A_336, %select_n3A_333 : vector<16xi1>, vector<16xi32>
            %add3A_345 = arith.constant 2 : i32
            %add3A_346 = vector.broadcast %add3A_345 : i32 to vector<16xi32>
            %add3A_347 = arith.addi %select_n3A_344, %add3A_346 : vector<16xi32>
            %sub3A_348 = arith.constant 1 : i32
            %sub3A_349 = vector.broadcast %sub3A_348 : i32 to vector<16xi32>
            %sub3A_350 = arith.subi %add3A_347, %sub3A_349 : vector<16xi32>
            %broadcast_in_dim3A_351 = vector.shape_cast %sub3A_350 : vector<16xi32> to vector<16x1xi32>
            %gather3A_352 = vector.shape_cast %broadcast_in_dim3A_351 : vector<16x1xi32> to vector<16xi32>
            %gather3A_353 = tpu.dynamic_gather %add3A_323[%gather3A_352] in [0] : vector<16xi32>, vector<16xi32> -> vector<16xi32>
            %le3A_354 = arith.cmpi sle, %gather3A_353, %iota3A : vector<16xi32>
            %select_n3A_355 = arith.select %le3A_354, %add3A_347, %select_n3A_344 : vector<16xi1>, vector<16xi32>
            %add3A_356 = arith.constant 1 : i32
            %add3A_357 = vector.broadcast %add3A_356 : i32 to vector<16xi32>
            %add3A_358 = arith.addi %select_n3A_355, %add3A_357 : vector<16xi32>
            %sub3A_359 = arith.constant 1 : i32
            %sub3A_360 = vector.broadcast %sub3A_359 : i32 to vector<16xi32>
            %sub3A_361 = arith.subi %add3A_358, %sub3A_360 : vector<16xi32>
            %broadcast_in_dim3A_362 = vector.shape_cast %sub3A_361 : vector<16xi32> to vector<16x1xi32>
            %gather3A_363 = vector.shape_cast %broadcast_in_dim3A_362 : vector<16x1xi32> to vector<16xi32>
            %gather3A_364 = tpu.dynamic_gather %add3A_323[%gather3A_363] in [0] : vector<16xi32>, vector<16xi32> -> vector<16xi32>
            %le3A_365 = arith.cmpi sle, %gather3A_364, %iota3A : vector<16xi32>
            %select_n3A_366 = arith.select %le3A_365, %add3A_358, %select_n3A_355 : vector<16xi1>, vector<16xi32>
            %add3A_367 = vector.broadcast %add3A_299 : i32 to vector<16xi32>
            %add3A_368 = arith.addi %select_n3A_366, %add3A_367 : vector<16xi32>
            %min3A_369 = arith.constant 34 : i32
            %min3A_370 = arith.minsi %get3A_286, %min3A_369 : i32
            %swap3A_371 = arith.index_cast %min3A_370 : i32 to index
            %swap3A_372 = tpu.vector_load %arg7[%swap3A_371] {strides = array<i32>} : memref<64xi32, #tpu.memory_space<vmem>>, vector<16xi32>,
            %swap3A_373 = vector.shape_cast %swap3A_372 : vector<16xi32> to vector<16xi32>
            %swap3A_374 = vector.shape_cast %add3A_368 : vector<16xi32> to vector<16xi32>
            tpu.vector_store %arg7[%swap3A_371], %swap3A_374 {strides = array<i32>} : memref<64xi32, #tpu.memory_space<vmem>>, vector<16xi32>,
            %add3A_375 = arith.addi %get3A_286, %squeeze3A : i32
            %mul3A_376 = arith.constant 4 : i32
            %mul3A_377 = arith.muli %scan3A_275, %mul3A_376 : i32
            %add3A_378 = arith.constant 1 : i32
            %add3A_379 = arith.addi %mul3A_377, %add3A_378 : i32
            %mul3A_380 = arith.constant 16 : i32
            %mul3A_381 = arith.muli %add3A_379, %mul3A_380 : i32
            %get3A_382 = arith.index_cast %add3A_178 : i32 to index
            %get3A_383 = arith.index_cast %mul3A_381 : i32 to index
            %get3A_384 = tpu.vector_load %arg5[%get3A_382, %get3A_383] {strides = array<i32>} : memref<16x256xf32, #tpu.memory_space<vmem>>, vector<1x16xf32>,
            %get3A_385 = vector.shape_cast %get3A_384 : vector<1x16xf32> to vector<16xf32>
            %mul3A_386 = arith.constant 16 : i32
            %mul3A_387 = arith.muli %add3A_379, %mul3A_386 : i32
            %add3A_388 = arith.addi %mul3A_387, %mul3A_20 : i32
            %lt3A_389 = arith.constant 3.600000e-01 : f32
            %lt3A_390 = vector.broadcast %lt3A_389 : f32 to vector<16xf32>
            %lt3A_391 = arith.cmpf olt, %get3A_385, %lt3A_390 : vector<16xf32>
            %select_n3A_392 = arith.select %lt3A_391, %broadcast_in_dim3A_21, %broadcast_in_dim3A_23 : vector<16xi1>, vector<16xi32>
            %broadcast_in_dim3A_393 = vector.shape_cast %max3A_30 : vector<16xi32> to vector<16x1xi32>
            %gather3A_394 = vector.shape_cast %broadcast_in_dim3A_393 : vector<16x1xi32> to vector<16xi32>
            %gather3A_395 = tpu.dynamic_gather %select_n3A_392[%gather3A_394] in [0] : vector<16xi32>, vector<16xi32> -> vector<16xi32>
            %select_n3A_396 = arith.select %ge3A_50, %gather3A_395, %broadcast_in_dim3A_23 : vector<16xi1>, vector<16xi32>
            %add3A_397 = arith.addi %select_n3A_392, %select_n3A_396 : vector<16xi32>
            %broadcast_in_dim3A_398 = vector.shape_cast %max3A_36 : vector<16xi32> to vector<16x1xi32>
            %gather3A_399 = vector.shape_cast %broadcast_in_dim3A_398 : vector<16x1xi32> to vector<16xi32>
            %gather3A_400 = tpu.dynamic_gather %add3A_397[%gather3A_399] in [0] : vector<16xi32>, vector<16xi32> -> vector<16xi32>
            %select_n3A_401 = arith.select %ge3A_53, %gather3A_400, %broadcast_in_dim3A_23 : vector<16xi1>, vector<16xi32>
            %add3A_402 = arith.addi %add3A_397, %select_n3A_401 : vector<16xi32>
            %broadcast_in_dim3A_403 = vector.shape_cast %max3A_42 : vector<16xi32> to vector<16x1xi32>
            %gather3A_404 = vector.shape_cast %broadcast_in_dim3A_403 : vector<16x1xi32> to vector<16xi32>
            %gather3A_405 = tpu.dynamic_gather %add3A_402[%gather3A_404] in [0] : vector<16xi32>, vector<16xi32> -> vector<16xi32>
            %select_n3A_406 = arith.select %ge3A_56, %gather3A_405, %broadcast_in_dim3A_23 : vector<16xi1>, vector<16xi32>
            %add3A_407 = arith.addi %add3A_402, %select_n3A_406 : vector<16xi32>
            %broadcast_in_dim3A_408 = vector.shape_cast %max3A_48 : vector<16xi32> to vector<16x1xi32>
            %gather3A_409 = vector.shape_cast %broadcast_in_dim3A_408 : vector<16x1xi32> to vector<16xi32>
            %gather3A_410 = tpu.dynamic_gather %add3A_407[%gather3A_409] in [0] : vector<16xi32>, vector<16xi32> -> vector<16xi32>
            %select_n3A_411 = arith.select %ge3A_59, %gather3A_410, %broadcast_in_dim3A_23 : vector<16xi1>, vector<16xi32>
            %add3A_412 = arith.addi %add3A_407, %select_n3A_411 : vector<16xi32>
            %slice3A_413 = vector.extract_strided_slice %add3A_412 {offsets = [15], sizes = [1], strides = [1]} : vector<16xi32> to vector<1xi32>
            %squeeze3A_414 = vector.extract %slice3A_413[0] : i32 from vector<1xi32>
            %add3A_415 = arith.constant 8 : i32
            %add3A_416 = vector.broadcast %add3A_415 : i32 to vector<16xi32>
            %add3A_417 = arith.addi %broadcast_in_dim3A_23, %add3A_416 : vector<16xi32>
            %sub3A_418 = arith.constant 1 : i32
            %sub3A_419 = vector.broadcast %sub3A_418 : i32 to vector<16xi32>
            %sub3A_420 = arith.subi %add3A_417, %sub3A_419 : vector<16xi32>
            %broadcast_in_dim3A_421 = vector.shape_cast %sub3A_420 : vector<16xi32> to vector<16x1xi32>
            %gather3A_422 = vector.shape_cast %broadcast_in_dim3A_421 : vector<16x1xi32> to vector<16xi32>
            %gather3A_423 = tpu.dynamic_gather %add3A_412[%gather3A_422] in [0] : vector<16xi32>, vector<16xi32> -> vector<16xi32>
            %le3A_424 = arith.cmpi sle, %gather3A_423, %iota3A : vector<16xi32>
            %select_n3A_425 = arith.select %le3A_424, %add3A_417, %broadcast_in_dim3A_23 : vector<16xi1>, vector<16xi32>
            %add3A_426 = arith.constant 4 : i32
            %add3A_427 = vector.broadcast %add3A_426 : i32 to vector<16xi32>
            %add3A_428 = arith.addi %select_n3A_425, %add3A_427 : vector<16xi32>
            %sub3A_429 = arith.constant 1 : i32
            %sub3A_430 = vector.broadcast %sub3A_429 : i32 to vector<16xi32>
            %sub3A_431 = arith.subi %add3A_428, %sub3A_430 : vector<16xi32>
            %broadcast_in_dim3A_432 = vector.shape_cast %sub3A_431 : vector<16xi32> to vector<16x1xi32>
            %gather3A_433 = vector.shape_cast %broadcast_in_dim3A_432 : vector<16x1xi32> to vector<16xi32>
            %gather3A_434 = tpu.dynamic_gather %add3A_412[%gather3A_433] in [0] : vector<16xi32>, vector<16xi32> -> vector<16xi32>
            %le3A_435 = arith.cmpi sle, %gather3A_434, %iota3A : vector<16xi32>
            %select_n3A_436 = arith.select %le3A_435, %add3A_428, %select_n3A_425 : vector<16xi1>, vector<16xi32>
            %add3A_437 = arith.constant 2 : i32
            %add3A_438 = vector.broadcast %add3A_437 : i32 to vector<16xi32>
            %add3A_439 = arith.addi %select_n3A_436, %add3A_438 : vector<16xi32>
            %sub3A_440 = arith.constant 1 : i32
            %sub3A_441 = vector.broadcast %sub3A_440 : i32 to vector<16xi32>
            %sub3A_442 = arith.subi %add3A_439, %sub3A_441 : vector<16xi32>
            %broadcast_in_dim3A_443 = vector.shape_cast %sub3A_442 : vector<16xi32> to vector<16x1xi32>
            %gather3A_444 = vector.shape_cast %broadcast_in_dim3A_443 : vector<16x1xi32> to vector<16xi32>
            %gather3A_445 = tpu.dynamic_gather %add3A_412[%gather3A_444] in [0] : vector<16xi32>, vector<16xi32> -> vector<16xi32>
            %le3A_446 = arith.cmpi sle, %gather3A_445, %iota3A : vector<16xi32>
            %select_n3A_447 = arith.select %le3A_446, %add3A_439, %select_n3A_436 : vector<16xi1>, vector<16xi32>
            %add3A_448 = arith.constant 1 : i32
            %add3A_449 = vector.broadcast %add3A_448 : i32 to vector<16xi32>
            %add3A_450 = arith.addi %select_n3A_447, %add3A_449 : vector<16xi32>
            %sub3A_451 = arith.constant 1 : i32
            %sub3A_452 = vector.broadcast %sub3A_451 : i32 to vector<16xi32>
            %sub3A_453 = arith.subi %add3A_450, %sub3A_452 : vector<16xi32>
            %broadcast_in_dim3A_454 = vector.shape_cast %sub3A_453 : vector<16xi32> to vector<16x1xi32>
            %gather3A_455 = vector.shape_cast %broadcast_in_dim3A_454 : vector<16x1xi32> to vector<16xi32>
            %gather3A_456 = tpu.dynamic_gather %add3A_412[%gather3A_455] in [0] : vector<16xi32>, vector<16xi32> -> vector<16xi32>
            %le3A_457 = arith.cmpi sle, %gather3A_456, %iota3A : vector<16xi32>
            %select_n3A_458 = arith.select %le3A_457, %add3A_450, %select_n3A_447 : vector<16xi1>, vector<16xi32>
            %add3A_459 = vector.broadcast %add3A_388 : i32 to vector<16xi32>
            %add3A_460 = arith.addi %select_n3A_458, %add3A_459 : vector<16xi32>
            %min3A_461 = arith.constant 34 : i32
            %min3A_462 = arith.minsi %add3A_375, %min3A_461 : i32
            %swap3A_463 = arith.index_cast %min3A_462 : i32 to index
            %swap3A_464 = tpu.vector_load %arg7[%swap3A_463] {strides = array<i32>} : memref<64xi32, #tpu.memory_space<vmem>>, vector<16xi32>,
            %swap3A_465 = vector.shape_cast %swap3A_464 : vector<16xi32> to vector<16xi32>
            %swap3A_466 = vector.shape_cast %add3A_460 : vector<16xi32> to vector<16xi32>
            tpu.vector_store %arg7[%swap3A_463], %swap3A_466 {strides = array<i32>} : memref<64xi32, #tpu.memory_space<vmem>>, vector<16xi32>,
            %add3A_467 = arith.addi %add3A_375, %squeeze3A_414 : i32
            %mul3A_468 = arith.constant 4 : i32
            %mul3A_469 = arith.muli %scan3A_275, %mul3A_468 : i32
            %add3A_470 = arith.constant 2 : i32
            %add3A_471 = arith.addi %mul3A_469, %add3A_470 : i32
            %mul3A_472 = arith.constant 16 : i32
            %mul3A_473 = arith.muli %add3A_471, %mul3A_472 : i32
            %get3A_474 = arith.index_cast %add3A_178 : i32 to index
            %get3A_475 = arith.index_cast %mul3A_473 : i32 to index
            %get3A_476 = tpu.vector_load %arg5[%get3A_474, %get3A_475] {strides = array<i32>} : memref<16x256xf32, #tpu.memory_space<vmem>>, vector<1x16xf32>,
            %get3A_477 = vector.shape_cast %get3A_476 : vector<1x16xf32> to vector<16xf32>
            %mul3A_478 = arith.constant 16 : i32
            %mul3A_479 = arith.muli %add3A_471, %mul3A_478 : i32
            %add3A_480 = arith.addi %mul3A_479, %mul3A_20 : i32
            %lt3A_481 = arith.constant 3.600000e-01 : f32
            %lt3A_482 = vector.broadcast %lt3A_481 : f32 to vector<16xf32>
            %lt3A_483 = arith.cmpf olt, %get3A_477, %lt3A_482 : vector<16xf32>
            %select_n3A_484 = arith.select %lt3A_483, %broadcast_in_dim3A_21, %broadcast_in_dim3A_23 : vector<16xi1>, vector<16xi32>
            %broadcast_in_dim3A_485 = vector.shape_cast %max3A_30 : vector<16xi32> to vector<16x1xi32>
            %gather3A_486 = vector.shape_cast %broadcast_in_dim3A_485 : vector<16x1xi32> to vector<16xi32>
            %gather3A_487 = tpu.dynamic_gather %select_n3A_484[%gather3A_486] in [0] : vector<16xi32>, vector<16xi32> -> vector<16xi32>
            %select_n3A_488 = arith.select %ge3A_50, %gather3A_487, %broadcast_in_dim3A_23 : vector<16xi1>, vector<16xi32>
            %add3A_489 = arith.addi %select_n3A_484, %select_n3A_488 : vector<16xi32>
            %broadcast_in_dim3A_490 = vector.shape_cast %max3A_36 : vector<16xi32> to vector<16x1xi32>
            %gather3A_491 = vector.shape_cast %broadcast_in_dim3A_490 : vector<16x1xi32> to vector<16xi32>
            %gather3A_492 = tpu.dynamic_gather %add3A_489[%gather3A_491] in [0] : vector<16xi32>, vector<16xi32> -> vector<16xi32>
            %select_n3A_493 = arith.select %ge3A_53, %gather3A_492, %broadcast_in_dim3A_23 : vector<16xi1>, vector<16xi32>
            %add3A_494 = arith.addi %add3A_489, %select_n3A_493 : vector<16xi32>
            %broadcast_in_dim3A_495 = vector.shape_cast %max3A_42 : vector<16xi32> to vector<16x1xi32>
            %gather3A_496 = vector.shape_cast %broadcast_in_dim3A_495 : vector<16x1xi32> to vector<16xi32>
            %gather3A_497 = tpu.dynamic_gather %add3A_494[%gather3A_496] in [0] : vector<16xi32>, vector<16xi32> -> vector<16xi32>
            %select_n3A_498 = arith.select %ge3A_56, %gather3A_497, %broadcast_in_dim3A_23 : vector<16xi1>, vector<16xi32>
            %add3A_499 = arith.addi %add3A_494, %select_n3A_498 : vector<16xi32>
            %broadcast_in_dim3A_500 = vector.shape_cast %max3A_48 : vector<16xi32> to vector<16x1xi32>
            %gather3A_501 = vector.shape_cast %broadcast_in_dim3A_500 : vector<16x1xi32> to vector<16xi32>
            %gather3A_502 = tpu.dynamic_gather %add3A_499[%gather3A_501] in [0] : vector<16xi32>, vector<16xi32> -> vector<16xi32>
            %select_n3A_503 = arith.select %ge3A_59, %gather3A_502, %broadcast_in_dim3A_23 : vector<16xi1>, vector<16xi32>
            %add3A_504 = arith.addi %add3A_499, %select_n3A_503 : vector<16xi32>
            %slice3A_505 = vector.extract_strided_slice %add3A_504 {offsets = [15], sizes = [1], strides = [1]} : vector<16xi32> to vector<1xi32>
            %squeeze3A_506 = vector.extract %slice3A_505[0] : i32 from vector<1xi32>
            %add3A_507 = arith.constant 8 : i32
            %add3A_508 = vector.broadcast %add3A_507 : i32 to vector<16xi32>
            %add3A_509 = arith.addi %broadcast_in_dim3A_23, %add3A_508 : vector<16xi32>
            %sub3A_510 = arith.constant 1 : i32
            %sub3A_511 = vector.broadcast %sub3A_510 : i32 to vector<16xi32>
            %sub3A_512 = arith.subi %add3A_509, %sub3A_511 : vector<16xi32>
            %broadcast_in_dim3A_513 = vector.shape_cast %sub3A_512 : vector<16xi32> to vector<16x1xi32>
            %gather3A_514 = vector.shape_cast %broadcast_in_dim3A_513 : vector<16x1xi32> to vector<16xi32>
            %gather3A_515 = tpu.dynamic_gather %add3A_504[%gather3A_514] in [0] : vector<16xi32>, vector<16xi32> -> vector<16xi32>
            %le3A_516 = arith.cmpi sle, %gather3A_515, %iota3A : vector<16xi32>
            %select_n3A_517 = arith.select %le3A_516, %add3A_509, %broadcast_in_dim3A_23 : vector<16xi1>, vector<16xi32>
            %add3A_518 = arith.constant 4 : i32
            %add3A_519 = vector.broadcast %add3A_518 : i32 to vector<16xi32>
            %add3A_520 = arith.addi %select_n3A_517, %add3A_519 : vector<16xi32>
            %sub3A_521 = arith.constant 1 : i32
            %sub3A_522 = vector.broadcast %sub3A_521 : i32 to vector<16xi32>
            %sub3A_523 = arith.subi %add3A_520, %sub3A_522 : vector<16xi32>
            %broadcast_in_dim3A_524 = vector.shape_cast %sub3A_523 : vector<16xi32> to vector<16x1xi32>
            %gather3A_525 = vector.shape_cast %broadcast_in_dim3A_524 : vector<16x1xi32> to vector<16xi32>
            %gather3A_526 = tpu.dynamic_gather %add3A_504[%gather3A_525] in [0] : vector<16xi32>, vector<16xi32> -> vector<16xi32>
            %le3A_527 = arith.cmpi sle, %gather3A_526, %iota3A : vector<16xi32>
            %select_n3A_528 = arith.select %le3A_527, %add3A_520, %select_n3A_517 : vector<16xi1>, vector<16xi32>
            %add3A_529 = arith.constant 2 : i32
            %add3A_530 = vector.broadcast %add3A_529 : i32 to vector<16xi32>
            %add3A_531 = arith.addi %select_n3A_528, %add3A_530 : vector<16xi32>
            %sub3A_532 = arith.constant 1 : i32
            %sub3A_533 = vector.broadcast %sub3A_532 : i32 to vector<16xi32>
            %sub3A_534 = arith.subi %add3A_531, %sub3A_533 : vector<16xi32>
            %broadcast_in_dim3A_535 = vector.shape_cast %sub3A_534 : vector<16xi32> to vector<16x1xi32>
            %gather3A_536 = vector.shape_cast %broadcast_in_dim3A_535 : vector<16x1xi32> to vector<16xi32>
            %gather3A_537 = tpu.dynamic_gather %add3A_504[%gather3A_536] in [0] : vector<16xi32>, vector<16xi32> -> vector<16xi32>
            %le3A_538 = arith.cmpi sle, %gather3A_537, %iota3A : vector<16xi32>
            %select_n3A_539 = arith.select %le3A_538, %add3A_531, %select_n3A_528 : vector<16xi1>, vector<16xi32>
            %add3A_540 = arith.constant 1 : i32
            %add3A_541 = vector.broadcast %add3A_540 : i32 to vector<16xi32>
            %add3A_542 = arith.addi %select_n3A_539, %add3A_541 : vector<16xi32>
            %sub3A_543 = arith.constant 1 : i32
            %sub3A_544 = vector.broadcast %sub3A_543 : i32 to vector<16xi32>
            %sub3A_545 = arith.subi %add3A_542, %sub3A_544 : vector<16xi32>
            %broadcast_in_dim3A_546 = vector.shape_cast %sub3A_545 : vector<16xi32> to vector<16x1xi32>
            %gather3A_547 = vector.shape_cast %broadcast_in_dim3A_546 : vector<16x1xi32> to vector<16xi32>
            %gather3A_548 = tpu.dynamic_gather %add3A_504[%gather3A_547] in [0] : vector<16xi32>, vector<16xi32> -> vector<16xi32>
            %le3A_549 = arith.cmpi sle, %gather3A_548, %iota3A : vector<16xi32>
            %select_n3A_550 = arith.select %le3A_549, %add3A_542, %select_n3A_539 : vector<16xi1>, vector<16xi32>
            %add3A_551 = vector.broadcast %add3A_480 : i32 to vector<16xi32>
            %add3A_552 = arith.addi %select_n3A_550, %add3A_551 : vector<16xi32>
            %min3A_553 = arith.constant 34 : i32
            %min3A_554 = arith.minsi %add3A_467, %min3A_553 : i32
            %swap3A_555 = arith.index_cast %min3A_554 : i32 to index
            %swap3A_556 = tpu.vector_load %arg7[%swap3A_555] {strides = array<i32>} : memref<64xi32, #tpu.memory_space<vmem>>, vector<16xi32>,
            %swap3A_557 = vector.shape_cast %swap3A_556 : vector<16xi32> to vector<16xi32>
            %swap3A_558 = vector.shape_cast %add3A_552 : vector<16xi32> to vector<16xi32>
            tpu.vector_store %arg7[%swap3A_555], %swap3A_558 {strides = array<i32>} : memref<64xi32, #tpu.memory_space<vmem>>, vector<16xi32>,
            %add3A_559 = arith.addi %add3A_467, %squeeze3A_506 : i32
            %mul3A_560 = arith.constant 4 : i32
            %mul3A_561 = arith.muli %scan3A_275, %mul3A_560 : i32
            %add3A_562 = arith.constant 3 : i32
            %add3A_563 = arith.addi %mul3A_561, %add3A_562 : i32
            %mul3A_564 = arith.constant 16 : i32
            %mul3A_565 = arith.muli %add3A_563, %mul3A_564 : i32
            %get3A_566 = arith.index_cast %add3A_178 : i32 to index
            %get3A_567 = arith.index_cast %mul3A_565 : i32 to index
            %get3A_568 = tpu.vector_load %arg5[%get3A_566, %get3A_567] {strides = array<i32>} : memref<16x256xf32, #tpu.memory_space<vmem>>, vector<1x16xf32>,
            %get3A_569 = vector.shape_cast %get3A_568 : vector<1x16xf32> to vector<16xf32>
            %mul3A_570 = arith.constant 16 : i32
            %mul3A_571 = arith.muli %add3A_563, %mul3A_570 : i32
            %add3A_572 = arith.addi %mul3A_571, %mul3A_20 : i32
            %lt3A_573 = arith.constant 3.600000e-01 : f32
            %lt3A_574 = vector.broadcast %lt3A_573 : f32 to vector<16xf32>
            %lt3A_575 = arith.cmpf olt, %get3A_569, %lt3A_574 : vector<16xf32>
            %select_n3A_576 = arith.select %lt3A_575, %broadcast_in_dim3A_21, %broadcast_in_dim3A_23 : vector<16xi1>, vector<16xi32>
            %broadcast_in_dim3A_577 = vector.shape_cast %max3A_30 : vector<16xi32> to vector<16x1xi32>
            %gather3A_578 = vector.shape_cast %broadcast_in_dim3A_577 : vector<16x1xi32> to vector<16xi32>
            %gather3A_579 = tpu.dynamic_gather %select_n3A_576[%gather3A_578] in [0] : vector<16xi32>, vector<16xi32> -> vector<16xi32>
            %select_n3A_580 = arith.select %ge3A_50, %gather3A_579, %broadcast_in_dim3A_23 : vector<16xi1>, vector<16xi32>
            %add3A_581 = arith.addi %select_n3A_576, %select_n3A_580 : vector<16xi32>
            %broadcast_in_dim3A_582 = vector.shape_cast %max3A_36 : vector<16xi32> to vector<16x1xi32>
            %gather3A_583 = vector.shape_cast %broadcast_in_dim3A_582 : vector<16x1xi32> to vector<16xi32>
            %gather3A_584 = tpu.dynamic_gather %add3A_581[%gather3A_583] in [0] : vector<16xi32>, vector<16xi32> -> vector<16xi32>
            %select_n3A_585 = arith.select %ge3A_53, %gather3A_584, %broadcast_in_dim3A_23 : vector<16xi1>, vector<16xi32>
            %add3A_586 = arith.addi %add3A_581, %select_n3A_585 : vector<16xi32>
            %broadcast_in_dim3A_587 = vector.shape_cast %max3A_42 : vector<16xi32> to vector<16x1xi32>
            %gather3A_588 = vector.shape_cast %broadcast_in_dim3A_587 : vector<16x1xi32> to vector<16xi32>
            %gather3A_589 = tpu.dynamic_gather %add3A_586[%gather3A_588] in [0] : vector<16xi32>, vector<16xi32> -> vector<16xi32>
            %select_n3A_590 = arith.select %ge3A_56, %gather3A_589, %broadcast_in_dim3A_23 : vector<16xi1>, vector<16xi32>
            %add3A_591 = arith.addi %add3A_586, %select_n3A_590 : vector<16xi32>
            %broadcast_in_dim3A_592 = vector.shape_cast %max3A_48 : vector<16xi32> to vector<16x1xi32>
            %gather3A_593 = vector.shape_cast %broadcast_in_dim3A_592 : vector<16x1xi32> to vector<16xi32>
            %gather3A_594 = tpu.dynamic_gather %add3A_591[%gather3A_593] in [0] : vector<16xi32>, vector<16xi32> -> vector<16xi32>
            %select_n3A_595 = arith.select %ge3A_59, %gather3A_594, %broadcast_in_dim3A_23 : vector<16xi1>, vector<16xi32>
            %add3A_596 = arith.addi %add3A_591, %select_n3A_595 : vector<16xi32>
            %slice3A_597 = vector.extract_strided_slice %add3A_596 {offsets = [15], sizes = [1], strides = [1]} : vector<16xi32> to vector<1xi32>
            %squeeze3A_598 = vector.extract %slice3A_597[0] : i32 from vector<1xi32>
            %add3A_599 = arith.constant 8 : i32
            %add3A_600 = vector.broadcast %add3A_599 : i32 to vector<16xi32>
            %add3A_601 = arith.addi %broadcast_in_dim3A_23, %add3A_600 : vector<16xi32>
            %sub3A_602 = arith.constant 1 : i32
            %sub3A_603 = vector.broadcast %sub3A_602 : i32 to vector<16xi32>
            %sub3A_604 = arith.subi %add3A_601, %sub3A_603 : vector<16xi32>
            %broadcast_in_dim3A_605 = vector.shape_cast %sub3A_604 : vector<16xi32> to vector<16x1xi32>
            %gather3A_606 = vector.shape_cast %broadcast_in_dim3A_605 : vector<16x1xi32> to vector<16xi32>
            %gather3A_607 = tpu.dynamic_gather %add3A_596[%gather3A_606] in [0] : vector<16xi32>, vector<16xi32> -> vector<16xi32>
            %le3A_608 = arith.cmpi sle, %gather3A_607, %iota3A : vector<16xi32>
            %select_n3A_609 = arith.select %le3A_608, %add3A_601, %broadcast_in_dim3A_23 : vector<16xi1>, vector<16xi32>
            %add3A_610 = arith.constant 4 : i32
            %add3A_611 = vector.broadcast %add3A_610 : i32 to vector<16xi32>
            %add3A_612 = arith.addi %select_n3A_609, %add3A_611 : vector<16xi32>
            %sub3A_613 = arith.constant 1 : i32
            %sub3A_614 = vector.broadcast %sub3A_613 : i32 to vector<16xi32>
            %sub3A_615 = arith.subi %add3A_612, %sub3A_614 : vector<16xi32>
            %broadcast_in_dim3A_616 = vector.shape_cast %sub3A_615 : vector<16xi32> to vector<16x1xi32>
            %gather3A_617 = vector.shape_cast %broadcast_in_dim3A_616 : vector<16x1xi32> to vector<16xi32>
            %gather3A_618 = tpu.dynamic_gather %add3A_596[%gather3A_617] in [0] : vector<16xi32>, vector<16xi32> -> vector<16xi32>
            %le3A_619 = arith.cmpi sle, %gather3A_618, %iota3A : vector<16xi32>
            %select_n3A_620 = arith.select %le3A_619, %add3A_612, %select_n3A_609 : vector<16xi1>, vector<16xi32>
            %add3A_621 = arith.constant 2 : i32
            %add3A_622 = vector.broadcast %add3A_621 : i32 to vector<16xi32>
            %add3A_623 = arith.addi %select_n3A_620, %add3A_622 : vector<16xi32>
            %sub3A_624 = arith.constant 1 : i32
            %sub3A_625 = vector.broadcast %sub3A_624 : i32 to vector<16xi32>
            %sub3A_626 = arith.subi %add3A_623, %sub3A_625 : vector<16xi32>
            %broadcast_in_dim3A_627 = vector.shape_cast %sub3A_626 : vector<16xi32> to vector<16x1xi32>
            %gather3A_628 = vector.shape_cast %broadcast_in_dim3A_627 : vector<16x1xi32> to vector<16xi32>
            %gather3A_629 = tpu.dynamic_gather %add3A_596[%gather3A_628] in [0] : vector<16xi32>, vector<16xi32> -> vector<16xi32>
            %le3A_630 = arith.cmpi sle, %gather3A_629, %iota3A : vector<16xi32>
            %select_n3A_631 = arith.select %le3A_630, %add3A_623, %select_n3A_620 : vector<16xi1>, vector<16xi32>
            %add3A_632 = arith.constant 1 : i32
            %add3A_633 = vector.broadcast %add3A_632 : i32 to vector<16xi32>
            %add3A_634 = arith.addi %select_n3A_631, %add3A_633 : vector<16xi32>
            %sub3A_635 = arith.constant 1 : i32
            %sub3A_636 = vector.broadcast %sub3A_635 : i32 to vector<16xi32>
            %sub3A_637 = arith.subi %add3A_634, %sub3A_636 : vector<16xi32>
            %broadcast_in_dim3A_638 = vector.shape_cast %sub3A_637 : vector<16xi32> to vector<16x1xi32>
            %gather3A_639 = vector.shape_cast %broadcast_in_dim3A_638 : vector<16x1xi32> to vector<16xi32>
            %gather3A_640 = tpu.dynamic_gather %add3A_596[%gather3A_639] in [0] : vector<16xi32>, vector<16xi32> -> vector<16xi32>
            %le3A_641 = arith.cmpi sle, %gather3A_640, %iota3A : vector<16xi32>
            %select_n3A_642 = arith.select %le3A_641, %add3A_634, %select_n3A_631 : vector<16xi1>, vector<16xi32>
            %add3A_643 = vector.broadcast %add3A_572 : i32 to vector<16xi32>
            %add3A_644 = arith.addi %select_n3A_642, %add3A_643 : vector<16xi32>
            %min3A_645 = arith.constant 34 : i32
            %min3A_646 = arith.minsi %add3A_559, %min3A_645 : i32
            %swap3A_647 = arith.index_cast %min3A_646 : i32 to index
            %swap3A_648 = tpu.vector_load %arg7[%swap3A_647] {strides = array<i32>} : memref<64xi32, #tpu.memory_space<vmem>>, vector<16xi32>,
            %swap3A_649 = vector.shape_cast %swap3A_648 : vector<16xi32> to vector<16xi32>
            %swap3A_650 = vector.shape_cast %add3A_644 : vector<16xi32> to vector<16xi32>
            tpu.vector_store %arg7[%swap3A_647], %swap3A_650 {strides = array<i32>} : memref<64xi32, #tpu.memory_space<vmem>>, vector<16xi32>,
            %add3A_651 = arith.addi %add3A_559, %squeeze3A_598 : i32
            %swap3A_652 = arith.constant 0 : i32
            %swap3A_653 = arith.index_cast %swap3A_652 : i32 to index
            %swap3A_654 = memref.load %arg12[%swap3A_653] : memref<1xi32, #tpu.memory_space<smem>>
            memref.store %add3A_651, %arg12[%swap3A_653] : memref<1xi32, #tpu.memory_space<smem>>
          } else {
          }
        }
        %scan3A_184 = arith.constant 4 : i32
        %get3A = arith.constant 0 : i32
        %get3A_185 = arith.index_cast %get3A : i32 to index
        %get3A_186 = memref.load %arg12[%get3A_185] : memref<1xi32, #tpu.memory_space<smem>>
        %lt3A_187 = arith.constant 32 : i32
        %lt3A_188 = arith.cmpi slt, %get3A_186, %lt3A_187 : i32
        %convert_element_type3A_189 = arith.extui %lt3A_188 : i1 to i32
        %cond3A_190 = arith.constant 0 : i32
        %cond3A_191 = arith.cmpi ne, %convert_element_type3A_189, %cond3A_190 : i32
        scf.if %cond3A_191 {
          %scan3A_275 = arith.constant 0 : i32
          %scan3A_276 = arith.constant 1 : i32
          %scan3A_277 = arith.constant 15 : i32
          %scan3A_278 = arith.addi %scan3A_276, %scan3A_277 : i32
          %scan3A_279 = arith.constant 1 : i32
          scf.for %scan3A_281 = %scan3A_276 to %scan3A_278 step %scan3A_279  : i32 {
            %get3A_282 = arith.constant 0 : i32
            %get3A_283 = arith.index_cast %get3A_282 : i32 to index
            %get3A_284 = memref.load %arg12[%get3A_283] : memref<1xi32, #tpu.memory_space<smem>>
            %lt3A_285 = arith.constant 32 : i32
            %lt3A_286 = arith.cmpi slt, %get3A_284, %lt3A_285 : i32
            %convert_element_type3A_287 = arith.extui %lt3A_286 : i1 to i32
            %cond3A_288 = arith.constant 0 : i32
            %cond3A_289 = arith.cmpi ne, %convert_element_type3A_287, %cond3A_288 : i32
            scf.if %cond3A_289 {
              %mul3A_290 = arith.constant 512 : i32
              %mul3A_291 = arith.muli %scan3A_281, %mul3A_290 : i32
              "tpu.region"() ({
                %run_scoped3A = tpu.sem_alloc : memref<!tpu.dma_semaphore, #tpu.memory_space<semaphore_mem>>
                %dma_start3A_298 = tpu.memref_slice %arg2[%add3A_108, %mul3A_291] : memref<4096x8192xf32, #tpu.memory_space<hbm>> -> memref<8x512xf32, #tpu.memory_space<hbm>>
                %dma_start3A_299 = tpu.memref_slice %arg2[%add3A_108, %mul3A_291] : memref<4096x8192xf32, #tpu.memory_space<hbm>> -> memref<8x512xf32, #tpu.memory_space<hbm>>
                tpu.enqueue_dma source(%dma_start3A_299 : memref<8x512xf32, #tpu.memory_space<hbm>>) target(%arg6 : memref<8x512xf32, #tpu.memory_space<vmem>>) target_semaphore(%run_scoped3A : memref<!tpu.dma_semaphore, #tpu.memory_space<semaphore_mem>>)
                %dma_wait3A_300 = tpu.memref_slice %arg2[%add3A_108, %mul3A_291] : memref<4096x8192xf32, #tpu.memory_space<hbm>> -> memref<8x512xf32, #tpu.memory_space<hbm>>
                %dma_wait3A_301 = tpu.memref_slice %arg2[%add3A_108, %mul3A_291] : memref<4096x8192xf32, #tpu.memory_space<hbm>> -> memref<8x512xf32, #tpu.memory_space<hbm>>
                tpu.wait_dma2 semaphore(%run_scoped3A : memref<!tpu.dma_semaphore, #tpu.memory_space<semaphore_mem>>) src(%dma_wait3A_301 : memref<8x512xf32, #tpu.memory_space<hbm>>) dst(%arg6 : memref<8x512xf32, #tpu.memory_space<vmem>>)
                tpu.yield
              }) : () -> ()
              %scan3A_292 = arith.constant 0 : i32
              %scan3A_293 = arith.constant 0 : i32
              %scan3A_294 = arith.constant 32 : i32
              %scan3A_295 = arith.addi %scan3A_293, %scan3A_294 : i32
              %scan3A_296 = arith.constant 1 : i32
              scf.for %scan3A_298 = %scan3A_293 to %scan3A_295 step %scan3A_296  : i32 {
                %get3A_299 = arith.constant 0 : i32
                %get3A_300 = arith.index_cast %get3A_299 : i32 to index
                %get3A_301 = memref.load %arg12[%get3A_300] : memref<1xi32, #tpu.memory_space<smem>>
                %lt3A_302 = arith.constant 32 : i32
                %lt3A_303 = arith.cmpi slt, %get3A_301, %lt3A_302 : i32
                %convert_element_type3A_304 = arith.extui %lt3A_303 : i1 to i32
                %cond3A_305 = arith.constant 0 : i32
                %cond3A_306 = arith.cmpi ne, %convert_element_type3A_304, %cond3A_305 : i32
                scf.if %cond3A_306 {
                  %mul3A_307 = arith.constant 16 : i32
                  %mul3A_308 = arith.muli %scan3A_298, %mul3A_307 : i32
                  %get3A_309 = arith.index_cast %scan3A_172 : i32 to index
                  %get3A_310 = arith.index_cast %mul3A_308 : i32 to index
                  %get3A_311 = tpu.vector_load %arg6[%get3A_309, %get3A_310] {strides = array<i32>} : memref<8x512xf32, #tpu.memory_space<vmem>>, vector<1x16xf32>,
                  %get3A_312 = vector.shape_cast %get3A_311 : vector<1x16xf32> to vector<16xf32>
                  %mul3A_313 = arith.constant 512 : i32
                  %mul3A_314 = arith.muli %scan3A_281, %mul3A_313 : i32
                  %mul3A_315 = arith.constant 16 : i32
                  %mul3A_316 = arith.muli %scan3A_298, %mul3A_315 : i32
                  %add3A_317 = arith.addi %mul3A_314, %mul3A_316 : i32
                  %add3A_318 = arith.addi %add3A_317, %mul3A_20 : i32
                  %get3A_319 = arith.constant 0 : i32
                  %get3A_320 = arith.index_cast %get3A_319 : i32 to index
                  %get3A_321 = memref.load %arg12[%get3A_320] : memref<1xi32, #tpu.memory_space<smem>>
                  %lt3A_322 = arith.constant 3.600000e-01 : f32
                  %lt3A_323 = vector.broadcast %lt3A_322 : f32 to vector<16xf32>
                  %lt3A_324 = arith.cmpf olt, %get3A_312, %lt3A_323 : vector<16xf32>
                  %select_n3A_325 = arith.select %lt3A_324, %broadcast_in_dim3A_21, %broadcast_in_dim3A_23 : vector<16xi1>, vector<16xi32>
                  %broadcast_in_dim3A_326 = vector.shape_cast %max3A_30 : vector<16xi32> to vector<16x1xi32>
                  %gather3A_327 = vector.shape_cast %broadcast_in_dim3A_326 : vector<16x1xi32> to vector<16xi32>
                  %gather3A_328 = tpu.dynamic_gather %select_n3A_325[%gather3A_327] in [0] : vector<16xi32>, vector<16xi32> -> vector<16xi32>
                  %select_n3A_329 = arith.select %ge3A_50, %gather3A_328, %broadcast_in_dim3A_23 : vector<16xi1>, vector<16xi32>
                  %add3A_330 = arith.addi %select_n3A_325, %select_n3A_329 : vector<16xi32>
                  %broadcast_in_dim3A_331 = vector.shape_cast %max3A_36 : vector<16xi32> to vector<16x1xi32>
                  %gather3A_332 = vector.shape_cast %broadcast_in_dim3A_331 : vector<16x1xi32> to vector<16xi32>
                  %gather3A_333 = tpu.dynamic_gather %add3A_330[%gather3A_332] in [0] : vector<16xi32>, vector<16xi32> -> vector<16xi32>
                  %select_n3A_334 = arith.select %ge3A_53, %gather3A_333, %broadcast_in_dim3A_23 : vector<16xi1>, vector<16xi32>
                  %add3A_335 = arith.addi %add3A_330, %select_n3A_334 : vector<16xi32>
                  %broadcast_in_dim3A_336 = vector.shape_cast %max3A_42 : vector<16xi32> to vector<16x1xi32>
                  %gather3A_337 = vector.shape_cast %broadcast_in_dim3A_336 : vector<16x1xi32> to vector<16xi32>
                  %gather3A_338 = tpu.dynamic_gather %add3A_335[%gather3A_337] in [0] : vector<16xi32>, vector<16xi32> -> vector<16xi32>
                  %select_n3A_339 = arith.select %ge3A_56, %gather3A_338, %broadcast_in_dim3A_23 : vector<16xi1>, vector<16xi32>
                  %add3A_340 = arith.addi %add3A_335, %select_n3A_339 : vector<16xi32>
                  %broadcast_in_dim3A_341 = vector.shape_cast %max3A_48 : vector<16xi32> to vector<16x1xi32>
                  %gather3A_342 = vector.shape_cast %broadcast_in_dim3A_341 : vector<16x1xi32> to vector<16xi32>
                  %gather3A_343 = tpu.dynamic_gather %add3A_340[%gather3A_342] in [0] : vector<16xi32>, vector<16xi32> -> vector<16xi32>
                  %select_n3A_344 = arith.select %ge3A_59, %gather3A_343, %broadcast_in_dim3A_23 : vector<16xi1>, vector<16xi32>
                  %add3A_345 = arith.addi %add3A_340, %select_n3A_344 : vector<16xi32>
                  %slice3A = vector.extract_strided_slice %add3A_345 {offsets = [15], sizes = [1], strides = [1]} : vector<16xi32> to vector<1xi32>
                  %squeeze3A = vector.extract %slice3A[0] : i32 from vector<1xi32>
                  %add3A_346 = arith.constant 8 : i32
                  %add3A_347 = vector.broadcast %add3A_346 : i32 to vector<16xi32>
                  %add3A_348 = arith.addi %broadcast_in_dim3A_23, %add3A_347 : vector<16xi32>
                  %sub3A_349 = arith.constant 1 : i32
                  %sub3A_350 = vector.broadcast %sub3A_349 : i32 to vector<16xi32>
                  %sub3A_351 = arith.subi %add3A_348, %sub3A_350 : vector<16xi32>
                  %broadcast_in_dim3A_352 = vector.shape_cast %sub3A_351 : vector<16xi32> to vector<16x1xi32>
                  %gather3A_353 = vector.shape_cast %broadcast_in_dim3A_352 : vector<16x1xi32> to vector<16xi32>
                  %gather3A_354 = tpu.dynamic_gather %add3A_345[%gather3A_353] in [0] : vector<16xi32>, vector<16xi32> -> vector<16xi32>
                  %le3A = arith.cmpi sle, %gather3A_354, %iota3A : vector<16xi32>
                  %select_n3A_355 = arith.select %le3A, %add3A_348, %broadcast_in_dim3A_23 : vector<16xi1>, vector<16xi32>
                  %add3A_356 = arith.constant 4 : i32
                  %add3A_357 = vector.broadcast %add3A_356 : i32 to vector<16xi32>
                  %add3A_358 = arith.addi %select_n3A_355, %add3A_357 : vector<16xi32>
                  %sub3A_359 = arith.constant 1 : i32
                  %sub3A_360 = vector.broadcast %sub3A_359 : i32 to vector<16xi32>
                  %sub3A_361 = arith.subi %add3A_358, %sub3A_360 : vector<16xi32>
                  %broadcast_in_dim3A_362 = vector.shape_cast %sub3A_361 : vector<16xi32> to vector<16x1xi32>
                  %gather3A_363 = vector.shape_cast %broadcast_in_dim3A_362 : vector<16x1xi32> to vector<16xi32>
                  %gather3A_364 = tpu.dynamic_gather %add3A_345[%gather3A_363] in [0] : vector<16xi32>, vector<16xi32> -> vector<16xi32>
                  %le3A_365 = arith.cmpi sle, %gather3A_364, %iota3A : vector<16xi32>
                  %select_n3A_366 = arith.select %le3A_365, %add3A_358, %select_n3A_355 : vector<16xi1>, vector<16xi32>
                  %add3A_367 = arith.constant 2 : i32
                  %add3A_368 = vector.broadcast %add3A_367 : i32 to vector<16xi32>
                  %add3A_369 = arith.addi %select_n3A_366, %add3A_368 : vector<16xi32>
                  %sub3A_370 = arith.constant 1 : i32
                  %sub3A_371 = vector.broadcast %sub3A_370 : i32 to vector<16xi32>
                  %sub3A_372 = arith.subi %add3A_369, %sub3A_371 : vector<16xi32>
                  %broadcast_in_dim3A_373 = vector.shape_cast %sub3A_372 : vector<16xi32> to vector<16x1xi32>
                  %gather3A_374 = vector.shape_cast %broadcast_in_dim3A_373 : vector<16x1xi32> to vector<16xi32>
                  %gather3A_375 = tpu.dynamic_gather %add3A_345[%gather3A_374] in [0] : vector<16xi32>, vector<16xi32> -> vector<16xi32>
                  %le3A_376 = arith.cmpi sle, %gather3A_375, %iota3A : vector<16xi32>
                  %select_n3A_377 = arith.select %le3A_376, %add3A_369, %select_n3A_366 : vector<16xi1>, vector<16xi32>
                  %add3A_378 = arith.constant 1 : i32
                  %add3A_379 = vector.broadcast %add3A_378 : i32 to vector<16xi32>
                  %add3A_380 = arith.addi %select_n3A_377, %add3A_379 : vector<16xi32>
                  %sub3A_381 = arith.constant 1 : i32
                  %sub3A_382 = vector.broadcast %sub3A_381 : i32 to vector<16xi32>
                  %sub3A_383 = arith.subi %add3A_380, %sub3A_382 : vector<16xi32>
                  %broadcast_in_dim3A_384 = vector.shape_cast %sub3A_383 : vector<16xi32> to vector<16x1xi32>
                  %gather3A_385 = vector.shape_cast %broadcast_in_dim3A_384 : vector<16x1xi32> to vector<16xi32>
                  %gather3A_386 = tpu.dynamic_gather %add3A_345[%gather3A_385] in [0] : vector<16xi32>, vector<16xi32> -> vector<16xi32>
                  %le3A_387 = arith.cmpi sle, %gather3A_386, %iota3A : vector<16xi32>
                  %select_n3A_388 = arith.select %le3A_387, %add3A_380, %select_n3A_377 : vector<16xi1>, vector<16xi32>
                  %add3A_389 = vector.broadcast %add3A_318 : i32 to vector<16xi32>
                  %add3A_390 = arith.addi %select_n3A_388, %add3A_389 : vector<16xi32>
                  %min3A_391 = arith.constant 34 : i32
                  %min3A_392 = arith.minsi %get3A_321, %min3A_391 : i32
                  %swap3A_393 = arith.index_cast %min3A_392 : i32 to index
                  %swap3A_394 = tpu.vector_load %arg7[%swap3A_393] {strides = array<i32>} : memref<64xi32, #tpu.memory_space<vmem>>, vector<16xi32>,
                  %swap3A_395 = vector.shape_cast %swap3A_394 : vector<16xi32> to vector<16xi32>
                  %swap3A_396 = vector.shape_cast %add3A_390 : vector<16xi32> to vector<16xi32>
                  tpu.vector_store %arg7[%swap3A_393], %swap3A_396 {strides = array<i32>} : memref<64xi32, #tpu.memory_space<vmem>>, vector<16xi32>,
                  %add3A_397 = arith.addi %get3A_321, %squeeze3A : i32
                  %swap3A_398 = arith.constant 0 : i32
                  %swap3A_399 = arith.index_cast %swap3A_398 : i32 to index
                  %swap3A_400 = memref.load %arg12[%swap3A_399] : memref<1xi32, #tpu.memory_space<smem>>
                  memref.store %add3A_397, %arg12[%swap3A_399] : memref<1xi32, #tpu.memory_space<smem>>
                } else {
                }
              }
              %scan3A_297 = arith.constant 32 : i32
            } else {
            }
          }
          %scan3A_280 = arith.constant 15 : i32
        } else {
        }
        %get3A_192 = arith.constant 0 : i32
        %get3A_193 = arith.index_cast %get3A_192 : i32 to index
        %get3A_194 = memref.load %arg12[%get3A_193] : memref<1xi32, #tpu.memory_space<smem>>
        %min3A = arith.constant 32 : i32
        %min3A_195 = arith.minsi %get3A_194, %min3A : i32
        %get3A_196 = arith.constant 0 : index
        %get3A_197 = tpu.vector_load %arg7[%get3A_196] {strides = array<i32>} : memref<64xi32, #tpu.memory_space<vmem>>, vector<16xi32>,
        %get3A_198 = vector.shape_cast %get3A_197 : vector<16xi32> to vector<16xi32>
        %broadcast_in_dim3A_199 = vector.shape_cast %broadcast_in_dim3A_23 : vector<16xi32> to vector<16x1xi32>
        %gather3A = vector.shape_cast %broadcast_in_dim3A_199 : vector<16x1xi32> to vector<16xi32>
        %gather3A_200 = tpu.dynamic_gather %get3A_198[%gather3A] in [0] : vector<16xi32>, vector<16xi32> -> vector<16xi32>
        %swap3A_201 = arith.index_cast %min3A_195 : i32 to index
        %swap3A_202 = tpu.vector_load %arg7[%swap3A_201] {strides = array<i32>} : memref<64xi32, #tpu.memory_space<vmem>>, vector<16xi32>,
        %swap3A_203 = vector.shape_cast %swap3A_202 : vector<16xi32> to vector<16xi32>
        %swap3A_204 = vector.shape_cast %gather3A_200 : vector<16xi32> to vector<16xi32>
        tpu.vector_store %arg7[%swap3A_201], %swap3A_204 {strides = array<i32>} : memref<64xi32, #tpu.memory_space<vmem>>, vector<16xi32>,
        %add3A_205 = arith.constant 16 : i32
        %add3A_206 = arith.addi %min3A_195, %add3A_205 : i32
        %swap3A_207 = arith.index_cast %add3A_206 : i32 to index
        %swap3A_208 = tpu.vector_load %arg7[%swap3A_207] {strides = array<i32>} : memref<64xi32, #tpu.memory_space<vmem>>, vector<16xi32>,
        %swap3A_209 = vector.shape_cast %swap3A_208 : vector<16xi32> to vector<16xi32>
        %swap3A_210 = vector.shape_cast %gather3A_200 : vector<16xi32> to vector<16xi32>
        tpu.vector_store %arg7[%swap3A_207], %swap3A_210 {strides = array<i32>} : memref<64xi32, #tpu.memory_space<vmem>>, vector<16xi32>,
        %mul3A_211 = arith.constant 2 : i32
        %mul3A_212 = arith.muli %and3A_103, %mul3A_211 : i32
        %jit3A_213 = arith.constant 4 : i32
        %div3A_214 = arith.divsi %scan3A_172, %jit3A_213 : i32
        %sign3A_215 = arith.constant 0 : i32
        %sign3A_216 = arith.cmpi sgt, %scan3A_172, %sign3A_215 : i32
        %sign3A_217 = arith.extui %sign3A_216 : i1 to i32
        %sign3A_218 = arith.constant 0 : i32
        %sign3A_219 = arith.cmpi slt, %scan3A_172, %sign3A_218 : i32
        %sign3A_220 = arith.extui %sign3A_219 : i1 to i32
        %sign3A_221 = arith.subi %sign3A_217, %sign3A_220 : i32
        %sign3A_222 = arith.constant 0 : i32
        %sign3A_223 = arith.cmpi sgt, %jit3A_213, %sign3A_222 : i32
        %sign3A_224 = arith.extui %sign3A_223 : i1 to i32
        %sign3A_225 = arith.constant 0 : i32
        %sign3A_226 = arith.cmpi slt, %jit3A_213, %sign3A_225 : i32
        %sign3A_227 = arith.extui %sign3A_226 : i1 to i32
        %sign3A_228 = arith.subi %sign3A_224, %sign3A_227 : i32
        %ne3A_229 = arith.cmpi ne, %sign3A_221, %sign3A_228 : i32
        %rem3A_230 = arith.remsi %scan3A_172, %jit3A_213 : i32
        %ne3A_231 = arith.constant 0 : i32
        %ne3A_232 = arith.cmpi ne, %rem3A_230, %ne3A_231 : i32
        %and3A_233 = arith.andi %ne3A_229, %ne3A_232 : i1
        %sub3A_234 = arith.constant 1 : i32
        %sub3A_235 = arith.subi %div3A_214, %sub3A_234 : i32
        %select_n3A_236 = arith.select %and3A_233, %sub3A_235, %div3A_214 : i32
        %add3A_237 = arith.addi %mul3A_212, %select_n3A_236 : i32
        %jit3A_238 = arith.constant 4 : i32
        %eq3A = arith.constant 0 : i32
        %eq3A_239 = arith.cmpi eq, %jit3A_238, %eq3A : i32
        %jit3A_240 = arith.constant 1 : i32
        %select_n3A_241 = arith.select %eq3A_239, %jit3A_240, %jit3A_238 : i32
        %rem3A_242 = arith.remsi %scan3A_172, %select_n3A_241 : i32
        %ne3A_243 = arith.constant 0 : i32
        %ne3A_244 = arith.cmpi ne, %rem3A_242, %ne3A_243 : i32
        %lt3A_245 = arith.constant 0 : i32
        %lt3A_246 = arith.cmpi slt, %rem3A_242, %lt3A_245 : i32
        %lt3A_247 = arith.constant 0 : i32
        %lt3A_248 = arith.cmpi slt, %select_n3A_241, %lt3A_247 : i32
        %ne3A_249 = arith.xori %lt3A_246, %lt3A_248 : i1
        %and3A_250 = arith.andi %ne3A_249, %ne3A_244 : i1
        %add3A_251 = arith.addi %rem3A_242, %select_n3A_241 : i32
        %select_n3A_252 = arith.select %and3A_250, %add3A_251, %rem3A_242 : i32
        %mul3A_253 = arith.constant 32 : i32
        %mul3A_254 = arith.muli %select_n3A_252, %mul3A_253 : i32
        %get3A_255 = arith.constant 0 : index
        %get3A_256 = tpu.vector_load %arg7[%get3A_255] {strides = array<i32>} : memref<64xi32, #tpu.memory_space<vmem>>, vector<16xi32>,
        %get3A_257 = vector.shape_cast %get3A_256 : vector<16xi32> to vector<16xi32>
        %swap3A_258 = arith.index_cast %add3A_237 : i32 to index
        %swap3A_259 = arith.index_cast %mul3A_254 : i32 to index
        %swap3A_260 = tpu.vector_load %arg8[%swap3A_258, %swap3A_259] {strides = array<i32>} : memref<4x128xi32, #tpu.memory_space<vmem>>, vector<1x16xi32>,
        %swap3A_261 = vector.shape_cast %swap3A_260 : vector<1x16xi32> to vector<16xi32>
        %swap3A_262 = vector.shape_cast %get3A_257 : vector<16xi32> to vector<1x16xi32>
        tpu.vector_store %arg8[%swap3A_258, %swap3A_259], %swap3A_262 {strides = array<i32>} : memref<4x128xi32, #tpu.memory_space<vmem>>, vector<1x16xi32>,
        %get3A_263 = arith.constant 16 : index
        %get3A_264 = tpu.vector_load %arg7[%get3A_263] {strides = array<i32>} : memref<64xi32, #tpu.memory_space<vmem>>, vector<16xi32>,
        %get3A_265 = vector.shape_cast %get3A_264 : vector<16xi32> to vector<16xi32>
        %add3A_266 = arith.constant 16 : i32
        %add3A_267 = arith.addi %mul3A_254, %add3A_266 : i32
        %swap3A_268 = arith.index_cast %add3A_237 : i32 to index
        %swap3A_269 = arith.index_cast %add3A_267 : i32 to index
        %swap3A_270 = tpu.vector_load %arg8[%swap3A_268, %swap3A_269] {strides = array<i32>} : memref<4x128xi32, #tpu.memory_space<vmem>>, vector<1x16xi32>,
        %swap3A_271 = vector.shape_cast %swap3A_270 : vector<1x16xi32> to vector<16xi32>
        %swap3A_272 = vector.shape_cast %get3A_265 : vector<16xi32> to vector<1x16xi32>
        tpu.vector_store %arg8[%swap3A_268, %swap3A_269], %swap3A_272 {strides = array<i32>} : memref<4x128xi32, #tpu.memory_space<vmem>>, vector<1x16xi32>,
        %swap3A_273 = arith.index_cast %add3A_178 : i32 to index
        %swap3A_274 = memref.load %arg11[%swap3A_273] : memref<16xi32, #tpu.memory_space<smem>>
        memref.store %get3A_194, %arg11[%swap3A_273] : memref<16xi32, #tpu.memory_space<smem>>
      }
      %scan3A_131 = arith.constant 8 : i32
      %gt3A = arith.constant 0 : i32
      %gt3A_132 = arith.cmpi sgt, %scan3A_101, %gt3A : i32
      %convert_element_type3A_133 = arith.extui %gt3A_132 : i1 to i32
      %cond3A_134 = arith.constant 0 : i32
      %cond3A_135 = arith.cmpi ne, %convert_element_type3A_133, %cond3A_134 : i32
      scf.if %cond3A_135 {
        %mul3A_172 = arith.constant 2 : i32
        %mul3A_173 = arith.muli %sub3A_105, %mul3A_172 : i32
        %add3A_174 = arith.constant 0 : i32
        %add3A_175 = arith.addi %mul3A_173, %add3A_174 : i32
        %mul3A_176 = arith.constant 8 : i32
        %mul3A_177 = arith.muli %sub3A_105, %mul3A_176 : i32
        %mul3A_178 = arith.constant 32 : i32
        %mul3A_179 = arith.muli %mul3A_177, %mul3A_178 : i32
        %add3A_180 = arith.constant 0 : i32
        %add3A_181 = arith.addi %mul3A_179, %add3A_180 : i32
        %dma_wait3A_182 = arith.constant 0 : i32
        %dma_wait3A_183 = tpu.memref_slice %arg9[%add3A_181, %dma_wait3A_182] : memref<512x128xf32, #tpu.memory_space<vmem>> -> memref<128x128xf32, #tpu.memory_space<vmem>>
        %dma_wait3A_184 = arith.constant 0 : i32
        %dma_wait3A_185 = tpu.memref_slice %arg8[%add3A_175, %dma_wait3A_184] : memref<4x128xi32, #tpu.memory_space<vmem>> -> memref<1x128xi32, #tpu.memory_space<vmem>>
        %dma_wait3A_186 = tpu.memref_squeeze %dma_wait3A_185 : memref<1x128xi32, #tpu.memory_space<vmem>> -> memref<128xi32, #tpu.memory_space<vmem>>
        %dma_wait3A_187 = arith.constant 0 : i32
        %dma_wait3A_188 = arith.constant 0 : i32
        %dma_wait3A_189 = tpu.memref_slice %arg3[%dma_wait3A_187, %dma_wait3A_188] : memref<32768x128xf32, #tpu.memory_space<hbm>> -> memref<32768x128xf32, #tpu.memory_space<hbm>>
        tpu.wait_indirect_dma semaphore(%arg13 : memref<!tpu.dma_semaphore, #tpu.memory_space<semaphore_mem>>) src(%dma_wait3A_189 : memref<32768x128xf32, #tpu.memory_space<hbm>>) dst(%dma_wait3A_183 : memref<128x128xf32, #tpu.memory_space<vmem>>)
        %mul3A_190 = arith.constant 2 : i32
        %mul3A_191 = arith.muli %sub3A_105, %mul3A_190 : i32
        %add3A_192 = arith.constant 1 : i32
        %add3A_193 = arith.addi %mul3A_191, %add3A_192 : i32
        %mul3A_194 = arith.constant 8 : i32
        %mul3A_195 = arith.muli %sub3A_105, %mul3A_194 : i32
        %mul3A_196 = arith.constant 32 : i32
        %mul3A_197 = arith.muli %mul3A_195, %mul3A_196 : i32
        %add3A_198 = arith.constant 128 : i32
        %add3A_199 = arith.addi %mul3A_197, %add3A_198 : i32
        %dma_wait3A_200 = arith.constant 0 : i32
        %dma_wait3A_201 = tpu.memref_slice %arg9[%add3A_199, %dma_wait3A_200] : memref<512x128xf32, #tpu.memory_space<vmem>> -> memref<128x128xf32, #tpu.memory_space<vmem>>
        %dma_wait3A_202 = arith.constant 0 : i32
        %dma_wait3A_203 = tpu.memref_slice %arg8[%add3A_193, %dma_wait3A_202] : memref<4x128xi32, #tpu.memory_space<vmem>> -> memref<1x128xi32, #tpu.memory_space<vmem>>
        %dma_wait3A_204 = tpu.memref_squeeze %dma_wait3A_203 : memref<1x128xi32, #tpu.memory_space<vmem>> -> memref<128xi32, #tpu.memory_space<vmem>>
        %dma_wait3A_205 = arith.constant 0 : i32
        %dma_wait3A_206 = arith.constant 0 : i32
        %dma_wait3A_207 = tpu.memref_slice %arg3[%dma_wait3A_205, %dma_wait3A_206] : memref<32768x128xf32, #tpu.memory_space<hbm>> -> memref<32768x128xf32, #tpu.memory_space<hbm>>
        tpu.wait_indirect_dma semaphore(%arg13 : memref<!tpu.dma_semaphore, #tpu.memory_space<semaphore_mem>>) src(%dma_wait3A_207 : memref<32768x128xf32, #tpu.memory_space<hbm>>) dst(%dma_wait3A_201 : memref<128x128xf32, #tpu.memory_space<vmem>>)
        %sub3A_208 = arith.constant 1 : i32
        %sub3A_209 = arith.subi %scan3A_101, %sub3A_208 : i32
        %scan3A_210 = arith.constant 0 : i32
        %scan3A_211 = arith.constant 0 : i32
        %scan3A_212 = arith.constant 8 : i32
        %scan3A_213 = arith.addi %scan3A_211, %scan3A_212 : i32
        %scan3A_214 = arith.constant 1 : i32
        scf.for %scan3A_216 = %scan3A_211 to %scan3A_213 step %scan3A_214  : i32 {
          %mul3A_217 = arith.constant 8 : i32
          %mul3A_218 = arith.muli %sub3A_105, %mul3A_217 : i32
          %mul3A_219 = arith.constant 32 : i32
          %mul3A_220 = arith.muli %mul3A_218, %mul3A_219 : i32
          %mul3A_221 = arith.constant 32 : i32
          %mul3A_222 = arith.muli %scan3A_216, %mul3A_221 : i32
          %add3A_223 = arith.addi %mul3A_220, %mul3A_222 : i32
          %add3A_224 = arith.constant 0 : i32
          %add3A_225 = arith.addi %add3A_223, %add3A_224 : i32
          %get3A = arith.index_cast %add3A_225 : i32 to index
          %get3A_226 = arith.constant 0 : index
          %get3A_227 = tpu.vector_load %arg9[%get3A, %get3A_226] {strides = array<i32>} : memref<512x128xf32, #tpu.memory_space<vmem>>, vector<1x16xf32>,
          %get3A_228 = vector.shape_cast %get3A_227 : vector<1x16xf32> to vector<16xf32>
          %max3A_229 = arith.maximumf %broadcast_in_dim3A_25, %get3A_228 : vector<16xf32>
          %mul3A_230 = arith.constant 8 : i32
          %mul3A_231 = arith.muli %sub3A_105, %mul3A_230 : i32
          %mul3A_232 = arith.constant 32 : i32
          %mul3A_233 = arith.muli %mul3A_231, %mul3A_232 : i32
          %mul3A_234 = arith.constant 32 : i32
          %mul3A_235 = arith.muli %scan3A_216, %mul3A_234 : i32
          %add3A_236 = arith.addi %mul3A_233, %mul3A_235 : i32
          %add3A_237 = arith.constant 0 : i32
          %add3A_238 = arith.addi %add3A_236, %add3A_237 : i32
          %get3A_239 = arith.index_cast %add3A_238 : i32 to index
          %get3A_240 = arith.constant 16 : index
          %get3A_241 = tpu.vector_load %arg9[%get3A_239, %get3A_240] {strides = array<i32>} : memref<512x128xf32, #tpu.memory_space<vmem>>, vector<1x16xf32>,
          %get3A_242 = vector.shape_cast %get3A_241 : vector<1x16xf32> to vector<16xf32>
          %max3A_243 = arith.maximumf %broadcast_in_dim3A_25, %get3A_242 : vector<16xf32>
          %mul3A_244 = arith.constant 8 : i32
          %mul3A_245 = arith.muli %sub3A_105, %mul3A_244 : i32
          %mul3A_246 = arith.constant 32 : i32
          %mul3A_247 = arith.muli %mul3A_245, %mul3A_246 : i32
          %mul3A_248 = arith.constant 32 : i32
          %mul3A_249 = arith.muli %scan3A_216, %mul3A_248 : i32
          %add3A_250 = arith.addi %mul3A_247, %mul3A_249 : i32
          %add3A_251 = arith.constant 0 : i32
          %add3A_252 = arith.addi %add3A_250, %add3A_251 : i32
          %get3A_253 = arith.index_cast %add3A_252 : i32 to index
          %get3A_254 = arith.constant 32 : index
          %get3A_255 = tpu.vector_load %arg9[%get3A_253, %get3A_254] {strides = array<i32>} : memref<512x128xf32, #tpu.memory_space<vmem>>, vector<1x16xf32>,
          %get3A_256 = vector.shape_cast %get3A_255 : vector<1x16xf32> to vector<16xf32>
          %max3A_257 = arith.maximumf %broadcast_in_dim3A_25, %get3A_256 : vector<16xf32>
          %mul3A_258 = arith.constant 8 : i32
          %mul3A_259 = arith.muli %sub3A_105, %mul3A_258 : i32
          %mul3A_260 = arith.constant 32 : i32
          %mul3A_261 = arith.muli %mul3A_259, %mul3A_260 : i32
          %mul3A_262 = arith.constant 32 : i32
          %mul3A_263 = arith.muli %scan3A_216, %mul3A_262 : i32
          %add3A_264 = arith.addi %mul3A_261, %mul3A_263 : i32
          %add3A_265 = arith.constant 0 : i32
          %add3A_266 = arith.addi %add3A_264, %add3A_265 : i32
          %get3A_267 = arith.index_cast %add3A_266 : i32 to index
          %get3A_268 = arith.constant 48 : index
          %get3A_269 = tpu.vector_load %arg9[%get3A_267, %get3A_268] {strides = array<i32>} : memref<512x128xf32, #tpu.memory_space<vmem>>, vector<1x16xf32>,
          %get3A_270 = vector.shape_cast %get3A_269 : vector<1x16xf32> to vector<16xf32>
          %max3A_271 = arith.maximumf %broadcast_in_dim3A_25, %get3A_270 : vector<16xf32>
          %mul3A_272 = arith.constant 8 : i32
          %mul3A_273 = arith.muli %sub3A_105, %mul3A_272 : i32
          %mul3A_274 = arith.constant 32 : i32
          %mul3A_275 = arith.muli %mul3A_273, %mul3A_274 : i32
          %mul3A_276 = arith.constant 32 : i32
          %mul3A_277 = arith.muli %scan3A_216, %mul3A_276 : i32
          %add3A_278 = arith.addi %mul3A_275, %mul3A_277 : i32
          %add3A_279 = arith.constant 1 : i32
          %add3A_280 = arith.addi %add3A_278, %add3A_279 : i32
          %get3A_281 = arith.index_cast %add3A_280 : i32 to index
          %get3A_282 = arith.constant 0 : index
          %get3A_283 = tpu.vector_load %arg9[%get3A_281, %get3A_282] {strides = array<i32>} : memref<512x128xf32, #tpu.memory_space<vmem>>, vector<1x16xf32>,
          %get3A_284 = vector.shape_cast %get3A_283 : vector<1x16xf32> to vector<16xf32>
          %max3A_285 = arith.maximumf %max3A_229, %get3A_284 : vector<16xf32>
          %mul3A_286 = arith.constant 8 : i32
          %mul3A_287 = arith.muli %sub3A_105, %mul3A_286 : i32
          %mul3A_288 = arith.constant 32 : i32
          %mul3A_289 = arith.muli %mul3A_287, %mul3A_288 : i32
          %mul3A_290 = arith.constant 32 : i32
          %mul3A_291 = arith.muli %scan3A_216, %mul3A_290 : i32
          %add3A_292 = arith.addi %mul3A_289, %mul3A_291 : i32
          %add3A_293 = arith.constant 1 : i32
          %add3A_294 = arith.addi %add3A_292, %add3A_293 : i32
          %get3A_295 = arith.index_cast %add3A_294 : i32 to index
          %get3A_296 = arith.constant 16 : index
          %get3A_297 = tpu.vector_load %arg9[%get3A_295, %get3A_296] {strides = array<i32>} : memref<512x128xf32, #tpu.memory_space<vmem>>, vector<1x16xf32>,
          %get3A_298 = vector.shape_cast %get3A_297 : vector<1x16xf32> to vector<16xf32>
          %max3A_299 = arith.maximumf %max3A_243, %get3A_298 : vector<16xf32>
          %mul3A_300 = arith.constant 8 : i32
          %mul3A_301 = arith.muli %sub3A_105, %mul3A_300 : i32
          %mul3A_302 = arith.constant 32 : i32
          %mul3A_303 = arith.muli %mul3A_301, %mul3A_302 : i32
          %mul3A_304 = arith.constant 32 : i32
          %mul3A_305 = arith.muli %scan3A_216, %mul3A_304 : i32
          %add3A_306 = arith.addi %mul3A_303, %mul3A_305 : i32
          %add3A_307 = arith.constant 1 : i32
          %add3A_308 = arith.addi %add3A_306, %add3A_307 : i32
          %get3A_309 = arith.index_cast %add3A_308 : i32 to index
          %get3A_310 = arith.constant 32 : index
          %get3A_311 = tpu.vector_load %arg9[%get3A_309, %get3A_310] {strides = array<i32>} : memref<512x128xf32, #tpu.memory_space<vmem>>, vector<1x16xf32>,
          %get3A_312 = vector.shape_cast %get3A_311 : vector<1x16xf32> to vector<16xf32>
          %max3A_313 = arith.maximumf %max3A_257, %get3A_312 : vector<16xf32>
          %mul3A_314 = arith.constant 8 : i32
          %mul3A_315 = arith.muli %sub3A_105, %mul3A_314 : i32
          %mul3A_316 = arith.constant 32 : i32
          %mul3A_317 = arith.muli %mul3A_315, %mul3A_316 : i32
          %mul3A_318 = arith.constant 32 : i32
          %mul3A_319 = arith.muli %scan3A_216, %mul3A_318 : i32
          %add3A_320 = arith.addi %mul3A_317, %mul3A_319 : i32
          %add3A_321 = arith.constant 1 : i32
          %add3A_322 = arith.addi %add3A_320, %add3A_321 : i32
          %get3A_323 = arith.index_cast %add3A_322 : i32 to index
          %get3A_324 = arith.constant 48 : index
          %get3A_325 = tpu.vector_load %arg9[%get3A_323, %get3A_324] {strides = array<i32>} : memref<512x128xf32, #tpu.memory_space<vmem>>, vector<1x16xf32>,
          %get3A_326 = vector.shape_cast %get3A_325 : vector<1x16xf32> to vector<16xf32>
          %max3A_327 = arith.maximumf %max3A_271, %get3A_326 : vector<16xf32>
          %mul3A_328 = arith.constant 8 : i32
          %mul3A_329 = arith.muli %sub3A_105, %mul3A_328 : i32
          %mul3A_330 = arith.constant 32 : i32
          %mul3A_331 = arith.muli %mul3A_329, %mul3A_330 : i32
          %mul3A_332 = arith.constant 32 : i32
          %mul3A_333 = arith.muli %scan3A_216, %mul3A_332 : i32
          %add3A_334 = arith.addi %mul3A_331, %mul3A_333 : i32
          %add3A_335 = arith.constant 2 : i32
          %add3A_336 = arith.addi %add3A_334, %add3A_335 : i32
          %get3A_337 = arith.index_cast %add3A_336 : i32 to index
          %get3A_338 = arith.constant 0 : index
          %get3A_339 = tpu.vector_load %arg9[%get3A_337, %get3A_338] {strides = array<i32>} : memref<512x128xf32, #tpu.memory_space<vmem>>, vector<1x16xf32>,
          %get3A_340 = vector.shape_cast %get3A_339 : vector<1x16xf32> to vector<16xf32>
          %max3A_341 = arith.maximumf %max3A_285, %get3A_340 : vector<16xf32>
          %mul3A_342 = arith.constant 8 : i32
          %mul3A_343 = arith.muli %sub3A_105, %mul3A_342 : i32
          %mul3A_344 = arith.constant 32 : i32
          %mul3A_345 = arith.muli %mul3A_343, %mul3A_344 : i32
          %mul3A_346 = arith.constant 32 : i32
          %mul3A_347 = arith.muli %scan3A_216, %mul3A_346 : i32
          %add3A_348 = arith.addi %mul3A_345, %mul3A_347 : i32
          %add3A_349 = arith.constant 2 : i32
          %add3A_350 = arith.addi %add3A_348, %add3A_349 : i32
          %get3A_351 = arith.index_cast %add3A_350 : i32 to index
          %get3A_352 = arith.constant 16 : index
          %get3A_353 = tpu.vector_load %arg9[%get3A_351, %get3A_352] {strides = array<i32>} : memref<512x128xf32, #tpu.memory_space<vmem>>, vector<1x16xf32>,
          %get3A_354 = vector.shape_cast %get3A_353 : vector<1x16xf32> to vector<16xf32>
          %max3A_355 = arith.maximumf %max3A_299, %get3A_354 : vector<16xf32>
          %mul3A_356 = arith.constant 8 : i32
          %mul3A_357 = arith.muli %sub3A_105, %mul3A_356 : i32
          %mul3A_358 = arith.constant 32 : i32
          %mul3A_359 = arith.muli %mul3A_357, %mul3A_358 : i32
          %mul3A_360 = arith.constant 32 : i32
          %mul3A_361 = arith.muli %scan3A_216, %mul3A_360 : i32
          %add3A_362 = arith.addi %mul3A_359, %mul3A_361 : i32
          %add3A_363 = arith.constant 2 : i32
          %add3A_364 = arith.addi %add3A_362, %add3A_363 : i32
          %get3A_365 = arith.index_cast %add3A_364 : i32 to index
          %get3A_366 = arith.constant 32 : index
          %get3A_367 = tpu.vector_load %arg9[%get3A_365, %get3A_366] {strides = array<i32>} : memref<512x128xf32, #tpu.memory_space<vmem>>, vector<1x16xf32>,
          %get3A_368 = vector.shape_cast %get3A_367 : vector<1x16xf32> to vector<16xf32>
          %max3A_369 = arith.maximumf %max3A_313, %get3A_368 : vector<16xf32>
          %mul3A_370 = arith.constant 8 : i32
          %mul3A_371 = arith.muli %sub3A_105, %mul3A_370 : i32
          %mul3A_372 = arith.constant 32 : i32
          %mul3A_373 = arith.muli %mul3A_371, %mul3A_372 : i32
          %mul3A_374 = arith.constant 32 : i32
          %mul3A_375 = arith.muli %scan3A_216, %mul3A_374 : i32
          %add3A_376 = arith.addi %mul3A_373, %mul3A_375 : i32
          %add3A_377 = arith.constant 2 : i32
          %add3A_378 = arith.addi %add3A_376, %add3A_377 : i32
          %get3A_379 = arith.index_cast %add3A_378 : i32 to index
          %get3A_380 = arith.constant 48 : index
          %get3A_381 = tpu.vector_load %arg9[%get3A_379, %get3A_380] {strides = array<i32>} : memref<512x128xf32, #tpu.memory_space<vmem>>, vector<1x16xf32>,
          %get3A_382 = vector.shape_cast %get3A_381 : vector<1x16xf32> to vector<16xf32>
          %max3A_383 = arith.maximumf %max3A_327, %get3A_382 : vector<16xf32>
          %mul3A_384 = arith.constant 8 : i32
          %mul3A_385 = arith.muli %sub3A_105, %mul3A_384 : i32
          %mul3A_386 = arith.constant 32 : i32
          %mul3A_387 = arith.muli %mul3A_385, %mul3A_386 : i32
          %mul3A_388 = arith.constant 32 : i32
          %mul3A_389 = arith.muli %scan3A_216, %mul3A_388 : i32
          %add3A_390 = arith.addi %mul3A_387, %mul3A_389 : i32
          %add3A_391 = arith.constant 3 : i32
          %add3A_392 = arith.addi %add3A_390, %add3A_391 : i32
          %get3A_393 = arith.index_cast %add3A_392 : i32 to index
          %get3A_394 = arith.constant 0 : index
          %get3A_395 = tpu.vector_load %arg9[%get3A_393, %get3A_394] {strides = array<i32>} : memref<512x128xf32, #tpu.memory_space<vmem>>, vector<1x16xf32>,
          %get3A_396 = vector.shape_cast %get3A_395 : vector<1x16xf32> to vector<16xf32>
          %max3A_397 = arith.maximumf %max3A_341, %get3A_396 : vector<16xf32>
          %mul3A_398 = arith.constant 8 : i32
          %mul3A_399 = arith.muli %sub3A_105, %mul3A_398 : i32
          %mul3A_400 = arith.constant 32 : i32
          %mul3A_401 = arith.muli %mul3A_399, %mul3A_400 : i32
          %mul3A_402 = arith.constant 32 : i32
          %mul3A_403 = arith.muli %scan3A_216, %mul3A_402 : i32
          %add3A_404 = arith.addi %mul3A_401, %mul3A_403 : i32
          %add3A_405 = arith.constant 3 : i32
          %add3A_406 = arith.addi %add3A_404, %add3A_405 : i32
          %get3A_407 = arith.index_cast %add3A_406 : i32 to index
          %get3A_408 = arith.constant 16 : index
          %get3A_409 = tpu.vector_load %arg9[%get3A_407, %get3A_408] {strides = array<i32>} : memref<512x128xf32, #tpu.memory_space<vmem>>, vector<1x16xf32>,
          %get3A_410 = vector.shape_cast %get3A_409 : vector<1x16xf32> to vector<16xf32>
          %max3A_411 = arith.maximumf %max3A_355, %get3A_410 : vector<16xf32>
          %mul3A_412 = arith.constant 8 : i32
          %mul3A_413 = arith.muli %sub3A_105, %mul3A_412 : i32
          %mul3A_414 = arith.constant 32 : i32
          %mul3A_415 = arith.muli %mul3A_413, %mul3A_414 : i32
          %mul3A_416 = arith.constant 32 : i32
          %mul3A_417 = arith.muli %scan3A_216, %mul3A_416 : i32
          %add3A_418 = arith.addi %mul3A_415, %mul3A_417 : i32
          %add3A_419 = arith.constant 3 : i32
          %add3A_420 = arith.addi %add3A_418, %add3A_419 : i32
          %get3A_421 = arith.index_cast %add3A_420 : i32 to index
          %get3A_422 = arith.constant 32 : index
          %get3A_423 = tpu.vector_load %arg9[%get3A_421, %get3A_422] {strides = array<i32>} : memref<512x128xf32, #tpu.memory_space<vmem>>, vector<1x16xf32>,
          %get3A_424 = vector.shape_cast %get3A_423 : vector<1x16xf32> to vector<16xf32>
          %max3A_425 = arith.maximumf %max3A_369, %get3A_424 : vector<16xf32>
          %mul3A_426 = arith.constant 8 : i32
          %mul3A_427 = arith.muli %sub3A_105, %mul3A_426 : i32
          %mul3A_428 = arith.constant 32 : i32
          %mul3A_429 = arith.muli %mul3A_427, %mul3A_428 : i32
          %mul3A_430 = arith.constant 32 : i32
          %mul3A_431 = arith.muli %scan3A_216, %mul3A_430 : i32
          %add3A_432 = arith.addi %mul3A_429, %mul3A_431 : i32
          %add3A_433 = arith.constant 3 : i32
          %add3A_434 = arith.addi %add3A_432, %add3A_433 : i32
          %get3A_435 = arith.index_cast %add3A_434 : i32 to index
          %get3A_436 = arith.constant 48 : index
          %get3A_437 = tpu.vector_load %arg9[%get3A_435, %get3A_436] {strides = array<i32>} : memref<512x128xf32, #tpu.memory_space<vmem>>, vector<1x16xf32>,
          %get3A_438 = vector.shape_cast %get3A_437 : vector<1x16xf32> to vector<16xf32>
          %max3A_439 = arith.maximumf %max3A_383, %get3A_438 : vector<16xf32>
          %mul3A_440 = arith.constant 8 : i32
          %mul3A_441 = arith.muli %sub3A_105, %mul3A_440 : i32
          %mul3A_442 = arith.constant 32 : i32
          %mul3A_443 = arith.muli %mul3A_441, %mul3A_442 : i32
          %mul3A_444 = arith.constant 32 : i32
          %mul3A_445 = arith.muli %scan3A_216, %mul3A_444 : i32
          %add3A_446 = arith.addi %mul3A_443, %mul3A_445 : i32
          %add3A_447 = arith.constant 4 : i32
          %add3A_448 = arith.addi %add3A_446, %add3A_447 : i32
          %get3A_449 = arith.index_cast %add3A_448 : i32 to index
          %get3A_450 = arith.constant 0 : index
          %get3A_451 = tpu.vector_load %arg9[%get3A_449, %get3A_450] {strides = array<i32>} : memref<512x128xf32, #tpu.memory_space<vmem>>, vector<1x16xf32>,
          %get3A_452 = vector.shape_cast %get3A_451 : vector<1x16xf32> to vector<16xf32>
          %max3A_453 = arith.maximumf %max3A_397, %get3A_452 : vector<16xf32>
          %mul3A_454 = arith.constant 8 : i32
          %mul3A_455 = arith.muli %sub3A_105, %mul3A_454 : i32
          %mul3A_456 = arith.constant 32 : i32
          %mul3A_457 = arith.muli %mul3A_455, %mul3A_456 : i32
          %mul3A_458 = arith.constant 32 : i32
          %mul3A_459 = arith.muli %scan3A_216, %mul3A_458 : i32
          %add3A_460 = arith.addi %mul3A_457, %mul3A_459 : i32
          %add3A_461 = arith.constant 4 : i32
          %add3A_462 = arith.addi %add3A_460, %add3A_461 : i32
          %get3A_463 = arith.index_cast %add3A_462 : i32 to index
          %get3A_464 = arith.constant 16 : index
          %get3A_465 = tpu.vector_load %arg9[%get3A_463, %get3A_464] {strides = array<i32>} : memref<512x128xf32, #tpu.memory_space<vmem>>, vector<1x16xf32>,
          %get3A_466 = vector.shape_cast %get3A_465 : vector<1x16xf32> to vector<16xf32>
          %max3A_467 = arith.maximumf %max3A_411, %get3A_466 : vector<16xf32>
          %mul3A_468 = arith.constant 8 : i32
          %mul3A_469 = arith.muli %sub3A_105, %mul3A_468 : i32
          %mul3A_470 = arith.constant 32 : i32
          %mul3A_471 = arith.muli %mul3A_469, %mul3A_470 : i32
          %mul3A_472 = arith.constant 32 : i32
          %mul3A_473 = arith.muli %scan3A_216, %mul3A_472 : i32
          %add3A_474 = arith.addi %mul3A_471, %mul3A_473 : i32
          %add3A_475 = arith.constant 4 : i32
          %add3A_476 = arith.addi %add3A_474, %add3A_475 : i32
          %get3A_477 = arith.index_cast %add3A_476 : i32 to index
          %get3A_478 = arith.constant 32 : index
          %get3A_479 = tpu.vector_load %arg9[%get3A_477, %get3A_478] {strides = array<i32>} : memref<512x128xf32, #tpu.memory_space<vmem>>, vector<1x16xf32>,
          %get3A_480 = vector.shape_cast %get3A_479 : vector<1x16xf32> to vector<16xf32>
          %max3A_481 = arith.maximumf %max3A_425, %get3A_480 : vector<16xf32>
          %mul3A_482 = arith.constant 8 : i32
          %mul3A_483 = arith.muli %sub3A_105, %mul3A_482 : i32
          %mul3A_484 = arith.constant 32 : i32
          %mul3A_485 = arith.muli %mul3A_483, %mul3A_484 : i32
          %mul3A_486 = arith.constant 32 : i32
          %mul3A_487 = arith.muli %scan3A_216, %mul3A_486 : i32
          %add3A_488 = arith.addi %mul3A_485, %mul3A_487 : i32
          %add3A_489 = arith.constant 4 : i32
          %add3A_490 = arith.addi %add3A_488, %add3A_489 : i32
          %get3A_491 = arith.index_cast %add3A_490 : i32 to index
          %get3A_492 = arith.constant 48 : index
          %get3A_493 = tpu.vector_load %arg9[%get3A_491, %get3A_492] {strides = array<i32>} : memref<512x128xf32, #tpu.memory_space<vmem>>, vector<1x16xf32>,
          %get3A_494 = vector.shape_cast %get3A_493 : vector<1x16xf32> to vector<16xf32>
          %max3A_495 = arith.maximumf %max3A_439, %get3A_494 : vector<16xf32>
          %mul3A_496 = arith.constant 8 : i32
          %mul3A_497 = arith.muli %sub3A_105, %mul3A_496 : i32
          %mul3A_498 = arith.constant 32 : i32
          %mul3A_499 = arith.muli %mul3A_497, %mul3A_498 : i32
          %mul3A_500 = arith.constant 32 : i32
          %mul3A_501 = arith.muli %scan3A_216, %mul3A_500 : i32
          %add3A_502 = arith.addi %mul3A_499, %mul3A_501 : i32
          %add3A_503 = arith.constant 5 : i32
          %add3A_504 = arith.addi %add3A_502, %add3A_503 : i32
          %get3A_505 = arith.index_cast %add3A_504 : i32 to index
          %get3A_506 = arith.constant 0 : index
          %get3A_507 = tpu.vector_load %arg9[%get3A_505, %get3A_506] {strides = array<i32>} : memref<512x128xf32, #tpu.memory_space<vmem>>, vector<1x16xf32>,
          %get3A_508 = vector.shape_cast %get3A_507 : vector<1x16xf32> to vector<16xf32>
          %max3A_509 = arith.maximumf %max3A_453, %get3A_508 : vector<16xf32>
          %mul3A_510 = arith.constant 8 : i32
          %mul3A_511 = arith.muli %sub3A_105, %mul3A_510 : i32
          %mul3A_512 = arith.constant 32 : i32
          %mul3A_513 = arith.muli %mul3A_511, %mul3A_512 : i32
          %mul3A_514 = arith.constant 32 : i32
          %mul3A_515 = arith.muli %scan3A_216, %mul3A_514 : i32
          %add3A_516 = arith.addi %mul3A_513, %mul3A_515 : i32
          %add3A_517 = arith.constant 5 : i32
          %add3A_518 = arith.addi %add3A_516, %add3A_517 : i32
          %get3A_519 = arith.index_cast %add3A_518 : i32 to index
          %get3A_520 = arith.constant 16 : index
          %get3A_521 = tpu.vector_load %arg9[%get3A_519, %get3A_520] {strides = array<i32>} : memref<512x128xf32, #tpu.memory_space<vmem>>, vector<1x16xf32>,
          %get3A_522 = vector.shape_cast %get3A_521 : vector<1x16xf32> to vector<16xf32>
          %max3A_523 = arith.maximumf %max3A_467, %get3A_522 : vector<16xf32>
          %mul3A_524 = arith.constant 8 : i32
          %mul3A_525 = arith.muli %sub3A_105, %mul3A_524 : i32
          %mul3A_526 = arith.constant 32 : i32
          %mul3A_527 = arith.muli %mul3A_525, %mul3A_526 : i32
          %mul3A_528 = arith.constant 32 : i32
          %mul3A_529 = arith.muli %scan3A_216, %mul3A_528 : i32
          %add3A_530 = arith.addi %mul3A_527, %mul3A_529 : i32
          %add3A_531 = arith.constant 5 : i32
          %add3A_532 = arith.addi %add3A_530, %add3A_531 : i32
          %get3A_533 = arith.index_cast %add3A_532 : i32 to index
          %get3A_534 = arith.constant 32 : index
          %get3A_535 = tpu.vector_load %arg9[%get3A_533, %get3A_534] {strides = array<i32>} : memref<512x128xf32, #tpu.memory_space<vmem>>, vector<1x16xf32>,
          %get3A_536 = vector.shape_cast %get3A_535 : vector<1x16xf32> to vector<16xf32>
          %max3A_537 = arith.maximumf %max3A_481, %get3A_536 : vector<16xf32>
          %mul3A_538 = arith.constant 8 : i32
          %mul3A_539 = arith.muli %sub3A_105, %mul3A_538 : i32
          %mul3A_540 = arith.constant 32 : i32
          %mul3A_541 = arith.muli %mul3A_539, %mul3A_540 : i32
          %mul3A_542 = arith.constant 32 : i32
          %mul3A_543 = arith.muli %scan3A_216, %mul3A_542 : i32
          %add3A_544 = arith.addi %mul3A_541, %mul3A_543 : i32
          %add3A_545 = arith.constant 5 : i32
          %add3A_546 = arith.addi %add3A_544, %add3A_545 : i32
          %get3A_547 = arith.index_cast %add3A_546 : i32 to index
          %get3A_548 = arith.constant 48 : index
          %get3A_549 = tpu.vector_load %arg9[%get3A_547, %get3A_548] {strides = array<i32>} : memref<512x128xf32, #tpu.memory_space<vmem>>, vector<1x16xf32>,
          %get3A_550 = vector.shape_cast %get3A_549 : vector<1x16xf32> to vector<16xf32>
          %max3A_551 = arith.maximumf %max3A_495, %get3A_550 : vector<16xf32>
          %mul3A_552 = arith.constant 8 : i32
          %mul3A_553 = arith.muli %sub3A_105, %mul3A_552 : i32
          %mul3A_554 = arith.constant 32 : i32
          %mul3A_555 = arith.muli %mul3A_553, %mul3A_554 : i32
          %mul3A_556 = arith.constant 32 : i32
          %mul3A_557 = arith.muli %scan3A_216, %mul3A_556 : i32
          %add3A_558 = arith.addi %mul3A_555, %mul3A_557 : i32
          %add3A_559 = arith.constant 6 : i32
          %add3A_560 = arith.addi %add3A_558, %add3A_559 : i32
          %get3A_561 = arith.index_cast %add3A_560 : i32 to index
          %get3A_562 = arith.constant 0 : index
          %get3A_563 = tpu.vector_load %arg9[%get3A_561, %get3A_562] {strides = array<i32>} : memref<512x128xf32, #tpu.memory_space<vmem>>, vector<1x16xf32>,
          %get3A_564 = vector.shape_cast %get3A_563 : vector<1x16xf32> to vector<16xf32>
          %max3A_565 = arith.maximumf %max3A_509, %get3A_564 : vector<16xf32>
          %mul3A_566 = arith.constant 8 : i32
          %mul3A_567 = arith.muli %sub3A_105, %mul3A_566 : i32
          %mul3A_568 = arith.constant 32 : i32
          %mul3A_569 = arith.muli %mul3A_567, %mul3A_568 : i32
          %mul3A_570 = arith.constant 32 : i32
          %mul3A_571 = arith.muli %scan3A_216, %mul3A_570 : i32
          %add3A_572 = arith.addi %mul3A_569, %mul3A_571 : i32
          %add3A_573 = arith.constant 6 : i32
          %add3A_574 = arith.addi %add3A_572, %add3A_573 : i32
          %get3A_575 = arith.index_cast %add3A_574 : i32 to index
          %get3A_576 = arith.constant 16 : index
          %get3A_577 = tpu.vector_load %arg9[%get3A_575, %get3A_576] {strides = array<i32>} : memref<512x128xf32, #tpu.memory_space<vmem>>, vector<1x16xf32>,
          %get3A_578 = vector.shape_cast %get3A_577 : vector<1x16xf32> to vector<16xf32>
          %max3A_579 = arith.maximumf %max3A_523, %get3A_578 : vector<16xf32>
          %mul3A_580 = arith.constant 8 : i32
          %mul3A_581 = arith.muli %sub3A_105, %mul3A_580 : i32
          %mul3A_582 = arith.constant 32 : i32
          %mul3A_583 = arith.muli %mul3A_581, %mul3A_582 : i32
          %mul3A_584 = arith.constant 32 : i32
          %mul3A_585 = arith.muli %scan3A_216, %mul3A_584 : i32
          %add3A_586 = arith.addi %mul3A_583, %mul3A_585 : i32
          %add3A_587 = arith.constant 6 : i32
          %add3A_588 = arith.addi %add3A_586, %add3A_587 : i32
          %get3A_589 = arith.index_cast %add3A_588 : i32 to index
          %get3A_590 = arith.constant 32 : index
          %get3A_591 = tpu.vector_load %arg9[%get3A_589, %get3A_590] {strides = array<i32>} : memref<512x128xf32, #tpu.memory_space<vmem>>, vector<1x16xf32>,
          %get3A_592 = vector.shape_cast %get3A_591 : vector<1x16xf32> to vector<16xf32>
          %max3A_593 = arith.maximumf %max3A_537, %get3A_592 : vector<16xf32>
          %mul3A_594 = arith.constant 8 : i32
          %mul3A_595 = arith.muli %sub3A_105, %mul3A_594 : i32
          %mul3A_596 = arith.constant 32 : i32
          %mul3A_597 = arith.muli %mul3A_595, %mul3A_596 : i32
          %mul3A_598 = arith.constant 32 : i32
          %mul3A_599 = arith.muli %scan3A_216, %mul3A_598 : i32
          %add3A_600 = arith.addi %mul3A_597, %mul3A_599 : i32
          %add3A_601 = arith.constant 6 : i32
          %add3A_602 = arith.addi %add3A_600, %add3A_601 : i32
          %get3A_603 = arith.index_cast %add3A_602 : i32 to index
          %get3A_604 = arith.constant 48 : index
          %get3A_605 = tpu.vector_load %arg9[%get3A_603, %get3A_604] {strides = array<i32>} : memref<512x128xf32, #tpu.memory_space<vmem>>, vector<1x16xf32>,
          %get3A_606 = vector.shape_cast %get3A_605 : vector<1x16xf32> to vector<16xf32>
          %max3A_607 = arith.maximumf %max3A_551, %get3A_606 : vector<16xf32>
          %mul3A_608 = arith.constant 8 : i32
          %mul3A_609 = arith.muli %sub3A_105, %mul3A_608 : i32
          %mul3A_610 = arith.constant 32 : i32
          %mul3A_611 = arith.muli %mul3A_609, %mul3A_610 : i32
          %mul3A_612 = arith.constant 32 : i32
          %mul3A_613 = arith.muli %scan3A_216, %mul3A_612 : i32
          %add3A_614 = arith.addi %mul3A_611, %mul3A_613 : i32
          %add3A_615 = arith.constant 7 : i32
          %add3A_616 = arith.addi %add3A_614, %add3A_615 : i32
          %get3A_617 = arith.index_cast %add3A_616 : i32 to index
          %get3A_618 = arith.constant 0 : index
          %get3A_619 = tpu.vector_load %arg9[%get3A_617, %get3A_618] {strides = array<i32>} : memref<512x128xf32, #tpu.memory_space<vmem>>, vector<1x16xf32>,
          %get3A_620 = vector.shape_cast %get3A_619 : vector<1x16xf32> to vector<16xf32>
          %max3A_621 = arith.maximumf %max3A_565, %get3A_620 : vector<16xf32>
          %mul3A_622 = arith.constant 8 : i32
          %mul3A_623 = arith.muli %sub3A_105, %mul3A_622 : i32
          %mul3A_624 = arith.constant 32 : i32
          %mul3A_625 = arith.muli %mul3A_623, %mul3A_624 : i32
          %mul3A_626 = arith.constant 32 : i32
          %mul3A_627 = arith.muli %scan3A_216, %mul3A_626 : i32
          %add3A_628 = arith.addi %mul3A_625, %mul3A_627 : i32
          %add3A_629 = arith.constant 7 : i32
          %add3A_630 = arith.addi %add3A_628, %add3A_629 : i32
          %get3A_631 = arith.index_cast %add3A_630 : i32 to index
          %get3A_632 = arith.constant 16 : index
          %get3A_633 = tpu.vector_load %arg9[%get3A_631, %get3A_632] {strides = array<i32>} : memref<512x128xf32, #tpu.memory_space<vmem>>, vector<1x16xf32>,
          %get3A_634 = vector.shape_cast %get3A_633 : vector<1x16xf32> to vector<16xf32>
          %max3A_635 = arith.maximumf %max3A_579, %get3A_634 : vector<16xf32>
          %mul3A_636 = arith.constant 8 : i32
          %mul3A_637 = arith.muli %sub3A_105, %mul3A_636 : i32
          %mul3A_638 = arith.constant 32 : i32
          %mul3A_639 = arith.muli %mul3A_637, %mul3A_638 : i32
          %mul3A_640 = arith.constant 32 : i32
          %mul3A_641 = arith.muli %scan3A_216, %mul3A_640 : i32
          %add3A_642 = arith.addi %mul3A_639, %mul3A_641 : i32
          %add3A_643 = arith.constant 7 : i32
          %add3A_644 = arith.addi %add3A_642, %add3A_643 : i32
          %get3A_645 = arith.index_cast %add3A_644 : i32 to index
          %get3A_646 = arith.constant 32 : index
          %get3A_647 = tpu.vector_load %arg9[%get3A_645, %get3A_646] {strides = array<i32>} : memref<512x128xf32, #tpu.memory_space<vmem>>, vector<1x16xf32>,
          %get3A_648 = vector.shape_cast %get3A_647 : vector<1x16xf32> to vector<16xf32>
          %max3A_649 = arith.maximumf %max3A_593, %get3A_648 : vector<16xf32>
          %mul3A_650 = arith.constant 8 : i32
          %mul3A_651 = arith.muli %sub3A_105, %mul3A_650 : i32
          %mul3A_652 = arith.constant 32 : i32
          %mul3A_653 = arith.muli %mul3A_651, %mul3A_652 : i32
          %mul3A_654 = arith.constant 32 : i32
          %mul3A_655 = arith.muli %scan3A_216, %mul3A_654 : i32
          %add3A_656 = arith.addi %mul3A_653, %mul3A_655 : i32
          %add3A_657 = arith.constant 7 : i32
          %add3A_658 = arith.addi %add3A_656, %add3A_657 : i32
          %get3A_659 = arith.index_cast %add3A_658 : i32 to index
          %get3A_660 = arith.constant 48 : index
          %get3A_661 = tpu.vector_load %arg9[%get3A_659, %get3A_660] {strides = array<i32>} : memref<512x128xf32, #tpu.memory_space<vmem>>, vector<1x16xf32>,
          %get3A_662 = vector.shape_cast %get3A_661 : vector<1x16xf32> to vector<16xf32>
          %max3A_663 = arith.maximumf %max3A_607, %get3A_662 : vector<16xf32>
          %mul3A_664 = arith.constant 8 : i32
          %mul3A_665 = arith.muli %sub3A_105, %mul3A_664 : i32
          %mul3A_666 = arith.constant 32 : i32
          %mul3A_667 = arith.muli %mul3A_665, %mul3A_666 : i32
          %mul3A_668 = arith.constant 32 : i32
          %mul3A_669 = arith.muli %scan3A_216, %mul3A_668 : i32
          %add3A_670 = arith.addi %mul3A_667, %mul3A_669 : i32
          %add3A_671 = arith.constant 8 : i32
          %add3A_672 = arith.addi %add3A_670, %add3A_671 : i32
          %get3A_673 = arith.index_cast %add3A_672 : i32 to index
          %get3A_674 = arith.constant 0 : index
          %get3A_675 = tpu.vector_load %arg9[%get3A_673, %get3A_674] {strides = array<i32>} : memref<512x128xf32, #tpu.memory_space<vmem>>, vector<1x16xf32>,
          %get3A_676 = vector.shape_cast %get3A_675 : vector<1x16xf32> to vector<16xf32>
          %max3A_677 = arith.maximumf %max3A_621, %get3A_676 : vector<16xf32>
          %mul3A_678 = arith.constant 8 : i32
          %mul3A_679 = arith.muli %sub3A_105, %mul3A_678 : i32
          %mul3A_680 = arith.constant 32 : i32
          %mul3A_681 = arith.muli %mul3A_679, %mul3A_680 : i32
          %mul3A_682 = arith.constant 32 : i32
          %mul3A_683 = arith.muli %scan3A_216, %mul3A_682 : i32
          %add3A_684 = arith.addi %mul3A_681, %mul3A_683 : i32
          %add3A_685 = arith.constant 8 : i32
          %add3A_686 = arith.addi %add3A_684, %add3A_685 : i32
          %get3A_687 = arith.index_cast %add3A_686 : i32 to index
          %get3A_688 = arith.constant 16 : index
          %get3A_689 = tpu.vector_load %arg9[%get3A_687, %get3A_688] {strides = array<i32>} : memref<512x128xf32, #tpu.memory_space<vmem>>, vector<1x16xf32>,
          %get3A_690 = vector.shape_cast %get3A_689 : vector<1x16xf32> to vector<16xf32>
          %max3A_691 = arith.maximumf %max3A_635, %get3A_690 : vector<16xf32>
          %mul3A_692 = arith.constant 8 : i32
          %mul3A_693 = arith.muli %sub3A_105, %mul3A_692 : i32
          %mul3A_694 = arith.constant 32 : i32
          %mul3A_695 = arith.muli %mul3A_693, %mul3A_694 : i32
          %mul3A_696 = arith.constant 32 : i32
          %mul3A_697 = arith.muli %scan3A_216, %mul3A_696 : i32
          %add3A_698 = arith.addi %mul3A_695, %mul3A_697 : i32
          %add3A_699 = arith.constant 8 : i32
          %add3A_700 = arith.addi %add3A_698, %add3A_699 : i32
          %get3A_701 = arith.index_cast %add3A_700 : i32 to index
          %get3A_702 = arith.constant 32 : index
          %get3A_703 = tpu.vector_load %arg9[%get3A_701, %get3A_702] {strides = array<i32>} : memref<512x128xf32, #tpu.memory_space<vmem>>, vector<1x16xf32>,
          %get3A_704 = vector.shape_cast %get3A_703 : vector<1x16xf32> to vector<16xf32>
          %max3A_705 = arith.maximumf %max3A_649, %get3A_704 : vector<16xf32>
          %mul3A_706 = arith.constant 8 : i32
          %mul3A_707 = arith.muli %sub3A_105, %mul3A_706 : i32
          %mul3A_708 = arith.constant 32 : i32
          %mul3A_709 = arith.muli %mul3A_707, %mul3A_708 : i32
          %mul3A_710 = arith.constant 32 : i32
          %mul3A_711 = arith.muli %scan3A_216, %mul3A_710 : i32
          %add3A_712 = arith.addi %mul3A_709, %mul3A_711 : i32
          %add3A_713 = arith.constant 8 : i32
          %add3A_714 = arith.addi %add3A_712, %add3A_713 : i32
          %get3A_715 = arith.index_cast %add3A_714 : i32 to index
          %get3A_716 = arith.constant 48 : index
          %get3A_717 = tpu.vector_load %arg9[%get3A_715, %get3A_716] {strides = array<i32>} : memref<512x128xf32, #tpu.memory_space<vmem>>, vector<1x16xf32>,
          %get3A_718 = vector.shape_cast %get3A_717 : vector<1x16xf32> to vector<16xf32>
          %max3A_719 = arith.maximumf %max3A_663, %get3A_718 : vector<16xf32>
          %mul3A_720 = arith.constant 8 : i32
          %mul3A_721 = arith.muli %sub3A_105, %mul3A_720 : i32
          %mul3A_722 = arith.constant 32 : i32
          %mul3A_723 = arith.muli %mul3A_721, %mul3A_722 : i32
          %mul3A_724 = arith.constant 32 : i32
          %mul3A_725 = arith.muli %scan3A_216, %mul3A_724 : i32
          %add3A_726 = arith.addi %mul3A_723, %mul3A_725 : i32
          %add3A_727 = arith.constant 9 : i32
          %add3A_728 = arith.addi %add3A_726, %add3A_727 : i32
          %get3A_729 = arith.index_cast %add3A_728 : i32 to index
          %get3A_730 = arith.constant 0 : index
          %get3A_731 = tpu.vector_load %arg9[%get3A_729, %get3A_730] {strides = array<i32>} : memref<512x128xf32, #tpu.memory_space<vmem>>, vector<1x16xf32>,
          %get3A_732 = vector.shape_cast %get3A_731 : vector<1x16xf32> to vector<16xf32>
          %max3A_733 = arith.maximumf %max3A_677, %get3A_732 : vector<16xf32>
          %mul3A_734 = arith.constant 8 : i32
          %mul3A_735 = arith.muli %sub3A_105, %mul3A_734 : i32
          %mul3A_736 = arith.constant 32 : i32
          %mul3A_737 = arith.muli %mul3A_735, %mul3A_736 : i32
          %mul3A_738 = arith.constant 32 : i32
          %mul3A_739 = arith.muli %scan3A_216, %mul3A_738 : i32
          %add3A_740 = arith.addi %mul3A_737, %mul3A_739 : i32
          %add3A_741 = arith.constant 9 : i32
          %add3A_742 = arith.addi %add3A_740, %add3A_741 : i32
          %get3A_743 = arith.index_cast %add3A_742 : i32 to index
          %get3A_744 = arith.constant 16 : index
          %get3A_745 = tpu.vector_load %arg9[%get3A_743, %get3A_744] {strides = array<i32>} : memref<512x128xf32, #tpu.memory_space<vmem>>, vector<1x16xf32>,
          %get3A_746 = vector.shape_cast %get3A_745 : vector<1x16xf32> to vector<16xf32>
          %max3A_747 = arith.maximumf %max3A_691, %get3A_746 : vector<16xf32>
          %mul3A_748 = arith.constant 8 : i32
          %mul3A_749 = arith.muli %sub3A_105, %mul3A_748 : i32
          %mul3A_750 = arith.constant 32 : i32
          %mul3A_751 = arith.muli %mul3A_749, %mul3A_750 : i32
          %mul3A_752 = arith.constant 32 : i32
          %mul3A_753 = arith.muli %scan3A_216, %mul3A_752 : i32
          %add3A_754 = arith.addi %mul3A_751, %mul3A_753 : i32
          %add3A_755 = arith.constant 9 : i32
          %add3A_756 = arith.addi %add3A_754, %add3A_755 : i32
          %get3A_757 = arith.index_cast %add3A_756 : i32 to index
          %get3A_758 = arith.constant 32 : index
          %get3A_759 = tpu.vector_load %arg9[%get3A_757, %get3A_758] {strides = array<i32>} : memref<512x128xf32, #tpu.memory_space<vmem>>, vector<1x16xf32>,
          %get3A_760 = vector.shape_cast %get3A_759 : vector<1x16xf32> to vector<16xf32>
          %max3A_761 = arith.maximumf %max3A_705, %get3A_760 : vector<16xf32>
          %mul3A_762 = arith.constant 8 : i32
          %mul3A_763 = arith.muli %sub3A_105, %mul3A_762 : i32
          %mul3A_764 = arith.constant 32 : i32
          %mul3A_765 = arith.muli %mul3A_763, %mul3A_764 : i32
          %mul3A_766 = arith.constant 32 : i32
          %mul3A_767 = arith.muli %scan3A_216, %mul3A_766 : i32
          %add3A_768 = arith.addi %mul3A_765, %mul3A_767 : i32
          %add3A_769 = arith.constant 9 : i32
          %add3A_770 = arith.addi %add3A_768, %add3A_769 : i32
          %get3A_771 = arith.index_cast %add3A_770 : i32 to index
          %get3A_772 = arith.constant 48 : index
          %get3A_773 = tpu.vector_load %arg9[%get3A_771, %get3A_772] {strides = array<i32>} : memref<512x128xf32, #tpu.memory_space<vmem>>, vector<1x16xf32>,
          %get3A_774 = vector.shape_cast %get3A_773 : vector<1x16xf32> to vector<16xf32>
          %max3A_775 = arith.maximumf %max3A_719, %get3A_774 : vector<16xf32>
          %mul3A_776 = arith.constant 8 : i32
          %mul3A_777 = arith.muli %sub3A_105, %mul3A_776 : i32
          %mul3A_778 = arith.constant 32 : i32
          %mul3A_779 = arith.muli %mul3A_777, %mul3A_778 : i32
          %mul3A_780 = arith.constant 32 : i32
          %mul3A_781 = arith.muli %scan3A_216, %mul3A_780 : i32
          %add3A_782 = arith.addi %mul3A_779, %mul3A_781 : i32
          %add3A_783 = arith.constant 10 : i32
          %add3A_784 = arith.addi %add3A_782, %add3A_783 : i32
          %get3A_785 = arith.index_cast %add3A_784 : i32 to index
          %get3A_786 = arith.constant 0 : index
          %get3A_787 = tpu.vector_load %arg9[%get3A_785, %get3A_786] {strides = array<i32>} : memref<512x128xf32, #tpu.memory_space<vmem>>, vector<1x16xf32>,
          %get3A_788 = vector.shape_cast %get3A_787 : vector<1x16xf32> to vector<16xf32>
          %max3A_789 = arith.maximumf %max3A_733, %get3A_788 : vector<16xf32>
          %mul3A_790 = arith.constant 8 : i32
          %mul3A_791 = arith.muli %sub3A_105, %mul3A_790 : i32
          %mul3A_792 = arith.constant 32 : i32
          %mul3A_793 = arith.muli %mul3A_791, %mul3A_792 : i32
          %mul3A_794 = arith.constant 32 : i32
          %mul3A_795 = arith.muli %scan3A_216, %mul3A_794 : i32
          %add3A_796 = arith.addi %mul3A_793, %mul3A_795 : i32
          %add3A_797 = arith.constant 10 : i32
          %add3A_798 = arith.addi %add3A_796, %add3A_797 : i32
          %get3A_799 = arith.index_cast %add3A_798 : i32 to index
          %get3A_800 = arith.constant 16 : index
          %get3A_801 = tpu.vector_load %arg9[%get3A_799, %get3A_800] {strides = array<i32>} : memref<512x128xf32, #tpu.memory_space<vmem>>, vector<1x16xf32>,
          %get3A_802 = vector.shape_cast %get3A_801 : vector<1x16xf32> to vector<16xf32>
          %max3A_803 = arith.maximumf %max3A_747, %get3A_802 : vector<16xf32>
          %mul3A_804 = arith.constant 8 : i32
          %mul3A_805 = arith.muli %sub3A_105, %mul3A_804 : i32
          %mul3A_806 = arith.constant 32 : i32
          %mul3A_807 = arith.muli %mul3A_805, %mul3A_806 : i32
          %mul3A_808 = arith.constant 32 : i32
          %mul3A_809 = arith.muli %scan3A_216, %mul3A_808 : i32
          %add3A_810 = arith.addi %mul3A_807, %mul3A_809 : i32
          %add3A_811 = arith.constant 10 : i32
          %add3A_812 = arith.addi %add3A_810, %add3A_811 : i32
          %get3A_813 = arith.index_cast %add3A_812 : i32 to index
          %get3A_814 = arith.constant 32 : index
          %get3A_815 = tpu.vector_load %arg9[%get3A_813, %get3A_814] {strides = array<i32>} : memref<512x128xf32, #tpu.memory_space<vmem>>, vector<1x16xf32>,
          %get3A_816 = vector.shape_cast %get3A_815 : vector<1x16xf32> to vector<16xf32>
          %max3A_817 = arith.maximumf %max3A_761, %get3A_816 : vector<16xf32>
          %mul3A_818 = arith.constant 8 : i32
          %mul3A_819 = arith.muli %sub3A_105, %mul3A_818 : i32
          %mul3A_820 = arith.constant 32 : i32
          %mul3A_821 = arith.muli %mul3A_819, %mul3A_820 : i32
          %mul3A_822 = arith.constant 32 : i32
          %mul3A_823 = arith.muli %scan3A_216, %mul3A_822 : i32
          %add3A_824 = arith.addi %mul3A_821, %mul3A_823 : i32
          %add3A_825 = arith.constant 10 : i32
          %add3A_826 = arith.addi %add3A_824, %add3A_825 : i32
          %get3A_827 = arith.index_cast %add3A_826 : i32 to index
          %get3A_828 = arith.constant 48 : index
          %get3A_829 = tpu.vector_load %arg9[%get3A_827, %get3A_828] {strides = array<i32>} : memref<512x128xf32, #tpu.memory_space<vmem>>, vector<1x16xf32>,
          %get3A_830 = vector.shape_cast %get3A_829 : vector<1x16xf32> to vector<16xf32>
          %max3A_831 = arith.maximumf %max3A_775, %get3A_830 : vector<16xf32>
          %mul3A_832 = arith.constant 8 : i32
          %mul3A_833 = arith.muli %sub3A_105, %mul3A_832 : i32
          %mul3A_834 = arith.constant 32 : i32
          %mul3A_835 = arith.muli %mul3A_833, %mul3A_834 : i32
          %mul3A_836 = arith.constant 32 : i32
          %mul3A_837 = arith.muli %scan3A_216, %mul3A_836 : i32
          %add3A_838 = arith.addi %mul3A_835, %mul3A_837 : i32
          %add3A_839 = arith.constant 11 : i32
          %add3A_840 = arith.addi %add3A_838, %add3A_839 : i32
          %get3A_841 = arith.index_cast %add3A_840 : i32 to index
          %get3A_842 = arith.constant 0 : index
          %get3A_843 = tpu.vector_load %arg9[%get3A_841, %get3A_842] {strides = array<i32>} : memref<512x128xf32, #tpu.memory_space<vmem>>, vector<1x16xf32>,
          %get3A_844 = vector.shape_cast %get3A_843 : vector<1x16xf32> to vector<16xf32>
          %max3A_845 = arith.maximumf %max3A_789, %get3A_844 : vector<16xf32>
          %mul3A_846 = arith.constant 8 : i32
          %mul3A_847 = arith.muli %sub3A_105, %mul3A_846 : i32
          %mul3A_848 = arith.constant 32 : i32
          %mul3A_849 = arith.muli %mul3A_847, %mul3A_848 : i32
          %mul3A_850 = arith.constant 32 : i32
          %mul3A_851 = arith.muli %scan3A_216, %mul3A_850 : i32
          %add3A_852 = arith.addi %mul3A_849, %mul3A_851 : i32
          %add3A_853 = arith.constant 11 : i32
          %add3A_854 = arith.addi %add3A_852, %add3A_853 : i32
          %get3A_855 = arith.index_cast %add3A_854 : i32 to index
          %get3A_856 = arith.constant 16 : index
          %get3A_857 = tpu.vector_load %arg9[%get3A_855, %get3A_856] {strides = array<i32>} : memref<512x128xf32, #tpu.memory_space<vmem>>, vector<1x16xf32>,
          %get3A_858 = vector.shape_cast %get3A_857 : vector<1x16xf32> to vector<16xf32>
          %max3A_859 = arith.maximumf %max3A_803, %get3A_858 : vector<16xf32>
          %mul3A_860 = arith.constant 8 : i32
          %mul3A_861 = arith.muli %sub3A_105, %mul3A_860 : i32
          %mul3A_862 = arith.constant 32 : i32
          %mul3A_863 = arith.muli %mul3A_861, %mul3A_862 : i32
          %mul3A_864 = arith.constant 32 : i32
          %mul3A_865 = arith.muli %scan3A_216, %mul3A_864 : i32
          %add3A_866 = arith.addi %mul3A_863, %mul3A_865 : i32
          %add3A_867 = arith.constant 11 : i32
          %add3A_868 = arith.addi %add3A_866, %add3A_867 : i32
          %get3A_869 = arith.index_cast %add3A_868 : i32 to index
          %get3A_870 = arith.constant 32 : index
          %get3A_871 = tpu.vector_load %arg9[%get3A_869, %get3A_870] {strides = array<i32>} : memref<512x128xf32, #tpu.memory_space<vmem>>, vector<1x16xf32>,
          %get3A_872 = vector.shape_cast %get3A_871 : vector<1x16xf32> to vector<16xf32>
          %max3A_873 = arith.maximumf %max3A_817, %get3A_872 : vector<16xf32>
          %mul3A_874 = arith.constant 8 : i32
          %mul3A_875 = arith.muli %sub3A_105, %mul3A_874 : i32
          %mul3A_876 = arith.constant 32 : i32
          %mul3A_877 = arith.muli %mul3A_875, %mul3A_876 : i32
          %mul3A_878 = arith.constant 32 : i32
          %mul3A_879 = arith.muli %scan3A_216, %mul3A_878 : i32
          %add3A_880 = arith.addi %mul3A_877, %mul3A_879 : i32
          %add3A_881 = arith.constant 11 : i32
          %add3A_882 = arith.addi %add3A_880, %add3A_881 : i32
          %get3A_883 = arith.index_cast %add3A_882 : i32 to index
          %get3A_884 = arith.constant 48 : index
          %get3A_885 = tpu.vector_load %arg9[%get3A_883, %get3A_884] {strides = array<i32>} : memref<512x128xf32, #tpu.memory_space<vmem>>, vector<1x16xf32>,
          %get3A_886 = vector.shape_cast %get3A_885 : vector<1x16xf32> to vector<16xf32>
          %max3A_887 = arith.maximumf %max3A_831, %get3A_886 : vector<16xf32>
          %mul3A_888 = arith.constant 8 : i32
          %mul3A_889 = arith.muli %sub3A_105, %mul3A_888 : i32
          %mul3A_890 = arith.constant 32 : i32
          %mul3A_891 = arith.muli %mul3A_889, %mul3A_890 : i32
          %mul3A_892 = arith.constant 32 : i32
          %mul3A_893 = arith.muli %scan3A_216, %mul3A_892 : i32
          %add3A_894 = arith.addi %mul3A_891, %mul3A_893 : i32
          %add3A_895 = arith.constant 12 : i32
          %add3A_896 = arith.addi %add3A_894, %add3A_895 : i32
          %get3A_897 = arith.index_cast %add3A_896 : i32 to index
          %get3A_898 = arith.constant 0 : index
          %get3A_899 = tpu.vector_load %arg9[%get3A_897, %get3A_898] {strides = array<i32>} : memref<512x128xf32, #tpu.memory_space<vmem>>, vector<1x16xf32>,
          %get3A_900 = vector.shape_cast %get3A_899 : vector<1x16xf32> to vector<16xf32>
          %max3A_901 = arith.maximumf %max3A_845, %get3A_900 : vector<16xf32>
          %mul3A_902 = arith.constant 8 : i32
          %mul3A_903 = arith.muli %sub3A_105, %mul3A_902 : i32
          %mul3A_904 = arith.constant 32 : i32
          %mul3A_905 = arith.muli %mul3A_903, %mul3A_904 : i32
          %mul3A_906 = arith.constant 32 : i32
          %mul3A_907 = arith.muli %scan3A_216, %mul3A_906 : i32
          %add3A_908 = arith.addi %mul3A_905, %mul3A_907 : i32
          %add3A_909 = arith.constant 12 : i32
          %add3A_910 = arith.addi %add3A_908, %add3A_909 : i32
          %get3A_911 = arith.index_cast %add3A_910 : i32 to index
          %get3A_912 = arith.constant 16 : index
          %get3A_913 = tpu.vector_load %arg9[%get3A_911, %get3A_912] {strides = array<i32>} : memref<512x128xf32, #tpu.memory_space<vmem>>, vector<1x16xf32>,
          %get3A_914 = vector.shape_cast %get3A_913 : vector<1x16xf32> to vector<16xf32>
          %max3A_915 = arith.maximumf %max3A_859, %get3A_914 : vector<16xf32>
          %mul3A_916 = arith.constant 8 : i32
          %mul3A_917 = arith.muli %sub3A_105, %mul3A_916 : i32
          %mul3A_918 = arith.constant 32 : i32
          %mul3A_919 = arith.muli %mul3A_917, %mul3A_918 : i32
          %mul3A_920 = arith.constant 32 : i32
          %mul3A_921 = arith.muli %scan3A_216, %mul3A_920 : i32
          %add3A_922 = arith.addi %mul3A_919, %mul3A_921 : i32
          %add3A_923 = arith.constant 12 : i32
          %add3A_924 = arith.addi %add3A_922, %add3A_923 : i32
          %get3A_925 = arith.index_cast %add3A_924 : i32 to index
          %get3A_926 = arith.constant 32 : index
          %get3A_927 = tpu.vector_load %arg9[%get3A_925, %get3A_926] {strides = array<i32>} : memref<512x128xf32, #tpu.memory_space<vmem>>, vector<1x16xf32>,
          %get3A_928 = vector.shape_cast %get3A_927 : vector<1x16xf32> to vector<16xf32>
          %max3A_929 = arith.maximumf %max3A_873, %get3A_928 : vector<16xf32>
          %mul3A_930 = arith.constant 8 : i32
          %mul3A_931 = arith.muli %sub3A_105, %mul3A_930 : i32
          %mul3A_932 = arith.constant 32 : i32
          %mul3A_933 = arith.muli %mul3A_931, %mul3A_932 : i32
          %mul3A_934 = arith.constant 32 : i32
          %mul3A_935 = arith.muli %scan3A_216, %mul3A_934 : i32
          %add3A_936 = arith.addi %mul3A_933, %mul3A_935 : i32
          %add3A_937 = arith.constant 12 : i32
          %add3A_938 = arith.addi %add3A_936, %add3A_937 : i32
          %get3A_939 = arith.index_cast %add3A_938 : i32 to index
          %get3A_940 = arith.constant 48 : index
          %get3A_941 = tpu.vector_load %arg9[%get3A_939, %get3A_940] {strides = array<i32>} : memref<512x128xf32, #tpu.memory_space<vmem>>, vector<1x16xf32>,
          %get3A_942 = vector.shape_cast %get3A_941 : vector<1x16xf32> to vector<16xf32>
          %max3A_943 = arith.maximumf %max3A_887, %get3A_942 : vector<16xf32>
          %mul3A_944 = arith.constant 8 : i32
          %mul3A_945 = arith.muli %sub3A_105, %mul3A_944 : i32
          %mul3A_946 = arith.constant 32 : i32
          %mul3A_947 = arith.muli %mul3A_945, %mul3A_946 : i32
          %mul3A_948 = arith.constant 32 : i32
          %mul3A_949 = arith.muli %scan3A_216, %mul3A_948 : i32
          %add3A_950 = arith.addi %mul3A_947, %mul3A_949 : i32
          %add3A_951 = arith.constant 13 : i32
          %add3A_952 = arith.addi %add3A_950, %add3A_951 : i32
          %get3A_953 = arith.index_cast %add3A_952 : i32 to index
          %get3A_954 = arith.constant 0 : index
          %get3A_955 = tpu.vector_load %arg9[%get3A_953, %get3A_954] {strides = array<i32>} : memref<512x128xf32, #tpu.memory_space<vmem>>, vector<1x16xf32>,
          %get3A_956 = vector.shape_cast %get3A_955 : vector<1x16xf32> to vector<16xf32>
          %max3A_957 = arith.maximumf %max3A_901, %get3A_956 : vector<16xf32>
          %mul3A_958 = arith.constant 8 : i32
          %mul3A_959 = arith.muli %sub3A_105, %mul3A_958 : i32
          %mul3A_960 = arith.constant 32 : i32
          %mul3A_961 = arith.muli %mul3A_959, %mul3A_960 : i32
          %mul3A_962 = arith.constant 32 : i32
          %mul3A_963 = arith.muli %scan3A_216, %mul3A_962 : i32
          %add3A_964 = arith.addi %mul3A_961, %mul3A_963 : i32
          %add3A_965 = arith.constant 13 : i32
          %add3A_966 = arith.addi %add3A_964, %add3A_965 : i32
          %get3A_967 = arith.index_cast %add3A_966 : i32 to index
          %get3A_968 = arith.constant 16 : index
          %get3A_969 = tpu.vector_load %arg9[%get3A_967, %get3A_968] {strides = array<i32>} : memref<512x128xf32, #tpu.memory_space<vmem>>, vector<1x16xf32>,
          %get3A_970 = vector.shape_cast %get3A_969 : vector<1x16xf32> to vector<16xf32>
          %max3A_971 = arith.maximumf %max3A_915, %get3A_970 : vector<16xf32>
          %mul3A_972 = arith.constant 8 : i32
          %mul3A_973 = arith.muli %sub3A_105, %mul3A_972 : i32
          %mul3A_974 = arith.constant 32 : i32
          %mul3A_975 = arith.muli %mul3A_973, %mul3A_974 : i32
          %mul3A_976 = arith.constant 32 : i32
          %mul3A_977 = arith.muli %scan3A_216, %mul3A_976 : i32
          %add3A_978 = arith.addi %mul3A_975, %mul3A_977 : i32
          %add3A_979 = arith.constant 13 : i32
          %add3A_980 = arith.addi %add3A_978, %add3A_979 : i32
          %get3A_981 = arith.index_cast %add3A_980 : i32 to index
          %get3A_982 = arith.constant 32 : index
          %get3A_983 = tpu.vector_load %arg9[%get3A_981, %get3A_982] {strides = array<i32>} : memref<512x128xf32, #tpu.memory_space<vmem>>, vector<1x16xf32>,
          %get3A_984 = vector.shape_cast %get3A_983 : vector<1x16xf32> to vector<16xf32>
          %max3A_985 = arith.maximumf %max3A_929, %get3A_984 : vector<16xf32>
          %mul3A_986 = arith.constant 8 : i32
          %mul3A_987 = arith.muli %sub3A_105, %mul3A_986 : i32
          %mul3A_988 = arith.constant 32 : i32
          %mul3A_989 = arith.muli %mul3A_987, %mul3A_988 : i32
          %mul3A_990 = arith.constant 32 : i32
          %mul3A_991 = arith.muli %scan3A_216, %mul3A_990 : i32
          %add3A_992 = arith.addi %mul3A_989, %mul3A_991 : i32
          %add3A_993 = arith.constant 13 : i32
          %add3A_994 = arith.addi %add3A_992, %add3A_993 : i32
          %get3A_995 = arith.index_cast %add3A_994 : i32 to index
          %get3A_996 = arith.constant 48 : index
          %get3A_997 = tpu.vector_load %arg9[%get3A_995, %get3A_996] {strides = array<i32>} : memref<512x128xf32, #tpu.memory_space<vmem>>, vector<1x16xf32>,
          %get3A_998 = vector.shape_cast %get3A_997 : vector<1x16xf32> to vector<16xf32>
          %max3A_999 = arith.maximumf %max3A_943, %get3A_998 : vector<16xf32>
          %mul3A_1000 = arith.constant 8 : i32
          %mul3A_1001 = arith.muli %sub3A_105, %mul3A_1000 : i32
          %mul3A_1002 = arith.constant 32 : i32
          %mul3A_1003 = arith.muli %mul3A_1001, %mul3A_1002 : i32
          %mul3A_1004 = arith.constant 32 : i32
          %mul3A_1005 = arith.muli %scan3A_216, %mul3A_1004 : i32
          %add3A_1006 = arith.addi %mul3A_1003, %mul3A_1005 : i32
          %add3A_1007 = arith.constant 14 : i32
          %add3A_1008 = arith.addi %add3A_1006, %add3A_1007 : i32
          %get3A_1009 = arith.index_cast %add3A_1008 : i32 to index
          %get3A_1010 = arith.constant 0 : index
          %get3A_1011 = tpu.vector_load %arg9[%get3A_1009, %get3A_1010] {strides = array<i32>} : memref<512x128xf32, #tpu.memory_space<vmem>>, vector<1x16xf32>,
          %get3A_1012 = vector.shape_cast %get3A_1011 : vector<1x16xf32> to vector<16xf32>
          %max3A_1013 = arith.maximumf %max3A_957, %get3A_1012 : vector<16xf32>
          %mul3A_1014 = arith.constant 8 : i32
          %mul3A_1015 = arith.muli %sub3A_105, %mul3A_1014 : i32
          %mul3A_1016 = arith.constant 32 : i32
          %mul3A_1017 = arith.muli %mul3A_1015, %mul3A_1016 : i32
          %mul3A_1018 = arith.constant 32 : i32
          %mul3A_1019 = arith.muli %scan3A_216, %mul3A_1018 : i32
          %add3A_1020 = arith.addi %mul3A_1017, %mul3A_1019 : i32
          %add3A_1021 = arith.constant 14 : i32
          %add3A_1022 = arith.addi %add3A_1020, %add3A_1021 : i32
          %get3A_1023 = arith.index_cast %add3A_1022 : i32 to index
          %get3A_1024 = arith.constant 16 : index
          %get3A_1025 = tpu.vector_load %arg9[%get3A_1023, %get3A_1024] {strides = array<i32>} : memref<512x128xf32, #tpu.memory_space<vmem>>, vector<1x16xf32>,
          %get3A_1026 = vector.shape_cast %get3A_1025 : vector<1x16xf32> to vector<16xf32>
          %max3A_1027 = arith.maximumf %max3A_971, %get3A_1026 : vector<16xf32>
          %mul3A_1028 = arith.constant 8 : i32
          %mul3A_1029 = arith.muli %sub3A_105, %mul3A_1028 : i32
          %mul3A_1030 = arith.constant 32 : i32
          %mul3A_1031 = arith.muli %mul3A_1029, %mul3A_1030 : i32
          %mul3A_1032 = arith.constant 32 : i32
          %mul3A_1033 = arith.muli %scan3A_216, %mul3A_1032 : i32
          %add3A_1034 = arith.addi %mul3A_1031, %mul3A_1033 : i32
          %add3A_1035 = arith.constant 14 : i32
          %add3A_1036 = arith.addi %add3A_1034, %add3A_1035 : i32
          %get3A_1037 = arith.index_cast %add3A_1036 : i32 to index
          %get3A_1038 = arith.constant 32 : index
          %get3A_1039 = tpu.vector_load %arg9[%get3A_1037, %get3A_1038] {strides = array<i32>} : memref<512x128xf32, #tpu.memory_space<vmem>>, vector<1x16xf32>,
          %get3A_1040 = vector.shape_cast %get3A_1039 : vector<1x16xf32> to vector<16xf32>
          %max3A_1041 = arith.maximumf %max3A_985, %get3A_1040 : vector<16xf32>
          %mul3A_1042 = arith.constant 8 : i32
          %mul3A_1043 = arith.muli %sub3A_105, %mul3A_1042 : i32
          %mul3A_1044 = arith.constant 32 : i32
          %mul3A_1045 = arith.muli %mul3A_1043, %mul3A_1044 : i32
          %mul3A_1046 = arith.constant 32 : i32
          %mul3A_1047 = arith.muli %scan3A_216, %mul3A_1046 : i32
          %add3A_1048 = arith.addi %mul3A_1045, %mul3A_1047 : i32
          %add3A_1049 = arith.constant 14 : i32
          %add3A_1050 = arith.addi %add3A_1048, %add3A_1049 : i32
          %get3A_1051 = arith.index_cast %add3A_1050 : i32 to index
          %get3A_1052 = arith.constant 48 : index
          %get3A_1053 = tpu.vector_load %arg9[%get3A_1051, %get3A_1052] {strides = array<i32>} : memref<512x128xf32, #tpu.memory_space<vmem>>, vector<1x16xf32>,
          %get3A_1054 = vector.shape_cast %get3A_1053 : vector<1x16xf32> to vector<16xf32>
          %max3A_1055 = arith.maximumf %max3A_999, %get3A_1054 : vector<16xf32>
          %mul3A_1056 = arith.constant 8 : i32
          %mul3A_1057 = arith.muli %sub3A_105, %mul3A_1056 : i32
          %mul3A_1058 = arith.constant 32 : i32
          %mul3A_1059 = arith.muli %mul3A_1057, %mul3A_1058 : i32
          %mul3A_1060 = arith.constant 32 : i32
          %mul3A_1061 = arith.muli %scan3A_216, %mul3A_1060 : i32
          %add3A_1062 = arith.addi %mul3A_1059, %mul3A_1061 : i32
          %add3A_1063 = arith.constant 15 : i32
          %add3A_1064 = arith.addi %add3A_1062, %add3A_1063 : i32
          %get3A_1065 = arith.index_cast %add3A_1064 : i32 to index
          %get3A_1066 = arith.constant 0 : index
          %get3A_1067 = tpu.vector_load %arg9[%get3A_1065, %get3A_1066] {strides = array<i32>} : memref<512x128xf32, #tpu.memory_space<vmem>>, vector<1x16xf32>,
          %get3A_1068 = vector.shape_cast %get3A_1067 : vector<1x16xf32> to vector<16xf32>
          %max3A_1069 = arith.maximumf %max3A_1013, %get3A_1068 : vector<16xf32>
          %mul3A_1070 = arith.constant 8 : i32
          %mul3A_1071 = arith.muli %sub3A_105, %mul3A_1070 : i32
          %mul3A_1072 = arith.constant 32 : i32
          %mul3A_1073 = arith.muli %mul3A_1071, %mul3A_1072 : i32
          %mul3A_1074 = arith.constant 32 : i32
          %mul3A_1075 = arith.muli %scan3A_216, %mul3A_1074 : i32
          %add3A_1076 = arith.addi %mul3A_1073, %mul3A_1075 : i32
          %add3A_1077 = arith.constant 15 : i32
          %add3A_1078 = arith.addi %add3A_1076, %add3A_1077 : i32
          %get3A_1079 = arith.index_cast %add3A_1078 : i32 to index
          %get3A_1080 = arith.constant 16 : index
          %get3A_1081 = tpu.vector_load %arg9[%get3A_1079, %get3A_1080] {strides = array<i32>} : memref<512x128xf32, #tpu.memory_space<vmem>>, vector<1x16xf32>,
          %get3A_1082 = vector.shape_cast %get3A_1081 : vector<1x16xf32> to vector<16xf32>
          %max3A_1083 = arith.maximumf %max3A_1027, %get3A_1082 : vector<16xf32>
          %mul3A_1084 = arith.constant 8 : i32
          %mul3A_1085 = arith.muli %sub3A_105, %mul3A_1084 : i32
          %mul3A_1086 = arith.constant 32 : i32
          %mul3A_1087 = arith.muli %mul3A_1085, %mul3A_1086 : i32
          %mul3A_1088 = arith.constant 32 : i32
          %mul3A_1089 = arith.muli %scan3A_216, %mul3A_1088 : i32
          %add3A_1090 = arith.addi %mul3A_1087, %mul3A_1089 : i32
          %add3A_1091 = arith.constant 15 : i32
          %add3A_1092 = arith.addi %add3A_1090, %add3A_1091 : i32
          %get3A_1093 = arith.index_cast %add3A_1092 : i32 to index
          %get3A_1094 = arith.constant 32 : index
          %get3A_1095 = tpu.vector_load %arg9[%get3A_1093, %get3A_1094] {strides = array<i32>} : memref<512x128xf32, #tpu.memory_space<vmem>>, vector<1x16xf32>,
          %get3A_1096 = vector.shape_cast %get3A_1095 : vector<1x16xf32> to vector<16xf32>
          %max3A_1097 = arith.maximumf %max3A_1041, %get3A_1096 : vector<16xf32>
          %mul3A_1098 = arith.constant 8 : i32
          %mul3A_1099 = arith.muli %sub3A_105, %mul3A_1098 : i32
          %mul3A_1100 = arith.constant 32 : i32
          %mul3A_1101 = arith.muli %mul3A_1099, %mul3A_1100 : i32
          %mul3A_1102 = arith.constant 32 : i32
          %mul3A_1103 = arith.muli %scan3A_216, %mul3A_1102 : i32
          %add3A_1104 = arith.addi %mul3A_1101, %mul3A_1103 : i32
          %add3A_1105 = arith.constant 15 : i32
          %add3A_1106 = arith.addi %add3A_1104, %add3A_1105 : i32
          %get3A_1107 = arith.index_cast %add3A_1106 : i32 to index
          %get3A_1108 = arith.constant 48 : index
          %get3A_1109 = tpu.vector_load %arg9[%get3A_1107, %get3A_1108] {strides = array<i32>} : memref<512x128xf32, #tpu.memory_space<vmem>>, vector<1x16xf32>,
          %get3A_1110 = vector.shape_cast %get3A_1109 : vector<1x16xf32> to vector<16xf32>
          %max3A_1111 = arith.maximumf %max3A_1055, %get3A_1110 : vector<16xf32>
          %mul3A_1112 = arith.constant 8 : i32
          %mul3A_1113 = arith.muli %sub3A_105, %mul3A_1112 : i32
          %mul3A_1114 = arith.constant 32 : i32
          %mul3A_1115 = arith.muli %mul3A_1113, %mul3A_1114 : i32
          %mul3A_1116 = arith.constant 32 : i32
          %mul3A_1117 = arith.muli %scan3A_216, %mul3A_1116 : i32
          %add3A_1118 = arith.addi %mul3A_1115, %mul3A_1117 : i32
          %add3A_1119 = arith.constant 16 : i32
          %add3A_1120 = arith.addi %add3A_1118, %add3A_1119 : i32
          %get3A_1121 = arith.index_cast %add3A_1120 : i32 to index
          %get3A_1122 = arith.constant 0 : index
          %get3A_1123 = tpu.vector_load %arg9[%get3A_1121, %get3A_1122] {strides = array<i32>} : memref<512x128xf32, #tpu.memory_space<vmem>>, vector<1x16xf32>,
          %get3A_1124 = vector.shape_cast %get3A_1123 : vector<1x16xf32> to vector<16xf32>
          %max3A_1125 = arith.maximumf %max3A_1069, %get3A_1124 : vector<16xf32>
          %mul3A_1126 = arith.constant 8 : i32
          %mul3A_1127 = arith.muli %sub3A_105, %mul3A_1126 : i32
          %mul3A_1128 = arith.constant 32 : i32
          %mul3A_1129 = arith.muli %mul3A_1127, %mul3A_1128 : i32
          %mul3A_1130 = arith.constant 32 : i32
          %mul3A_1131 = arith.muli %scan3A_216, %mul3A_1130 : i32
          %add3A_1132 = arith.addi %mul3A_1129, %mul3A_1131 : i32
          %add3A_1133 = arith.constant 16 : i32
          %add3A_1134 = arith.addi %add3A_1132, %add3A_1133 : i32
          %get3A_1135 = arith.index_cast %add3A_1134 : i32 to index
          %get3A_1136 = arith.constant 16 : index
          %get3A_1137 = tpu.vector_load %arg9[%get3A_1135, %get3A_1136] {strides = array<i32>} : memref<512x128xf32, #tpu.memory_space<vmem>>, vector<1x16xf32>,
          %get3A_1138 = vector.shape_cast %get3A_1137 : vector<1x16xf32> to vector<16xf32>
          %max3A_1139 = arith.maximumf %max3A_1083, %get3A_1138 : vector<16xf32>
          %mul3A_1140 = arith.constant 8 : i32
          %mul3A_1141 = arith.muli %sub3A_105, %mul3A_1140 : i32
          %mul3A_1142 = arith.constant 32 : i32
          %mul3A_1143 = arith.muli %mul3A_1141, %mul3A_1142 : i32
          %mul3A_1144 = arith.constant 32 : i32
          %mul3A_1145 = arith.muli %scan3A_216, %mul3A_1144 : i32
          %add3A_1146 = arith.addi %mul3A_1143, %mul3A_1145 : i32
          %add3A_1147 = arith.constant 16 : i32
          %add3A_1148 = arith.addi %add3A_1146, %add3A_1147 : i32
          %get3A_1149 = arith.index_cast %add3A_1148 : i32 to index
          %get3A_1150 = arith.constant 32 : index
          %get3A_1151 = tpu.vector_load %arg9[%get3A_1149, %get3A_1150] {strides = array<i32>} : memref<512x128xf32, #tpu.memory_space<vmem>>, vector<1x16xf32>,
          %get3A_1152 = vector.shape_cast %get3A_1151 : vector<1x16xf32> to vector<16xf32>
          %max3A_1153 = arith.maximumf %max3A_1097, %get3A_1152 : vector<16xf32>
          %mul3A_1154 = arith.constant 8 : i32
          %mul3A_1155 = arith.muli %sub3A_105, %mul3A_1154 : i32
          %mul3A_1156 = arith.constant 32 : i32
          %mul3A_1157 = arith.muli %mul3A_1155, %mul3A_1156 : i32
          %mul3A_1158 = arith.constant 32 : i32
          %mul3A_1159 = arith.muli %scan3A_216, %mul3A_1158 : i32
          %add3A_1160 = arith.addi %mul3A_1157, %mul3A_1159 : i32
          %add3A_1161 = arith.constant 16 : i32
          %add3A_1162 = arith.addi %add3A_1160, %add3A_1161 : i32
          %get3A_1163 = arith.index_cast %add3A_1162 : i32 to index
          %get3A_1164 = arith.constant 48 : index
          %get3A_1165 = tpu.vector_load %arg9[%get3A_1163, %get3A_1164] {strides = array<i32>} : memref<512x128xf32, #tpu.memory_space<vmem>>, vector<1x16xf32>,
          %get3A_1166 = vector.shape_cast %get3A_1165 : vector<1x16xf32> to vector<16xf32>
          %max3A_1167 = arith.maximumf %max3A_1111, %get3A_1166 : vector<16xf32>
          %mul3A_1168 = arith.constant 8 : i32
          %mul3A_1169 = arith.muli %sub3A_105, %mul3A_1168 : i32
          %mul3A_1170 = arith.constant 32 : i32
          %mul3A_1171 = arith.muli %mul3A_1169, %mul3A_1170 : i32
          %mul3A_1172 = arith.constant 32 : i32
          %mul3A_1173 = arith.muli %scan3A_216, %mul3A_1172 : i32
          %add3A_1174 = arith.addi %mul3A_1171, %mul3A_1173 : i32
          %add3A_1175 = arith.constant 17 : i32
          %add3A_1176 = arith.addi %add3A_1174, %add3A_1175 : i32
          %get3A_1177 = arith.index_cast %add3A_1176 : i32 to index
          %get3A_1178 = arith.constant 0 : index
          %get3A_1179 = tpu.vector_load %arg9[%get3A_1177, %get3A_1178] {strides = array<i32>} : memref<512x128xf32, #tpu.memory_space<vmem>>, vector<1x16xf32>,
          %get3A_1180 = vector.shape_cast %get3A_1179 : vector<1x16xf32> to vector<16xf32>
          %max3A_1181 = arith.maximumf %max3A_1125, %get3A_1180 : vector<16xf32>
          %mul3A_1182 = arith.constant 8 : i32
          %mul3A_1183 = arith.muli %sub3A_105, %mul3A_1182 : i32
          %mul3A_1184 = arith.constant 32 : i32
          %mul3A_1185 = arith.muli %mul3A_1183, %mul3A_1184 : i32
          %mul3A_1186 = arith.constant 32 : i32
          %mul3A_1187 = arith.muli %scan3A_216, %mul3A_1186 : i32
          %add3A_1188 = arith.addi %mul3A_1185, %mul3A_1187 : i32
          %add3A_1189 = arith.constant 17 : i32
          %add3A_1190 = arith.addi %add3A_1188, %add3A_1189 : i32
          %get3A_1191 = arith.index_cast %add3A_1190 : i32 to index
          %get3A_1192 = arith.constant 16 : index
          %get3A_1193 = tpu.vector_load %arg9[%get3A_1191, %get3A_1192] {strides = array<i32>} : memref<512x128xf32, #tpu.memory_space<vmem>>, vector<1x16xf32>,
          %get3A_1194 = vector.shape_cast %get3A_1193 : vector<1x16xf32> to vector<16xf32>
          %max3A_1195 = arith.maximumf %max3A_1139, %get3A_1194 : vector<16xf32>
          %mul3A_1196 = arith.constant 8 : i32
          %mul3A_1197 = arith.muli %sub3A_105, %mul3A_1196 : i32
          %mul3A_1198 = arith.constant 32 : i32
          %mul3A_1199 = arith.muli %mul3A_1197, %mul3A_1198 : i32
          %mul3A_1200 = arith.constant 32 : i32
          %mul3A_1201 = arith.muli %scan3A_216, %mul3A_1200 : i32
          %add3A_1202 = arith.addi %mul3A_1199, %mul3A_1201 : i32
          %add3A_1203 = arith.constant 17 : i32
          %add3A_1204 = arith.addi %add3A_1202, %add3A_1203 : i32
          %get3A_1205 = arith.index_cast %add3A_1204 : i32 to index
          %get3A_1206 = arith.constant 32 : index
          %get3A_1207 = tpu.vector_load %arg9[%get3A_1205, %get3A_1206] {strides = array<i32>} : memref<512x128xf32, #tpu.memory_space<vmem>>, vector<1x16xf32>,
          %get3A_1208 = vector.shape_cast %get3A_1207 : vector<1x16xf32> to vector<16xf32>
          %max3A_1209 = arith.maximumf %max3A_1153, %get3A_1208 : vector<16xf32>
          %mul3A_1210 = arith.constant 8 : i32
          %mul3A_1211 = arith.muli %sub3A_105, %mul3A_1210 : i32
          %mul3A_1212 = arith.constant 32 : i32
          %mul3A_1213 = arith.muli %mul3A_1211, %mul3A_1212 : i32
          %mul3A_1214 = arith.constant 32 : i32
          %mul3A_1215 = arith.muli %scan3A_216, %mul3A_1214 : i32
          %add3A_1216 = arith.addi %mul3A_1213, %mul3A_1215 : i32
          %add3A_1217 = arith.constant 17 : i32
          %add3A_1218 = arith.addi %add3A_1216, %add3A_1217 : i32
          %get3A_1219 = arith.index_cast %add3A_1218 : i32 to index
          %get3A_1220 = arith.constant 48 : index
          %get3A_1221 = tpu.vector_load %arg9[%get3A_1219, %get3A_1220] {strides = array<i32>} : memref<512x128xf32, #tpu.memory_space<vmem>>, vector<1x16xf32>,
          %get3A_1222 = vector.shape_cast %get3A_1221 : vector<1x16xf32> to vector<16xf32>
          %max3A_1223 = arith.maximumf %max3A_1167, %get3A_1222 : vector<16xf32>
          %mul3A_1224 = arith.constant 8 : i32
          %mul3A_1225 = arith.muli %sub3A_105, %mul3A_1224 : i32
          %mul3A_1226 = arith.constant 32 : i32
          %mul3A_1227 = arith.muli %mul3A_1225, %mul3A_1226 : i32
          %mul3A_1228 = arith.constant 32 : i32
          %mul3A_1229 = arith.muli %scan3A_216, %mul3A_1228 : i32
          %add3A_1230 = arith.addi %mul3A_1227, %mul3A_1229 : i32
          %add3A_1231 = arith.constant 18 : i32
          %add3A_1232 = arith.addi %add3A_1230, %add3A_1231 : i32
          %get3A_1233 = arith.index_cast %add3A_1232 : i32 to index
          %get3A_1234 = arith.constant 0 : index
          %get3A_1235 = tpu.vector_load %arg9[%get3A_1233, %get3A_1234] {strides = array<i32>} : memref<512x128xf32, #tpu.memory_space<vmem>>, vector<1x16xf32>,
          %get3A_1236 = vector.shape_cast %get3A_1235 : vector<1x16xf32> to vector<16xf32>
          %max3A_1237 = arith.maximumf %max3A_1181, %get3A_1236 : vector<16xf32>
          %mul3A_1238 = arith.constant 8 : i32
          %mul3A_1239 = arith.muli %sub3A_105, %mul3A_1238 : i32
          %mul3A_1240 = arith.constant 32 : i32
          %mul3A_1241 = arith.muli %mul3A_1239, %mul3A_1240 : i32
          %mul3A_1242 = arith.constant 32 : i32
          %mul3A_1243 = arith.muli %scan3A_216, %mul3A_1242 : i32
          %add3A_1244 = arith.addi %mul3A_1241, %mul3A_1243 : i32
          %add3A_1245 = arith.constant 18 : i32
          %add3A_1246 = arith.addi %add3A_1244, %add3A_1245 : i32
          %get3A_1247 = arith.index_cast %add3A_1246 : i32 to index
          %get3A_1248 = arith.constant 16 : index
          %get3A_1249 = tpu.vector_load %arg9[%get3A_1247, %get3A_1248] {strides = array<i32>} : memref<512x128xf32, #tpu.memory_space<vmem>>, vector<1x16xf32>,
          %get3A_1250 = vector.shape_cast %get3A_1249 : vector<1x16xf32> to vector<16xf32>
          %max3A_1251 = arith.maximumf %max3A_1195, %get3A_1250 : vector<16xf32>
          %mul3A_1252 = arith.constant 8 : i32
          %mul3A_1253 = arith.muli %sub3A_105, %mul3A_1252 : i32
          %mul3A_1254 = arith.constant 32 : i32
          %mul3A_1255 = arith.muli %mul3A_1253, %mul3A_1254 : i32
          %mul3A_1256 = arith.constant 32 : i32
          %mul3A_1257 = arith.muli %scan3A_216, %mul3A_1256 : i32
          %add3A_1258 = arith.addi %mul3A_1255, %mul3A_1257 : i32
          %add3A_1259 = arith.constant 18 : i32
          %add3A_1260 = arith.addi %add3A_1258, %add3A_1259 : i32
          %get3A_1261 = arith.index_cast %add3A_1260 : i32 to index
          %get3A_1262 = arith.constant 32 : index
          %get3A_1263 = tpu.vector_load %arg9[%get3A_1261, %get3A_1262] {strides = array<i32>} : memref<512x128xf32, #tpu.memory_space<vmem>>, vector<1x16xf32>,
          %get3A_1264 = vector.shape_cast %get3A_1263 : vector<1x16xf32> to vector<16xf32>
          %max3A_1265 = arith.maximumf %max3A_1209, %get3A_1264 : vector<16xf32>
          %mul3A_1266 = arith.constant 8 : i32
          %mul3A_1267 = arith.muli %sub3A_105, %mul3A_1266 : i32
          %mul3A_1268 = arith.constant 32 : i32
          %mul3A_1269 = arith.muli %mul3A_1267, %mul3A_1268 : i32
          %mul3A_1270 = arith.constant 32 : i32
          %mul3A_1271 = arith.muli %scan3A_216, %mul3A_1270 : i32
          %add3A_1272 = arith.addi %mul3A_1269, %mul3A_1271 : i32
          %add3A_1273 = arith.constant 18 : i32
          %add3A_1274 = arith.addi %add3A_1272, %add3A_1273 : i32
          %get3A_1275 = arith.index_cast %add3A_1274 : i32 to index
          %get3A_1276 = arith.constant 48 : index
          %get3A_1277 = tpu.vector_load %arg9[%get3A_1275, %get3A_1276] {strides = array<i32>} : memref<512x128xf32, #tpu.memory_space<vmem>>, vector<1x16xf32>,
          %get3A_1278 = vector.shape_cast %get3A_1277 : vector<1x16xf32> to vector<16xf32>
          %max3A_1279 = arith.maximumf %max3A_1223, %get3A_1278 : vector<16xf32>
          %mul3A_1280 = arith.constant 8 : i32
          %mul3A_1281 = arith.muli %sub3A_105, %mul3A_1280 : i32
          %mul3A_1282 = arith.constant 32 : i32
          %mul3A_1283 = arith.muli %mul3A_1281, %mul3A_1282 : i32
          %mul3A_1284 = arith.constant 32 : i32
          %mul3A_1285 = arith.muli %scan3A_216, %mul3A_1284 : i32
          %add3A_1286 = arith.addi %mul3A_1283, %mul3A_1285 : i32
          %add3A_1287 = arith.constant 19 : i32
          %add3A_1288 = arith.addi %add3A_1286, %add3A_1287 : i32
          %get3A_1289 = arith.index_cast %add3A_1288 : i32 to index
          %get3A_1290 = arith.constant 0 : index
          %get3A_1291 = tpu.vector_load %arg9[%get3A_1289, %get3A_1290] {strides = array<i32>} : memref<512x128xf32, #tpu.memory_space<vmem>>, vector<1x16xf32>,
          %get3A_1292 = vector.shape_cast %get3A_1291 : vector<1x16xf32> to vector<16xf32>
          %max3A_1293 = arith.maximumf %max3A_1237, %get3A_1292 : vector<16xf32>
          %mul3A_1294 = arith.constant 8 : i32
          %mul3A_1295 = arith.muli %sub3A_105, %mul3A_1294 : i32
          %mul3A_1296 = arith.constant 32 : i32
          %mul3A_1297 = arith.muli %mul3A_1295, %mul3A_1296 : i32
          %mul3A_1298 = arith.constant 32 : i32
          %mul3A_1299 = arith.muli %scan3A_216, %mul3A_1298 : i32
          %add3A_1300 = arith.addi %mul3A_1297, %mul3A_1299 : i32
          %add3A_1301 = arith.constant 19 : i32
          %add3A_1302 = arith.addi %add3A_1300, %add3A_1301 : i32
          %get3A_1303 = arith.index_cast %add3A_1302 : i32 to index
          %get3A_1304 = arith.constant 16 : index
          %get3A_1305 = tpu.vector_load %arg9[%get3A_1303, %get3A_1304] {strides = array<i32>} : memref<512x128xf32, #tpu.memory_space<vmem>>, vector<1x16xf32>,
          %get3A_1306 = vector.shape_cast %get3A_1305 : vector<1x16xf32> to vector<16xf32>
          %max3A_1307 = arith.maximumf %max3A_1251, %get3A_1306 : vector<16xf32>
          %mul3A_1308 = arith.constant 8 : i32
          %mul3A_1309 = arith.muli %sub3A_105, %mul3A_1308 : i32
          %mul3A_1310 = arith.constant 32 : i32
          %mul3A_1311 = arith.muli %mul3A_1309, %mul3A_1310 : i32
          %mul3A_1312 = arith.constant 32 : i32
          %mul3A_1313 = arith.muli %scan3A_216, %mul3A_1312 : i32
          %add3A_1314 = arith.addi %mul3A_1311, %mul3A_1313 : i32
          %add3A_1315 = arith.constant 19 : i32
          %add3A_1316 = arith.addi %add3A_1314, %add3A_1315 : i32
          %get3A_1317 = arith.index_cast %add3A_1316 : i32 to index
          %get3A_1318 = arith.constant 32 : index
          %get3A_1319 = tpu.vector_load %arg9[%get3A_1317, %get3A_1318] {strides = array<i32>} : memref<512x128xf32, #tpu.memory_space<vmem>>, vector<1x16xf32>,
          %get3A_1320 = vector.shape_cast %get3A_1319 : vector<1x16xf32> to vector<16xf32>
          %max3A_1321 = arith.maximumf %max3A_1265, %get3A_1320 : vector<16xf32>
          %mul3A_1322 = arith.constant 8 : i32
          %mul3A_1323 = arith.muli %sub3A_105, %mul3A_1322 : i32
          %mul3A_1324 = arith.constant 32 : i32
          %mul3A_1325 = arith.muli %mul3A_1323, %mul3A_1324 : i32
          %mul3A_1326 = arith.constant 32 : i32
          %mul3A_1327 = arith.muli %scan3A_216, %mul3A_1326 : i32
          %add3A_1328 = arith.addi %mul3A_1325, %mul3A_1327 : i32
          %add3A_1329 = arith.constant 19 : i32
          %add3A_1330 = arith.addi %add3A_1328, %add3A_1329 : i32
          %get3A_1331 = arith.index_cast %add3A_1330 : i32 to index
          %get3A_1332 = arith.constant 48 : index
          %get3A_1333 = tpu.vector_load %arg9[%get3A_1331, %get3A_1332] {strides = array<i32>} : memref<512x128xf32, #tpu.memory_space<vmem>>, vector<1x16xf32>,
          %get3A_1334 = vector.shape_cast %get3A_1333 : vector<1x16xf32> to vector<16xf32>
          %max3A_1335 = arith.maximumf %max3A_1279, %get3A_1334 : vector<16xf32>
          %mul3A_1336 = arith.constant 8 : i32
          %mul3A_1337 = arith.muli %sub3A_105, %mul3A_1336 : i32
          %mul3A_1338 = arith.constant 32 : i32
          %mul3A_1339 = arith.muli %mul3A_1337, %mul3A_1338 : i32
          %mul3A_1340 = arith.constant 32 : i32
          %mul3A_1341 = arith.muli %scan3A_216, %mul3A_1340 : i32
          %add3A_1342 = arith.addi %mul3A_1339, %mul3A_1341 : i32
          %add3A_1343 = arith.constant 20 : i32
          %add3A_1344 = arith.addi %add3A_1342, %add3A_1343 : i32
          %get3A_1345 = arith.index_cast %add3A_1344 : i32 to index
          %get3A_1346 = arith.constant 0 : index
          %get3A_1347 = tpu.vector_load %arg9[%get3A_1345, %get3A_1346] {strides = array<i32>} : memref<512x128xf32, #tpu.memory_space<vmem>>, vector<1x16xf32>,
          %get3A_1348 = vector.shape_cast %get3A_1347 : vector<1x16xf32> to vector<16xf32>
          %max3A_1349 = arith.maximumf %max3A_1293, %get3A_1348 : vector<16xf32>
          %mul3A_1350 = arith.constant 8 : i32
          %mul3A_1351 = arith.muli %sub3A_105, %mul3A_1350 : i32
          %mul3A_1352 = arith.constant 32 : i32
          %mul3A_1353 = arith.muli %mul3A_1351, %mul3A_1352 : i32
          %mul3A_1354 = arith.constant 32 : i32
          %mul3A_1355 = arith.muli %scan3A_216, %mul3A_1354 : i32
          %add3A_1356 = arith.addi %mul3A_1353, %mul3A_1355 : i32
          %add3A_1357 = arith.constant 20 : i32
          %add3A_1358 = arith.addi %add3A_1356, %add3A_1357 : i32
          %get3A_1359 = arith.index_cast %add3A_1358 : i32 to index
          %get3A_1360 = arith.constant 16 : index
          %get3A_1361 = tpu.vector_load %arg9[%get3A_1359, %get3A_1360] {strides = array<i32>} : memref<512x128xf32, #tpu.memory_space<vmem>>, vector<1x16xf32>,
          %get3A_1362 = vector.shape_cast %get3A_1361 : vector<1x16xf32> to vector<16xf32>
          %max3A_1363 = arith.maximumf %max3A_1307, %get3A_1362 : vector<16xf32>
          %mul3A_1364 = arith.constant 8 : i32
          %mul3A_1365 = arith.muli %sub3A_105, %mul3A_1364 : i32
          %mul3A_1366 = arith.constant 32 : i32
          %mul3A_1367 = arith.muli %mul3A_1365, %mul3A_1366 : i32
          %mul3A_1368 = arith.constant 32 : i32
          %mul3A_1369 = arith.muli %scan3A_216, %mul3A_1368 : i32
          %add3A_1370 = arith.addi %mul3A_1367, %mul3A_1369 : i32
          %add3A_1371 = arith.constant 20 : i32
          %add3A_1372 = arith.addi %add3A_1370, %add3A_1371 : i32
          %get3A_1373 = arith.index_cast %add3A_1372 : i32 to index
          %get3A_1374 = arith.constant 32 : index
          %get3A_1375 = tpu.vector_load %arg9[%get3A_1373, %get3A_1374] {strides = array<i32>} : memref<512x128xf32, #tpu.memory_space<vmem>>, vector<1x16xf32>,
          %get3A_1376 = vector.shape_cast %get3A_1375 : vector<1x16xf32> to vector<16xf32>
          %max3A_1377 = arith.maximumf %max3A_1321, %get3A_1376 : vector<16xf32>
          %mul3A_1378 = arith.constant 8 : i32
          %mul3A_1379 = arith.muli %sub3A_105, %mul3A_1378 : i32
          %mul3A_1380 = arith.constant 32 : i32
          %mul3A_1381 = arith.muli %mul3A_1379, %mul3A_1380 : i32
          %mul3A_1382 = arith.constant 32 : i32
          %mul3A_1383 = arith.muli %scan3A_216, %mul3A_1382 : i32
          %add3A_1384 = arith.addi %mul3A_1381, %mul3A_1383 : i32
          %add3A_1385 = arith.constant 20 : i32
          %add3A_1386 = arith.addi %add3A_1384, %add3A_1385 : i32
          %get3A_1387 = arith.index_cast %add3A_1386 : i32 to index
          %get3A_1388 = arith.constant 48 : index
          %get3A_1389 = tpu.vector_load %arg9[%get3A_1387, %get3A_1388] {strides = array<i32>} : memref<512x128xf32, #tpu.memory_space<vmem>>, vector<1x16xf32>,
          %get3A_1390 = vector.shape_cast %get3A_1389 : vector<1x16xf32> to vector<16xf32>
          %max3A_1391 = arith.maximumf %max3A_1335, %get3A_1390 : vector<16xf32>
          %mul3A_1392 = arith.constant 8 : i32
          %mul3A_1393 = arith.muli %sub3A_105, %mul3A_1392 : i32
          %mul3A_1394 = arith.constant 32 : i32
          %mul3A_1395 = arith.muli %mul3A_1393, %mul3A_1394 : i32
          %mul3A_1396 = arith.constant 32 : i32
          %mul3A_1397 = arith.muli %scan3A_216, %mul3A_1396 : i32
          %add3A_1398 = arith.addi %mul3A_1395, %mul3A_1397 : i32
          %add3A_1399 = arith.constant 21 : i32
          %add3A_1400 = arith.addi %add3A_1398, %add3A_1399 : i32
          %get3A_1401 = arith.index_cast %add3A_1400 : i32 to index
          %get3A_1402 = arith.constant 0 : index
          %get3A_1403 = tpu.vector_load %arg9[%get3A_1401, %get3A_1402] {strides = array<i32>} : memref<512x128xf32, #tpu.memory_space<vmem>>, vector<1x16xf32>,
          %get3A_1404 = vector.shape_cast %get3A_1403 : vector<1x16xf32> to vector<16xf32>
          %max3A_1405 = arith.maximumf %max3A_1349, %get3A_1404 : vector<16xf32>
          %mul3A_1406 = arith.constant 8 : i32
          %mul3A_1407 = arith.muli %sub3A_105, %mul3A_1406 : i32
          %mul3A_1408 = arith.constant 32 : i32
          %mul3A_1409 = arith.muli %mul3A_1407, %mul3A_1408 : i32
          %mul3A_1410 = arith.constant 32 : i32
          %mul3A_1411 = arith.muli %scan3A_216, %mul3A_1410 : i32
          %add3A_1412 = arith.addi %mul3A_1409, %mul3A_1411 : i32
          %add3A_1413 = arith.constant 21 : i32
          %add3A_1414 = arith.addi %add3A_1412, %add3A_1413 : i32
          %get3A_1415 = arith.index_cast %add3A_1414 : i32 to index
          %get3A_1416 = arith.constant 16 : index
          %get3A_1417 = tpu.vector_load %arg9[%get3A_1415, %get3A_1416] {strides = array<i32>} : memref<512x128xf32, #tpu.memory_space<vmem>>, vector<1x16xf32>,
          %get3A_1418 = vector.shape_cast %get3A_1417 : vector<1x16xf32> to vector<16xf32>
          %max3A_1419 = arith.maximumf %max3A_1363, %get3A_1418 : vector<16xf32>
          %mul3A_1420 = arith.constant 8 : i32
          %mul3A_1421 = arith.muli %sub3A_105, %mul3A_1420 : i32
          %mul3A_1422 = arith.constant 32 : i32
          %mul3A_1423 = arith.muli %mul3A_1421, %mul3A_1422 : i32
          %mul3A_1424 = arith.constant 32 : i32
          %mul3A_1425 = arith.muli %scan3A_216, %mul3A_1424 : i32
          %add3A_1426 = arith.addi %mul3A_1423, %mul3A_1425 : i32
          %add3A_1427 = arith.constant 21 : i32
          %add3A_1428 = arith.addi %add3A_1426, %add3A_1427 : i32
          %get3A_1429 = arith.index_cast %add3A_1428 : i32 to index
          %get3A_1430 = arith.constant 32 : index
          %get3A_1431 = tpu.vector_load %arg9[%get3A_1429, %get3A_1430] {strides = array<i32>} : memref<512x128xf32, #tpu.memory_space<vmem>>, vector<1x16xf32>,
          %get3A_1432 = vector.shape_cast %get3A_1431 : vector<1x16xf32> to vector<16xf32>
          %max3A_1433 = arith.maximumf %max3A_1377, %get3A_1432 : vector<16xf32>
          %mul3A_1434 = arith.constant 8 : i32
          %mul3A_1435 = arith.muli %sub3A_105, %mul3A_1434 : i32
          %mul3A_1436 = arith.constant 32 : i32
          %mul3A_1437 = arith.muli %mul3A_1435, %mul3A_1436 : i32
          %mul3A_1438 = arith.constant 32 : i32
          %mul3A_1439 = arith.muli %scan3A_216, %mul3A_1438 : i32
          %add3A_1440 = arith.addi %mul3A_1437, %mul3A_1439 : i32
          %add3A_1441 = arith.constant 21 : i32
          %add3A_1442 = arith.addi %add3A_1440, %add3A_1441 : i32
          %get3A_1443 = arith.index_cast %add3A_1442 : i32 to index
          %get3A_1444 = arith.constant 48 : index
          %get3A_1445 = tpu.vector_load %arg9[%get3A_1443, %get3A_1444] {strides = array<i32>} : memref<512x128xf32, #tpu.memory_space<vmem>>, vector<1x16xf32>,
          %get3A_1446 = vector.shape_cast %get3A_1445 : vector<1x16xf32> to vector<16xf32>
          %max3A_1447 = arith.maximumf %max3A_1391, %get3A_1446 : vector<16xf32>
          %mul3A_1448 = arith.constant 8 : i32
          %mul3A_1449 = arith.muli %sub3A_105, %mul3A_1448 : i32
          %mul3A_1450 = arith.constant 32 : i32
          %mul3A_1451 = arith.muli %mul3A_1449, %mul3A_1450 : i32
          %mul3A_1452 = arith.constant 32 : i32
          %mul3A_1453 = arith.muli %scan3A_216, %mul3A_1452 : i32
          %add3A_1454 = arith.addi %mul3A_1451, %mul3A_1453 : i32
          %add3A_1455 = arith.constant 22 : i32
          %add3A_1456 = arith.addi %add3A_1454, %add3A_1455 : i32
          %get3A_1457 = arith.index_cast %add3A_1456 : i32 to index
          %get3A_1458 = arith.constant 0 : index
          %get3A_1459 = tpu.vector_load %arg9[%get3A_1457, %get3A_1458] {strides = array<i32>} : memref<512x128xf32, #tpu.memory_space<vmem>>, vector<1x16xf32>,
          %get3A_1460 = vector.shape_cast %get3A_1459 : vector<1x16xf32> to vector<16xf32>
          %max3A_1461 = arith.maximumf %max3A_1405, %get3A_1460 : vector<16xf32>
          %mul3A_1462 = arith.constant 8 : i32
          %mul3A_1463 = arith.muli %sub3A_105, %mul3A_1462 : i32
          %mul3A_1464 = arith.constant 32 : i32
          %mul3A_1465 = arith.muli %mul3A_1463, %mul3A_1464 : i32
          %mul3A_1466 = arith.constant 32 : i32
          %mul3A_1467 = arith.muli %scan3A_216, %mul3A_1466 : i32
          %add3A_1468 = arith.addi %mul3A_1465, %mul3A_1467 : i32
          %add3A_1469 = arith.constant 22 : i32
          %add3A_1470 = arith.addi %add3A_1468, %add3A_1469 : i32
          %get3A_1471 = arith.index_cast %add3A_1470 : i32 to index
          %get3A_1472 = arith.constant 16 : index
          %get3A_1473 = tpu.vector_load %arg9[%get3A_1471, %get3A_1472] {strides = array<i32>} : memref<512x128xf32, #tpu.memory_space<vmem>>, vector<1x16xf32>,
          %get3A_1474 = vector.shape_cast %get3A_1473 : vector<1x16xf32> to vector<16xf32>
          %max3A_1475 = arith.maximumf %max3A_1419, %get3A_1474 : vector<16xf32>
          %mul3A_1476 = arith.constant 8 : i32
          %mul3A_1477 = arith.muli %sub3A_105, %mul3A_1476 : i32
          %mul3A_1478 = arith.constant 32 : i32
          %mul3A_1479 = arith.muli %mul3A_1477, %mul3A_1478 : i32
          %mul3A_1480 = arith.constant 32 : i32
          %mul3A_1481 = arith.muli %scan3A_216, %mul3A_1480 : i32
          %add3A_1482 = arith.addi %mul3A_1479, %mul3A_1481 : i32
          %add3A_1483 = arith.constant 22 : i32
          %add3A_1484 = arith.addi %add3A_1482, %add3A_1483 : i32
          %get3A_1485 = arith.index_cast %add3A_1484 : i32 to index
          %get3A_1486 = arith.constant 32 : index
          %get3A_1487 = tpu.vector_load %arg9[%get3A_1485, %get3A_1486] {strides = array<i32>} : memref<512x128xf32, #tpu.memory_space<vmem>>, vector<1x16xf32>,
          %get3A_1488 = vector.shape_cast %get3A_1487 : vector<1x16xf32> to vector<16xf32>
          %max3A_1489 = arith.maximumf %max3A_1433, %get3A_1488 : vector<16xf32>
          %mul3A_1490 = arith.constant 8 : i32
          %mul3A_1491 = arith.muli %sub3A_105, %mul3A_1490 : i32
          %mul3A_1492 = arith.constant 32 : i32
          %mul3A_1493 = arith.muli %mul3A_1491, %mul3A_1492 : i32
          %mul3A_1494 = arith.constant 32 : i32
          %mul3A_1495 = arith.muli %scan3A_216, %mul3A_1494 : i32
          %add3A_1496 = arith.addi %mul3A_1493, %mul3A_1495 : i32
          %add3A_1497 = arith.constant 22 : i32
          %add3A_1498 = arith.addi %add3A_1496, %add3A_1497 : i32
          %get3A_1499 = arith.index_cast %add3A_1498 : i32 to index
          %get3A_1500 = arith.constant 48 : index
          %get3A_1501 = tpu.vector_load %arg9[%get3A_1499, %get3A_1500] {strides = array<i32>} : memref<512x128xf32, #tpu.memory_space<vmem>>, vector<1x16xf32>,
          %get3A_1502 = vector.shape_cast %get3A_1501 : vector<1x16xf32> to vector<16xf32>
          %max3A_1503 = arith.maximumf %max3A_1447, %get3A_1502 : vector<16xf32>
          %mul3A_1504 = arith.constant 8 : i32
          %mul3A_1505 = arith.muli %sub3A_105, %mul3A_1504 : i32
          %mul3A_1506 = arith.constant 32 : i32
          %mul3A_1507 = arith.muli %mul3A_1505, %mul3A_1506 : i32
          %mul3A_1508 = arith.constant 32 : i32
          %mul3A_1509 = arith.muli %scan3A_216, %mul3A_1508 : i32
          %add3A_1510 = arith.addi %mul3A_1507, %mul3A_1509 : i32
          %add3A_1511 = arith.constant 23 : i32
          %add3A_1512 = arith.addi %add3A_1510, %add3A_1511 : i32
          %get3A_1513 = arith.index_cast %add3A_1512 : i32 to index
          %get3A_1514 = arith.constant 0 : index
          %get3A_1515 = tpu.vector_load %arg9[%get3A_1513, %get3A_1514] {strides = array<i32>} : memref<512x128xf32, #tpu.memory_space<vmem>>, vector<1x16xf32>,
          %get3A_1516 = vector.shape_cast %get3A_1515 : vector<1x16xf32> to vector<16xf32>
          %max3A_1517 = arith.maximumf %max3A_1461, %get3A_1516 : vector<16xf32>
          %mul3A_1518 = arith.constant 8 : i32
          %mul3A_1519 = arith.muli %sub3A_105, %mul3A_1518 : i32
          %mul3A_1520 = arith.constant 32 : i32
          %mul3A_1521 = arith.muli %mul3A_1519, %mul3A_1520 : i32
          %mul3A_1522 = arith.constant 32 : i32
          %mul3A_1523 = arith.muli %scan3A_216, %mul3A_1522 : i32
          %add3A_1524 = arith.addi %mul3A_1521, %mul3A_1523 : i32
          %add3A_1525 = arith.constant 23 : i32
          %add3A_1526 = arith.addi %add3A_1524, %add3A_1525 : i32
          %get3A_1527 = arith.index_cast %add3A_1526 : i32 to index
          %get3A_1528 = arith.constant 16 : index
          %get3A_1529 = tpu.vector_load %arg9[%get3A_1527, %get3A_1528] {strides = array<i32>} : memref<512x128xf32, #tpu.memory_space<vmem>>, vector<1x16xf32>,
          %get3A_1530 = vector.shape_cast %get3A_1529 : vector<1x16xf32> to vector<16xf32>
          %max3A_1531 = arith.maximumf %max3A_1475, %get3A_1530 : vector<16xf32>
          %mul3A_1532 = arith.constant 8 : i32
          %mul3A_1533 = arith.muli %sub3A_105, %mul3A_1532 : i32
          %mul3A_1534 = arith.constant 32 : i32
          %mul3A_1535 = arith.muli %mul3A_1533, %mul3A_1534 : i32
          %mul3A_1536 = arith.constant 32 : i32
          %mul3A_1537 = arith.muli %scan3A_216, %mul3A_1536 : i32
          %add3A_1538 = arith.addi %mul3A_1535, %mul3A_1537 : i32
          %add3A_1539 = arith.constant 23 : i32
          %add3A_1540 = arith.addi %add3A_1538, %add3A_1539 : i32
          %get3A_1541 = arith.index_cast %add3A_1540 : i32 to index
          %get3A_1542 = arith.constant 32 : index
          %get3A_1543 = tpu.vector_load %arg9[%get3A_1541, %get3A_1542] {strides = array<i32>} : memref<512x128xf32, #tpu.memory_space<vmem>>, vector<1x16xf32>,
          %get3A_1544 = vector.shape_cast %get3A_1543 : vector<1x16xf32> to vector<16xf32>
          %max3A_1545 = arith.maximumf %max3A_1489, %get3A_1544 : vector<16xf32>
          %mul3A_1546 = arith.constant 8 : i32
          %mul3A_1547 = arith.muli %sub3A_105, %mul3A_1546 : i32
          %mul3A_1548 = arith.constant 32 : i32
          %mul3A_1549 = arith.muli %mul3A_1547, %mul3A_1548 : i32
          %mul3A_1550 = arith.constant 32 : i32
          %mul3A_1551 = arith.muli %scan3A_216, %mul3A_1550 : i32
          %add3A_1552 = arith.addi %mul3A_1549, %mul3A_1551 : i32
          %add3A_1553 = arith.constant 23 : i32
          %add3A_1554 = arith.addi %add3A_1552, %add3A_1553 : i32
          %get3A_1555 = arith.index_cast %add3A_1554 : i32 to index
          %get3A_1556 = arith.constant 48 : index
          %get3A_1557 = tpu.vector_load %arg9[%get3A_1555, %get3A_1556] {strides = array<i32>} : memref<512x128xf32, #tpu.memory_space<vmem>>, vector<1x16xf32>,
          %get3A_1558 = vector.shape_cast %get3A_1557 : vector<1x16xf32> to vector<16xf32>
          %max3A_1559 = arith.maximumf %max3A_1503, %get3A_1558 : vector<16xf32>
          %mul3A_1560 = arith.constant 8 : i32
          %mul3A_1561 = arith.muli %sub3A_105, %mul3A_1560 : i32
          %mul3A_1562 = arith.constant 32 : i32
          %mul3A_1563 = arith.muli %mul3A_1561, %mul3A_1562 : i32
          %mul3A_1564 = arith.constant 32 : i32
          %mul3A_1565 = arith.muli %scan3A_216, %mul3A_1564 : i32
          %add3A_1566 = arith.addi %mul3A_1563, %mul3A_1565 : i32
          %add3A_1567 = arith.constant 24 : i32
          %add3A_1568 = arith.addi %add3A_1566, %add3A_1567 : i32
          %get3A_1569 = arith.index_cast %add3A_1568 : i32 to index
          %get3A_1570 = arith.constant 0 : index
          %get3A_1571 = tpu.vector_load %arg9[%get3A_1569, %get3A_1570] {strides = array<i32>} : memref<512x128xf32, #tpu.memory_space<vmem>>, vector<1x16xf32>,
          %get3A_1572 = vector.shape_cast %get3A_1571 : vector<1x16xf32> to vector<16xf32>
          %max3A_1573 = arith.maximumf %max3A_1517, %get3A_1572 : vector<16xf32>
          %mul3A_1574 = arith.constant 8 : i32
          %mul3A_1575 = arith.muli %sub3A_105, %mul3A_1574 : i32
          %mul3A_1576 = arith.constant 32 : i32
          %mul3A_1577 = arith.muli %mul3A_1575, %mul3A_1576 : i32
          %mul3A_1578 = arith.constant 32 : i32
          %mul3A_1579 = arith.muli %scan3A_216, %mul3A_1578 : i32
          %add3A_1580 = arith.addi %mul3A_1577, %mul3A_1579 : i32
          %add3A_1581 = arith.constant 24 : i32
          %add3A_1582 = arith.addi %add3A_1580, %add3A_1581 : i32
          %get3A_1583 = arith.index_cast %add3A_1582 : i32 to index
          %get3A_1584 = arith.constant 16 : index
          %get3A_1585 = tpu.vector_load %arg9[%get3A_1583, %get3A_1584] {strides = array<i32>} : memref<512x128xf32, #tpu.memory_space<vmem>>, vector<1x16xf32>,
          %get3A_1586 = vector.shape_cast %get3A_1585 : vector<1x16xf32> to vector<16xf32>
          %max3A_1587 = arith.maximumf %max3A_1531, %get3A_1586 : vector<16xf32>
          %mul3A_1588 = arith.constant 8 : i32
          %mul3A_1589 = arith.muli %sub3A_105, %mul3A_1588 : i32
          %mul3A_1590 = arith.constant 32 : i32
          %mul3A_1591 = arith.muli %mul3A_1589, %mul3A_1590 : i32
          %mul3A_1592 = arith.constant 32 : i32
          %mul3A_1593 = arith.muli %scan3A_216, %mul3A_1592 : i32
          %add3A_1594 = arith.addi %mul3A_1591, %mul3A_1593 : i32
          %add3A_1595 = arith.constant 24 : i32
          %add3A_1596 = arith.addi %add3A_1594, %add3A_1595 : i32
          %get3A_1597 = arith.index_cast %add3A_1596 : i32 to index
          %get3A_1598 = arith.constant 32 : index
          %get3A_1599 = tpu.vector_load %arg9[%get3A_1597, %get3A_1598] {strides = array<i32>} : memref<512x128xf32, #tpu.memory_space<vmem>>, vector<1x16xf32>,
          %get3A_1600 = vector.shape_cast %get3A_1599 : vector<1x16xf32> to vector<16xf32>
          %max3A_1601 = arith.maximumf %max3A_1545, %get3A_1600 : vector<16xf32>
          %mul3A_1602 = arith.constant 8 : i32
          %mul3A_1603 = arith.muli %sub3A_105, %mul3A_1602 : i32
          %mul3A_1604 = arith.constant 32 : i32
          %mul3A_1605 = arith.muli %mul3A_1603, %mul3A_1604 : i32
          %mul3A_1606 = arith.constant 32 : i32
          %mul3A_1607 = arith.muli %scan3A_216, %mul3A_1606 : i32
          %add3A_1608 = arith.addi %mul3A_1605, %mul3A_1607 : i32
          %add3A_1609 = arith.constant 24 : i32
          %add3A_1610 = arith.addi %add3A_1608, %add3A_1609 : i32
          %get3A_1611 = arith.index_cast %add3A_1610 : i32 to index
          %get3A_1612 = arith.constant 48 : index
          %get3A_1613 = tpu.vector_load %arg9[%get3A_1611, %get3A_1612] {strides = array<i32>} : memref<512x128xf32, #tpu.memory_space<vmem>>, vector<1x16xf32>,
          %get3A_1614 = vector.shape_cast %get3A_1613 : vector<1x16xf32> to vector<16xf32>
          %max3A_1615 = arith.maximumf %max3A_1559, %get3A_1614 : vector<16xf32>
          %mul3A_1616 = arith.constant 8 : i32
          %mul3A_1617 = arith.muli %sub3A_105, %mul3A_1616 : i32
          %mul3A_1618 = arith.constant 32 : i32
          %mul3A_1619 = arith.muli %mul3A_1617, %mul3A_1618 : i32
          %mul3A_1620 = arith.constant 32 : i32
          %mul3A_1621 = arith.muli %scan3A_216, %mul3A_1620 : i32
          %add3A_1622 = arith.addi %mul3A_1619, %mul3A_1621 : i32
          %add3A_1623 = arith.constant 25 : i32
          %add3A_1624 = arith.addi %add3A_1622, %add3A_1623 : i32
          %get3A_1625 = arith.index_cast %add3A_1624 : i32 to index
          %get3A_1626 = arith.constant 0 : index
          %get3A_1627 = tpu.vector_load %arg9[%get3A_1625, %get3A_1626] {strides = array<i32>} : memref<512x128xf32, #tpu.memory_space<vmem>>, vector<1x16xf32>,
          %get3A_1628 = vector.shape_cast %get3A_1627 : vector<1x16xf32> to vector<16xf32>
          %max3A_1629 = arith.maximumf %max3A_1573, %get3A_1628 : vector<16xf32>
          %mul3A_1630 = arith.constant 8 : i32
          %mul3A_1631 = arith.muli %sub3A_105, %mul3A_1630 : i32
          %mul3A_1632 = arith.constant 32 : i32
          %mul3A_1633 = arith.muli %mul3A_1631, %mul3A_1632 : i32
          %mul3A_1634 = arith.constant 32 : i32
          %mul3A_1635 = arith.muli %scan3A_216, %mul3A_1634 : i32
          %add3A_1636 = arith.addi %mul3A_1633, %mul3A_1635 : i32
          %add3A_1637 = arith.constant 25 : i32
          %add3A_1638 = arith.addi %add3A_1636, %add3A_1637 : i32
          %get3A_1639 = arith.index_cast %add3A_1638 : i32 to index
          %get3A_1640 = arith.constant 16 : index
          %get3A_1641 = tpu.vector_load %arg9[%get3A_1639, %get3A_1640] {strides = array<i32>} : memref<512x128xf32, #tpu.memory_space<vmem>>, vector<1x16xf32>,
          %get3A_1642 = vector.shape_cast %get3A_1641 : vector<1x16xf32> to vector<16xf32>
          %max3A_1643 = arith.maximumf %max3A_1587, %get3A_1642 : vector<16xf32>
          %mul3A_1644 = arith.constant 8 : i32
          %mul3A_1645 = arith.muli %sub3A_105, %mul3A_1644 : i32
          %mul3A_1646 = arith.constant 32 : i32
          %mul3A_1647 = arith.muli %mul3A_1645, %mul3A_1646 : i32
          %mul3A_1648 = arith.constant 32 : i32
          %mul3A_1649 = arith.muli %scan3A_216, %mul3A_1648 : i32
          %add3A_1650 = arith.addi %mul3A_1647, %mul3A_1649 : i32
          %add3A_1651 = arith.constant 25 : i32
          %add3A_1652 = arith.addi %add3A_1650, %add3A_1651 : i32
          %get3A_1653 = arith.index_cast %add3A_1652 : i32 to index
          %get3A_1654 = arith.constant 32 : index
          %get3A_1655 = tpu.vector_load %arg9[%get3A_1653, %get3A_1654] {strides = array<i32>} : memref<512x128xf32, #tpu.memory_space<vmem>>, vector<1x16xf32>,
          %get3A_1656 = vector.shape_cast %get3A_1655 : vector<1x16xf32> to vector<16xf32>
          %max3A_1657 = arith.maximumf %max3A_1601, %get3A_1656 : vector<16xf32>
          %mul3A_1658 = arith.constant 8 : i32
          %mul3A_1659 = arith.muli %sub3A_105, %mul3A_1658 : i32
          %mul3A_1660 = arith.constant 32 : i32
          %mul3A_1661 = arith.muli %mul3A_1659, %mul3A_1660 : i32
          %mul3A_1662 = arith.constant 32 : i32
          %mul3A_1663 = arith.muli %scan3A_216, %mul3A_1662 : i32
          %add3A_1664 = arith.addi %mul3A_1661, %mul3A_1663 : i32
          %add3A_1665 = arith.constant 25 : i32
          %add3A_1666 = arith.addi %add3A_1664, %add3A_1665 : i32
          %get3A_1667 = arith.index_cast %add3A_1666 : i32 to index
          %get3A_1668 = arith.constant 48 : index
          %get3A_1669 = tpu.vector_load %arg9[%get3A_1667, %get3A_1668] {strides = array<i32>} : memref<512x128xf32, #tpu.memory_space<vmem>>, vector<1x16xf32>,
          %get3A_1670 = vector.shape_cast %get3A_1669 : vector<1x16xf32> to vector<16xf32>
          %max3A_1671 = arith.maximumf %max3A_1615, %get3A_1670 : vector<16xf32>
          %mul3A_1672 = arith.constant 8 : i32
          %mul3A_1673 = arith.muli %sub3A_105, %mul3A_1672 : i32
          %mul3A_1674 = arith.constant 32 : i32
          %mul3A_1675 = arith.muli %mul3A_1673, %mul3A_1674 : i32
          %mul3A_1676 = arith.constant 32 : i32
          %mul3A_1677 = arith.muli %scan3A_216, %mul3A_1676 : i32
          %add3A_1678 = arith.addi %mul3A_1675, %mul3A_1677 : i32
          %add3A_1679 = arith.constant 26 : i32
          %add3A_1680 = arith.addi %add3A_1678, %add3A_1679 : i32
          %get3A_1681 = arith.index_cast %add3A_1680 : i32 to index
          %get3A_1682 = arith.constant 0 : index
          %get3A_1683 = tpu.vector_load %arg9[%get3A_1681, %get3A_1682] {strides = array<i32>} : memref<512x128xf32, #tpu.memory_space<vmem>>, vector<1x16xf32>,
          %get3A_1684 = vector.shape_cast %get3A_1683 : vector<1x16xf32> to vector<16xf32>
          %max3A_1685 = arith.maximumf %max3A_1629, %get3A_1684 : vector<16xf32>
          %mul3A_1686 = arith.constant 8 : i32
          %mul3A_1687 = arith.muli %sub3A_105, %mul3A_1686 : i32
          %mul3A_1688 = arith.constant 32 : i32
          %mul3A_1689 = arith.muli %mul3A_1687, %mul3A_1688 : i32
          %mul3A_1690 = arith.constant 32 : i32
          %mul3A_1691 = arith.muli %scan3A_216, %mul3A_1690 : i32
          %add3A_1692 = arith.addi %mul3A_1689, %mul3A_1691 : i32
          %add3A_1693 = arith.constant 26 : i32
          %add3A_1694 = arith.addi %add3A_1692, %add3A_1693 : i32
          %get3A_1695 = arith.index_cast %add3A_1694 : i32 to index
          %get3A_1696 = arith.constant 16 : index
          %get3A_1697 = tpu.vector_load %arg9[%get3A_1695, %get3A_1696] {strides = array<i32>} : memref<512x128xf32, #tpu.memory_space<vmem>>, vector<1x16xf32>,
          %get3A_1698 = vector.shape_cast %get3A_1697 : vector<1x16xf32> to vector<16xf32>
          %max3A_1699 = arith.maximumf %max3A_1643, %get3A_1698 : vector<16xf32>
          %mul3A_1700 = arith.constant 8 : i32
          %mul3A_1701 = arith.muli %sub3A_105, %mul3A_1700 : i32
          %mul3A_1702 = arith.constant 32 : i32
          %mul3A_1703 = arith.muli %mul3A_1701, %mul3A_1702 : i32
          %mul3A_1704 = arith.constant 32 : i32
          %mul3A_1705 = arith.muli %scan3A_216, %mul3A_1704 : i32
          %add3A_1706 = arith.addi %mul3A_1703, %mul3A_1705 : i32
          %add3A_1707 = arith.constant 26 : i32
          %add3A_1708 = arith.addi %add3A_1706, %add3A_1707 : i32
          %get3A_1709 = arith.index_cast %add3A_1708 : i32 to index
          %get3A_1710 = arith.constant 32 : index
          %get3A_1711 = tpu.vector_load %arg9[%get3A_1709, %get3A_1710] {strides = array<i32>} : memref<512x128xf32, #tpu.memory_space<vmem>>, vector<1x16xf32>,
          %get3A_1712 = vector.shape_cast %get3A_1711 : vector<1x16xf32> to vector<16xf32>
          %max3A_1713 = arith.maximumf %max3A_1657, %get3A_1712 : vector<16xf32>
          %mul3A_1714 = arith.constant 8 : i32
          %mul3A_1715 = arith.muli %sub3A_105, %mul3A_1714 : i32
          %mul3A_1716 = arith.constant 32 : i32
          %mul3A_1717 = arith.muli %mul3A_1715, %mul3A_1716 : i32
          %mul3A_1718 = arith.constant 32 : i32
          %mul3A_1719 = arith.muli %scan3A_216, %mul3A_1718 : i32
          %add3A_1720 = arith.addi %mul3A_1717, %mul3A_1719 : i32
          %add3A_1721 = arith.constant 26 : i32
          %add3A_1722 = arith.addi %add3A_1720, %add3A_1721 : i32
          %get3A_1723 = arith.index_cast %add3A_1722 : i32 to index
          %get3A_1724 = arith.constant 48 : index
          %get3A_1725 = tpu.vector_load %arg9[%get3A_1723, %get3A_1724] {strides = array<i32>} : memref<512x128xf32, #tpu.memory_space<vmem>>, vector<1x16xf32>,
          %get3A_1726 = vector.shape_cast %get3A_1725 : vector<1x16xf32> to vector<16xf32>
          %max3A_1727 = arith.maximumf %max3A_1671, %get3A_1726 : vector<16xf32>
          %mul3A_1728 = arith.constant 8 : i32
          %mul3A_1729 = arith.muli %sub3A_105, %mul3A_1728 : i32
          %mul3A_1730 = arith.constant 32 : i32
          %mul3A_1731 = arith.muli %mul3A_1729, %mul3A_1730 : i32
          %mul3A_1732 = arith.constant 32 : i32
          %mul3A_1733 = arith.muli %scan3A_216, %mul3A_1732 : i32
          %add3A_1734 = arith.addi %mul3A_1731, %mul3A_1733 : i32
          %add3A_1735 = arith.constant 27 : i32
          %add3A_1736 = arith.addi %add3A_1734, %add3A_1735 : i32
          %get3A_1737 = arith.index_cast %add3A_1736 : i32 to index
          %get3A_1738 = arith.constant 0 : index
          %get3A_1739 = tpu.vector_load %arg9[%get3A_1737, %get3A_1738] {strides = array<i32>} : memref<512x128xf32, #tpu.memory_space<vmem>>, vector<1x16xf32>,
          %get3A_1740 = vector.shape_cast %get3A_1739 : vector<1x16xf32> to vector<16xf32>
          %max3A_1741 = arith.maximumf %max3A_1685, %get3A_1740 : vector<16xf32>
          %mul3A_1742 = arith.constant 8 : i32
          %mul3A_1743 = arith.muli %sub3A_105, %mul3A_1742 : i32
          %mul3A_1744 = arith.constant 32 : i32
          %mul3A_1745 = arith.muli %mul3A_1743, %mul3A_1744 : i32
          %mul3A_1746 = arith.constant 32 : i32
          %mul3A_1747 = arith.muli %scan3A_216, %mul3A_1746 : i32
          %add3A_1748 = arith.addi %mul3A_1745, %mul3A_1747 : i32
          %add3A_1749 = arith.constant 27 : i32
          %add3A_1750 = arith.addi %add3A_1748, %add3A_1749 : i32
          %get3A_1751 = arith.index_cast %add3A_1750 : i32 to index
          %get3A_1752 = arith.constant 16 : index
          %get3A_1753 = tpu.vector_load %arg9[%get3A_1751, %get3A_1752] {strides = array<i32>} : memref<512x128xf32, #tpu.memory_space<vmem>>, vector<1x16xf32>,
          %get3A_1754 = vector.shape_cast %get3A_1753 : vector<1x16xf32> to vector<16xf32>
          %max3A_1755 = arith.maximumf %max3A_1699, %get3A_1754 : vector<16xf32>
          %mul3A_1756 = arith.constant 8 : i32
          %mul3A_1757 = arith.muli %sub3A_105, %mul3A_1756 : i32
          %mul3A_1758 = arith.constant 32 : i32
          %mul3A_1759 = arith.muli %mul3A_1757, %mul3A_1758 : i32
          %mul3A_1760 = arith.constant 32 : i32
          %mul3A_1761 = arith.muli %scan3A_216, %mul3A_1760 : i32
          %add3A_1762 = arith.addi %mul3A_1759, %mul3A_1761 : i32
          %add3A_1763 = arith.constant 27 : i32
          %add3A_1764 = arith.addi %add3A_1762, %add3A_1763 : i32
          %get3A_1765 = arith.index_cast %add3A_1764 : i32 to index
          %get3A_1766 = arith.constant 32 : index
          %get3A_1767 = tpu.vector_load %arg9[%get3A_1765, %get3A_1766] {strides = array<i32>} : memref<512x128xf32, #tpu.memory_space<vmem>>, vector<1x16xf32>,
          %get3A_1768 = vector.shape_cast %get3A_1767 : vector<1x16xf32> to vector<16xf32>
          %max3A_1769 = arith.maximumf %max3A_1713, %get3A_1768 : vector<16xf32>
          %mul3A_1770 = arith.constant 8 : i32
          %mul3A_1771 = arith.muli %sub3A_105, %mul3A_1770 : i32
          %mul3A_1772 = arith.constant 32 : i32
          %mul3A_1773 = arith.muli %mul3A_1771, %mul3A_1772 : i32
          %mul3A_1774 = arith.constant 32 : i32
          %mul3A_1775 = arith.muli %scan3A_216, %mul3A_1774 : i32
          %add3A_1776 = arith.addi %mul3A_1773, %mul3A_1775 : i32
          %add3A_1777 = arith.constant 27 : i32
          %add3A_1778 = arith.addi %add3A_1776, %add3A_1777 : i32
          %get3A_1779 = arith.index_cast %add3A_1778 : i32 to index
          %get3A_1780 = arith.constant 48 : index
          %get3A_1781 = tpu.vector_load %arg9[%get3A_1779, %get3A_1780] {strides = array<i32>} : memref<512x128xf32, #tpu.memory_space<vmem>>, vector<1x16xf32>,
          %get3A_1782 = vector.shape_cast %get3A_1781 : vector<1x16xf32> to vector<16xf32>
          %max3A_1783 = arith.maximumf %max3A_1727, %get3A_1782 : vector<16xf32>
          %mul3A_1784 = arith.constant 8 : i32
          %mul3A_1785 = arith.muli %sub3A_105, %mul3A_1784 : i32
          %mul3A_1786 = arith.constant 32 : i32
          %mul3A_1787 = arith.muli %mul3A_1785, %mul3A_1786 : i32
          %mul3A_1788 = arith.constant 32 : i32
          %mul3A_1789 = arith.muli %scan3A_216, %mul3A_1788 : i32
          %add3A_1790 = arith.addi %mul3A_1787, %mul3A_1789 : i32
          %add3A_1791 = arith.constant 28 : i32
          %add3A_1792 = arith.addi %add3A_1790, %add3A_1791 : i32
          %get3A_1793 = arith.index_cast %add3A_1792 : i32 to index
          %get3A_1794 = arith.constant 0 : index
          %get3A_1795 = tpu.vector_load %arg9[%get3A_1793, %get3A_1794] {strides = array<i32>} : memref<512x128xf32, #tpu.memory_space<vmem>>, vector<1x16xf32>,
          %get3A_1796 = vector.shape_cast %get3A_1795 : vector<1x16xf32> to vector<16xf32>
          %max3A_1797 = arith.maximumf %max3A_1741, %get3A_1796 : vector<16xf32>
          %mul3A_1798 = arith.constant 8 : i32
          %mul3A_1799 = arith.muli %sub3A_105, %mul3A_1798 : i32
          %mul3A_1800 = arith.constant 32 : i32
          %mul3A_1801 = arith.muli %mul3A_1799, %mul3A_1800 : i32
          %mul3A_1802 = arith.constant 32 : i32
          %mul3A_1803 = arith.muli %scan3A_216, %mul3A_1802 : i32
          %add3A_1804 = arith.addi %mul3A_1801, %mul3A_1803 : i32
          %add3A_1805 = arith.constant 28 : i32
          %add3A_1806 = arith.addi %add3A_1804, %add3A_1805 : i32
          %get3A_1807 = arith.index_cast %add3A_1806 : i32 to index
          %get3A_1808 = arith.constant 16 : index
          %get3A_1809 = tpu.vector_load %arg9[%get3A_1807, %get3A_1808] {strides = array<i32>} : memref<512x128xf32, #tpu.memory_space<vmem>>, vector<1x16xf32>,
          %get3A_1810 = vector.shape_cast %get3A_1809 : vector<1x16xf32> to vector<16xf32>
          %max3A_1811 = arith.maximumf %max3A_1755, %get3A_1810 : vector<16xf32>
          %mul3A_1812 = arith.constant 8 : i32
          %mul3A_1813 = arith.muli %sub3A_105, %mul3A_1812 : i32
          %mul3A_1814 = arith.constant 32 : i32
          %mul3A_1815 = arith.muli %mul3A_1813, %mul3A_1814 : i32
          %mul3A_1816 = arith.constant 32 : i32
          %mul3A_1817 = arith.muli %scan3A_216, %mul3A_1816 : i32
          %add3A_1818 = arith.addi %mul3A_1815, %mul3A_1817 : i32
          %add3A_1819 = arith.constant 28 : i32
          %add3A_1820 = arith.addi %add3A_1818, %add3A_1819 : i32
          %get3A_1821 = arith.index_cast %add3A_1820 : i32 to index
          %get3A_1822 = arith.constant 32 : index
          %get3A_1823 = tpu.vector_load %arg9[%get3A_1821, %get3A_1822] {strides = array<i32>} : memref<512x128xf32, #tpu.memory_space<vmem>>, vector<1x16xf32>,
          %get3A_1824 = vector.shape_cast %get3A_1823 : vector<1x16xf32> to vector<16xf32>
          %max3A_1825 = arith.maximumf %max3A_1769, %get3A_1824 : vector<16xf32>
          %mul3A_1826 = arith.constant 8 : i32
          %mul3A_1827 = arith.muli %sub3A_105, %mul3A_1826 : i32
          %mul3A_1828 = arith.constant 32 : i32
          %mul3A_1829 = arith.muli %mul3A_1827, %mul3A_1828 : i32
          %mul3A_1830 = arith.constant 32 : i32
          %mul3A_1831 = arith.muli %scan3A_216, %mul3A_1830 : i32
          %add3A_1832 = arith.addi %mul3A_1829, %mul3A_1831 : i32
          %add3A_1833 = arith.constant 28 : i32
          %add3A_1834 = arith.addi %add3A_1832, %add3A_1833 : i32
          %get3A_1835 = arith.index_cast %add3A_1834 : i32 to index
          %get3A_1836 = arith.constant 48 : index
          %get3A_1837 = tpu.vector_load %arg9[%get3A_1835, %get3A_1836] {strides = array<i32>} : memref<512x128xf32, #tpu.memory_space<vmem>>, vector<1x16xf32>,
          %get3A_1838 = vector.shape_cast %get3A_1837 : vector<1x16xf32> to vector<16xf32>
          %max3A_1839 = arith.maximumf %max3A_1783, %get3A_1838 : vector<16xf32>
          %mul3A_1840 = arith.constant 8 : i32
          %mul3A_1841 = arith.muli %sub3A_105, %mul3A_1840 : i32
          %mul3A_1842 = arith.constant 32 : i32
          %mul3A_1843 = arith.muli %mul3A_1841, %mul3A_1842 : i32
          %mul3A_1844 = arith.constant 32 : i32
          %mul3A_1845 = arith.muli %scan3A_216, %mul3A_1844 : i32
          %add3A_1846 = arith.addi %mul3A_1843, %mul3A_1845 : i32
          %add3A_1847 = arith.constant 29 : i32
          %add3A_1848 = arith.addi %add3A_1846, %add3A_1847 : i32
          %get3A_1849 = arith.index_cast %add3A_1848 : i32 to index
          %get3A_1850 = arith.constant 0 : index
          %get3A_1851 = tpu.vector_load %arg9[%get3A_1849, %get3A_1850] {strides = array<i32>} : memref<512x128xf32, #tpu.memory_space<vmem>>, vector<1x16xf32>,
          %get3A_1852 = vector.shape_cast %get3A_1851 : vector<1x16xf32> to vector<16xf32>
          %max3A_1853 = arith.maximumf %max3A_1797, %get3A_1852 : vector<16xf32>
          %mul3A_1854 = arith.constant 8 : i32
          %mul3A_1855 = arith.muli %sub3A_105, %mul3A_1854 : i32
          %mul3A_1856 = arith.constant 32 : i32
          %mul3A_1857 = arith.muli %mul3A_1855, %mul3A_1856 : i32
          %mul3A_1858 = arith.constant 32 : i32
          %mul3A_1859 = arith.muli %scan3A_216, %mul3A_1858 : i32
          %add3A_1860 = arith.addi %mul3A_1857, %mul3A_1859 : i32
          %add3A_1861 = arith.constant 29 : i32
          %add3A_1862 = arith.addi %add3A_1860, %add3A_1861 : i32
          %get3A_1863 = arith.index_cast %add3A_1862 : i32 to index
          %get3A_1864 = arith.constant 16 : index
          %get3A_1865 = tpu.vector_load %arg9[%get3A_1863, %get3A_1864] {strides = array<i32>} : memref<512x128xf32, #tpu.memory_space<vmem>>, vector<1x16xf32>,
          %get3A_1866 = vector.shape_cast %get3A_1865 : vector<1x16xf32> to vector<16xf32>
          %max3A_1867 = arith.maximumf %max3A_1811, %get3A_1866 : vector<16xf32>
          %mul3A_1868 = arith.constant 8 : i32
          %mul3A_1869 = arith.muli %sub3A_105, %mul3A_1868 : i32
          %mul3A_1870 = arith.constant 32 : i32
          %mul3A_1871 = arith.muli %mul3A_1869, %mul3A_1870 : i32
          %mul3A_1872 = arith.constant 32 : i32
          %mul3A_1873 = arith.muli %scan3A_216, %mul3A_1872 : i32
          %add3A_1874 = arith.addi %mul3A_1871, %mul3A_1873 : i32
          %add3A_1875 = arith.constant 29 : i32
          %add3A_1876 = arith.addi %add3A_1874, %add3A_1875 : i32
          %get3A_1877 = arith.index_cast %add3A_1876 : i32 to index
          %get3A_1878 = arith.constant 32 : index
          %get3A_1879 = tpu.vector_load %arg9[%get3A_1877, %get3A_1878] {strides = array<i32>} : memref<512x128xf32, #tpu.memory_space<vmem>>, vector<1x16xf32>,
          %get3A_1880 = vector.shape_cast %get3A_1879 : vector<1x16xf32> to vector<16xf32>
          %max3A_1881 = arith.maximumf %max3A_1825, %get3A_1880 : vector<16xf32>
          %mul3A_1882 = arith.constant 8 : i32
          %mul3A_1883 = arith.muli %sub3A_105, %mul3A_1882 : i32
          %mul3A_1884 = arith.constant 32 : i32
          %mul3A_1885 = arith.muli %mul3A_1883, %mul3A_1884 : i32
          %mul3A_1886 = arith.constant 32 : i32
          %mul3A_1887 = arith.muli %scan3A_216, %mul3A_1886 : i32
          %add3A_1888 = arith.addi %mul3A_1885, %mul3A_1887 : i32
          %add3A_1889 = arith.constant 29 : i32
          %add3A_1890 = arith.addi %add3A_1888, %add3A_1889 : i32
          %get3A_1891 = arith.index_cast %add3A_1890 : i32 to index
          %get3A_1892 = arith.constant 48 : index
          %get3A_1893 = tpu.vector_load %arg9[%get3A_1891, %get3A_1892] {strides = array<i32>} : memref<512x128xf32, #tpu.memory_space<vmem>>, vector<1x16xf32>,
          %get3A_1894 = vector.shape_cast %get3A_1893 : vector<1x16xf32> to vector<16xf32>
          %max3A_1895 = arith.maximumf %max3A_1839, %get3A_1894 : vector<16xf32>
          %mul3A_1896 = arith.constant 8 : i32
          %mul3A_1897 = arith.muli %sub3A_105, %mul3A_1896 : i32
          %mul3A_1898 = arith.constant 32 : i32
          %mul3A_1899 = arith.muli %mul3A_1897, %mul3A_1898 : i32
          %mul3A_1900 = arith.constant 32 : i32
          %mul3A_1901 = arith.muli %scan3A_216, %mul3A_1900 : i32
          %add3A_1902 = arith.addi %mul3A_1899, %mul3A_1901 : i32
          %add3A_1903 = arith.constant 30 : i32
          %add3A_1904 = arith.addi %add3A_1902, %add3A_1903 : i32
          %get3A_1905 = arith.index_cast %add3A_1904 : i32 to index
          %get3A_1906 = arith.constant 0 : index
          %get3A_1907 = tpu.vector_load %arg9[%get3A_1905, %get3A_1906] {strides = array<i32>} : memref<512x128xf32, #tpu.memory_space<vmem>>, vector<1x16xf32>,
          %get3A_1908 = vector.shape_cast %get3A_1907 : vector<1x16xf32> to vector<16xf32>
          %max3A_1909 = arith.maximumf %max3A_1853, %get3A_1908 : vector<16xf32>
          %mul3A_1910 = arith.constant 8 : i32
          %mul3A_1911 = arith.muli %sub3A_105, %mul3A_1910 : i32
          %mul3A_1912 = arith.constant 32 : i32
          %mul3A_1913 = arith.muli %mul3A_1911, %mul3A_1912 : i32
          %mul3A_1914 = arith.constant 32 : i32
          %mul3A_1915 = arith.muli %scan3A_216, %mul3A_1914 : i32
          %add3A_1916 = arith.addi %mul3A_1913, %mul3A_1915 : i32
          %add3A_1917 = arith.constant 30 : i32
          %add3A_1918 = arith.addi %add3A_1916, %add3A_1917 : i32
          %get3A_1919 = arith.index_cast %add3A_1918 : i32 to index
          %get3A_1920 = arith.constant 16 : index
          %get3A_1921 = tpu.vector_load %arg9[%get3A_1919, %get3A_1920] {strides = array<i32>} : memref<512x128xf32, #tpu.memory_space<vmem>>, vector<1x16xf32>,
          %get3A_1922 = vector.shape_cast %get3A_1921 : vector<1x16xf32> to vector<16xf32>
          %max3A_1923 = arith.maximumf %max3A_1867, %get3A_1922 : vector<16xf32>
          %mul3A_1924 = arith.constant 8 : i32
          %mul3A_1925 = arith.muli %sub3A_105, %mul3A_1924 : i32
          %mul3A_1926 = arith.constant 32 : i32
          %mul3A_1927 = arith.muli %mul3A_1925, %mul3A_1926 : i32
          %mul3A_1928 = arith.constant 32 : i32
          %mul3A_1929 = arith.muli %scan3A_216, %mul3A_1928 : i32
          %add3A_1930 = arith.addi %mul3A_1927, %mul3A_1929 : i32
          %add3A_1931 = arith.constant 30 : i32
          %add3A_1932 = arith.addi %add3A_1930, %add3A_1931 : i32
          %get3A_1933 = arith.index_cast %add3A_1932 : i32 to index
          %get3A_1934 = arith.constant 32 : index
          %get3A_1935 = tpu.vector_load %arg9[%get3A_1933, %get3A_1934] {strides = array<i32>} : memref<512x128xf32, #tpu.memory_space<vmem>>, vector<1x16xf32>,
          %get3A_1936 = vector.shape_cast %get3A_1935 : vector<1x16xf32> to vector<16xf32>
          %max3A_1937 = arith.maximumf %max3A_1881, %get3A_1936 : vector<16xf32>
          %mul3A_1938 = arith.constant 8 : i32
          %mul3A_1939 = arith.muli %sub3A_105, %mul3A_1938 : i32
          %mul3A_1940 = arith.constant 32 : i32
          %mul3A_1941 = arith.muli %mul3A_1939, %mul3A_1940 : i32
          %mul3A_1942 = arith.constant 32 : i32
          %mul3A_1943 = arith.muli %scan3A_216, %mul3A_1942 : i32
          %add3A_1944 = arith.addi %mul3A_1941, %mul3A_1943 : i32
          %add3A_1945 = arith.constant 30 : i32
          %add3A_1946 = arith.addi %add3A_1944, %add3A_1945 : i32
          %get3A_1947 = arith.index_cast %add3A_1946 : i32 to index
          %get3A_1948 = arith.constant 48 : index
          %get3A_1949 = tpu.vector_load %arg9[%get3A_1947, %get3A_1948] {strides = array<i32>} : memref<512x128xf32, #tpu.memory_space<vmem>>, vector<1x16xf32>,
          %get3A_1950 = vector.shape_cast %get3A_1949 : vector<1x16xf32> to vector<16xf32>
          %max3A_1951 = arith.maximumf %max3A_1895, %get3A_1950 : vector<16xf32>
          %mul3A_1952 = arith.constant 8 : i32
          %mul3A_1953 = arith.muli %sub3A_105, %mul3A_1952 : i32
          %mul3A_1954 = arith.constant 32 : i32
          %mul3A_1955 = arith.muli %mul3A_1953, %mul3A_1954 : i32
          %mul3A_1956 = arith.constant 32 : i32
          %mul3A_1957 = arith.muli %scan3A_216, %mul3A_1956 : i32
          %add3A_1958 = arith.addi %mul3A_1955, %mul3A_1957 : i32
          %add3A_1959 = arith.constant 31 : i32
          %add3A_1960 = arith.addi %add3A_1958, %add3A_1959 : i32
          %get3A_1961 = arith.index_cast %add3A_1960 : i32 to index
          %get3A_1962 = arith.constant 0 : index
          %get3A_1963 = tpu.vector_load %arg9[%get3A_1961, %get3A_1962] {strides = array<i32>} : memref<512x128xf32, #tpu.memory_space<vmem>>, vector<1x16xf32>,
          %get3A_1964 = vector.shape_cast %get3A_1963 : vector<1x16xf32> to vector<16xf32>
          %max3A_1965 = arith.maximumf %max3A_1909, %get3A_1964 : vector<16xf32>
          %mul3A_1966 = arith.constant 8 : i32
          %mul3A_1967 = arith.muli %sub3A_105, %mul3A_1966 : i32
          %mul3A_1968 = arith.constant 32 : i32
          %mul3A_1969 = arith.muli %mul3A_1967, %mul3A_1968 : i32
          %mul3A_1970 = arith.constant 32 : i32
          %mul3A_1971 = arith.muli %scan3A_216, %mul3A_1970 : i32
          %add3A_1972 = arith.addi %mul3A_1969, %mul3A_1971 : i32
          %add3A_1973 = arith.constant 31 : i32
          %add3A_1974 = arith.addi %add3A_1972, %add3A_1973 : i32
          %get3A_1975 = arith.index_cast %add3A_1974 : i32 to index
          %get3A_1976 = arith.constant 16 : index
          %get3A_1977 = tpu.vector_load %arg9[%get3A_1975, %get3A_1976] {strides = array<i32>} : memref<512x128xf32, #tpu.memory_space<vmem>>, vector<1x16xf32>,
          %get3A_1978 = vector.shape_cast %get3A_1977 : vector<1x16xf32> to vector<16xf32>
          %max3A_1979 = arith.maximumf %max3A_1923, %get3A_1978 : vector<16xf32>
          %mul3A_1980 = arith.constant 8 : i32
          %mul3A_1981 = arith.muli %sub3A_105, %mul3A_1980 : i32
          %mul3A_1982 = arith.constant 32 : i32
          %mul3A_1983 = arith.muli %mul3A_1981, %mul3A_1982 : i32
          %mul3A_1984 = arith.constant 32 : i32
          %mul3A_1985 = arith.muli %scan3A_216, %mul3A_1984 : i32
          %add3A_1986 = arith.addi %mul3A_1983, %mul3A_1985 : i32
          %add3A_1987 = arith.constant 31 : i32
          %add3A_1988 = arith.addi %add3A_1986, %add3A_1987 : i32
          %get3A_1989 = arith.index_cast %add3A_1988 : i32 to index
          %get3A_1990 = arith.constant 32 : index
          %get3A_1991 = tpu.vector_load %arg9[%get3A_1989, %get3A_1990] {strides = array<i32>} : memref<512x128xf32, #tpu.memory_space<vmem>>, vector<1x16xf32>,
          %get3A_1992 = vector.shape_cast %get3A_1991 : vector<1x16xf32> to vector<16xf32>
          %max3A_1993 = arith.maximumf %max3A_1937, %get3A_1992 : vector<16xf32>
          %mul3A_1994 = arith.constant 8 : i32
          %mul3A_1995 = arith.muli %sub3A_105, %mul3A_1994 : i32
          %mul3A_1996 = arith.constant 32 : i32
          %mul3A_1997 = arith.muli %mul3A_1995, %mul3A_1996 : i32
          %mul3A_1998 = arith.constant 32 : i32
          %mul3A_1999 = arith.muli %scan3A_216, %mul3A_1998 : i32
          %add3A_2000 = arith.addi %mul3A_1997, %mul3A_1999 : i32
          %add3A_2001 = arith.constant 31 : i32
          %add3A_2002 = arith.addi %add3A_2000, %add3A_2001 : i32
          %get3A_2003 = arith.index_cast %add3A_2002 : i32 to index
          %get3A_2004 = arith.constant 48 : index
          %get3A_2005 = tpu.vector_load %arg9[%get3A_2003, %get3A_2004] {strides = array<i32>} : memref<512x128xf32, #tpu.memory_space<vmem>>, vector<1x16xf32>,
          %get3A_2006 = vector.shape_cast %get3A_2005 : vector<1x16xf32> to vector<16xf32>
          %max3A_2007 = arith.maximumf %max3A_1951, %get3A_2006 : vector<16xf32>
          %mul3A_2008 = arith.constant 8 : i32
          %mul3A_2009 = arith.muli %sub3A_105, %mul3A_2008 : i32
          %add3A_2010 = arith.addi %mul3A_2009, %scan3A_216 : i32
          %get3A_2011 = arith.index_cast %add3A_2010 : i32 to index
          %get3A_2012 = memref.load %arg11[%get3A_2011] : memref<16xi32, #tpu.memory_space<smem>>
          %gt3A_2013 = arith.constant 0 : i32
          %gt3A_2014 = arith.cmpi sgt, %get3A_2012, %gt3A_2013 : i32
          %convert_element_type3A_2015 = arith.extui %gt3A_2014 : i1 to i32
          %cond3A_2016 = arith.constant 0 : i32
          %cond3A_2017 = arith.cmpi ne, %convert_element_type3A_2015, %cond3A_2016 : i32
          scf.if %cond3A_2017 {
            %mul3A_2022 = arith.constant 8 : i32
            %mul3A_2023 = arith.muli %sub3A_209, %mul3A_2022 : i32
            %add3A_2024 = arith.addi %mul3A_2023, %scan3A_216 : i32
            %swap3A = arith.index_cast %add3A_2024 : i32 to index
            %swap3A_2025 = arith.constant 0 : index
            %swap3A_2026 = tpu.vector_load %arg10[%swap3A, %swap3A_2025] {strides = array<i32>} : memref<128x128xf32, #tpu.memory_space<vmem>>, vector<1x16xf32>,
            %swap3A_2027 = vector.shape_cast %swap3A_2026 : vector<1x16xf32> to vector<16xf32>
            %swap3A_2028 = vector.shape_cast %max3A_1965 : vector<16xf32> to vector<1x16xf32>
            tpu.vector_store %arg10[%swap3A, %swap3A_2025], %swap3A_2028 {strides = array<i32>} : memref<128x128xf32, #tpu.memory_space<vmem>>, vector<1x16xf32>,
            %mul3A_2029 = arith.constant 8 : i32
            %mul3A_2030 = arith.muli %sub3A_209, %mul3A_2029 : i32
            %add3A_2031 = arith.addi %mul3A_2030, %scan3A_216 : i32
            %swap3A_2032 = arith.index_cast %add3A_2031 : i32 to index
            %swap3A_2033 = arith.constant 16 : index
            %swap3A_2034 = tpu.vector_load %arg10[%swap3A_2032, %swap3A_2033] {strides = array<i32>} : memref<128x128xf32, #tpu.memory_space<vmem>>, vector<1x16xf32>,
            %swap3A_2035 = vector.shape_cast %swap3A_2034 : vector<1x16xf32> to vector<16xf32>
            %swap3A_2036 = vector.shape_cast %max3A_1979 : vector<16xf32> to vector<1x16xf32>
            tpu.vector_store %arg10[%swap3A_2032, %swap3A_2033], %swap3A_2036 {strides = array<i32>} : memref<128x128xf32, #tpu.memory_space<vmem>>, vector<1x16xf32>,
            %mul3A_2037 = arith.constant 8 : i32
            %mul3A_2038 = arith.muli %sub3A_209, %mul3A_2037 : i32
            %add3A_2039 = arith.addi %mul3A_2038, %scan3A_216 : i32
            %swap3A_2040 = arith.index_cast %add3A_2039 : i32 to index
            %swap3A_2041 = arith.constant 32 : index
            %swap3A_2042 = tpu.vector_load %arg10[%swap3A_2040, %swap3A_2041] {strides = array<i32>} : memref<128x128xf32, #tpu.memory_space<vmem>>, vector<1x16xf32>,
            %swap3A_2043 = vector.shape_cast %swap3A_2042 : vector<1x16xf32> to vector<16xf32>
            %swap3A_2044 = vector.shape_cast %max3A_1993 : vector<16xf32> to vector<1x16xf32>
            tpu.vector_store %arg10[%swap3A_2040, %swap3A_2041], %swap3A_2044 {strides = array<i32>} : memref<128x128xf32, #tpu.memory_space<vmem>>, vector<1x16xf32>,
            %mul3A_2045 = arith.constant 8 : i32
            %mul3A_2046 = arith.muli %sub3A_209, %mul3A_2045 : i32
            %add3A_2047 = arith.addi %mul3A_2046, %scan3A_216 : i32
            %swap3A_2048 = arith.index_cast %add3A_2047 : i32 to index
            %swap3A_2049 = arith.constant 48 : index
            %swap3A_2050 = tpu.vector_load %arg10[%swap3A_2048, %swap3A_2049] {strides = array<i32>} : memref<128x128xf32, #tpu.memory_space<vmem>>, vector<1x16xf32>,
            %swap3A_2051 = vector.shape_cast %swap3A_2050 : vector<1x16xf32> to vector<16xf32>
            %swap3A_2052 = vector.shape_cast %max3A_2007 : vector<16xf32> to vector<1x16xf32>
            tpu.vector_store %arg10[%swap3A_2048, %swap3A_2049], %swap3A_2052 {strides = array<i32>} : memref<128x128xf32, #tpu.memory_space<vmem>>, vector<1x16xf32>,
          } else {
          }
          %not3A = arith.constant true
          %not3A_2018 = arith.xori %gt3A_2014, %not3A : i1
          %convert_element_type3A_2019 = arith.extui %not3A_2018 : i1 to i32
          %cond3A_2020 = arith.constant 0 : i32
          %cond3A_2021 = arith.cmpi ne, %convert_element_type3A_2019, %cond3A_2020 : i32
          scf.if %cond3A_2021 {
            %mul3A_2022 = arith.constant 8 : i32
            %mul3A_2023 = arith.muli %sub3A_209, %mul3A_2022 : i32
            %add3A_2024 = arith.addi %mul3A_2023, %scan3A_216 : i32
            %swap3A = arith.index_cast %add3A_2024 : i32 to index
            %swap3A_2025 = arith.constant 0 : index
            %swap3A_2026 = tpu.vector_load %arg10[%swap3A, %swap3A_2025] {strides = array<i32>} : memref<128x128xf32, #tpu.memory_space<vmem>>, vector<1x16xf32>,
            %swap3A_2027 = vector.shape_cast %swap3A_2026 : vector<1x16xf32> to vector<16xf32>
            %swap3A_2028 = vector.shape_cast %broadcast_in_dim3A_25 : vector<16xf32> to vector<1x16xf32>
            tpu.vector_store %arg10[%swap3A, %swap3A_2025], %swap3A_2028 {strides = array<i32>} : memref<128x128xf32, #tpu.memory_space<vmem>>, vector<1x16xf32>,
            %mul3A_2029 = arith.constant 8 : i32
            %mul3A_2030 = arith.muli %sub3A_209, %mul3A_2029 : i32
            %add3A_2031 = arith.addi %mul3A_2030, %scan3A_216 : i32
            %swap3A_2032 = arith.index_cast %add3A_2031 : i32 to index
            %swap3A_2033 = arith.constant 16 : index
            %swap3A_2034 = tpu.vector_load %arg10[%swap3A_2032, %swap3A_2033] {strides = array<i32>} : memref<128x128xf32, #tpu.memory_space<vmem>>, vector<1x16xf32>,
            %swap3A_2035 = vector.shape_cast %swap3A_2034 : vector<1x16xf32> to vector<16xf32>
            %swap3A_2036 = vector.shape_cast %broadcast_in_dim3A_25 : vector<16xf32> to vector<1x16xf32>
            tpu.vector_store %arg10[%swap3A_2032, %swap3A_2033], %swap3A_2036 {strides = array<i32>} : memref<128x128xf32, #tpu.memory_space<vmem>>, vector<1x16xf32>,
            %mul3A_2037 = arith.constant 8 : i32
            %mul3A_2038 = arith.muli %sub3A_209, %mul3A_2037 : i32
            %add3A_2039 = arith.addi %mul3A_2038, %scan3A_216 : i32
            %swap3A_2040 = arith.index_cast %add3A_2039 : i32 to index
            %swap3A_2041 = arith.constant 32 : index
            %swap3A_2042 = tpu.vector_load %arg10[%swap3A_2040, %swap3A_2041] {strides = array<i32>} : memref<128x128xf32, #tpu.memory_space<vmem>>, vector<1x16xf32>,
            %swap3A_2043 = vector.shape_cast %swap3A_2042 : vector<1x16xf32> to vector<16xf32>
            %swap3A_2044 = vector.shape_cast %broadcast_in_dim3A_25 : vector<16xf32> to vector<1x16xf32>
            tpu.vector_store %arg10[%swap3A_2040, %swap3A_2041], %swap3A_2044 {strides = array<i32>} : memref<128x128xf32, #tpu.memory_space<vmem>>, vector<1x16xf32>,
            %mul3A_2045 = arith.constant 8 : i32
            %mul3A_2046 = arith.muli %sub3A_209, %mul3A_2045 : i32
            %add3A_2047 = arith.addi %mul3A_2046, %scan3A_216 : i32
            %swap3A_2048 = arith.index_cast %add3A_2047 : i32 to index
            %swap3A_2049 = arith.constant 48 : index
            %swap3A_2050 = tpu.vector_load %arg10[%swap3A_2048, %swap3A_2049] {strides = array<i32>} : memref<128x128xf32, #tpu.memory_space<vmem>>, vector<1x16xf32>,
            %swap3A_2051 = vector.shape_cast %swap3A_2050 : vector<1x16xf32> to vector<16xf32>
            %swap3A_2052 = vector.shape_cast %broadcast_in_dim3A_25 : vector<16xf32> to vector<1x16xf32>
            tpu.vector_store %arg10[%swap3A_2048, %swap3A_2049], %swap3A_2052 {strides = array<i32>} : memref<128x128xf32, #tpu.memory_space<vmem>>, vector<1x16xf32>,
          } else {
          }
        }
        %scan3A_215 = arith.constant 8 : i32
      } else {
      }
      %mul3A_136 = arith.constant 2 : i32
      %mul3A_137 = arith.muli %and3A_103, %mul3A_136 : i32
      %add3A_138 = arith.constant 0 : i32
      %add3A_139 = arith.addi %mul3A_137, %add3A_138 : i32
      %mul3A_140 = arith.constant 8 : i32
      %mul3A_141 = arith.muli %and3A_103, %mul3A_140 : i32
      %mul3A_142 = arith.constant 32 : i32
      %mul3A_143 = arith.muli %mul3A_141, %mul3A_142 : i32
      %add3A_144 = arith.constant 0 : i32
      %add3A_145 = arith.addi %mul3A_143, %add3A_144 : i32
      %dma_start3A_146 = arith.constant 0 : i32
      %dma_start3A_147 = tpu.memref_slice %arg9[%add3A_145, %dma_start3A_146] : memref<512x128xf32, #tpu.memory_space<vmem>> -> memref<128x128xf32, #tpu.memory_space<vmem>>
      %dma_start3A_148 = arith.constant 0 : i32
      %dma_start3A_149 = tpu.memref_slice %arg8[%add3A_139, %dma_start3A_148] : memref<4x128xi32, #tpu.memory_space<vmem>> -> memref<1x128xi32, #tpu.memory_space<vmem>>
      %dma_start3A_150 = tpu.memref_squeeze %dma_start3A_149 : memref<1x128xi32, #tpu.memory_space<vmem>> -> memref<128xi32, #tpu.memory_space<vmem>>
      %dma_start3A_151 = arith.constant 0 : i32
      %dma_start3A_152 = arith.constant 0 : i32
      %dma_start3A_153 = tpu.memref_slice %arg3[%dma_start3A_151, %dma_start3A_152] : memref<32768x128xf32, #tpu.memory_space<hbm>> -> memref<32768x128xf32, #tpu.memory_space<hbm>>
      tpu.enqueue_indirect_dma source(%dma_start3A_153 : memref<32768x128xf32, #tpu.memory_space<hbm>>) target(%dma_start3A_147 : memref<128x128xf32, #tpu.memory_space<vmem>>) offsets(%dma_start3A_150 : memref<128xi32, #tpu.memory_space<vmem>>) semaphore(%arg13 : memref<!tpu.dma_semaphore, #tpu.memory_space<semaphore_mem>>)
      %mul3A_154 = arith.constant 2 : i32
      %mul3A_155 = arith.muli %and3A_103, %mul3A_154 : i32
      %add3A_156 = arith.constant 1 : i32
      %add3A_157 = arith.addi %mul3A_155, %add3A_156 : i32
      %mul3A_158 = arith.constant 8 : i32
      %mul3A_159 = arith.muli %and3A_103, %mul3A_158 : i32
      %mul3A_160 = arith.constant 32 : i32
      %mul3A_161 = arith.muli %mul3A_159, %mul3A_160 : i32
      %add3A_162 = arith.constant 128 : i32
      %add3A_163 = arith.addi %mul3A_161, %add3A_162 : i32
      %dma_start3A_164 = arith.constant 0 : i32
      %dma_start3A_165 = tpu.memref_slice %arg9[%add3A_163, %dma_start3A_164] : memref<512x128xf32, #tpu.memory_space<vmem>> -> memref<128x128xf32, #tpu.memory_space<vmem>>
      %dma_start3A_166 = arith.constant 0 : i32
      %dma_start3A_167 = tpu.memref_slice %arg8[%add3A_157, %dma_start3A_166] : memref<4x128xi32, #tpu.memory_space<vmem>> -> memref<1x128xi32, #tpu.memory_space<vmem>>
      %dma_start3A_168 = tpu.memref_squeeze %dma_start3A_167 : memref<1x128xi32, #tpu.memory_space<vmem>> -> memref<128xi32, #tpu.memory_space<vmem>>
      %dma_start3A_169 = arith.constant 0 : i32
      %dma_start3A_170 = arith.constant 0 : i32
      %dma_start3A_171 = tpu.memref_slice %arg3[%dma_start3A_169, %dma_start3A_170] : memref<32768x128xf32, #tpu.memory_space<hbm>> -> memref<32768x128xf32, #tpu.memory_space<hbm>>
      tpu.enqueue_indirect_dma source(%dma_start3A_171 : memref<32768x128xf32, #tpu.memory_space<hbm>>) target(%dma_start3A_165 : memref<128x128xf32, #tpu.memory_space<vmem>>) offsets(%dma_start3A_168 : memref<128xi32, #tpu.memory_space<vmem>>) semaphore(%arg13 : memref<!tpu.dma_semaphore, #tpu.memory_space<semaphore_mem>>)
    }
    %scan3A_75 = arith.constant 16 : i32
    %dma_wait3A = arith.constant 2 : i32
    %dma_wait3A_76 = arith.constant 256 : i32
    %dma_wait3A_77 = arith.constant 0 : i32
    %dma_wait3A_78 = tpu.memref_slice %arg9[%dma_wait3A_76, %dma_wait3A_77] : memref<512x128xf32, #tpu.memory_space<vmem>> -> memref<128x128xf32, #tpu.memory_space<vmem>>
    %dma_wait3A_79 = arith.constant 0 : i32
    %dma_wait3A_80 = tpu.memref_slice %arg8[%dma_wait3A, %dma_wait3A_79] : memref<4x128xi32, #tpu.memory_space<vmem>> -> memref<1x128xi32, #tpu.memory_space<vmem>>
    %dma_wait3A_81 = tpu.memref_squeeze %dma_wait3A_80 : memref<1x128xi32, #tpu.memory_space<vmem>> -> memref<128xi32, #tpu.memory_space<vmem>>
    %dma_wait3A_82 = arith.constant 0 : i32
    %dma_wait3A_83 = arith.constant 0 : i32
    %dma_wait3A_84 = tpu.memref_slice %arg3[%dma_wait3A_82, %dma_wait3A_83] : memref<32768x128xf32, #tpu.memory_space<hbm>> -> memref<32768x128xf32, #tpu.memory_space<hbm>>
    tpu.wait_indirect_dma semaphore(%arg13 : memref<!tpu.dma_semaphore, #tpu.memory_space<semaphore_mem>>) src(%dma_wait3A_84 : memref<32768x128xf32, #tpu.memory_space<hbm>>) dst(%dma_wait3A_78 : memref<128x128xf32, #tpu.memory_space<vmem>>)
    %dma_wait3A_85 = arith.constant 3 : i32
    %dma_wait3A_86 = arith.constant 384 : i32
    %dma_wait3A_87 = arith.constant 0 : i32
    %dma_wait3A_88 = tpu.memref_slice %arg9[%dma_wait3A_86, %dma_wait3A_87] : memref<512x128xf32, #tpu.memory_space<vmem>> -> memref<128x128xf32, #tpu.memory_space<vmem>>
    %dma_wait3A_89 = arith.constant 0 : i32
    %dma_wait3A_90 = tpu.memref_slice %arg8[%dma_wait3A_85, %dma_wait3A_89] : memref<4x128xi32, #tpu.memory_space<vmem>> -> memref<1x128xi32, #tpu.memory_space<vmem>>
    %dma_wait3A_91 = tpu.memref_squeeze %dma_wait3A_90 : memref<1x128xi32, #tpu.memory_space<vmem>> -> memref<128xi32, #tpu.memory_space<vmem>>
    %dma_wait3A_92 = arith.constant 0 : i32
    %dma_wait3A_93 = arith.constant 0 : i32
    %dma_wait3A_94 = tpu.memref_slice %arg3[%dma_wait3A_92, %dma_wait3A_93] : memref<32768x128xf32, #tpu.memory_space<hbm>> -> memref<32768x128xf32, #tpu.memory_space<hbm>>
    tpu.wait_indirect_dma semaphore(%arg13 : memref<!tpu.dma_semaphore, #tpu.memory_space<semaphore_mem>>) src(%dma_wait3A_94 : memref<32768x128xf32, #tpu.memory_space<hbm>>) dst(%dma_wait3A_88 : memref<128x128xf32, #tpu.memory_space<vmem>>)
    %scan3A_95 = arith.constant 0 : i32
    %scan3A_96 = arith.constant 0 : i32
    %scan3A_97 = arith.constant 8 : i32
    %scan3A_98 = arith.addi %scan3A_96, %scan3A_97 : i32
    %scan3A_99 = arith.constant 1 : i32
    scf.for %scan3A_101 = %scan3A_96 to %scan3A_98 step %scan3A_99  : i32 {
      %mul3A_102 = arith.constant 32 : i32
      %mul3A_103 = arith.muli %scan3A_101, %mul3A_102 : i32
      %add3A_104 = arith.constant 256 : i32
      %add3A_105 = arith.addi %add3A_104, %mul3A_103 : i32
      %add3A_106 = arith.constant 0 : i32
      %add3A_107 = arith.addi %add3A_105, %add3A_106 : i32
      %get3A = arith.index_cast %add3A_107 : i32 to index
      %get3A_108 = arith.constant 0 : index
      %get3A_109 = tpu.vector_load %arg9[%get3A, %get3A_108] {strides = array<i32>} : memref<512x128xf32, #tpu.memory_space<vmem>>, vector<1x16xf32>,
      %get3A_110 = vector.shape_cast %get3A_109 : vector<1x16xf32> to vector<16xf32>
      %max3A_111 = arith.maximumf %broadcast_in_dim3A_25, %get3A_110 : vector<16xf32>
      %mul3A_112 = arith.constant 32 : i32
      %mul3A_113 = arith.muli %scan3A_101, %mul3A_112 : i32
      %add3A_114 = arith.constant 256 : i32
      %add3A_115 = arith.addi %add3A_114, %mul3A_113 : i32
      %add3A_116 = arith.constant 0 : i32
      %add3A_117 = arith.addi %add3A_115, %add3A_116 : i32
      %get3A_118 = arith.index_cast %add3A_117 : i32 to index
      %get3A_119 = arith.constant 16 : index
      %get3A_120 = tpu.vector_load %arg9[%get3A_118, %get3A_119] {strides = array<i32>} : memref<512x128xf32, #tpu.memory_space<vmem>>, vector<1x16xf32>,
      %get3A_121 = vector.shape_cast %get3A_120 : vector<1x16xf32> to vector<16xf32>
      %max3A_122 = arith.maximumf %broadcast_in_dim3A_25, %get3A_121 : vector<16xf32>
      %mul3A_123 = arith.constant 32 : i32
      %mul3A_124 = arith.muli %scan3A_101, %mul3A_123 : i32
      %add3A_125 = arith.constant 256 : i32
      %add3A_126 = arith.addi %add3A_125, %mul3A_124 : i32
      %add3A_127 = arith.constant 0 : i32
      %add3A_128 = arith.addi %add3A_126, %add3A_127 : i32
      %get3A_129 = arith.index_cast %add3A_128 : i32 to index
      %get3A_130 = arith.constant 32 : index
      %get3A_131 = tpu.vector_load %arg9[%get3A_129, %get3A_130] {strides = array<i32>} : memref<512x128xf32, #tpu.memory_space<vmem>>, vector<1x16xf32>,
      %get3A_132 = vector.shape_cast %get3A_131 : vector<1x16xf32> to vector<16xf32>
      %max3A_133 = arith.maximumf %broadcast_in_dim3A_25, %get3A_132 : vector<16xf32>
      %mul3A_134 = arith.constant 32 : i32
      %mul3A_135 = arith.muli %scan3A_101, %mul3A_134 : i32
      %add3A_136 = arith.constant 256 : i32
      %add3A_137 = arith.addi %add3A_136, %mul3A_135 : i32
      %add3A_138 = arith.constant 0 : i32
      %add3A_139 = arith.addi %add3A_137, %add3A_138 : i32
      %get3A_140 = arith.index_cast %add3A_139 : i32 to index
      %get3A_141 = arith.constant 48 : index
      %get3A_142 = tpu.vector_load %arg9[%get3A_140, %get3A_141] {strides = array<i32>} : memref<512x128xf32, #tpu.memory_space<vmem>>, vector<1x16xf32>,
      %get3A_143 = vector.shape_cast %get3A_142 : vector<1x16xf32> to vector<16xf32>
      %max3A_144 = arith.maximumf %broadcast_in_dim3A_25, %get3A_143 : vector<16xf32>
      %mul3A_145 = arith.constant 32 : i32
      %mul3A_146 = arith.muli %scan3A_101, %mul3A_145 : i32
      %add3A_147 = arith.constant 256 : i32
      %add3A_148 = arith.addi %add3A_147, %mul3A_146 : i32
      %add3A_149 = arith.constant 1 : i32
      %add3A_150 = arith.addi %add3A_148, %add3A_149 : i32
      %get3A_151 = arith.index_cast %add3A_150 : i32 to index
      %get3A_152 = arith.constant 0 : index
      %get3A_153 = tpu.vector_load %arg9[%get3A_151, %get3A_152] {strides = array<i32>} : memref<512x128xf32, #tpu.memory_space<vmem>>, vector<1x16xf32>,
      %get3A_154 = vector.shape_cast %get3A_153 : vector<1x16xf32> to vector<16xf32>
      %max3A_155 = arith.maximumf %max3A_111, %get3A_154 : vector<16xf32>
      %mul3A_156 = arith.constant 32 : i32
      %mul3A_157 = arith.muli %scan3A_101, %mul3A_156 : i32
      %add3A_158 = arith.constant 256 : i32
      %add3A_159 = arith.addi %add3A_158, %mul3A_157 : i32
      %add3A_160 = arith.constant 1 : i32
      %add3A_161 = arith.addi %add3A_159, %add3A_160 : i32
      %get3A_162 = arith.index_cast %add3A_161 : i32 to index
      %get3A_163 = arith.constant 16 : index
      %get3A_164 = tpu.vector_load %arg9[%get3A_162, %get3A_163] {strides = array<i32>} : memref<512x128xf32, #tpu.memory_space<vmem>>, vector<1x16xf32>,
      %get3A_165 = vector.shape_cast %get3A_164 : vector<1x16xf32> to vector<16xf32>
      %max3A_166 = arith.maximumf %max3A_122, %get3A_165 : vector<16xf32>
      %mul3A_167 = arith.constant 32 : i32
      %mul3A_168 = arith.muli %scan3A_101, %mul3A_167 : i32
      %add3A_169 = arith.constant 256 : i32
      %add3A_170 = arith.addi %add3A_169, %mul3A_168 : i32
      %add3A_171 = arith.constant 1 : i32
      %add3A_172 = arith.addi %add3A_170, %add3A_171 : i32
      %get3A_173 = arith.index_cast %add3A_172 : i32 to index
      %get3A_174 = arith.constant 32 : index
      %get3A_175 = tpu.vector_load %arg9[%get3A_173, %get3A_174] {strides = array<i32>} : memref<512x128xf32, #tpu.memory_space<vmem>>, vector<1x16xf32>,
      %get3A_176 = vector.shape_cast %get3A_175 : vector<1x16xf32> to vector<16xf32>
      %max3A_177 = arith.maximumf %max3A_133, %get3A_176 : vector<16xf32>
      %mul3A_178 = arith.constant 32 : i32
      %mul3A_179 = arith.muli %scan3A_101, %mul3A_178 : i32
      %add3A_180 = arith.constant 256 : i32
      %add3A_181 = arith.addi %add3A_180, %mul3A_179 : i32
      %add3A_182 = arith.constant 1 : i32
      %add3A_183 = arith.addi %add3A_181, %add3A_182 : i32
      %get3A_184 = arith.index_cast %add3A_183 : i32 to index
      %get3A_185 = arith.constant 48 : index
      %get3A_186 = tpu.vector_load %arg9[%get3A_184, %get3A_185] {strides = array<i32>} : memref<512x128xf32, #tpu.memory_space<vmem>>, vector<1x16xf32>,
      %get3A_187 = vector.shape_cast %get3A_186 : vector<1x16xf32> to vector<16xf32>
      %max3A_188 = arith.maximumf %max3A_144, %get3A_187 : vector<16xf32>
      %mul3A_189 = arith.constant 32 : i32
      %mul3A_190 = arith.muli %scan3A_101, %mul3A_189 : i32
      %add3A_191 = arith.constant 256 : i32
      %add3A_192 = arith.addi %add3A_191, %mul3A_190 : i32
      %add3A_193 = arith.constant 2 : i32
      %add3A_194 = arith.addi %add3A_192, %add3A_193 : i32
      %get3A_195 = arith.index_cast %add3A_194 : i32 to index
      %get3A_196 = arith.constant 0 : index
      %get3A_197 = tpu.vector_load %arg9[%get3A_195, %get3A_196] {strides = array<i32>} : memref<512x128xf32, #tpu.memory_space<vmem>>, vector<1x16xf32>,
      %get3A_198 = vector.shape_cast %get3A_197 : vector<1x16xf32> to vector<16xf32>
      %max3A_199 = arith.maximumf %max3A_155, %get3A_198 : vector<16xf32>
      %mul3A_200 = arith.constant 32 : i32
      %mul3A_201 = arith.muli %scan3A_101, %mul3A_200 : i32
      %add3A_202 = arith.constant 256 : i32
      %add3A_203 = arith.addi %add3A_202, %mul3A_201 : i32
      %add3A_204 = arith.constant 2 : i32
      %add3A_205 = arith.addi %add3A_203, %add3A_204 : i32
      %get3A_206 = arith.index_cast %add3A_205 : i32 to index
      %get3A_207 = arith.constant 16 : index
      %get3A_208 = tpu.vector_load %arg9[%get3A_206, %get3A_207] {strides = array<i32>} : memref<512x128xf32, #tpu.memory_space<vmem>>, vector<1x16xf32>,
      %get3A_209 = vector.shape_cast %get3A_208 : vector<1x16xf32> to vector<16xf32>
      %max3A_210 = arith.maximumf %max3A_166, %get3A_209 : vector<16xf32>
      %mul3A_211 = arith.constant 32 : i32
      %mul3A_212 = arith.muli %scan3A_101, %mul3A_211 : i32
      %add3A_213 = arith.constant 256 : i32
      %add3A_214 = arith.addi %add3A_213, %mul3A_212 : i32
      %add3A_215 = arith.constant 2 : i32
      %add3A_216 = arith.addi %add3A_214, %add3A_215 : i32
      %get3A_217 = arith.index_cast %add3A_216 : i32 to index
      %get3A_218 = arith.constant 32 : index
      %get3A_219 = tpu.vector_load %arg9[%get3A_217, %get3A_218] {strides = array<i32>} : memref<512x128xf32, #tpu.memory_space<vmem>>, vector<1x16xf32>,
      %get3A_220 = vector.shape_cast %get3A_219 : vector<1x16xf32> to vector<16xf32>
      %max3A_221 = arith.maximumf %max3A_177, %get3A_220 : vector<16xf32>
      %mul3A_222 = arith.constant 32 : i32
      %mul3A_223 = arith.muli %scan3A_101, %mul3A_222 : i32
      %add3A_224 = arith.constant 256 : i32
      %add3A_225 = arith.addi %add3A_224, %mul3A_223 : i32
      %add3A_226 = arith.constant 2 : i32
      %add3A_227 = arith.addi %add3A_225, %add3A_226 : i32
      %get3A_228 = arith.index_cast %add3A_227 : i32 to index
      %get3A_229 = arith.constant 48 : index
      %get3A_230 = tpu.vector_load %arg9[%get3A_228, %get3A_229] {strides = array<i32>} : memref<512x128xf32, #tpu.memory_space<vmem>>, vector<1x16xf32>,
      %get3A_231 = vector.shape_cast %get3A_230 : vector<1x16xf32> to vector<16xf32>
      %max3A_232 = arith.maximumf %max3A_188, %get3A_231 : vector<16xf32>
      %mul3A_233 = arith.constant 32 : i32
      %mul3A_234 = arith.muli %scan3A_101, %mul3A_233 : i32
      %add3A_235 = arith.constant 256 : i32
      %add3A_236 = arith.addi %add3A_235, %mul3A_234 : i32
      %add3A_237 = arith.constant 3 : i32
      %add3A_238 = arith.addi %add3A_236, %add3A_237 : i32
      %get3A_239 = arith.index_cast %add3A_238 : i32 to index
      %get3A_240 = arith.constant 0 : index
      %get3A_241 = tpu.vector_load %arg9[%get3A_239, %get3A_240] {strides = array<i32>} : memref<512x128xf32, #tpu.memory_space<vmem>>, vector<1x16xf32>,
      %get3A_242 = vector.shape_cast %get3A_241 : vector<1x16xf32> to vector<16xf32>
      %max3A_243 = arith.maximumf %max3A_199, %get3A_242 : vector<16xf32>
      %mul3A_244 = arith.constant 32 : i32
      %mul3A_245 = arith.muli %scan3A_101, %mul3A_244 : i32
      %add3A_246 = arith.constant 256 : i32
      %add3A_247 = arith.addi %add3A_246, %mul3A_245 : i32
      %add3A_248 = arith.constant 3 : i32
      %add3A_249 = arith.addi %add3A_247, %add3A_248 : i32
      %get3A_250 = arith.index_cast %add3A_249 : i32 to index
      %get3A_251 = arith.constant 16 : index
      %get3A_252 = tpu.vector_load %arg9[%get3A_250, %get3A_251] {strides = array<i32>} : memref<512x128xf32, #tpu.memory_space<vmem>>, vector<1x16xf32>,
      %get3A_253 = vector.shape_cast %get3A_252 : vector<1x16xf32> to vector<16xf32>
      %max3A_254 = arith.maximumf %max3A_210, %get3A_253 : vector<16xf32>
      %mul3A_255 = arith.constant 32 : i32
      %mul3A_256 = arith.muli %scan3A_101, %mul3A_255 : i32
      %add3A_257 = arith.constant 256 : i32
      %add3A_258 = arith.addi %add3A_257, %mul3A_256 : i32
      %add3A_259 = arith.constant 3 : i32
      %add3A_260 = arith.addi %add3A_258, %add3A_259 : i32
      %get3A_261 = arith.index_cast %add3A_260 : i32 to index
      %get3A_262 = arith.constant 32 : index
      %get3A_263 = tpu.vector_load %arg9[%get3A_261, %get3A_262] {strides = array<i32>} : memref<512x128xf32, #tpu.memory_space<vmem>>, vector<1x16xf32>,
      %get3A_264 = vector.shape_cast %get3A_263 : vector<1x16xf32> to vector<16xf32>
      %max3A_265 = arith.maximumf %max3A_221, %get3A_264 : vector<16xf32>
      %mul3A_266 = arith.constant 32 : i32
      %mul3A_267 = arith.muli %scan3A_101, %mul3A_266 : i32
      %add3A_268 = arith.constant 256 : i32
      %add3A_269 = arith.addi %add3A_268, %mul3A_267 : i32
      %add3A_270 = arith.constant 3 : i32
      %add3A_271 = arith.addi %add3A_269, %add3A_270 : i32
      %get3A_272 = arith.index_cast %add3A_271 : i32 to index
      %get3A_273 = arith.constant 48 : index
      %get3A_274 = tpu.vector_load %arg9[%get3A_272, %get3A_273] {strides = array<i32>} : memref<512x128xf32, #tpu.memory_space<vmem>>, vector<1x16xf32>,
      %get3A_275 = vector.shape_cast %get3A_274 : vector<1x16xf32> to vector<16xf32>
      %max3A_276 = arith.maximumf %max3A_232, %get3A_275 : vector<16xf32>
      %mul3A_277 = arith.constant 32 : i32
      %mul3A_278 = arith.muli %scan3A_101, %mul3A_277 : i32
      %add3A_279 = arith.constant 256 : i32
      %add3A_280 = arith.addi %add3A_279, %mul3A_278 : i32
      %add3A_281 = arith.constant 4 : i32
      %add3A_282 = arith.addi %add3A_280, %add3A_281 : i32
      %get3A_283 = arith.index_cast %add3A_282 : i32 to index
      %get3A_284 = arith.constant 0 : index
      %get3A_285 = tpu.vector_load %arg9[%get3A_283, %get3A_284] {strides = array<i32>} : memref<512x128xf32, #tpu.memory_space<vmem>>, vector<1x16xf32>,
      %get3A_286 = vector.shape_cast %get3A_285 : vector<1x16xf32> to vector<16xf32>
      %max3A_287 = arith.maximumf %max3A_243, %get3A_286 : vector<16xf32>
      %mul3A_288 = arith.constant 32 : i32
      %mul3A_289 = arith.muli %scan3A_101, %mul3A_288 : i32
      %add3A_290 = arith.constant 256 : i32
      %add3A_291 = arith.addi %add3A_290, %mul3A_289 : i32
      %add3A_292 = arith.constant 4 : i32
      %add3A_293 = arith.addi %add3A_291, %add3A_292 : i32
      %get3A_294 = arith.index_cast %add3A_293 : i32 to index
      %get3A_295 = arith.constant 16 : index
      %get3A_296 = tpu.vector_load %arg9[%get3A_294, %get3A_295] {strides = array<i32>} : memref<512x128xf32, #tpu.memory_space<vmem>>, vector<1x16xf32>,
      %get3A_297 = vector.shape_cast %get3A_296 : vector<1x16xf32> to vector<16xf32>
      %max3A_298 = arith.maximumf %max3A_254, %get3A_297 : vector<16xf32>
      %mul3A_299 = arith.constant 32 : i32
      %mul3A_300 = arith.muli %scan3A_101, %mul3A_299 : i32
      %add3A_301 = arith.constant 256 : i32
      %add3A_302 = arith.addi %add3A_301, %mul3A_300 : i32
      %add3A_303 = arith.constant 4 : i32
      %add3A_304 = arith.addi %add3A_302, %add3A_303 : i32
      %get3A_305 = arith.index_cast %add3A_304 : i32 to index
      %get3A_306 = arith.constant 32 : index
      %get3A_307 = tpu.vector_load %arg9[%get3A_305, %get3A_306] {strides = array<i32>} : memref<512x128xf32, #tpu.memory_space<vmem>>, vector<1x16xf32>,
      %get3A_308 = vector.shape_cast %get3A_307 : vector<1x16xf32> to vector<16xf32>
      %max3A_309 = arith.maximumf %max3A_265, %get3A_308 : vector<16xf32>
      %mul3A_310 = arith.constant 32 : i32
      %mul3A_311 = arith.muli %scan3A_101, %mul3A_310 : i32
      %add3A_312 = arith.constant 256 : i32
      %add3A_313 = arith.addi %add3A_312, %mul3A_311 : i32
      %add3A_314 = arith.constant 4 : i32
      %add3A_315 = arith.addi %add3A_313, %add3A_314 : i32
      %get3A_316 = arith.index_cast %add3A_315 : i32 to index
      %get3A_317 = arith.constant 48 : index
      %get3A_318 = tpu.vector_load %arg9[%get3A_316, %get3A_317] {strides = array<i32>} : memref<512x128xf32, #tpu.memory_space<vmem>>, vector<1x16xf32>,
      %get3A_319 = vector.shape_cast %get3A_318 : vector<1x16xf32> to vector<16xf32>
      %max3A_320 = arith.maximumf %max3A_276, %get3A_319 : vector<16xf32>
      %mul3A_321 = arith.constant 32 : i32
      %mul3A_322 = arith.muli %scan3A_101, %mul3A_321 : i32
      %add3A_323 = arith.constant 256 : i32
      %add3A_324 = arith.addi %add3A_323, %mul3A_322 : i32
      %add3A_325 = arith.constant 5 : i32
      %add3A_326 = arith.addi %add3A_324, %add3A_325 : i32
      %get3A_327 = arith.index_cast %add3A_326 : i32 to index
      %get3A_328 = arith.constant 0 : index
      %get3A_329 = tpu.vector_load %arg9[%get3A_327, %get3A_328] {strides = array<i32>} : memref<512x128xf32, #tpu.memory_space<vmem>>, vector<1x16xf32>,
      %get3A_330 = vector.shape_cast %get3A_329 : vector<1x16xf32> to vector<16xf32>
      %max3A_331 = arith.maximumf %max3A_287, %get3A_330 : vector<16xf32>
      %mul3A_332 = arith.constant 32 : i32
      %mul3A_333 = arith.muli %scan3A_101, %mul3A_332 : i32
      %add3A_334 = arith.constant 256 : i32
      %add3A_335 = arith.addi %add3A_334, %mul3A_333 : i32
      %add3A_336 = arith.constant 5 : i32
      %add3A_337 = arith.addi %add3A_335, %add3A_336 : i32
      %get3A_338 = arith.index_cast %add3A_337 : i32 to index
      %get3A_339 = arith.constant 16 : index
      %get3A_340 = tpu.vector_load %arg9[%get3A_338, %get3A_339] {strides = array<i32>} : memref<512x128xf32, #tpu.memory_space<vmem>>, vector<1x16xf32>,
      %get3A_341 = vector.shape_cast %get3A_340 : vector<1x16xf32> to vector<16xf32>
      %max3A_342 = arith.maximumf %max3A_298, %get3A_341 : vector<16xf32>
      %mul3A_343 = arith.constant 32 : i32
      %mul3A_344 = arith.muli %scan3A_101, %mul3A_343 : i32
      %add3A_345 = arith.constant 256 : i32
      %add3A_346 = arith.addi %add3A_345, %mul3A_344 : i32
      %add3A_347 = arith.constant 5 : i32
      %add3A_348 = arith.addi %add3A_346, %add3A_347 : i32
      %get3A_349 = arith.index_cast %add3A_348 : i32 to index
      %get3A_350 = arith.constant 32 : index
      %get3A_351 = tpu.vector_load %arg9[%get3A_349, %get3A_350] {strides = array<i32>} : memref<512x128xf32, #tpu.memory_space<vmem>>, vector<1x16xf32>,
      %get3A_352 = vector.shape_cast %get3A_351 : vector<1x16xf32> to vector<16xf32>
      %max3A_353 = arith.maximumf %max3A_309, %get3A_352 : vector<16xf32>
      %mul3A_354 = arith.constant 32 : i32
      %mul3A_355 = arith.muli %scan3A_101, %mul3A_354 : i32
      %add3A_356 = arith.constant 256 : i32
      %add3A_357 = arith.addi %add3A_356, %mul3A_355 : i32
      %add3A_358 = arith.constant 5 : i32
      %add3A_359 = arith.addi %add3A_357, %add3A_358 : i32
      %get3A_360 = arith.index_cast %add3A_359 : i32 to index
      %get3A_361 = arith.constant 48 : index
      %get3A_362 = tpu.vector_load %arg9[%get3A_360, %get3A_361] {strides = array<i32>} : memref<512x128xf32, #tpu.memory_space<vmem>>, vector<1x16xf32>,
      %get3A_363 = vector.shape_cast %get3A_362 : vector<1x16xf32> to vector<16xf32>
      %max3A_364 = arith.maximumf %max3A_320, %get3A_363 : vector<16xf32>
      %mul3A_365 = arith.constant 32 : i32
      %mul3A_366 = arith.muli %scan3A_101, %mul3A_365 : i32
      %add3A_367 = arith.constant 256 : i32
      %add3A_368 = arith.addi %add3A_367, %mul3A_366 : i32
      %add3A_369 = arith.constant 6 : i32
      %add3A_370 = arith.addi %add3A_368, %add3A_369 : i32
      %get3A_371 = arith.index_cast %add3A_370 : i32 to index
      %get3A_372 = arith.constant 0 : index
      %get3A_373 = tpu.vector_load %arg9[%get3A_371, %get3A_372] {strides = array<i32>} : memref<512x128xf32, #tpu.memory_space<vmem>>, vector<1x16xf32>,
      %get3A_374 = vector.shape_cast %get3A_373 : vector<1x16xf32> to vector<16xf32>
      %max3A_375 = arith.maximumf %max3A_331, %get3A_374 : vector<16xf32>
      %mul3A_376 = arith.constant 32 : i32
      %mul3A_377 = arith.muli %scan3A_101, %mul3A_376 : i32
      %add3A_378 = arith.constant 256 : i32
      %add3A_379 = arith.addi %add3A_378, %mul3A_377 : i32
      %add3A_380 = arith.constant 6 : i32
      %add3A_381 = arith.addi %add3A_379, %add3A_380 : i32
      %get3A_382 = arith.index_cast %add3A_381 : i32 to index
      %get3A_383 = arith.constant 16 : index
      %get3A_384 = tpu.vector_load %arg9[%get3A_382, %get3A_383] {strides = array<i32>} : memref<512x128xf32, #tpu.memory_space<vmem>>, vector<1x16xf32>,
      %get3A_385 = vector.shape_cast %get3A_384 : vector<1x16xf32> to vector<16xf32>
      %max3A_386 = arith.maximumf %max3A_342, %get3A_385 : vector<16xf32>
      %mul3A_387 = arith.constant 32 : i32
      %mul3A_388 = arith.muli %scan3A_101, %mul3A_387 : i32
      %add3A_389 = arith.constant 256 : i32
      %add3A_390 = arith.addi %add3A_389, %mul3A_388 : i32
      %add3A_391 = arith.constant 6 : i32
      %add3A_392 = arith.addi %add3A_390, %add3A_391 : i32
      %get3A_393 = arith.index_cast %add3A_392 : i32 to index
      %get3A_394 = arith.constant 32 : index
      %get3A_395 = tpu.vector_load %arg9[%get3A_393, %get3A_394] {strides = array<i32>} : memref<512x128xf32, #tpu.memory_space<vmem>>, vector<1x16xf32>,
      %get3A_396 = vector.shape_cast %get3A_395 : vector<1x16xf32> to vector<16xf32>
      %max3A_397 = arith.maximumf %max3A_353, %get3A_396 : vector<16xf32>
      %mul3A_398 = arith.constant 32 : i32
      %mul3A_399 = arith.muli %scan3A_101, %mul3A_398 : i32
      %add3A_400 = arith.constant 256 : i32
      %add3A_401 = arith.addi %add3A_400, %mul3A_399 : i32
      %add3A_402 = arith.constant 6 : i32
      %add3A_403 = arith.addi %add3A_401, %add3A_402 : i32
      %get3A_404 = arith.index_cast %add3A_403 : i32 to index
      %get3A_405 = arith.constant 48 : index
      %get3A_406 = tpu.vector_load %arg9[%get3A_404, %get3A_405] {strides = array<i32>} : memref<512x128xf32, #tpu.memory_space<vmem>>, vector<1x16xf32>,
      %get3A_407 = vector.shape_cast %get3A_406 : vector<1x16xf32> to vector<16xf32>
      %max3A_408 = arith.maximumf %max3A_364, %get3A_407 : vector<16xf32>
      %mul3A_409 = arith.constant 32 : i32
      %mul3A_410 = arith.muli %scan3A_101, %mul3A_409 : i32
      %add3A_411 = arith.constant 256 : i32
      %add3A_412 = arith.addi %add3A_411, %mul3A_410 : i32
      %add3A_413 = arith.constant 7 : i32
      %add3A_414 = arith.addi %add3A_412, %add3A_413 : i32
      %get3A_415 = arith.index_cast %add3A_414 : i32 to index
      %get3A_416 = arith.constant 0 : index
      %get3A_417 = tpu.vector_load %arg9[%get3A_415, %get3A_416] {strides = array<i32>} : memref<512x128xf32, #tpu.memory_space<vmem>>, vector<1x16xf32>,
      %get3A_418 = vector.shape_cast %get3A_417 : vector<1x16xf32> to vector<16xf32>
      %max3A_419 = arith.maximumf %max3A_375, %get3A_418 : vector<16xf32>
      %mul3A_420 = arith.constant 32 : i32
      %mul3A_421 = arith.muli %scan3A_101, %mul3A_420 : i32
      %add3A_422 = arith.constant 256 : i32
      %add3A_423 = arith.addi %add3A_422, %mul3A_421 : i32
      %add3A_424 = arith.constant 7 : i32
      %add3A_425 = arith.addi %add3A_423, %add3A_424 : i32
      %get3A_426 = arith.index_cast %add3A_425 : i32 to index
      %get3A_427 = arith.constant 16 : index
      %get3A_428 = tpu.vector_load %arg9[%get3A_426, %get3A_427] {strides = array<i32>} : memref<512x128xf32, #tpu.memory_space<vmem>>, vector<1x16xf32>,
      %get3A_429 = vector.shape_cast %get3A_428 : vector<1x16xf32> to vector<16xf32>
      %max3A_430 = arith.maximumf %max3A_386, %get3A_429 : vector<16xf32>
      %mul3A_431 = arith.constant 32 : i32
      %mul3A_432 = arith.muli %scan3A_101, %mul3A_431 : i32
      %add3A_433 = arith.constant 256 : i32
      %add3A_434 = arith.addi %add3A_433, %mul3A_432 : i32
      %add3A_435 = arith.constant 7 : i32
      %add3A_436 = arith.addi %add3A_434, %add3A_435 : i32
      %get3A_437 = arith.index_cast %add3A_436 : i32 to index
      %get3A_438 = arith.constant 32 : index
      %get3A_439 = tpu.vector_load %arg9[%get3A_437, %get3A_438] {strides = array<i32>} : memref<512x128xf32, #tpu.memory_space<vmem>>, vector<1x16xf32>,
      %get3A_440 = vector.shape_cast %get3A_439 : vector<1x16xf32> to vector<16xf32>
      %max3A_441 = arith.maximumf %max3A_397, %get3A_440 : vector<16xf32>
      %mul3A_442 = arith.constant 32 : i32
      %mul3A_443 = arith.muli %scan3A_101, %mul3A_442 : i32
      %add3A_444 = arith.constant 256 : i32
      %add3A_445 = arith.addi %add3A_444, %mul3A_443 : i32
      %add3A_446 = arith.constant 7 : i32
      %add3A_447 = arith.addi %add3A_445, %add3A_446 : i32
      %get3A_448 = arith.index_cast %add3A_447 : i32 to index
      %get3A_449 = arith.constant 48 : index
      %get3A_450 = tpu.vector_load %arg9[%get3A_448, %get3A_449] {strides = array<i32>} : memref<512x128xf32, #tpu.memory_space<vmem>>, vector<1x16xf32>,
      %get3A_451 = vector.shape_cast %get3A_450 : vector<1x16xf32> to vector<16xf32>
      %max3A_452 = arith.maximumf %max3A_408, %get3A_451 : vector<16xf32>
      %mul3A_453 = arith.constant 32 : i32
      %mul3A_454 = arith.muli %scan3A_101, %mul3A_453 : i32
      %add3A_455 = arith.constant 256 : i32
      %add3A_456 = arith.addi %add3A_455, %mul3A_454 : i32
      %add3A_457 = arith.constant 8 : i32
      %add3A_458 = arith.addi %add3A_456, %add3A_457 : i32
      %get3A_459 = arith.index_cast %add3A_458 : i32 to index
      %get3A_460 = arith.constant 0 : index
      %get3A_461 = tpu.vector_load %arg9[%get3A_459, %get3A_460] {strides = array<i32>} : memref<512x128xf32, #tpu.memory_space<vmem>>, vector<1x16xf32>,
      %get3A_462 = vector.shape_cast %get3A_461 : vector<1x16xf32> to vector<16xf32>
      %max3A_463 = arith.maximumf %max3A_419, %get3A_462 : vector<16xf32>
      %mul3A_464 = arith.constant 32 : i32
      %mul3A_465 = arith.muli %scan3A_101, %mul3A_464 : i32
      %add3A_466 = arith.constant 256 : i32
      %add3A_467 = arith.addi %add3A_466, %mul3A_465 : i32
      %add3A_468 = arith.constant 8 : i32
      %add3A_469 = arith.addi %add3A_467, %add3A_468 : i32
      %get3A_470 = arith.index_cast %add3A_469 : i32 to index
      %get3A_471 = arith.constant 16 : index
      %get3A_472 = tpu.vector_load %arg9[%get3A_470, %get3A_471] {strides = array<i32>} : memref<512x128xf32, #tpu.memory_space<vmem>>, vector<1x16xf32>,
      %get3A_473 = vector.shape_cast %get3A_472 : vector<1x16xf32> to vector<16xf32>
      %max3A_474 = arith.maximumf %max3A_430, %get3A_473 : vector<16xf32>
      %mul3A_475 = arith.constant 32 : i32
      %mul3A_476 = arith.muli %scan3A_101, %mul3A_475 : i32
      %add3A_477 = arith.constant 256 : i32
      %add3A_478 = arith.addi %add3A_477, %mul3A_476 : i32
      %add3A_479 = arith.constant 8 : i32
      %add3A_480 = arith.addi %add3A_478, %add3A_479 : i32
      %get3A_481 = arith.index_cast %add3A_480 : i32 to index
      %get3A_482 = arith.constant 32 : index
      %get3A_483 = tpu.vector_load %arg9[%get3A_481, %get3A_482] {strides = array<i32>} : memref<512x128xf32, #tpu.memory_space<vmem>>, vector<1x16xf32>,
      %get3A_484 = vector.shape_cast %get3A_483 : vector<1x16xf32> to vector<16xf32>
      %max3A_485 = arith.maximumf %max3A_441, %get3A_484 : vector<16xf32>
      %mul3A_486 = arith.constant 32 : i32
      %mul3A_487 = arith.muli %scan3A_101, %mul3A_486 : i32
      %add3A_488 = arith.constant 256 : i32
      %add3A_489 = arith.addi %add3A_488, %mul3A_487 : i32
      %add3A_490 = arith.constant 8 : i32
      %add3A_491 = arith.addi %add3A_489, %add3A_490 : i32
      %get3A_492 = arith.index_cast %add3A_491 : i32 to index
      %get3A_493 = arith.constant 48 : index
      %get3A_494 = tpu.vector_load %arg9[%get3A_492, %get3A_493] {strides = array<i32>} : memref<512x128xf32, #tpu.memory_space<vmem>>, vector<1x16xf32>,
      %get3A_495 = vector.shape_cast %get3A_494 : vector<1x16xf32> to vector<16xf32>
      %max3A_496 = arith.maximumf %max3A_452, %get3A_495 : vector<16xf32>
      %mul3A_497 = arith.constant 32 : i32
      %mul3A_498 = arith.muli %scan3A_101, %mul3A_497 : i32
      %add3A_499 = arith.constant 256 : i32
      %add3A_500 = arith.addi %add3A_499, %mul3A_498 : i32
      %add3A_501 = arith.constant 9 : i32
      %add3A_502 = arith.addi %add3A_500, %add3A_501 : i32
      %get3A_503 = arith.index_cast %add3A_502 : i32 to index
      %get3A_504 = arith.constant 0 : index
      %get3A_505 = tpu.vector_load %arg9[%get3A_503, %get3A_504] {strides = array<i32>} : memref<512x128xf32, #tpu.memory_space<vmem>>, vector<1x16xf32>,
      %get3A_506 = vector.shape_cast %get3A_505 : vector<1x16xf32> to vector<16xf32>
      %max3A_507 = arith.maximumf %max3A_463, %get3A_506 : vector<16xf32>
      %mul3A_508 = arith.constant 32 : i32
      %mul3A_509 = arith.muli %scan3A_101, %mul3A_508 : i32
      %add3A_510 = arith.constant 256 : i32
      %add3A_511 = arith.addi %add3A_510, %mul3A_509 : i32
      %add3A_512 = arith.constant 9 : i32
      %add3A_513 = arith.addi %add3A_511, %add3A_512 : i32
      %get3A_514 = arith.index_cast %add3A_513 : i32 to index
      %get3A_515 = arith.constant 16 : index
      %get3A_516 = tpu.vector_load %arg9[%get3A_514, %get3A_515] {strides = array<i32>} : memref<512x128xf32, #tpu.memory_space<vmem>>, vector<1x16xf32>,
      %get3A_517 = vector.shape_cast %get3A_516 : vector<1x16xf32> to vector<16xf32>
      %max3A_518 = arith.maximumf %max3A_474, %get3A_517 : vector<16xf32>
      %mul3A_519 = arith.constant 32 : i32
      %mul3A_520 = arith.muli %scan3A_101, %mul3A_519 : i32
      %add3A_521 = arith.constant 256 : i32
      %add3A_522 = arith.addi %add3A_521, %mul3A_520 : i32
      %add3A_523 = arith.constant 9 : i32
      %add3A_524 = arith.addi %add3A_522, %add3A_523 : i32
      %get3A_525 = arith.index_cast %add3A_524 : i32 to index
      %get3A_526 = arith.constant 32 : index
      %get3A_527 = tpu.vector_load %arg9[%get3A_525, %get3A_526] {strides = array<i32>} : memref<512x128xf32, #tpu.memory_space<vmem>>, vector<1x16xf32>,
      %get3A_528 = vector.shape_cast %get3A_527 : vector<1x16xf32> to vector<16xf32>
      %max3A_529 = arith.maximumf %max3A_485, %get3A_528 : vector<16xf32>
      %mul3A_530 = arith.constant 32 : i32
      %mul3A_531 = arith.muli %scan3A_101, %mul3A_530 : i32
      %add3A_532 = arith.constant 256 : i32
      %add3A_533 = arith.addi %add3A_532, %mul3A_531 : i32
      %add3A_534 = arith.constant 9 : i32
      %add3A_535 = arith.addi %add3A_533, %add3A_534 : i32
      %get3A_536 = arith.index_cast %add3A_535 : i32 to index
      %get3A_537 = arith.constant 48 : index
      %get3A_538 = tpu.vector_load %arg9[%get3A_536, %get3A_537] {strides = array<i32>} : memref<512x128xf32, #tpu.memory_space<vmem>>, vector<1x16xf32>,
      %get3A_539 = vector.shape_cast %get3A_538 : vector<1x16xf32> to vector<16xf32>
      %max3A_540 = arith.maximumf %max3A_496, %get3A_539 : vector<16xf32>
      %mul3A_541 = arith.constant 32 : i32
      %mul3A_542 = arith.muli %scan3A_101, %mul3A_541 : i32
      %add3A_543 = arith.constant 256 : i32
      %add3A_544 = arith.addi %add3A_543, %mul3A_542 : i32
      %add3A_545 = arith.constant 10 : i32
      %add3A_546 = arith.addi %add3A_544, %add3A_545 : i32
      %get3A_547 = arith.index_cast %add3A_546 : i32 to index
      %get3A_548 = arith.constant 0 : index
      %get3A_549 = tpu.vector_load %arg9[%get3A_547, %get3A_548] {strides = array<i32>} : memref<512x128xf32, #tpu.memory_space<vmem>>, vector<1x16xf32>,
      %get3A_550 = vector.shape_cast %get3A_549 : vector<1x16xf32> to vector<16xf32>
      %max3A_551 = arith.maximumf %max3A_507, %get3A_550 : vector<16xf32>
      %mul3A_552 = arith.constant 32 : i32
      %mul3A_553 = arith.muli %scan3A_101, %mul3A_552 : i32
      %add3A_554 = arith.constant 256 : i32
      %add3A_555 = arith.addi %add3A_554, %mul3A_553 : i32
      %add3A_556 = arith.constant 10 : i32
      %add3A_557 = arith.addi %add3A_555, %add3A_556 : i32
      %get3A_558 = arith.index_cast %add3A_557 : i32 to index
      %get3A_559 = arith.constant 16 : index
      %get3A_560 = tpu.vector_load %arg9[%get3A_558, %get3A_559] {strides = array<i32>} : memref<512x128xf32, #tpu.memory_space<vmem>>, vector<1x16xf32>,
      %get3A_561 = vector.shape_cast %get3A_560 : vector<1x16xf32> to vector<16xf32>
      %max3A_562 = arith.maximumf %max3A_518, %get3A_561 : vector<16xf32>
      %mul3A_563 = arith.constant 32 : i32
      %mul3A_564 = arith.muli %scan3A_101, %mul3A_563 : i32
      %add3A_565 = arith.constant 256 : i32
      %add3A_566 = arith.addi %add3A_565, %mul3A_564 : i32
      %add3A_567 = arith.constant 10 : i32
      %add3A_568 = arith.addi %add3A_566, %add3A_567 : i32
      %get3A_569 = arith.index_cast %add3A_568 : i32 to index
      %get3A_570 = arith.constant 32 : index
      %get3A_571 = tpu.vector_load %arg9[%get3A_569, %get3A_570] {strides = array<i32>} : memref<512x128xf32, #tpu.memory_space<vmem>>, vector<1x16xf32>,
      %get3A_572 = vector.shape_cast %get3A_571 : vector<1x16xf32> to vector<16xf32>
      %max3A_573 = arith.maximumf %max3A_529, %get3A_572 : vector<16xf32>
      %mul3A_574 = arith.constant 32 : i32
      %mul3A_575 = arith.muli %scan3A_101, %mul3A_574 : i32
      %add3A_576 = arith.constant 256 : i32
      %add3A_577 = arith.addi %add3A_576, %mul3A_575 : i32
      %add3A_578 = arith.constant 10 : i32
      %add3A_579 = arith.addi %add3A_577, %add3A_578 : i32
      %get3A_580 = arith.index_cast %add3A_579 : i32 to index
      %get3A_581 = arith.constant 48 : index
      %get3A_582 = tpu.vector_load %arg9[%get3A_580, %get3A_581] {strides = array<i32>} : memref<512x128xf32, #tpu.memory_space<vmem>>, vector<1x16xf32>,
      %get3A_583 = vector.shape_cast %get3A_582 : vector<1x16xf32> to vector<16xf32>
      %max3A_584 = arith.maximumf %max3A_540, %get3A_583 : vector<16xf32>
      %mul3A_585 = arith.constant 32 : i32
      %mul3A_586 = arith.muli %scan3A_101, %mul3A_585 : i32
      %add3A_587 = arith.constant 256 : i32
      %add3A_588 = arith.addi %add3A_587, %mul3A_586 : i32
      %add3A_589 = arith.constant 11 : i32
      %add3A_590 = arith.addi %add3A_588, %add3A_589 : i32
      %get3A_591 = arith.index_cast %add3A_590 : i32 to index
      %get3A_592 = arith.constant 0 : index
      %get3A_593 = tpu.vector_load %arg9[%get3A_591, %get3A_592] {strides = array<i32>} : memref<512x128xf32, #tpu.memory_space<vmem>>, vector<1x16xf32>,
      %get3A_594 = vector.shape_cast %get3A_593 : vector<1x16xf32> to vector<16xf32>
      %max3A_595 = arith.maximumf %max3A_551, %get3A_594 : vector<16xf32>
      %mul3A_596 = arith.constant 32 : i32
      %mul3A_597 = arith.muli %scan3A_101, %mul3A_596 : i32
      %add3A_598 = arith.constant 256 : i32
      %add3A_599 = arith.addi %add3A_598, %mul3A_597 : i32
      %add3A_600 = arith.constant 11 : i32
      %add3A_601 = arith.addi %add3A_599, %add3A_600 : i32
      %get3A_602 = arith.index_cast %add3A_601 : i32 to index
      %get3A_603 = arith.constant 16 : index
      %get3A_604 = tpu.vector_load %arg9[%get3A_602, %get3A_603] {strides = array<i32>} : memref<512x128xf32, #tpu.memory_space<vmem>>, vector<1x16xf32>,
      %get3A_605 = vector.shape_cast %get3A_604 : vector<1x16xf32> to vector<16xf32>
      %max3A_606 = arith.maximumf %max3A_562, %get3A_605 : vector<16xf32>
      %mul3A_607 = arith.constant 32 : i32
      %mul3A_608 = arith.muli %scan3A_101, %mul3A_607 : i32
      %add3A_609 = arith.constant 256 : i32
      %add3A_610 = arith.addi %add3A_609, %mul3A_608 : i32
      %add3A_611 = arith.constant 11 : i32
      %add3A_612 = arith.addi %add3A_610, %add3A_611 : i32
      %get3A_613 = arith.index_cast %add3A_612 : i32 to index
      %get3A_614 = arith.constant 32 : index
      %get3A_615 = tpu.vector_load %arg9[%get3A_613, %get3A_614] {strides = array<i32>} : memref<512x128xf32, #tpu.memory_space<vmem>>, vector<1x16xf32>,
      %get3A_616 = vector.shape_cast %get3A_615 : vector<1x16xf32> to vector<16xf32>
      %max3A_617 = arith.maximumf %max3A_573, %get3A_616 : vector<16xf32>
      %mul3A_618 = arith.constant 32 : i32
      %mul3A_619 = arith.muli %scan3A_101, %mul3A_618 : i32
      %add3A_620 = arith.constant 256 : i32
      %add3A_621 = arith.addi %add3A_620, %mul3A_619 : i32
      %add3A_622 = arith.constant 11 : i32
      %add3A_623 = arith.addi %add3A_621, %add3A_622 : i32
      %get3A_624 = arith.index_cast %add3A_623 : i32 to index
      %get3A_625 = arith.constant 48 : index
      %get3A_626 = tpu.vector_load %arg9[%get3A_624, %get3A_625] {strides = array<i32>} : memref<512x128xf32, #tpu.memory_space<vmem>>, vector<1x16xf32>,
      %get3A_627 = vector.shape_cast %get3A_626 : vector<1x16xf32> to vector<16xf32>
      %max3A_628 = arith.maximumf %max3A_584, %get3A_627 : vector<16xf32>
      %mul3A_629 = arith.constant 32 : i32
      %mul3A_630 = arith.muli %scan3A_101, %mul3A_629 : i32
      %add3A_631 = arith.constant 256 : i32
      %add3A_632 = arith.addi %add3A_631, %mul3A_630 : i32
      %add3A_633 = arith.constant 12 : i32
      %add3A_634 = arith.addi %add3A_632, %add3A_633 : i32
      %get3A_635 = arith.index_cast %add3A_634 : i32 to index
      %get3A_636 = arith.constant 0 : index
      %get3A_637 = tpu.vector_load %arg9[%get3A_635, %get3A_636] {strides = array<i32>} : memref<512x128xf32, #tpu.memory_space<vmem>>, vector<1x16xf32>,
      %get3A_638 = vector.shape_cast %get3A_637 : vector<1x16xf32> to vector<16xf32>
      %max3A_639 = arith.maximumf %max3A_595, %get3A_638 : vector<16xf32>
      %mul3A_640 = arith.constant 32 : i32
      %mul3A_641 = arith.muli %scan3A_101, %mul3A_640 : i32
      %add3A_642 = arith.constant 256 : i32
      %add3A_643 = arith.addi %add3A_642, %mul3A_641 : i32
      %add3A_644 = arith.constant 12 : i32
      %add3A_645 = arith.addi %add3A_643, %add3A_644 : i32
      %get3A_646 = arith.index_cast %add3A_645 : i32 to index
      %get3A_647 = arith.constant 16 : index
      %get3A_648 = tpu.vector_load %arg9[%get3A_646, %get3A_647] {strides = array<i32>} : memref<512x128xf32, #tpu.memory_space<vmem>>, vector<1x16xf32>,
      %get3A_649 = vector.shape_cast %get3A_648 : vector<1x16xf32> to vector<16xf32>
      %max3A_650 = arith.maximumf %max3A_606, %get3A_649 : vector<16xf32>
      %mul3A_651 = arith.constant 32 : i32
      %mul3A_652 = arith.muli %scan3A_101, %mul3A_651 : i32
      %add3A_653 = arith.constant 256 : i32
      %add3A_654 = arith.addi %add3A_653, %mul3A_652 : i32
      %add3A_655 = arith.constant 12 : i32
      %add3A_656 = arith.addi %add3A_654, %add3A_655 : i32
      %get3A_657 = arith.index_cast %add3A_656 : i32 to index
      %get3A_658 = arith.constant 32 : index
      %get3A_659 = tpu.vector_load %arg9[%get3A_657, %get3A_658] {strides = array<i32>} : memref<512x128xf32, #tpu.memory_space<vmem>>, vector<1x16xf32>,
      %get3A_660 = vector.shape_cast %get3A_659 : vector<1x16xf32> to vector<16xf32>
      %max3A_661 = arith.maximumf %max3A_617, %get3A_660 : vector<16xf32>
      %mul3A_662 = arith.constant 32 : i32
      %mul3A_663 = arith.muli %scan3A_101, %mul3A_662 : i32
      %add3A_664 = arith.constant 256 : i32
      %add3A_665 = arith.addi %add3A_664, %mul3A_663 : i32
      %add3A_666 = arith.constant 12 : i32
      %add3A_667 = arith.addi %add3A_665, %add3A_666 : i32
      %get3A_668 = arith.index_cast %add3A_667 : i32 to index
      %get3A_669 = arith.constant 48 : index
      %get3A_670 = tpu.vector_load %arg9[%get3A_668, %get3A_669] {strides = array<i32>} : memref<512x128xf32, #tpu.memory_space<vmem>>, vector<1x16xf32>,
      %get3A_671 = vector.shape_cast %get3A_670 : vector<1x16xf32> to vector<16xf32>
      %max3A_672 = arith.maximumf %max3A_628, %get3A_671 : vector<16xf32>
      %mul3A_673 = arith.constant 32 : i32
      %mul3A_674 = arith.muli %scan3A_101, %mul3A_673 : i32
      %add3A_675 = arith.constant 256 : i32
      %add3A_676 = arith.addi %add3A_675, %mul3A_674 : i32
      %add3A_677 = arith.constant 13 : i32
      %add3A_678 = arith.addi %add3A_676, %add3A_677 : i32
      %get3A_679 = arith.index_cast %add3A_678 : i32 to index
      %get3A_680 = arith.constant 0 : index
      %get3A_681 = tpu.vector_load %arg9[%get3A_679, %get3A_680] {strides = array<i32>} : memref<512x128xf32, #tpu.memory_space<vmem>>, vector<1x16xf32>,
      %get3A_682 = vector.shape_cast %get3A_681 : vector<1x16xf32> to vector<16xf32>
      %max3A_683 = arith.maximumf %max3A_639, %get3A_682 : vector<16xf32>
      %mul3A_684 = arith.constant 32 : i32
      %mul3A_685 = arith.muli %scan3A_101, %mul3A_684 : i32
      %add3A_686 = arith.constant 256 : i32
      %add3A_687 = arith.addi %add3A_686, %mul3A_685 : i32
      %add3A_688 = arith.constant 13 : i32
      %add3A_689 = arith.addi %add3A_687, %add3A_688 : i32
      %get3A_690 = arith.index_cast %add3A_689 : i32 to index
      %get3A_691 = arith.constant 16 : index
      %get3A_692 = tpu.vector_load %arg9[%get3A_690, %get3A_691] {strides = array<i32>} : memref<512x128xf32, #tpu.memory_space<vmem>>, vector<1x16xf32>,
      %get3A_693 = vector.shape_cast %get3A_692 : vector<1x16xf32> to vector<16xf32>
      %max3A_694 = arith.maximumf %max3A_650, %get3A_693 : vector<16xf32>
      %mul3A_695 = arith.constant 32 : i32
      %mul3A_696 = arith.muli %scan3A_101, %mul3A_695 : i32
      %add3A_697 = arith.constant 256 : i32
      %add3A_698 = arith.addi %add3A_697, %mul3A_696 : i32
      %add3A_699 = arith.constant 13 : i32
      %add3A_700 = arith.addi %add3A_698, %add3A_699 : i32
      %get3A_701 = arith.index_cast %add3A_700 : i32 to index
      %get3A_702 = arith.constant 32 : index
      %get3A_703 = tpu.vector_load %arg9[%get3A_701, %get3A_702] {strides = array<i32>} : memref<512x128xf32, #tpu.memory_space<vmem>>, vector<1x16xf32>,
      %get3A_704 = vector.shape_cast %get3A_703 : vector<1x16xf32> to vector<16xf32>
      %max3A_705 = arith.maximumf %max3A_661, %get3A_704 : vector<16xf32>
      %mul3A_706 = arith.constant 32 : i32
      %mul3A_707 = arith.muli %scan3A_101, %mul3A_706 : i32
      %add3A_708 = arith.constant 256 : i32
      %add3A_709 = arith.addi %add3A_708, %mul3A_707 : i32
      %add3A_710 = arith.constant 13 : i32
      %add3A_711 = arith.addi %add3A_709, %add3A_710 : i32
      %get3A_712 = arith.index_cast %add3A_711 : i32 to index
      %get3A_713 = arith.constant 48 : index
      %get3A_714 = tpu.vector_load %arg9[%get3A_712, %get3A_713] {strides = array<i32>} : memref<512x128xf32, #tpu.memory_space<vmem>>, vector<1x16xf32>,
      %get3A_715 = vector.shape_cast %get3A_714 : vector<1x16xf32> to vector<16xf32>
      %max3A_716 = arith.maximumf %max3A_672, %get3A_715 : vector<16xf32>
      %mul3A_717 = arith.constant 32 : i32
      %mul3A_718 = arith.muli %scan3A_101, %mul3A_717 : i32
      %add3A_719 = arith.constant 256 : i32
      %add3A_720 = arith.addi %add3A_719, %mul3A_718 : i32
      %add3A_721 = arith.constant 14 : i32
      %add3A_722 = arith.addi %add3A_720, %add3A_721 : i32
      %get3A_723 = arith.index_cast %add3A_722 : i32 to index
      %get3A_724 = arith.constant 0 : index
      %get3A_725 = tpu.vector_load %arg9[%get3A_723, %get3A_724] {strides = array<i32>} : memref<512x128xf32, #tpu.memory_space<vmem>>, vector<1x16xf32>,
      %get3A_726 = vector.shape_cast %get3A_725 : vector<1x16xf32> to vector<16xf32>
      %max3A_727 = arith.maximumf %max3A_683, %get3A_726 : vector<16xf32>
      %mul3A_728 = arith.constant 32 : i32
      %mul3A_729 = arith.muli %scan3A_101, %mul3A_728 : i32
      %add3A_730 = arith.constant 256 : i32
      %add3A_731 = arith.addi %add3A_730, %mul3A_729 : i32
      %add3A_732 = arith.constant 14 : i32
      %add3A_733 = arith.addi %add3A_731, %add3A_732 : i32
      %get3A_734 = arith.index_cast %add3A_733 : i32 to index
      %get3A_735 = arith.constant 16 : index
      %get3A_736 = tpu.vector_load %arg9[%get3A_734, %get3A_735] {strides = array<i32>} : memref<512x128xf32, #tpu.memory_space<vmem>>, vector<1x16xf32>,
      %get3A_737 = vector.shape_cast %get3A_736 : vector<1x16xf32> to vector<16xf32>
      %max3A_738 = arith.maximumf %max3A_694, %get3A_737 : vector<16xf32>
      %mul3A_739 = arith.constant 32 : i32
      %mul3A_740 = arith.muli %scan3A_101, %mul3A_739 : i32
      %add3A_741 = arith.constant 256 : i32
      %add3A_742 = arith.addi %add3A_741, %mul3A_740 : i32
      %add3A_743 = arith.constant 14 : i32
      %add3A_744 = arith.addi %add3A_742, %add3A_743 : i32
      %get3A_745 = arith.index_cast %add3A_744 : i32 to index
      %get3A_746 = arith.constant 32 : index
      %get3A_747 = tpu.vector_load %arg9[%get3A_745, %get3A_746] {strides = array<i32>} : memref<512x128xf32, #tpu.memory_space<vmem>>, vector<1x16xf32>,
      %get3A_748 = vector.shape_cast %get3A_747 : vector<1x16xf32> to vector<16xf32>
      %max3A_749 = arith.maximumf %max3A_705, %get3A_748 : vector<16xf32>
      %mul3A_750 = arith.constant 32 : i32
      %mul3A_751 = arith.muli %scan3A_101, %mul3A_750 : i32
      %add3A_752 = arith.constant 256 : i32
      %add3A_753 = arith.addi %add3A_752, %mul3A_751 : i32
      %add3A_754 = arith.constant 14 : i32
      %add3A_755 = arith.addi %add3A_753, %add3A_754 : i32
      %get3A_756 = arith.index_cast %add3A_755 : i32 to index
      %get3A_757 = arith.constant 48 : index
      %get3A_758 = tpu.vector_load %arg9[%get3A_756, %get3A_757] {strides = array<i32>} : memref<512x128xf32, #tpu.memory_space<vmem>>, vector<1x16xf32>,
      %get3A_759 = vector.shape_cast %get3A_758 : vector<1x16xf32> to vector<16xf32>
      %max3A_760 = arith.maximumf %max3A_716, %get3A_759 : vector<16xf32>
      %mul3A_761 = arith.constant 32 : i32
      %mul3A_762 = arith.muli %scan3A_101, %mul3A_761 : i32
      %add3A_763 = arith.constant 256 : i32
      %add3A_764 = arith.addi %add3A_763, %mul3A_762 : i32
      %add3A_765 = arith.constant 15 : i32
      %add3A_766 = arith.addi %add3A_764, %add3A_765 : i32
      %get3A_767 = arith.index_cast %add3A_766 : i32 to index
      %get3A_768 = arith.constant 0 : index
      %get3A_769 = tpu.vector_load %arg9[%get3A_767, %get3A_768] {strides = array<i32>} : memref<512x128xf32, #tpu.memory_space<vmem>>, vector<1x16xf32>,
      %get3A_770 = vector.shape_cast %get3A_769 : vector<1x16xf32> to vector<16xf32>
      %max3A_771 = arith.maximumf %max3A_727, %get3A_770 : vector<16xf32>
      %mul3A_772 = arith.constant 32 : i32
      %mul3A_773 = arith.muli %scan3A_101, %mul3A_772 : i32
      %add3A_774 = arith.constant 256 : i32
      %add3A_775 = arith.addi %add3A_774, %mul3A_773 : i32
      %add3A_776 = arith.constant 15 : i32
      %add3A_777 = arith.addi %add3A_775, %add3A_776 : i32
      %get3A_778 = arith.index_cast %add3A_777 : i32 to index
      %get3A_779 = arith.constant 16 : index
      %get3A_780 = tpu.vector_load %arg9[%get3A_778, %get3A_779] {strides = array<i32>} : memref<512x128xf32, #tpu.memory_space<vmem>>, vector<1x16xf32>,
      %get3A_781 = vector.shape_cast %get3A_780 : vector<1x16xf32> to vector<16xf32>
      %max3A_782 = arith.maximumf %max3A_738, %get3A_781 : vector<16xf32>
      %mul3A_783 = arith.constant 32 : i32
      %mul3A_784 = arith.muli %scan3A_101, %mul3A_783 : i32
      %add3A_785 = arith.constant 256 : i32
      %add3A_786 = arith.addi %add3A_785, %mul3A_784 : i32
      %add3A_787 = arith.constant 15 : i32
      %add3A_788 = arith.addi %add3A_786, %add3A_787 : i32
      %get3A_789 = arith.index_cast %add3A_788 : i32 to index
      %get3A_790 = arith.constant 32 : index
      %get3A_791 = tpu.vector_load %arg9[%get3A_789, %get3A_790] {strides = array<i32>} : memref<512x128xf32, #tpu.memory_space<vmem>>, vector<1x16xf32>,
      %get3A_792 = vector.shape_cast %get3A_791 : vector<1x16xf32> to vector<16xf32>
      %max3A_793 = arith.maximumf %max3A_749, %get3A_792 : vector<16xf32>
      %mul3A_794 = arith.constant 32 : i32
      %mul3A_795 = arith.muli %scan3A_101, %mul3A_794 : i32
      %add3A_796 = arith.constant 256 : i32
      %add3A_797 = arith.addi %add3A_796, %mul3A_795 : i32
      %add3A_798 = arith.constant 15 : i32
      %add3A_799 = arith.addi %add3A_797, %add3A_798 : i32
      %get3A_800 = arith.index_cast %add3A_799 : i32 to index
      %get3A_801 = arith.constant 48 : index
      %get3A_802 = tpu.vector_load %arg9[%get3A_800, %get3A_801] {strides = array<i32>} : memref<512x128xf32, #tpu.memory_space<vmem>>, vector<1x16xf32>,
      %get3A_803 = vector.shape_cast %get3A_802 : vector<1x16xf32> to vector<16xf32>
      %max3A_804 = arith.maximumf %max3A_760, %get3A_803 : vector<16xf32>
      %mul3A_805 = arith.constant 32 : i32
      %mul3A_806 = arith.muli %scan3A_101, %mul3A_805 : i32
      %add3A_807 = arith.constant 256 : i32
      %add3A_808 = arith.addi %add3A_807, %mul3A_806 : i32
      %add3A_809 = arith.constant 16 : i32
      %add3A_810 = arith.addi %add3A_808, %add3A_809 : i32
      %get3A_811 = arith.index_cast %add3A_810 : i32 to index
      %get3A_812 = arith.constant 0 : index
      %get3A_813 = tpu.vector_load %arg9[%get3A_811, %get3A_812] {strides = array<i32>} : memref<512x128xf32, #tpu.memory_space<vmem>>, vector<1x16xf32>,
      %get3A_814 = vector.shape_cast %get3A_813 : vector<1x16xf32> to vector<16xf32>
      %max3A_815 = arith.maximumf %max3A_771, %get3A_814 : vector<16xf32>
      %mul3A_816 = arith.constant 32 : i32
      %mul3A_817 = arith.muli %scan3A_101, %mul3A_816 : i32
      %add3A_818 = arith.constant 256 : i32
      %add3A_819 = arith.addi %add3A_818, %mul3A_817 : i32
      %add3A_820 = arith.constant 16 : i32
      %add3A_821 = arith.addi %add3A_819, %add3A_820 : i32
      %get3A_822 = arith.index_cast %add3A_821 : i32 to index
      %get3A_823 = arith.constant 16 : index
      %get3A_824 = tpu.vector_load %arg9[%get3A_822, %get3A_823] {strides = array<i32>} : memref<512x128xf32, #tpu.memory_space<vmem>>, vector<1x16xf32>,
      %get3A_825 = vector.shape_cast %get3A_824 : vector<1x16xf32> to vector<16xf32>
      %max3A_826 = arith.maximumf %max3A_782, %get3A_825 : vector<16xf32>
      %mul3A_827 = arith.constant 32 : i32
      %mul3A_828 = arith.muli %scan3A_101, %mul3A_827 : i32
      %add3A_829 = arith.constant 256 : i32
      %add3A_830 = arith.addi %add3A_829, %mul3A_828 : i32
      %add3A_831 = arith.constant 16 : i32
      %add3A_832 = arith.addi %add3A_830, %add3A_831 : i32
      %get3A_833 = arith.index_cast %add3A_832 : i32 to index
      %get3A_834 = arith.constant 32 : index
      %get3A_835 = tpu.vector_load %arg9[%get3A_833, %get3A_834] {strides = array<i32>} : memref<512x128xf32, #tpu.memory_space<vmem>>, vector<1x16xf32>,
      %get3A_836 = vector.shape_cast %get3A_835 : vector<1x16xf32> to vector<16xf32>
      %max3A_837 = arith.maximumf %max3A_793, %get3A_836 : vector<16xf32>
      %mul3A_838 = arith.constant 32 : i32
      %mul3A_839 = arith.muli %scan3A_101, %mul3A_838 : i32
      %add3A_840 = arith.constant 256 : i32
      %add3A_841 = arith.addi %add3A_840, %mul3A_839 : i32
      %add3A_842 = arith.constant 16 : i32
      %add3A_843 = arith.addi %add3A_841, %add3A_842 : i32
      %get3A_844 = arith.index_cast %add3A_843 : i32 to index
      %get3A_845 = arith.constant 48 : index
      %get3A_846 = tpu.vector_load %arg9[%get3A_844, %get3A_845] {strides = array<i32>} : memref<512x128xf32, #tpu.memory_space<vmem>>, vector<1x16xf32>,
      %get3A_847 = vector.shape_cast %get3A_846 : vector<1x16xf32> to vector<16xf32>
      %max3A_848 = arith.maximumf %max3A_804, %get3A_847 : vector<16xf32>
      %mul3A_849 = arith.constant 32 : i32
      %mul3A_850 = arith.muli %scan3A_101, %mul3A_849 : i32
      %add3A_851 = arith.constant 256 : i32
      %add3A_852 = arith.addi %add3A_851, %mul3A_850 : i32
      %add3A_853 = arith.constant 17 : i32
      %add3A_854 = arith.addi %add3A_852, %add3A_853 : i32
      %get3A_855 = arith.index_cast %add3A_854 : i32 to index
      %get3A_856 = arith.constant 0 : index
      %get3A_857 = tpu.vector_load %arg9[%get3A_855, %get3A_856] {strides = array<i32>} : memref<512x128xf32, #tpu.memory_space<vmem>>, vector<1x16xf32>,
      %get3A_858 = vector.shape_cast %get3A_857 : vector<1x16xf32> to vector<16xf32>
      %max3A_859 = arith.maximumf %max3A_815, %get3A_858 : vector<16xf32>
      %mul3A_860 = arith.constant 32 : i32
      %mul3A_861 = arith.muli %scan3A_101, %mul3A_860 : i32
      %add3A_862 = arith.constant 256 : i32
      %add3A_863 = arith.addi %add3A_862, %mul3A_861 : i32
      %add3A_864 = arith.constant 17 : i32
      %add3A_865 = arith.addi %add3A_863, %add3A_864 : i32
      %get3A_866 = arith.index_cast %add3A_865 : i32 to index
      %get3A_867 = arith.constant 16 : index
      %get3A_868 = tpu.vector_load %arg9[%get3A_866, %get3A_867] {strides = array<i32>} : memref<512x128xf32, #tpu.memory_space<vmem>>, vector<1x16xf32>,
      %get3A_869 = vector.shape_cast %get3A_868 : vector<1x16xf32> to vector<16xf32>
      %max3A_870 = arith.maximumf %max3A_826, %get3A_869 : vector<16xf32>
      %mul3A_871 = arith.constant 32 : i32
      %mul3A_872 = arith.muli %scan3A_101, %mul3A_871 : i32
      %add3A_873 = arith.constant 256 : i32
      %add3A_874 = arith.addi %add3A_873, %mul3A_872 : i32
      %add3A_875 = arith.constant 17 : i32
      %add3A_876 = arith.addi %add3A_874, %add3A_875 : i32
      %get3A_877 = arith.index_cast %add3A_876 : i32 to index
      %get3A_878 = arith.constant 32 : index
      %get3A_879 = tpu.vector_load %arg9[%get3A_877, %get3A_878] {strides = array<i32>} : memref<512x128xf32, #tpu.memory_space<vmem>>, vector<1x16xf32>,
      %get3A_880 = vector.shape_cast %get3A_879 : vector<1x16xf32> to vector<16xf32>
      %max3A_881 = arith.maximumf %max3A_837, %get3A_880 : vector<16xf32>
      %mul3A_882 = arith.constant 32 : i32
      %mul3A_883 = arith.muli %scan3A_101, %mul3A_882 : i32
      %add3A_884 = arith.constant 256 : i32
      %add3A_885 = arith.addi %add3A_884, %mul3A_883 : i32
      %add3A_886 = arith.constant 17 : i32
      %add3A_887 = arith.addi %add3A_885, %add3A_886 : i32
      %get3A_888 = arith.index_cast %add3A_887 : i32 to index
      %get3A_889 = arith.constant 48 : index
      %get3A_890 = tpu.vector_load %arg9[%get3A_888, %get3A_889] {strides = array<i32>} : memref<512x128xf32, #tpu.memory_space<vmem>>, vector<1x16xf32>,
      %get3A_891 = vector.shape_cast %get3A_890 : vector<1x16xf32> to vector<16xf32>
      %max3A_892 = arith.maximumf %max3A_848, %get3A_891 : vector<16xf32>
      %mul3A_893 = arith.constant 32 : i32
      %mul3A_894 = arith.muli %scan3A_101, %mul3A_893 : i32
      %add3A_895 = arith.constant 256 : i32
      %add3A_896 = arith.addi %add3A_895, %mul3A_894 : i32
      %add3A_897 = arith.constant 18 : i32
      %add3A_898 = arith.addi %add3A_896, %add3A_897 : i32
      %get3A_899 = arith.index_cast %add3A_898 : i32 to index
      %get3A_900 = arith.constant 0 : index
      %get3A_901 = tpu.vector_load %arg9[%get3A_899, %get3A_900] {strides = array<i32>} : memref<512x128xf32, #tpu.memory_space<vmem>>, vector<1x16xf32>,
      %get3A_902 = vector.shape_cast %get3A_901 : vector<1x16xf32> to vector<16xf32>
      %max3A_903 = arith.maximumf %max3A_859, %get3A_902 : vector<16xf32>
      %mul3A_904 = arith.constant 32 : i32
      %mul3A_905 = arith.muli %scan3A_101, %mul3A_904 : i32
      %add3A_906 = arith.constant 256 : i32
      %add3A_907 = arith.addi %add3A_906, %mul3A_905 : i32
      %add3A_908 = arith.constant 18 : i32
      %add3A_909 = arith.addi %add3A_907, %add3A_908 : i32
      %get3A_910 = arith.index_cast %add3A_909 : i32 to index
      %get3A_911 = arith.constant 16 : index
      %get3A_912 = tpu.vector_load %arg9[%get3A_910, %get3A_911] {strides = array<i32>} : memref<512x128xf32, #tpu.memory_space<vmem>>, vector<1x16xf32>,
      %get3A_913 = vector.shape_cast %get3A_912 : vector<1x16xf32> to vector<16xf32>
      %max3A_914 = arith.maximumf %max3A_870, %get3A_913 : vector<16xf32>
      %mul3A_915 = arith.constant 32 : i32
      %mul3A_916 = arith.muli %scan3A_101, %mul3A_915 : i32
      %add3A_917 = arith.constant 256 : i32
      %add3A_918 = arith.addi %add3A_917, %mul3A_916 : i32
      %add3A_919 = arith.constant 18 : i32
      %add3A_920 = arith.addi %add3A_918, %add3A_919 : i32
      %get3A_921 = arith.index_cast %add3A_920 : i32 to index
      %get3A_922 = arith.constant 32 : index
      %get3A_923 = tpu.vector_load %arg9[%get3A_921, %get3A_922] {strides = array<i32>} : memref<512x128xf32, #tpu.memory_space<vmem>>, vector<1x16xf32>,
      %get3A_924 = vector.shape_cast %get3A_923 : vector<1x16xf32> to vector<16xf32>
      %max3A_925 = arith.maximumf %max3A_881, %get3A_924 : vector<16xf32>
      %mul3A_926 = arith.constant 32 : i32
      %mul3A_927 = arith.muli %scan3A_101, %mul3A_926 : i32
      %add3A_928 = arith.constant 256 : i32
      %add3A_929 = arith.addi %add3A_928, %mul3A_927 : i32
      %add3A_930 = arith.constant 18 : i32
      %add3A_931 = arith.addi %add3A_929, %add3A_930 : i32
      %get3A_932 = arith.index_cast %add3A_931 : i32 to index
      %get3A_933 = arith.constant 48 : index
      %get3A_934 = tpu.vector_load %arg9[%get3A_932, %get3A_933] {strides = array<i32>} : memref<512x128xf32, #tpu.memory_space<vmem>>, vector<1x16xf32>,
      %get3A_935 = vector.shape_cast %get3A_934 : vector<1x16xf32> to vector<16xf32>
      %max3A_936 = arith.maximumf %max3A_892, %get3A_935 : vector<16xf32>
      %mul3A_937 = arith.constant 32 : i32
      %mul3A_938 = arith.muli %scan3A_101, %mul3A_937 : i32
      %add3A_939 = arith.constant 256 : i32
      %add3A_940 = arith.addi %add3A_939, %mul3A_938 : i32
      %add3A_941 = arith.constant 19 : i32
      %add3A_942 = arith.addi %add3A_940, %add3A_941 : i32
      %get3A_943 = arith.index_cast %add3A_942 : i32 to index
      %get3A_944 = arith.constant 0 : index
      %get3A_945 = tpu.vector_load %arg9[%get3A_943, %get3A_944] {strides = array<i32>} : memref<512x128xf32, #tpu.memory_space<vmem>>, vector<1x16xf32>,
      %get3A_946 = vector.shape_cast %get3A_945 : vector<1x16xf32> to vector<16xf32>
      %max3A_947 = arith.maximumf %max3A_903, %get3A_946 : vector<16xf32>
      %mul3A_948 = arith.constant 32 : i32
      %mul3A_949 = arith.muli %scan3A_101, %mul3A_948 : i32
      %add3A_950 = arith.constant 256 : i32
      %add3A_951 = arith.addi %add3A_950, %mul3A_949 : i32
      %add3A_952 = arith.constant 19 : i32
      %add3A_953 = arith.addi %add3A_951, %add3A_952 : i32
      %get3A_954 = arith.index_cast %add3A_953 : i32 to index
      %get3A_955 = arith.constant 16 : index
      %get3A_956 = tpu.vector_load %arg9[%get3A_954, %get3A_955] {strides = array<i32>} : memref<512x128xf32, #tpu.memory_space<vmem>>, vector<1x16xf32>,
      %get3A_957 = vector.shape_cast %get3A_956 : vector<1x16xf32> to vector<16xf32>
      %max3A_958 = arith.maximumf %max3A_914, %get3A_957 : vector<16xf32>
      %mul3A_959 = arith.constant 32 : i32
      %mul3A_960 = arith.muli %scan3A_101, %mul3A_959 : i32
      %add3A_961 = arith.constant 256 : i32
      %add3A_962 = arith.addi %add3A_961, %mul3A_960 : i32
      %add3A_963 = arith.constant 19 : i32
      %add3A_964 = arith.addi %add3A_962, %add3A_963 : i32
      %get3A_965 = arith.index_cast %add3A_964 : i32 to index
      %get3A_966 = arith.constant 32 : index
      %get3A_967 = tpu.vector_load %arg9[%get3A_965, %get3A_966] {strides = array<i32>} : memref<512x128xf32, #tpu.memory_space<vmem>>, vector<1x16xf32>,
      %get3A_968 = vector.shape_cast %get3A_967 : vector<1x16xf32> to vector<16xf32>
      %max3A_969 = arith.maximumf %max3A_925, %get3A_968 : vector<16xf32>
      %mul3A_970 = arith.constant 32 : i32
      %mul3A_971 = arith.muli %scan3A_101, %mul3A_970 : i32
      %add3A_972 = arith.constant 256 : i32
      %add3A_973 = arith.addi %add3A_972, %mul3A_971 : i32
      %add3A_974 = arith.constant 19 : i32
      %add3A_975 = arith.addi %add3A_973, %add3A_974 : i32
      %get3A_976 = arith.index_cast %add3A_975 : i32 to index
      %get3A_977 = arith.constant 48 : index
      %get3A_978 = tpu.vector_load %arg9[%get3A_976, %get3A_977] {strides = array<i32>} : memref<512x128xf32, #tpu.memory_space<vmem>>, vector<1x16xf32>,
      %get3A_979 = vector.shape_cast %get3A_978 : vector<1x16xf32> to vector<16xf32>
      %max3A_980 = arith.maximumf %max3A_936, %get3A_979 : vector<16xf32>
      %mul3A_981 = arith.constant 32 : i32
      %mul3A_982 = arith.muli %scan3A_101, %mul3A_981 : i32
      %add3A_983 = arith.constant 256 : i32
      %add3A_984 = arith.addi %add3A_983, %mul3A_982 : i32
      %add3A_985 = arith.constant 20 : i32
      %add3A_986 = arith.addi %add3A_984, %add3A_985 : i32
      %get3A_987 = arith.index_cast %add3A_986 : i32 to index
      %get3A_988 = arith.constant 0 : index
      %get3A_989 = tpu.vector_load %arg9[%get3A_987, %get3A_988] {strides = array<i32>} : memref<512x128xf32, #tpu.memory_space<vmem>>, vector<1x16xf32>,
      %get3A_990 = vector.shape_cast %get3A_989 : vector<1x16xf32> to vector<16xf32>
      %max3A_991 = arith.maximumf %max3A_947, %get3A_990 : vector<16xf32>
      %mul3A_992 = arith.constant 32 : i32
      %mul3A_993 = arith.muli %scan3A_101, %mul3A_992 : i32
      %add3A_994 = arith.constant 256 : i32
      %add3A_995 = arith.addi %add3A_994, %mul3A_993 : i32
      %add3A_996 = arith.constant 20 : i32
      %add3A_997 = arith.addi %add3A_995, %add3A_996 : i32
      %get3A_998 = arith.index_cast %add3A_997 : i32 to index
      %get3A_999 = arith.constant 16 : index
      %get3A_1000 = tpu.vector_load %arg9[%get3A_998, %get3A_999] {strides = array<i32>} : memref<512x128xf32, #tpu.memory_space<vmem>>, vector<1x16xf32>,
      %get3A_1001 = vector.shape_cast %get3A_1000 : vector<1x16xf32> to vector<16xf32>
      %max3A_1002 = arith.maximumf %max3A_958, %get3A_1001 : vector<16xf32>
      %mul3A_1003 = arith.constant 32 : i32
      %mul3A_1004 = arith.muli %scan3A_101, %mul3A_1003 : i32
      %add3A_1005 = arith.constant 256 : i32
      %add3A_1006 = arith.addi %add3A_1005, %mul3A_1004 : i32
      %add3A_1007 = arith.constant 20 : i32
      %add3A_1008 = arith.addi %add3A_1006, %add3A_1007 : i32
      %get3A_1009 = arith.index_cast %add3A_1008 : i32 to index
      %get3A_1010 = arith.constant 32 : index
      %get3A_1011 = tpu.vector_load %arg9[%get3A_1009, %get3A_1010] {strides = array<i32>} : memref<512x128xf32, #tpu.memory_space<vmem>>, vector<1x16xf32>,
      %get3A_1012 = vector.shape_cast %get3A_1011 : vector<1x16xf32> to vector<16xf32>
      %max3A_1013 = arith.maximumf %max3A_969, %get3A_1012 : vector<16xf32>
      %mul3A_1014 = arith.constant 32 : i32
      %mul3A_1015 = arith.muli %scan3A_101, %mul3A_1014 : i32
      %add3A_1016 = arith.constant 256 : i32
      %add3A_1017 = arith.addi %add3A_1016, %mul3A_1015 : i32
      %add3A_1018 = arith.constant 20 : i32
      %add3A_1019 = arith.addi %add3A_1017, %add3A_1018 : i32
      %get3A_1020 = arith.index_cast %add3A_1019 : i32 to index
      %get3A_1021 = arith.constant 48 : index
      %get3A_1022 = tpu.vector_load %arg9[%get3A_1020, %get3A_1021] {strides = array<i32>} : memref<512x128xf32, #tpu.memory_space<vmem>>, vector<1x16xf32>,
      %get3A_1023 = vector.shape_cast %get3A_1022 : vector<1x16xf32> to vector<16xf32>
      %max3A_1024 = arith.maximumf %max3A_980, %get3A_1023 : vector<16xf32>
      %mul3A_1025 = arith.constant 32 : i32
      %mul3A_1026 = arith.muli %scan3A_101, %mul3A_1025 : i32
      %add3A_1027 = arith.constant 256 : i32
      %add3A_1028 = arith.addi %add3A_1027, %mul3A_1026 : i32
      %add3A_1029 = arith.constant 21 : i32
      %add3A_1030 = arith.addi %add3A_1028, %add3A_1029 : i32
      %get3A_1031 = arith.index_cast %add3A_1030 : i32 to index
      %get3A_1032 = arith.constant 0 : index
      %get3A_1033 = tpu.vector_load %arg9[%get3A_1031, %get3A_1032] {strides = array<i32>} : memref<512x128xf32, #tpu.memory_space<vmem>>, vector<1x16xf32>,
      %get3A_1034 = vector.shape_cast %get3A_1033 : vector<1x16xf32> to vector<16xf32>
      %max3A_1035 = arith.maximumf %max3A_991, %get3A_1034 : vector<16xf32>
      %mul3A_1036 = arith.constant 32 : i32
      %mul3A_1037 = arith.muli %scan3A_101, %mul3A_1036 : i32
      %add3A_1038 = arith.constant 256 : i32
      %add3A_1039 = arith.addi %add3A_1038, %mul3A_1037 : i32
      %add3A_1040 = arith.constant 21 : i32
      %add3A_1041 = arith.addi %add3A_1039, %add3A_1040 : i32
      %get3A_1042 = arith.index_cast %add3A_1041 : i32 to index
      %get3A_1043 = arith.constant 16 : index
      %get3A_1044 = tpu.vector_load %arg9[%get3A_1042, %get3A_1043] {strides = array<i32>} : memref<512x128xf32, #tpu.memory_space<vmem>>, vector<1x16xf32>,
      %get3A_1045 = vector.shape_cast %get3A_1044 : vector<1x16xf32> to vector<16xf32>
      %max3A_1046 = arith.maximumf %max3A_1002, %get3A_1045 : vector<16xf32>
      %mul3A_1047 = arith.constant 32 : i32
      %mul3A_1048 = arith.muli %scan3A_101, %mul3A_1047 : i32
      %add3A_1049 = arith.constant 256 : i32
      %add3A_1050 = arith.addi %add3A_1049, %mul3A_1048 : i32
      %add3A_1051 = arith.constant 21 : i32
      %add3A_1052 = arith.addi %add3A_1050, %add3A_1051 : i32
      %get3A_1053 = arith.index_cast %add3A_1052 : i32 to index
      %get3A_1054 = arith.constant 32 : index
      %get3A_1055 = tpu.vector_load %arg9[%get3A_1053, %get3A_1054] {strides = array<i32>} : memref<512x128xf32, #tpu.memory_space<vmem>>, vector<1x16xf32>,
      %get3A_1056 = vector.shape_cast %get3A_1055 : vector<1x16xf32> to vector<16xf32>
      %max3A_1057 = arith.maximumf %max3A_1013, %get3A_1056 : vector<16xf32>
      %mul3A_1058 = arith.constant 32 : i32
      %mul3A_1059 = arith.muli %scan3A_101, %mul3A_1058 : i32
      %add3A_1060 = arith.constant 256 : i32
      %add3A_1061 = arith.addi %add3A_1060, %mul3A_1059 : i32
      %add3A_1062 = arith.constant 21 : i32
      %add3A_1063 = arith.addi %add3A_1061, %add3A_1062 : i32
      %get3A_1064 = arith.index_cast %add3A_1063 : i32 to index
      %get3A_1065 = arith.constant 48 : index
      %get3A_1066 = tpu.vector_load %arg9[%get3A_1064, %get3A_1065] {strides = array<i32>} : memref<512x128xf32, #tpu.memory_space<vmem>>, vector<1x16xf32>,
      %get3A_1067 = vector.shape_cast %get3A_1066 : vector<1x16xf32> to vector<16xf32>
      %max3A_1068 = arith.maximumf %max3A_1024, %get3A_1067 : vector<16xf32>
      %mul3A_1069 = arith.constant 32 : i32
      %mul3A_1070 = arith.muli %scan3A_101, %mul3A_1069 : i32
      %add3A_1071 = arith.constant 256 : i32
      %add3A_1072 = arith.addi %add3A_1071, %mul3A_1070 : i32
      %add3A_1073 = arith.constant 22 : i32
      %add3A_1074 = arith.addi %add3A_1072, %add3A_1073 : i32
      %get3A_1075 = arith.index_cast %add3A_1074 : i32 to index
      %get3A_1076 = arith.constant 0 : index
      %get3A_1077 = tpu.vector_load %arg9[%get3A_1075, %get3A_1076] {strides = array<i32>} : memref<512x128xf32, #tpu.memory_space<vmem>>, vector<1x16xf32>,
      %get3A_1078 = vector.shape_cast %get3A_1077 : vector<1x16xf32> to vector<16xf32>
      %max3A_1079 = arith.maximumf %max3A_1035, %get3A_1078 : vector<16xf32>
      %mul3A_1080 = arith.constant 32 : i32
      %mul3A_1081 = arith.muli %scan3A_101, %mul3A_1080 : i32
      %add3A_1082 = arith.constant 256 : i32
      %add3A_1083 = arith.addi %add3A_1082, %mul3A_1081 : i32
      %add3A_1084 = arith.constant 22 : i32
      %add3A_1085 = arith.addi %add3A_1083, %add3A_1084 : i32
      %get3A_1086 = arith.index_cast %add3A_1085 : i32 to index
      %get3A_1087 = arith.constant 16 : index
      %get3A_1088 = tpu.vector_load %arg9[%get3A_1086, %get3A_1087] {strides = array<i32>} : memref<512x128xf32, #tpu.memory_space<vmem>>, vector<1x16xf32>,
      %get3A_1089 = vector.shape_cast %get3A_1088 : vector<1x16xf32> to vector<16xf32>
      %max3A_1090 = arith.maximumf %max3A_1046, %get3A_1089 : vector<16xf32>
      %mul3A_1091 = arith.constant 32 : i32
      %mul3A_1092 = arith.muli %scan3A_101, %mul3A_1091 : i32
      %add3A_1093 = arith.constant 256 : i32
      %add3A_1094 = arith.addi %add3A_1093, %mul3A_1092 : i32
      %add3A_1095 = arith.constant 22 : i32
      %add3A_1096 = arith.addi %add3A_1094, %add3A_1095 : i32
      %get3A_1097 = arith.index_cast %add3A_1096 : i32 to index
      %get3A_1098 = arith.constant 32 : index
      %get3A_1099 = tpu.vector_load %arg9[%get3A_1097, %get3A_1098] {strides = array<i32>} : memref<512x128xf32, #tpu.memory_space<vmem>>, vector<1x16xf32>,
      %get3A_1100 = vector.shape_cast %get3A_1099 : vector<1x16xf32> to vector<16xf32>
      %max3A_1101 = arith.maximumf %max3A_1057, %get3A_1100 : vector<16xf32>
      %mul3A_1102 = arith.constant 32 : i32
      %mul3A_1103 = arith.muli %scan3A_101, %mul3A_1102 : i32
      %add3A_1104 = arith.constant 256 : i32
      %add3A_1105 = arith.addi %add3A_1104, %mul3A_1103 : i32
      %add3A_1106 = arith.constant 22 : i32
      %add3A_1107 = arith.addi %add3A_1105, %add3A_1106 : i32
      %get3A_1108 = arith.index_cast %add3A_1107 : i32 to index
      %get3A_1109 = arith.constant 48 : index
      %get3A_1110 = tpu.vector_load %arg9[%get3A_1108, %get3A_1109] {strides = array<i32>} : memref<512x128xf32, #tpu.memory_space<vmem>>, vector<1x16xf32>,
      %get3A_1111 = vector.shape_cast %get3A_1110 : vector<1x16xf32> to vector<16xf32>
      %max3A_1112 = arith.maximumf %max3A_1068, %get3A_1111 : vector<16xf32>
      %mul3A_1113 = arith.constant 32 : i32
      %mul3A_1114 = arith.muli %scan3A_101, %mul3A_1113 : i32
      %add3A_1115 = arith.constant 256 : i32
      %add3A_1116 = arith.addi %add3A_1115, %mul3A_1114 : i32
      %add3A_1117 = arith.constant 23 : i32
      %add3A_1118 = arith.addi %add3A_1116, %add3A_1117 : i32
      %get3A_1119 = arith.index_cast %add3A_1118 : i32 to index
      %get3A_1120 = arith.constant 0 : index
      %get3A_1121 = tpu.vector_load %arg9[%get3A_1119, %get3A_1120] {strides = array<i32>} : memref<512x128xf32, #tpu.memory_space<vmem>>, vector<1x16xf32>,
      %get3A_1122 = vector.shape_cast %get3A_1121 : vector<1x16xf32> to vector<16xf32>
      %max3A_1123 = arith.maximumf %max3A_1079, %get3A_1122 : vector<16xf32>
      %mul3A_1124 = arith.constant 32 : i32
      %mul3A_1125 = arith.muli %scan3A_101, %mul3A_1124 : i32
      %add3A_1126 = arith.constant 256 : i32
      %add3A_1127 = arith.addi %add3A_1126, %mul3A_1125 : i32
      %add3A_1128 = arith.constant 23 : i32
      %add3A_1129 = arith.addi %add3A_1127, %add3A_1128 : i32
      %get3A_1130 = arith.index_cast %add3A_1129 : i32 to index
      %get3A_1131 = arith.constant 16 : index
      %get3A_1132 = tpu.vector_load %arg9[%get3A_1130, %get3A_1131] {strides = array<i32>} : memref<512x128xf32, #tpu.memory_space<vmem>>, vector<1x16xf32>,
      %get3A_1133 = vector.shape_cast %get3A_1132 : vector<1x16xf32> to vector<16xf32>
      %max3A_1134 = arith.maximumf %max3A_1090, %get3A_1133 : vector<16xf32>
      %mul3A_1135 = arith.constant 32 : i32
      %mul3A_1136 = arith.muli %scan3A_101, %mul3A_1135 : i32
      %add3A_1137 = arith.constant 256 : i32
      %add3A_1138 = arith.addi %add3A_1137, %mul3A_1136 : i32
      %add3A_1139 = arith.constant 23 : i32
      %add3A_1140 = arith.addi %add3A_1138, %add3A_1139 : i32
      %get3A_1141 = arith.index_cast %add3A_1140 : i32 to index
      %get3A_1142 = arith.constant 32 : index
      %get3A_1143 = tpu.vector_load %arg9[%get3A_1141, %get3A_1142] {strides = array<i32>} : memref<512x128xf32, #tpu.memory_space<vmem>>, vector<1x16xf32>,
      %get3A_1144 = vector.shape_cast %get3A_1143 : vector<1x16xf32> to vector<16xf32>
      %max3A_1145 = arith.maximumf %max3A_1101, %get3A_1144 : vector<16xf32>
      %mul3A_1146 = arith.constant 32 : i32
      %mul3A_1147 = arith.muli %scan3A_101, %mul3A_1146 : i32
      %add3A_1148 = arith.constant 256 : i32
      %add3A_1149 = arith.addi %add3A_1148, %mul3A_1147 : i32
      %add3A_1150 = arith.constant 23 : i32
      %add3A_1151 = arith.addi %add3A_1149, %add3A_1150 : i32
      %get3A_1152 = arith.index_cast %add3A_1151 : i32 to index
      %get3A_1153 = arith.constant 48 : index
      %get3A_1154 = tpu.vector_load %arg9[%get3A_1152, %get3A_1153] {strides = array<i32>} : memref<512x128xf32, #tpu.memory_space<vmem>>, vector<1x16xf32>,
      %get3A_1155 = vector.shape_cast %get3A_1154 : vector<1x16xf32> to vector<16xf32>
      %max3A_1156 = arith.maximumf %max3A_1112, %get3A_1155 : vector<16xf32>
      %mul3A_1157 = arith.constant 32 : i32
      %mul3A_1158 = arith.muli %scan3A_101, %mul3A_1157 : i32
      %add3A_1159 = arith.constant 256 : i32
      %add3A_1160 = arith.addi %add3A_1159, %mul3A_1158 : i32
      %add3A_1161 = arith.constant 24 : i32
      %add3A_1162 = arith.addi %add3A_1160, %add3A_1161 : i32
      %get3A_1163 = arith.index_cast %add3A_1162 : i32 to index
      %get3A_1164 = arith.constant 0 : index
      %get3A_1165 = tpu.vector_load %arg9[%get3A_1163, %get3A_1164] {strides = array<i32>} : memref<512x128xf32, #tpu.memory_space<vmem>>, vector<1x16xf32>,
      %get3A_1166 = vector.shape_cast %get3A_1165 : vector<1x16xf32> to vector<16xf32>
      %max3A_1167 = arith.maximumf %max3A_1123, %get3A_1166 : vector<16xf32>
      %mul3A_1168 = arith.constant 32 : i32
      %mul3A_1169 = arith.muli %scan3A_101, %mul3A_1168 : i32
      %add3A_1170 = arith.constant 256 : i32
      %add3A_1171 = arith.addi %add3A_1170, %mul3A_1169 : i32
      %add3A_1172 = arith.constant 24 : i32
      %add3A_1173 = arith.addi %add3A_1171, %add3A_1172 : i32
      %get3A_1174 = arith.index_cast %add3A_1173 : i32 to index
      %get3A_1175 = arith.constant 16 : index
      %get3A_1176 = tpu.vector_load %arg9[%get3A_1174, %get3A_1175] {strides = array<i32>} : memref<512x128xf32, #tpu.memory_space<vmem>>, vector<1x16xf32>,
      %get3A_1177 = vector.shape_cast %get3A_1176 : vector<1x16xf32> to vector<16xf32>
      %max3A_1178 = arith.maximumf %max3A_1134, %get3A_1177 : vector<16xf32>
      %mul3A_1179 = arith.constant 32 : i32
      %mul3A_1180 = arith.muli %scan3A_101, %mul3A_1179 : i32
      %add3A_1181 = arith.constant 256 : i32
      %add3A_1182 = arith.addi %add3A_1181, %mul3A_1180 : i32
      %add3A_1183 = arith.constant 24 : i32
      %add3A_1184 = arith.addi %add3A_1182, %add3A_1183 : i32
      %get3A_1185 = arith.index_cast %add3A_1184 : i32 to index
      %get3A_1186 = arith.constant 32 : index
      %get3A_1187 = tpu.vector_load %arg9[%get3A_1185, %get3A_1186] {strides = array<i32>} : memref<512x128xf32, #tpu.memory_space<vmem>>, vector<1x16xf32>,
      %get3A_1188 = vector.shape_cast %get3A_1187 : vector<1x16xf32> to vector<16xf32>
      %max3A_1189 = arith.maximumf %max3A_1145, %get3A_1188 : vector<16xf32>
      %mul3A_1190 = arith.constant 32 : i32
      %mul3A_1191 = arith.muli %scan3A_101, %mul3A_1190 : i32
      %add3A_1192 = arith.constant 256 : i32
      %add3A_1193 = arith.addi %add3A_1192, %mul3A_1191 : i32
      %add3A_1194 = arith.constant 24 : i32
      %add3A_1195 = arith.addi %add3A_1193, %add3A_1194 : i32
      %get3A_1196 = arith.index_cast %add3A_1195 : i32 to index
      %get3A_1197 = arith.constant 48 : index
      %get3A_1198 = tpu.vector_load %arg9[%get3A_1196, %get3A_1197] {strides = array<i32>} : memref<512x128xf32, #tpu.memory_space<vmem>>, vector<1x16xf32>,
      %get3A_1199 = vector.shape_cast %get3A_1198 : vector<1x16xf32> to vector<16xf32>
      %max3A_1200 = arith.maximumf %max3A_1156, %get3A_1199 : vector<16xf32>
      %mul3A_1201 = arith.constant 32 : i32
      %mul3A_1202 = arith.muli %scan3A_101, %mul3A_1201 : i32
      %add3A_1203 = arith.constant 256 : i32
      %add3A_1204 = arith.addi %add3A_1203, %mul3A_1202 : i32
      %add3A_1205 = arith.constant 25 : i32
      %add3A_1206 = arith.addi %add3A_1204, %add3A_1205 : i32
      %get3A_1207 = arith.index_cast %add3A_1206 : i32 to index
      %get3A_1208 = arith.constant 0 : index
      %get3A_1209 = tpu.vector_load %arg9[%get3A_1207, %get3A_1208] {strides = array<i32>} : memref<512x128xf32, #tpu.memory_space<vmem>>, vector<1x16xf32>,
      %get3A_1210 = vector.shape_cast %get3A_1209 : vector<1x16xf32> to vector<16xf32>
      %max3A_1211 = arith.maximumf %max3A_1167, %get3A_1210 : vector<16xf32>
      %mul3A_1212 = arith.constant 32 : i32
      %mul3A_1213 = arith.muli %scan3A_101, %mul3A_1212 : i32
      %add3A_1214 = arith.constant 256 : i32
      %add3A_1215 = arith.addi %add3A_1214, %mul3A_1213 : i32
      %add3A_1216 = arith.constant 25 : i32
      %add3A_1217 = arith.addi %add3A_1215, %add3A_1216 : i32
      %get3A_1218 = arith.index_cast %add3A_1217 : i32 to index
      %get3A_1219 = arith.constant 16 : index
      %get3A_1220 = tpu.vector_load %arg9[%get3A_1218, %get3A_1219] {strides = array<i32>} : memref<512x128xf32, #tpu.memory_space<vmem>>, vector<1x16xf32>,
      %get3A_1221 = vector.shape_cast %get3A_1220 : vector<1x16xf32> to vector<16xf32>
      %max3A_1222 = arith.maximumf %max3A_1178, %get3A_1221 : vector<16xf32>
      %mul3A_1223 = arith.constant 32 : i32
      %mul3A_1224 = arith.muli %scan3A_101, %mul3A_1223 : i32
      %add3A_1225 = arith.constant 256 : i32
      %add3A_1226 = arith.addi %add3A_1225, %mul3A_1224 : i32
      %add3A_1227 = arith.constant 25 : i32
      %add3A_1228 = arith.addi %add3A_1226, %add3A_1227 : i32
      %get3A_1229 = arith.index_cast %add3A_1228 : i32 to index
      %get3A_1230 = arith.constant 32 : index
      %get3A_1231 = tpu.vector_load %arg9[%get3A_1229, %get3A_1230] {strides = array<i32>} : memref<512x128xf32, #tpu.memory_space<vmem>>, vector<1x16xf32>,
      %get3A_1232 = vector.shape_cast %get3A_1231 : vector<1x16xf32> to vector<16xf32>
      %max3A_1233 = arith.maximumf %max3A_1189, %get3A_1232 : vector<16xf32>
      %mul3A_1234 = arith.constant 32 : i32
      %mul3A_1235 = arith.muli %scan3A_101, %mul3A_1234 : i32
      %add3A_1236 = arith.constant 256 : i32
      %add3A_1237 = arith.addi %add3A_1236, %mul3A_1235 : i32
      %add3A_1238 = arith.constant 25 : i32
      %add3A_1239 = arith.addi %add3A_1237, %add3A_1238 : i32
      %get3A_1240 = arith.index_cast %add3A_1239 : i32 to index
      %get3A_1241 = arith.constant 48 : index
      %get3A_1242 = tpu.vector_load %arg9[%get3A_1240, %get3A_1241] {strides = array<i32>} : memref<512x128xf32, #tpu.memory_space<vmem>>, vector<1x16xf32>,
      %get3A_1243 = vector.shape_cast %get3A_1242 : vector<1x16xf32> to vector<16xf32>
      %max3A_1244 = arith.maximumf %max3A_1200, %get3A_1243 : vector<16xf32>
      %mul3A_1245 = arith.constant 32 : i32
      %mul3A_1246 = arith.muli %scan3A_101, %mul3A_1245 : i32
      %add3A_1247 = arith.constant 256 : i32
      %add3A_1248 = arith.addi %add3A_1247, %mul3A_1246 : i32
      %add3A_1249 = arith.constant 26 : i32
      %add3A_1250 = arith.addi %add3A_1248, %add3A_1249 : i32
      %get3A_1251 = arith.index_cast %add3A_1250 : i32 to index
      %get3A_1252 = arith.constant 0 : index
      %get3A_1253 = tpu.vector_load %arg9[%get3A_1251, %get3A_1252] {strides = array<i32>} : memref<512x128xf32, #tpu.memory_space<vmem>>, vector<1x16xf32>,
      %get3A_1254 = vector.shape_cast %get3A_1253 : vector<1x16xf32> to vector<16xf32>
      %max3A_1255 = arith.maximumf %max3A_1211, %get3A_1254 : vector<16xf32>
      %mul3A_1256 = arith.constant 32 : i32
      %mul3A_1257 = arith.muli %scan3A_101, %mul3A_1256 : i32
      %add3A_1258 = arith.constant 256 : i32
      %add3A_1259 = arith.addi %add3A_1258, %mul3A_1257 : i32
      %add3A_1260 = arith.constant 26 : i32
      %add3A_1261 = arith.addi %add3A_1259, %add3A_1260 : i32
      %get3A_1262 = arith.index_cast %add3A_1261 : i32 to index
      %get3A_1263 = arith.constant 16 : index
      %get3A_1264 = tpu.vector_load %arg9[%get3A_1262, %get3A_1263] {strides = array<i32>} : memref<512x128xf32, #tpu.memory_space<vmem>>, vector<1x16xf32>,
      %get3A_1265 = vector.shape_cast %get3A_1264 : vector<1x16xf32> to vector<16xf32>
      %max3A_1266 = arith.maximumf %max3A_1222, %get3A_1265 : vector<16xf32>
      %mul3A_1267 = arith.constant 32 : i32
      %mul3A_1268 = arith.muli %scan3A_101, %mul3A_1267 : i32
      %add3A_1269 = arith.constant 256 : i32
      %add3A_1270 = arith.addi %add3A_1269, %mul3A_1268 : i32
      %add3A_1271 = arith.constant 26 : i32
      %add3A_1272 = arith.addi %add3A_1270, %add3A_1271 : i32
      %get3A_1273 = arith.index_cast %add3A_1272 : i32 to index
      %get3A_1274 = arith.constant 32 : index
      %get3A_1275 = tpu.vector_load %arg9[%get3A_1273, %get3A_1274] {strides = array<i32>} : memref<512x128xf32, #tpu.memory_space<vmem>>, vector<1x16xf32>,
      %get3A_1276 = vector.shape_cast %get3A_1275 : vector<1x16xf32> to vector<16xf32>
      %max3A_1277 = arith.maximumf %max3A_1233, %get3A_1276 : vector<16xf32>
      %mul3A_1278 = arith.constant 32 : i32
      %mul3A_1279 = arith.muli %scan3A_101, %mul3A_1278 : i32
      %add3A_1280 = arith.constant 256 : i32
      %add3A_1281 = arith.addi %add3A_1280, %mul3A_1279 : i32
      %add3A_1282 = arith.constant 26 : i32
      %add3A_1283 = arith.addi %add3A_1281, %add3A_1282 : i32
      %get3A_1284 = arith.index_cast %add3A_1283 : i32 to index
      %get3A_1285 = arith.constant 48 : index
      %get3A_1286 = tpu.vector_load %arg9[%get3A_1284, %get3A_1285] {strides = array<i32>} : memref<512x128xf32, #tpu.memory_space<vmem>>, vector<1x16xf32>,
      %get3A_1287 = vector.shape_cast %get3A_1286 : vector<1x16xf32> to vector<16xf32>
      %max3A_1288 = arith.maximumf %max3A_1244, %get3A_1287 : vector<16xf32>
      %mul3A_1289 = arith.constant 32 : i32
      %mul3A_1290 = arith.muli %scan3A_101, %mul3A_1289 : i32
      %add3A_1291 = arith.constant 256 : i32
      %add3A_1292 = arith.addi %add3A_1291, %mul3A_1290 : i32
      %add3A_1293 = arith.constant 27 : i32
      %add3A_1294 = arith.addi %add3A_1292, %add3A_1293 : i32
      %get3A_1295 = arith.index_cast %add3A_1294 : i32 to index
      %get3A_1296 = arith.constant 0 : index
      %get3A_1297 = tpu.vector_load %arg9[%get3A_1295, %get3A_1296] {strides = array<i32>} : memref<512x128xf32, #tpu.memory_space<vmem>>, vector<1x16xf32>,
      %get3A_1298 = vector.shape_cast %get3A_1297 : vector<1x16xf32> to vector<16xf32>
      %max3A_1299 = arith.maximumf %max3A_1255, %get3A_1298 : vector<16xf32>
      %mul3A_1300 = arith.constant 32 : i32
      %mul3A_1301 = arith.muli %scan3A_101, %mul3A_1300 : i32
      %add3A_1302 = arith.constant 256 : i32
      %add3A_1303 = arith.addi %add3A_1302, %mul3A_1301 : i32
      %add3A_1304 = arith.constant 27 : i32
      %add3A_1305 = arith.addi %add3A_1303, %add3A_1304 : i32
      %get3A_1306 = arith.index_cast %add3A_1305 : i32 to index
      %get3A_1307 = arith.constant 16 : index
      %get3A_1308 = tpu.vector_load %arg9[%get3A_1306, %get3A_1307] {strides = array<i32>} : memref<512x128xf32, #tpu.memory_space<vmem>>, vector<1x16xf32>,
      %get3A_1309 = vector.shape_cast %get3A_1308 : vector<1x16xf32> to vector<16xf32>
      %max3A_1310 = arith.maximumf %max3A_1266, %get3A_1309 : vector<16xf32>
      %mul3A_1311 = arith.constant 32 : i32
      %mul3A_1312 = arith.muli %scan3A_101, %mul3A_1311 : i32
      %add3A_1313 = arith.constant 256 : i32
      %add3A_1314 = arith.addi %add3A_1313, %mul3A_1312 : i32
      %add3A_1315 = arith.constant 27 : i32
      %add3A_1316 = arith.addi %add3A_1314, %add3A_1315 : i32
      %get3A_1317 = arith.index_cast %add3A_1316 : i32 to index
      %get3A_1318 = arith.constant 32 : index
      %get3A_1319 = tpu.vector_load %arg9[%get3A_1317, %get3A_1318] {strides = array<i32>} : memref<512x128xf32, #tpu.memory_space<vmem>>, vector<1x16xf32>,
      %get3A_1320 = vector.shape_cast %get3A_1319 : vector<1x16xf32> to vector<16xf32>
      %max3A_1321 = arith.maximumf %max3A_1277, %get3A_1320 : vector<16xf32>
      %mul3A_1322 = arith.constant 32 : i32
      %mul3A_1323 = arith.muli %scan3A_101, %mul3A_1322 : i32
      %add3A_1324 = arith.constant 256 : i32
      %add3A_1325 = arith.addi %add3A_1324, %mul3A_1323 : i32
      %add3A_1326 = arith.constant 27 : i32
      %add3A_1327 = arith.addi %add3A_1325, %add3A_1326 : i32
      %get3A_1328 = arith.index_cast %add3A_1327 : i32 to index
      %get3A_1329 = arith.constant 48 : index
      %get3A_1330 = tpu.vector_load %arg9[%get3A_1328, %get3A_1329] {strides = array<i32>} : memref<512x128xf32, #tpu.memory_space<vmem>>, vector<1x16xf32>,
      %get3A_1331 = vector.shape_cast %get3A_1330 : vector<1x16xf32> to vector<16xf32>
      %max3A_1332 = arith.maximumf %max3A_1288, %get3A_1331 : vector<16xf32>
      %mul3A_1333 = arith.constant 32 : i32
      %mul3A_1334 = arith.muli %scan3A_101, %mul3A_1333 : i32
      %add3A_1335 = arith.constant 256 : i32
      %add3A_1336 = arith.addi %add3A_1335, %mul3A_1334 : i32
      %add3A_1337 = arith.constant 28 : i32
      %add3A_1338 = arith.addi %add3A_1336, %add3A_1337 : i32
      %get3A_1339 = arith.index_cast %add3A_1338 : i32 to index
      %get3A_1340 = arith.constant 0 : index
      %get3A_1341 = tpu.vector_load %arg9[%get3A_1339, %get3A_1340] {strides = array<i32>} : memref<512x128xf32, #tpu.memory_space<vmem>>, vector<1x16xf32>,
      %get3A_1342 = vector.shape_cast %get3A_1341 : vector<1x16xf32> to vector<16xf32>
      %max3A_1343 = arith.maximumf %max3A_1299, %get3A_1342 : vector<16xf32>
      %mul3A_1344 = arith.constant 32 : i32
      %mul3A_1345 = arith.muli %scan3A_101, %mul3A_1344 : i32
      %add3A_1346 = arith.constant 256 : i32
      %add3A_1347 = arith.addi %add3A_1346, %mul3A_1345 : i32
      %add3A_1348 = arith.constant 28 : i32
      %add3A_1349 = arith.addi %add3A_1347, %add3A_1348 : i32
      %get3A_1350 = arith.index_cast %add3A_1349 : i32 to index
      %get3A_1351 = arith.constant 16 : index
      %get3A_1352 = tpu.vector_load %arg9[%get3A_1350, %get3A_1351] {strides = array<i32>} : memref<512x128xf32, #tpu.memory_space<vmem>>, vector<1x16xf32>,
      %get3A_1353 = vector.shape_cast %get3A_1352 : vector<1x16xf32> to vector<16xf32>
      %max3A_1354 = arith.maximumf %max3A_1310, %get3A_1353 : vector<16xf32>
      %mul3A_1355 = arith.constant 32 : i32
      %mul3A_1356 = arith.muli %scan3A_101, %mul3A_1355 : i32
      %add3A_1357 = arith.constant 256 : i32
      %add3A_1358 = arith.addi %add3A_1357, %mul3A_1356 : i32
      %add3A_1359 = arith.constant 28 : i32
      %add3A_1360 = arith.addi %add3A_1358, %add3A_1359 : i32
      %get3A_1361 = arith.index_cast %add3A_1360 : i32 to index
      %get3A_1362 = arith.constant 32 : index
      %get3A_1363 = tpu.vector_load %arg9[%get3A_1361, %get3A_1362] {strides = array<i32>} : memref<512x128xf32, #tpu.memory_space<vmem>>, vector<1x16xf32>,
      %get3A_1364 = vector.shape_cast %get3A_1363 : vector<1x16xf32> to vector<16xf32>
      %max3A_1365 = arith.maximumf %max3A_1321, %get3A_1364 : vector<16xf32>
      %mul3A_1366 = arith.constant 32 : i32
      %mul3A_1367 = arith.muli %scan3A_101, %mul3A_1366 : i32
      %add3A_1368 = arith.constant 256 : i32
      %add3A_1369 = arith.addi %add3A_1368, %mul3A_1367 : i32
      %add3A_1370 = arith.constant 28 : i32
      %add3A_1371 = arith.addi %add3A_1369, %add3A_1370 : i32
      %get3A_1372 = arith.index_cast %add3A_1371 : i32 to index
      %get3A_1373 = arith.constant 48 : index
      %get3A_1374 = tpu.vector_load %arg9[%get3A_1372, %get3A_1373] {strides = array<i32>} : memref<512x128xf32, #tpu.memory_space<vmem>>, vector<1x16xf32>,
      %get3A_1375 = vector.shape_cast %get3A_1374 : vector<1x16xf32> to vector<16xf32>
      %max3A_1376 = arith.maximumf %max3A_1332, %get3A_1375 : vector<16xf32>
      %mul3A_1377 = arith.constant 32 : i32
      %mul3A_1378 = arith.muli %scan3A_101, %mul3A_1377 : i32
      %add3A_1379 = arith.constant 256 : i32
      %add3A_1380 = arith.addi %add3A_1379, %mul3A_1378 : i32
      %add3A_1381 = arith.constant 29 : i32
      %add3A_1382 = arith.addi %add3A_1380, %add3A_1381 : i32
      %get3A_1383 = arith.index_cast %add3A_1382 : i32 to index
      %get3A_1384 = arith.constant 0 : index
      %get3A_1385 = tpu.vector_load %arg9[%get3A_1383, %get3A_1384] {strides = array<i32>} : memref<512x128xf32, #tpu.memory_space<vmem>>, vector<1x16xf32>,
      %get3A_1386 = vector.shape_cast %get3A_1385 : vector<1x16xf32> to vector<16xf32>
      %max3A_1387 = arith.maximumf %max3A_1343, %get3A_1386 : vector<16xf32>
      %mul3A_1388 = arith.constant 32 : i32
      %mul3A_1389 = arith.muli %scan3A_101, %mul3A_1388 : i32
      %add3A_1390 = arith.constant 256 : i32
      %add3A_1391 = arith.addi %add3A_1390, %mul3A_1389 : i32
      %add3A_1392 = arith.constant 29 : i32
      %add3A_1393 = arith.addi %add3A_1391, %add3A_1392 : i32
      %get3A_1394 = arith.index_cast %add3A_1393 : i32 to index
      %get3A_1395 = arith.constant 16 : index
      %get3A_1396 = tpu.vector_load %arg9[%get3A_1394, %get3A_1395] {strides = array<i32>} : memref<512x128xf32, #tpu.memory_space<vmem>>, vector<1x16xf32>,
      %get3A_1397 = vector.shape_cast %get3A_1396 : vector<1x16xf32> to vector<16xf32>
      %max3A_1398 = arith.maximumf %max3A_1354, %get3A_1397 : vector<16xf32>
      %mul3A_1399 = arith.constant 32 : i32
      %mul3A_1400 = arith.muli %scan3A_101, %mul3A_1399 : i32
      %add3A_1401 = arith.constant 256 : i32
      %add3A_1402 = arith.addi %add3A_1401, %mul3A_1400 : i32
      %add3A_1403 = arith.constant 29 : i32
      %add3A_1404 = arith.addi %add3A_1402, %add3A_1403 : i32
      %get3A_1405 = arith.index_cast %add3A_1404 : i32 to index
      %get3A_1406 = arith.constant 32 : index
      %get3A_1407 = tpu.vector_load %arg9[%get3A_1405, %get3A_1406] {strides = array<i32>} : memref<512x128xf32, #tpu.memory_space<vmem>>, vector<1x16xf32>,
      %get3A_1408 = vector.shape_cast %get3A_1407 : vector<1x16xf32> to vector<16xf32>
      %max3A_1409 = arith.maximumf %max3A_1365, %get3A_1408 : vector<16xf32>
      %mul3A_1410 = arith.constant 32 : i32
      %mul3A_1411 = arith.muli %scan3A_101, %mul3A_1410 : i32
      %add3A_1412 = arith.constant 256 : i32
      %add3A_1413 = arith.addi %add3A_1412, %mul3A_1411 : i32
      %add3A_1414 = arith.constant 29 : i32
      %add3A_1415 = arith.addi %add3A_1413, %add3A_1414 : i32
      %get3A_1416 = arith.index_cast %add3A_1415 : i32 to index
      %get3A_1417 = arith.constant 48 : index
      %get3A_1418 = tpu.vector_load %arg9[%get3A_1416, %get3A_1417] {strides = array<i32>} : memref<512x128xf32, #tpu.memory_space<vmem>>, vector<1x16xf32>,
      %get3A_1419 = vector.shape_cast %get3A_1418 : vector<1x16xf32> to vector<16xf32>
      %max3A_1420 = arith.maximumf %max3A_1376, %get3A_1419 : vector<16xf32>
      %mul3A_1421 = arith.constant 32 : i32
      %mul3A_1422 = arith.muli %scan3A_101, %mul3A_1421 : i32
      %add3A_1423 = arith.constant 256 : i32
      %add3A_1424 = arith.addi %add3A_1423, %mul3A_1422 : i32
      %add3A_1425 = arith.constant 30 : i32
      %add3A_1426 = arith.addi %add3A_1424, %add3A_1425 : i32
      %get3A_1427 = arith.index_cast %add3A_1426 : i32 to index
      %get3A_1428 = arith.constant 0 : index
      %get3A_1429 = tpu.vector_load %arg9[%get3A_1427, %get3A_1428] {strides = array<i32>} : memref<512x128xf32, #tpu.memory_space<vmem>>, vector<1x16xf32>,
      %get3A_1430 = vector.shape_cast %get3A_1429 : vector<1x16xf32> to vector<16xf32>
      %max3A_1431 = arith.maximumf %max3A_1387, %get3A_1430 : vector<16xf32>
      %mul3A_1432 = arith.constant 32 : i32
      %mul3A_1433 = arith.muli %scan3A_101, %mul3A_1432 : i32
      %add3A_1434 = arith.constant 256 : i32
      %add3A_1435 = arith.addi %add3A_1434, %mul3A_1433 : i32
      %add3A_1436 = arith.constant 30 : i32
      %add3A_1437 = arith.addi %add3A_1435, %add3A_1436 : i32
      %get3A_1438 = arith.index_cast %add3A_1437 : i32 to index
      %get3A_1439 = arith.constant 16 : index
      %get3A_1440 = tpu.vector_load %arg9[%get3A_1438, %get3A_1439] {strides = array<i32>} : memref<512x128xf32, #tpu.memory_space<vmem>>, vector<1x16xf32>,
      %get3A_1441 = vector.shape_cast %get3A_1440 : vector<1x16xf32> to vector<16xf32>
      %max3A_1442 = arith.maximumf %max3A_1398, %get3A_1441 : vector<16xf32>
      %mul3A_1443 = arith.constant 32 : i32
      %mul3A_1444 = arith.muli %scan3A_101, %mul3A_1443 : i32
      %add3A_1445 = arith.constant 256 : i32
      %add3A_1446 = arith.addi %add3A_1445, %mul3A_1444 : i32
      %add3A_1447 = arith.constant 30 : i32
      %add3A_1448 = arith.addi %add3A_1446, %add3A_1447 : i32
      %get3A_1449 = arith.index_cast %add3A_1448 : i32 to index
      %get3A_1450 = arith.constant 32 : index
      %get3A_1451 = tpu.vector_load %arg9[%get3A_1449, %get3A_1450] {strides = array<i32>} : memref<512x128xf32, #tpu.memory_space<vmem>>, vector<1x16xf32>,
      %get3A_1452 = vector.shape_cast %get3A_1451 : vector<1x16xf32> to vector<16xf32>
      %max3A_1453 = arith.maximumf %max3A_1409, %get3A_1452 : vector<16xf32>
      %mul3A_1454 = arith.constant 32 : i32
      %mul3A_1455 = arith.muli %scan3A_101, %mul3A_1454 : i32
      %add3A_1456 = arith.constant 256 : i32
      %add3A_1457 = arith.addi %add3A_1456, %mul3A_1455 : i32
      %add3A_1458 = arith.constant 30 : i32
      %add3A_1459 = arith.addi %add3A_1457, %add3A_1458 : i32
      %get3A_1460 = arith.index_cast %add3A_1459 : i32 to index
      %get3A_1461 = arith.constant 48 : index
      %get3A_1462 = tpu.vector_load %arg9[%get3A_1460, %get3A_1461] {strides = array<i32>} : memref<512x128xf32, #tpu.memory_space<vmem>>, vector<1x16xf32>,
      %get3A_1463 = vector.shape_cast %get3A_1462 : vector<1x16xf32> to vector<16xf32>
      %max3A_1464 = arith.maximumf %max3A_1420, %get3A_1463 : vector<16xf32>
      %mul3A_1465 = arith.constant 32 : i32
      %mul3A_1466 = arith.muli %scan3A_101, %mul3A_1465 : i32
      %add3A_1467 = arith.constant 256 : i32
      %add3A_1468 = arith.addi %add3A_1467, %mul3A_1466 : i32
      %add3A_1469 = arith.constant 31 : i32
      %add3A_1470 = arith.addi %add3A_1468, %add3A_1469 : i32
      %get3A_1471 = arith.index_cast %add3A_1470 : i32 to index
      %get3A_1472 = arith.constant 0 : index
      %get3A_1473 = tpu.vector_load %arg9[%get3A_1471, %get3A_1472] {strides = array<i32>} : memref<512x128xf32, #tpu.memory_space<vmem>>, vector<1x16xf32>,
      %get3A_1474 = vector.shape_cast %get3A_1473 : vector<1x16xf32> to vector<16xf32>
      %max3A_1475 = arith.maximumf %max3A_1431, %get3A_1474 : vector<16xf32>
      %mul3A_1476 = arith.constant 32 : i32
      %mul3A_1477 = arith.muli %scan3A_101, %mul3A_1476 : i32
      %add3A_1478 = arith.constant 256 : i32
      %add3A_1479 = arith.addi %add3A_1478, %mul3A_1477 : i32
      %add3A_1480 = arith.constant 31 : i32
      %add3A_1481 = arith.addi %add3A_1479, %add3A_1480 : i32
      %get3A_1482 = arith.index_cast %add3A_1481 : i32 to index
      %get3A_1483 = arith.constant 16 : index
      %get3A_1484 = tpu.vector_load %arg9[%get3A_1482, %get3A_1483] {strides = array<i32>} : memref<512x128xf32, #tpu.memory_space<vmem>>, vector<1x16xf32>,
      %get3A_1485 = vector.shape_cast %get3A_1484 : vector<1x16xf32> to vector<16xf32>
      %max3A_1486 = arith.maximumf %max3A_1442, %get3A_1485 : vector<16xf32>
      %mul3A_1487 = arith.constant 32 : i32
      %mul3A_1488 = arith.muli %scan3A_101, %mul3A_1487 : i32
      %add3A_1489 = arith.constant 256 : i32
      %add3A_1490 = arith.addi %add3A_1489, %mul3A_1488 : i32
      %add3A_1491 = arith.constant 31 : i32
      %add3A_1492 = arith.addi %add3A_1490, %add3A_1491 : i32
      %get3A_1493 = arith.index_cast %add3A_1492 : i32 to index
      %get3A_1494 = arith.constant 32 : index
      %get3A_1495 = tpu.vector_load %arg9[%get3A_1493, %get3A_1494] {strides = array<i32>} : memref<512x128xf32, #tpu.memory_space<vmem>>, vector<1x16xf32>,
      %get3A_1496 = vector.shape_cast %get3A_1495 : vector<1x16xf32> to vector<16xf32>
      %max3A_1497 = arith.maximumf %max3A_1453, %get3A_1496 : vector<16xf32>
      %mul3A_1498 = arith.constant 32 : i32
      %mul3A_1499 = arith.muli %scan3A_101, %mul3A_1498 : i32
      %add3A_1500 = arith.constant 256 : i32
      %add3A_1501 = arith.addi %add3A_1500, %mul3A_1499 : i32
      %add3A_1502 = arith.constant 31 : i32
      %add3A_1503 = arith.addi %add3A_1501, %add3A_1502 : i32
      %get3A_1504 = arith.index_cast %add3A_1503 : i32 to index
      %get3A_1505 = arith.constant 48 : index
      %get3A_1506 = tpu.vector_load %arg9[%get3A_1504, %get3A_1505] {strides = array<i32>} : memref<512x128xf32, #tpu.memory_space<vmem>>, vector<1x16xf32>,
      %get3A_1507 = vector.shape_cast %get3A_1506 : vector<1x16xf32> to vector<16xf32>
      %max3A_1508 = arith.maximumf %max3A_1464, %get3A_1507 : vector<16xf32>
      %add3A_1509 = arith.constant 8 : i32
      %add3A_1510 = arith.addi %add3A_1509, %scan3A_101 : i32
      %get3A_1511 = arith.index_cast %add3A_1510 : i32 to index
      %get3A_1512 = memref.load %arg11[%get3A_1511] : memref<16xi32, #tpu.memory_space<smem>>
      %gt3A = arith.constant 0 : i32
      %gt3A_1513 = arith.cmpi sgt, %get3A_1512, %gt3A : i32
      %convert_element_type3A = arith.extui %gt3A_1513 : i1 to i32
      %cond3A = arith.constant 0 : i32
      %cond3A_1514 = arith.cmpi ne, %convert_element_type3A, %cond3A : i32
      scf.if %cond3A_1514 {
        %add3A_1519 = arith.constant 120 : i32
        %add3A_1520 = arith.addi %add3A_1519, %scan3A_101 : i32
        %swap3A = arith.index_cast %add3A_1520 : i32 to index
        %swap3A_1521 = arith.constant 0 : index
        %swap3A_1522 = tpu.vector_load %arg10[%swap3A, %swap3A_1521] {strides = array<i32>} : memref<128x128xf32, #tpu.memory_space<vmem>>, vector<1x16xf32>,
        %swap3A_1523 = vector.shape_cast %swap3A_1522 : vector<1x16xf32> to vector<16xf32>
        %swap3A_1524 = vector.shape_cast %max3A_1475 : vector<16xf32> to vector<1x16xf32>
        tpu.vector_store %arg10[%swap3A, %swap3A_1521], %swap3A_1524 {strides = array<i32>} : memref<128x128xf32, #tpu.memory_space<vmem>>, vector<1x16xf32>,
        %add3A_1525 = arith.constant 120 : i32
        %add3A_1526 = arith.addi %add3A_1525, %scan3A_101 : i32
        %swap3A_1527 = arith.index_cast %add3A_1526 : i32 to index
        %swap3A_1528 = arith.constant 16 : index
        %swap3A_1529 = tpu.vector_load %arg10[%swap3A_1527, %swap3A_1528] {strides = array<i32>} : memref<128x128xf32, #tpu.memory_space<vmem>>, vector<1x16xf32>,
        %swap3A_1530 = vector.shape_cast %swap3A_1529 : vector<1x16xf32> to vector<16xf32>
        %swap3A_1531 = vector.shape_cast %max3A_1486 : vector<16xf32> to vector<1x16xf32>
        tpu.vector_store %arg10[%swap3A_1527, %swap3A_1528], %swap3A_1531 {strides = array<i32>} : memref<128x128xf32, #tpu.memory_space<vmem>>, vector<1x16xf32>,
        %add3A_1532 = arith.constant 120 : i32
        %add3A_1533 = arith.addi %add3A_1532, %scan3A_101 : i32
        %swap3A_1534 = arith.index_cast %add3A_1533 : i32 to index
        %swap3A_1535 = arith.constant 32 : index
        %swap3A_1536 = tpu.vector_load %arg10[%swap3A_1534, %swap3A_1535] {strides = array<i32>} : memref<128x128xf32, #tpu.memory_space<vmem>>, vector<1x16xf32>,
        %swap3A_1537 = vector.shape_cast %swap3A_1536 : vector<1x16xf32> to vector<16xf32>
        %swap3A_1538 = vector.shape_cast %max3A_1497 : vector<16xf32> to vector<1x16xf32>
        tpu.vector_store %arg10[%swap3A_1534, %swap3A_1535], %swap3A_1538 {strides = array<i32>} : memref<128x128xf32, #tpu.memory_space<vmem>>, vector<1x16xf32>,
        %add3A_1539 = arith.constant 120 : i32
        %add3A_1540 = arith.addi %add3A_1539, %scan3A_101 : i32
        %swap3A_1541 = arith.index_cast %add3A_1540 : i32 to index
        %swap3A_1542 = arith.constant 48 : index
        %swap3A_1543 = tpu.vector_load %arg10[%swap3A_1541, %swap3A_1542] {strides = array<i32>} : memref<128x128xf32, #tpu.memory_space<vmem>>, vector<1x16xf32>,
        %swap3A_1544 = vector.shape_cast %swap3A_1543 : vector<1x16xf32> to vector<16xf32>
        %swap3A_1545 = vector.shape_cast %max3A_1508 : vector<16xf32> to vector<1x16xf32>
        tpu.vector_store %arg10[%swap3A_1541, %swap3A_1542], %swap3A_1545 {strides = array<i32>} : memref<128x128xf32, #tpu.memory_space<vmem>>, vector<1x16xf32>,
      } else {
      }
      %not3A = arith.constant true
      %not3A_1515 = arith.xori %gt3A_1513, %not3A : i1
      %convert_element_type3A_1516 = arith.extui %not3A_1515 : i1 to i32
      %cond3A_1517 = arith.constant 0 : i32
      %cond3A_1518 = arith.cmpi ne, %convert_element_type3A_1516, %cond3A_1517 : i32
      scf.if %cond3A_1518 {
        %add3A_1519 = arith.constant 120 : i32
        %add3A_1520 = arith.addi %add3A_1519, %scan3A_101 : i32
        %swap3A = arith.index_cast %add3A_1520 : i32 to index
        %swap3A_1521 = arith.constant 0 : index
        %swap3A_1522 = tpu.vector_load %arg10[%swap3A, %swap3A_1521] {strides = array<i32>} : memref<128x128xf32, #tpu.memory_space<vmem>>, vector<1x16xf32>,
        %swap3A_1523 = vector.shape_cast %swap3A_1522 : vector<1x16xf32> to vector<16xf32>
        %swap3A_1524 = vector.shape_cast %broadcast_in_dim3A_25 : vector<16xf32> to vector<1x16xf32>
        tpu.vector_store %arg10[%swap3A, %swap3A_1521], %swap3A_1524 {strides = array<i32>} : memref<128x128xf32, #tpu.memory_space<vmem>>, vector<1x16xf32>,
        %add3A_1525 = arith.constant 120 : i32
        %add3A_1526 = arith.addi %add3A_1525, %scan3A_101 : i32
        %swap3A_1527 = arith.index_cast %add3A_1526 : i32 to index
        %swap3A_1528 = arith.constant 16 : index
        %swap3A_1529 = tpu.vector_load %arg10[%swap3A_1527, %swap3A_1528] {strides = array<i32>} : memref<128x128xf32, #tpu.memory_space<vmem>>, vector<1x16xf32>,
        %swap3A_1530 = vector.shape_cast %swap3A_1529 : vector<1x16xf32> to vector<16xf32>
        %swap3A_1531 = vector.shape_cast %broadcast_in_dim3A_25 : vector<16xf32> to vector<1x16xf32>
        tpu.vector_store %arg10[%swap3A_1527, %swap3A_1528], %swap3A_1531 {strides = array<i32>} : memref<128x128xf32, #tpu.memory_space<vmem>>, vector<1x16xf32>,
        %add3A_1532 = arith.constant 120 : i32
        %add3A_1533 = arith.addi %add3A_1532, %scan3A_101 : i32
        %swap3A_1534 = arith.index_cast %add3A_1533 : i32 to index
        %swap3A_1535 = arith.constant 32 : index
        %swap3A_1536 = tpu.vector_load %arg10[%swap3A_1534, %swap3A_1535] {strides = array<i32>} : memref<128x128xf32, #tpu.memory_space<vmem>>, vector<1x16xf32>,
        %swap3A_1537 = vector.shape_cast %swap3A_1536 : vector<1x16xf32> to vector<16xf32>
        %swap3A_1538 = vector.shape_cast %broadcast_in_dim3A_25 : vector<16xf32> to vector<1x16xf32>
        tpu.vector_store %arg10[%swap3A_1534, %swap3A_1535], %swap3A_1538 {strides = array<i32>} : memref<128x128xf32, #tpu.memory_space<vmem>>, vector<1x16xf32>,
        %add3A_1539 = arith.constant 120 : i32
        %add3A_1540 = arith.addi %add3A_1539, %scan3A_101 : i32
        %swap3A_1541 = arith.index_cast %add3A_1540 : i32 to index
        %swap3A_1542 = arith.constant 48 : index
        %swap3A_1543 = tpu.vector_load %arg10[%swap3A_1541, %swap3A_1542] {strides = array<i32>} : memref<128x128xf32, #tpu.memory_space<vmem>>, vector<1x16xf32>,
        %swap3A_1544 = vector.shape_cast %swap3A_1543 : vector<1x16xf32> to vector<16xf32>
        %swap3A_1545 = vector.shape_cast %broadcast_in_dim3A_25 : vector<16xf32> to vector<1x16xf32>
        tpu.vector_store %arg10[%swap3A_1541, %swap3A_1542], %swap3A_1545 {strides = array<i32>} : memref<128x128xf32, #tpu.memory_space<vmem>>, vector<1x16xf32>,
      } else {
      }
    }
    %scan3A_100 = arith.constant 8 : i32
    "tpu.region"() ({
      %run_scoped3A = tpu.sem_alloc : memref<!tpu.dma_semaphore, #tpu.memory_space<semaphore_mem>>
      %dma_start3A_101 = arith.constant 0 : i32
      %dma_start3A_102 = tpu.memref_slice %arg4[%mul3A_2, %dma_start3A_101] : memref<4096x128xf32, #tpu.memory_space<hbm>> -> memref<128x128xf32, #tpu.memory_space<hbm>>
      %dma_start3A_103 = arith.constant 0 : i32
      %dma_start3A_104 = tpu.memref_slice %arg4[%mul3A_2, %dma_start3A_103] : memref<4096x128xf32, #tpu.memory_space<hbm>> -> memref<128x128xf32, #tpu.memory_space<hbm>>
      tpu.enqueue_dma source(%arg10 : memref<128x128xf32, #tpu.memory_space<vmem>>) target(%dma_start3A_104 : memref<128x128xf32, #tpu.memory_space<hbm>>) target_semaphore(%run_scoped3A : memref<!tpu.dma_semaphore, #tpu.memory_space<semaphore_mem>>)
      %dma_wait3A_105 = arith.constant 0 : i32
      %dma_wait3A_106 = tpu.memref_slice %arg4[%mul3A_2, %dma_wait3A_105] : memref<4096x128xf32, #tpu.memory_space<hbm>> -> memref<128x128xf32, #tpu.memory_space<hbm>>
      %dma_wait3A_107 = arith.constant 0 : i32
      %dma_wait3A_108 = tpu.memref_slice %arg4[%mul3A_2, %dma_wait3A_107] : memref<4096x128xf32, #tpu.memory_space<hbm>> -> memref<128x128xf32, #tpu.memory_space<hbm>>
      tpu.wait_dma2 semaphore(%run_scoped3A : memref<!tpu.dma_semaphore, #tpu.memory_space<semaphore_mem>>) src(%arg10 : memref<128x128xf32, #tpu.memory_space<vmem>>) dst(%dma_wait3A_108 : memref<128x128xf32, #tpu.memory_space<hbm>>)
      tpu.yield
    }) : () -> ()
    return
  }
}

module attributes {stable_mosaic.version = 14 : i64} {
  func.func @_point_mlp_body(%arg0: i32, %arg1: memref<8192x3xf32, #tpu.memory_space<vmem>>, %arg2: memref<8192x32xf32, #tpu.memory_space<vmem>>, %arg3: memref<3x64xf32, #tpu.memory_space<vmem>>, %arg4: memref<32x64xf32, #tpu.memory_space<vmem>>, %arg5: memref<8192x128xf32, #tpu.memory_space<vmem>>) attributes {dimension_semantics = [#tpu.dimension_semantics<arbitrary>], iteration_bounds = array<i64: 4>, scalar_prefetch = 0 : i64, scratch_operands = 0 : i64, tpu.core_type = #tpu.core_type<tc>, window_params = [{transform_indices = @transform_0, window_bounds = array<i64: 8192, 3>}, {transform_indices = @transform_1, window_bounds = array<i64: 8192, 32>}, {pipeline_mode = #tpu.pipeline_mode<synchronous>, transform_indices = @transform_2, window_bounds = array<i64: 3, 64>}, {pipeline_mode = #tpu.pipeline_mode<synchronous>, transform_indices = @transform_3, window_bounds = array<i64: 32, 64>}, {transform_indices = @transform_4, window_bounds = array<i64: 8192, 128>}]} {
    %get3A = arith.constant 0 : index
    %get3A_0 = arith.constant 0 : index
    %get3A_1 = vector.load %arg1[%get3A, %get3A_0] : memref<8192x3xf32, #tpu.memory_space<vmem>>, vector<8192x3xf32>
    %get3A_2 = arith.constant 0 : index
    %get3A_3 = arith.constant 0 : index
    %get3A_4 = vector.load %arg3[%get3A_2, %get3A_3] : memref<3x64xf32, #tpu.memory_space<vmem>>, vector<3x64xf32>
    %dot_general3A = arith.constant dense<0.000000e+00> : vector<8192x64xf32>
    %dot_general3A_5 = tpu.matmul %get3A_1, %get3A_4, %dot_general3A {dimension_numbers = #tpu.dot_dimension_numbers<[1], [0], [0], [1], [0, 0, 1, 1], [], []>, transpose_lhs_hint = false} : vector<8192x3xf32>, vector<3x64xf32>, vector<8192x64xf32> -> vector<8192x64xf32>
    %get3A_6 = arith.constant 0 : index
    %get3A_7 = arith.constant 0 : index
    %get3A_8 = vector.load %arg2[%get3A_6, %get3A_7] : memref<8192x32xf32, #tpu.memory_space<vmem>>, vector<8192x32xf32>
    %get3A_9 = arith.constant 0 : index
    %get3A_10 = arith.constant 0 : index
    %get3A_11 = vector.load %arg4[%get3A_9, %get3A_10] : memref<32x64xf32, #tpu.memory_space<vmem>>, vector<32x64xf32>
    %dot_general3A_12 = arith.constant dense<0.000000e+00> : vector<8192x64xf32>
    %dot_general3A_13 = tpu.matmul %get3A_8, %get3A_11, %dot_general3A_12 {dimension_numbers = #tpu.dot_dimension_numbers<[1], [0], [0], [1], [0, 0, 1, 1], [], []>, transpose_lhs_hint = false} : vector<8192x32xf32>, vector<32x64xf32>, vector<8192x64xf32> -> vector<8192x64xf32>
    %add3A = arith.addf %dot_general3A_5, %dot_general3A_13 : vector<8192x64xf32>
    %broadcast_in_dim3A = arith.constant 0.000000e+00 : f32
    %broadcast_in_dim3A_14 = vector.broadcast %broadcast_in_dim3A : f32 to vector<8192x64xf32>
    %concatenate3A = tpu.concatenate %add3A, %broadcast_in_dim3A_14 in 1 : vector<8192x64xf32>, vector<8192x64xf32> -> vector<8192x128xf32>
    %swap3A = arith.constant 0 : index
    %swap3A_15 = arith.constant 0 : index
    %swap3A_16 = vector.load %arg5[%swap3A, %swap3A_15] : memref<8192x128xf32, #tpu.memory_space<vmem>>, vector<8192x128xf32>
    tpu.vector_store %arg5[%swap3A, %swap3A_15], %concatenate3A {strides = array<i32>} : memref<8192x128xf32, #tpu.memory_space<vmem>>, vector<8192x128xf32>,
    return
  }
  func.func @transform_0(%arg0: i32) -> (i32, i32) {
    %c0_i32 = arith.constant 0 : i32
    %c0_i32_0 = arith.constant 0 : i32
    return %arg0, %c0_i32 : i32, i32
  }
  func.func @transform_1(%arg0: i32) -> (i32, i32) {
    %c0_i32 = arith.constant 0 : i32
    %c0_i32_0 = arith.constant 0 : i32
    return %arg0, %c0_i32 : i32, i32
  }
  func.func @transform_2(%arg0: i32) -> (i32, i32) {
    %c0_i32 = arith.constant 0 : i32
    %c0_i32_0 = arith.constant 0 : i32
    %c0_i32_1 = arith.constant 0 : i32
    return %c0_i32, %c0_i32_0 : i32, i32
  }
  func.func @transform_3(%arg0: i32) -> (i32, i32) {
    %c0_i32 = arith.constant 0 : i32
    %c0_i32_0 = arith.constant 0 : i32
    %c0_i32_1 = arith.constant 0 : i32
    return %c0_i32, %c0_i32_0 : i32, i32
  }
  func.func @transform_4(%arg0: i32) -> (i32, i32) {
    %c0_i32 = arith.constant 0 : i32
    %c0_i32_0 = arith.constant 0 : i32
    return %arg0, %c0_i32 : i32, i32
  }
}

module attributes {stable_mosaic.version = 14 : i64} {
  func.func @_head_body(%arg0: i32, %arg1: memref<2048x128xf32, #tpu.memory_space<vmem>>, %arg2: memref<2048x8xf32, #tpu.memory_space<vmem>>, %arg3: memref<8x64xf32, #tpu.memory_space<vmem>>, %arg4: memref<1x64xf32, #tpu.memory_space<vmem>>, %arg5: memref<64x128xf32, #tpu.memory_space<vmem>>, %arg6: memref<1x128xf32, #tpu.memory_space<vmem>>, %arg7: memref<2048x128xf32, #tpu.memory_space<vmem>>) attributes {dimension_semantics = [#tpu.dimension_semantics<arbitrary>], iteration_bounds = array<i64: 2>, scalar_prefetch = 0 : i64, scratch_operands = 0 : i64, tpu.core_type = #tpu.core_type<tc>, window_params = [{transform_indices = @transform_0, window_bounds = array<i64: 2048, 128>}, {transform_indices = @transform_1, window_bounds = array<i64: 2048, 8>}, {pipeline_mode = #tpu.pipeline_mode<synchronous>, transform_indices = @transform_2, window_bounds = array<i64: 8, 64>}, {pipeline_mode = #tpu.pipeline_mode<synchronous>, transform_indices = @transform_3, window_bounds = array<i64: 1, 64>}, {pipeline_mode = #tpu.pipeline_mode<synchronous>, transform_indices = @transform_4, window_bounds = array<i64: 64, 128>}, {pipeline_mode = #tpu.pipeline_mode<synchronous>, transform_indices = @transform_5, window_bounds = array<i64: 1, 128>}, {transform_indices = @transform_6, window_bounds = array<i64: 2048, 128>}]} {
    %get3A = arith.constant 0 : index
    %get3A_0 = arith.constant 0 : index
    %get3A_1 = vector.load %arg2[%get3A, %get3A_0] : memref<2048x8xf32, #tpu.memory_space<vmem>>, vector<2048x8xf32>
    %get3A_2 = arith.constant 0 : index
    %get3A_3 = arith.constant 0 : index
    %get3A_4 = vector.load %arg3[%get3A_2, %get3A_3] : memref<8x64xf32, #tpu.memory_space<vmem>>, vector<8x64xf32>
    %dot_general3A = arith.constant dense<0.000000e+00> : vector<2048x64xf32>
    %dot_general3A_5 = tpu.matmul %get3A_1, %get3A_4, %dot_general3A {dimension_numbers = #tpu.dot_dimension_numbers<[1], [0], [0], [1], [0, 0, 1, 1], [], []>, transpose_lhs_hint = false} : vector<2048x8xf32>, vector<8x64xf32>, vector<2048x64xf32> -> vector<2048x64xf32>
    %get3A_6 = arith.constant 0 : index
    %get3A_7 = arith.constant 0 : index
    %get3A_8 = vector.load %arg1[%get3A_6, %get3A_7] : memref<2048x128xf32, #tpu.memory_space<vmem>>, vector<2048x64xf32>
    %sub3A = arith.subf %get3A_8, %dot_general3A_5 : vector<2048x64xf32>
    %get3A_9 = arith.constant 0 : index
    %get3A_10 = arith.constant 0 : index
    %get3A_11 = vector.load %arg4[%get3A_9, %get3A_10] : memref<1x64xf32, #tpu.memory_space<vmem>>, vector<1x64xf32>
    %add3A = vector.broadcast %get3A_11 : vector<1x64xf32> to vector<2048x64xf32>
    %add3A_12 = arith.addf %sub3A, %add3A : vector<2048x64xf32>
    %max3A = arith.constant 0.000000e+00 : f32
    %max3A_13 = vector.broadcast %max3A : f32 to vector<2048x64xf32>
    %max3A_14 = arith.maximumf %add3A_12, %max3A_13 : vector<2048x64xf32>
    %get3A_15 = arith.constant 0 : index
    %get3A_16 = arith.constant 0 : index
    %get3A_17 = vector.load %arg5[%get3A_15, %get3A_16] : memref<64x128xf32, #tpu.memory_space<vmem>>, vector<64x128xf32>
    %dot_general3A_18 = arith.constant dense<0.000000e+00> : vector<2048x128xf32>
    %dot_general3A_19 = tpu.matmul %max3A_14, %get3A_17, %dot_general3A_18 {dimension_numbers = #tpu.dot_dimension_numbers<[1], [0], [0], [1], [0, 0, 1, 1], [], []>, transpose_lhs_hint = false} : vector<2048x64xf32>, vector<64x128xf32>, vector<2048x128xf32> -> vector<2048x128xf32>
    %get3A_20 = arith.constant 0 : index
    %get3A_21 = arith.constant 0 : index
    %get3A_22 = vector.load %arg6[%get3A_20, %get3A_21] : memref<1x128xf32, #tpu.memory_space<vmem>>, vector<1x128xf32>
    %add3A_23 = vector.broadcast %get3A_22 : vector<1x128xf32> to vector<2048x128xf32>
    %add3A_24 = arith.addf %dot_general3A_19, %add3A_23 : vector<2048x128xf32>
    %max3A_25 = arith.constant 0.000000e+00 : f32
    %max3A_26 = vector.broadcast %max3A_25 : f32 to vector<2048x128xf32>
    %max3A_27 = arith.maximumf %add3A_24, %max3A_26 : vector<2048x128xf32>
    %swap3A = arith.constant 0 : index
    %swap3A_28 = arith.constant 0 : index
    %swap3A_29 = vector.load %arg7[%swap3A, %swap3A_28] : memref<2048x128xf32, #tpu.memory_space<vmem>>, vector<2048x128xf32>
    tpu.vector_store %arg7[%swap3A, %swap3A_28], %max3A_27 {strides = array<i32>} : memref<2048x128xf32, #tpu.memory_space<vmem>>, vector<2048x128xf32>,
    return
  }
  func.func @transform_0(%arg0: i32) -> (i32, i32) {
    %c0_i32 = arith.constant 0 : i32
    %c0_i32_0 = arith.constant 0 : i32
    return %arg0, %c0_i32 : i32, i32
  }
  func.func @transform_1(%arg0: i32) -> (i32, i32) {
    %c0_i32 = arith.constant 0 : i32
    %c0_i32_0 = arith.constant 0 : i32
    return %arg0, %c0_i32 : i32, i32
  }
  func.func @transform_2(%arg0: i32) -> (i32, i32) {
    %c0_i32 = arith.constant 0 : i32
    %c0_i32_0 = arith.constant 0 : i32
    %c0_i32_1 = arith.constant 0 : i32
    return %c0_i32, %c0_i32_0 : i32, i32
  }
  func.func @transform_3(%arg0: i32) -> (i32, i32) {
    %c0_i32 = arith.constant 0 : i32
    %c0_i32_0 = arith.constant 0 : i32
    %c0_i32_1 = arith.constant 0 : i32
    return %c0_i32, %c0_i32_0 : i32, i32
  }
  func.func @transform_4(%arg0: i32) -> (i32, i32) {
    %c0_i32 = arith.constant 0 : i32
    %c0_i32_0 = arith.constant 0 : i32
    %c0_i32_1 = arith.constant 0 : i32
    return %c0_i32, %c0_i32_0 : i32, i32
  }
  func.func @transform_5(%arg0: i32) -> (i32, i32) {
    %c0_i32 = arith.constant 0 : i32
    %c0_i32_0 = arith.constant 0 : i32
    %c0_i32_1 = arith.constant 0 : i32
    return %c0_i32, %c0_i32_0 : i32, i32
  }
  func.func @transform_6(%arg0: i32) -> (i32, i32) {
    %c0_i32 = arith.constant 0 : i32
    %c0_i32_0 = arith.constant 0 : i32
    return %arg0, %c0_i32 : i32, i32
  }
}

</mosaic_0001>

<sc_bundles>
// kernel: kernel.5.cloned.1.call-start
scs
__scs_entry_jumppad:
0x0: {  	(pc) =	sbr.rel $0x88, $3  }
0x1: {  	(tag) =	ssettag $0x0;
	lr =	simm.s32 $0x1  }
0x2: {  	[smem:$0x3F99] =	sst lr;
	_ =	strace $0xD0000000  }
0x3: {  	_ = 	snop  }
0x4: {  	_ = 	snop  }
0x5: {  	_ = 	snop  }
0x6: {  	_ = 	snop  }
0x7: {  	_ = 	snop  }
__scs_overlays_trampoline_lowered:
0x8: {  	[smem:$0x3FA8] =	sst s0  }
0x9: {  	[smem:$0x3FA9] =	sst s1  }
0xa: {  	[smem:$0x3FAA] =	sst s2  }
0xb: {  	[smem:$0x3FAB] =	sst s3  }
0xc: {  	[smem:$0x3FAC] =	sst s4  }
0xd: {  	[smem:$0x3FAD] =	sst s5  }
0xe: {  	[smem:$0x3FAE] =	sst s6  }
0xf: {  	[smem:$0x3FAF] =	sst s7  }
0x10: {  	[smem:$0x3FB0] =	sst s8  }
0x11: {  	[smem:$0x3FB1] =	sst s9;
	s0 =	simm.s32 @!p0 $0x0  }
0x12: {  	s1 =	sld [smem:$0x3F97];
	s0 =	simm.s32 @p0 $0x1  }
0x13: {  	[smem:$0x3FB2] =	sst s0;
	s0 =	simm.s32 @!p1 $0x0  }
0x14: {  	s2 =	sld [smem:$0x3F96];
	s0 =	simm.s32 @p1 $0x1  }
0x15: {  	[smem:$0x3FB3] =	sst s0;
	s0 =	simm.s32 @!p2 $0x0  }
0x16: {  	s3 =	sld [smem:$0x3FDB];
	s0 =	simm.s32 @p2 $0x1  }
0x17: {  	s4 =	simm.s32 $0x1BF5;
	[smem:$0x3FB5] =	sst s0  }
0x18: {  	s0 =	sld [smem:$0x3F98];
	_ =	swait.ge [sflag:s4], $0x0  }
0x19: {  	s7 =	sld [smem:$0x3F99]  }
0x1a: {  	s8 =	sadd.s32 $0xFFFFE003, lr  }
0x1b: {  	s9 =	sadd.s32 $0xFFFFFEF7, lr;
	s5 =	simm.s32 $0xFFFFFFFF;
	p2 =	slt.u32 s8, $0xFFFFF086  }
0x1c: {  	p1 =	slt.u32 s9, $0xF7A;
	s5 =	simm.s32 @!p2 $0x0  }
0x1d: {  	s5 =	simm.s32 @p1 $0x1;
	p0 =	seq.s32 s7, s2  }
0x1e: {  	s7 =	smul.u32 @!p0 $0xF7A, s2;
	p2 =	seq.s32 @!p0 s5, $0x0  }
0x1f: {  	s9 =	smul.u32 $0xF7A, s1;
	s8 =	simm.s32 @!p0 $0x1BF5;
	p2 =	por !p2, p0  }
0x20: {  	[sflag:s8] =	ssyncset.s32 @!p0 $0xFFFFF086;
	s6 =	sadd.s32 @!p0 s3, s7;
	s7 =	simm.s32 @!p0 $0x108  }
0x21: {  	s3 =	sadd.s32 s3, s9;
	s6 =	sadd.s32 @!p0 $0x88, s6;
	s7 =	simm.s32 @p2 $0x1082  }
0x22: {  	[simem:s7], [sflag:s8] =	dma.local @!p0 [hbm:s6], $0xF7A  }
0x23: {  	s9 =	sor.u32 $0xD0000000, s2;
	s6 =	simm.s32 $0x108;
	_ =	swait.ge @!p0 [sflag:s8], $0x0  }
0x24: {  	s3 =	sadd.s32 $0x88, s3;
	s6 =	simm.s32 @!p1 $0x1082;
	[sflag:s4] =	ssyncset.s32 $0xFFFFF086  }
0x25: {  	[simem:s6], [sflag:s4] =	dma.local [hbm:s3], $0xF7A  }
0x26: {  	[smem:$0x3F99] =	sst s1;
	(tag) =	ssettag s2;
	_ =	strace s9  }
0x27: {  	s1 =	sld [smem:$0x3FA9]  }
0x28: {  	s2 =	sld [smem:$0x3FAA]  }
0x29: {  	s4 =	sld [smem:$0x3FAC]  }
0x2a: {  	p0 =	seq.s32 s5, $0x0;
	s5 =	sld [smem:$0x3FAD]  }
0x2b: {  	s6 =	sld [smem:$0x3FAE]  }
0x2c: {  	s7 =	sld [smem:$0x3FAF]  }
0x2d: {  	s3 =	simm.s32 $0x108;
	s8 =	sld [smem:$0x3FB0]  }
0x2e: {  	s3 =	simm.s32 @!p0 $0x1082;
	s9 =	sld [smem:$0x3FB1]  }
0x2f: {  	lr =	sadd.s32 s0, s3;
	s0 =	sld [smem:$0x3FA8]  }
0x30: {  	s3 =	sld [smem:$0x3FAB]  }
0x31: {  	[smem:$0x3FB4] =	sst s10  }
0x32: {  	s10 =	sld [smem:$0x3FB2];
	_ =	sdelay $0x3  }
0x33: {  	p0 =	seq.s32 s10, $0x1;
	s10 =	sld [smem:$0x3FB4];
	_ =	sdelay $0x3  }
0x34: {  	[smem:$0x3FB4] =	sst s10  }
0x35: {  	s10 =	sld [smem:$0x3FB3];
	_ =	sdelay $0x3  }
0x36: {  	p1 =	seq.s32 s10, $0x1;
	s10 =	sld [smem:$0x3FB4];
	_ =	sdelay $0x3  }
0x37: {  	[smem:$0x3FB4] =	sst s10  }
0x38: {  	s10 =	sld [smem:$0x3FB5]  }
0x39: {  	_ = 	snop;
	(pc) =	sbr.ind lr, $3  }
0x3a: {  	_ = 	snop  }
0x3b: {  	_ = 	snop  }
0x3c: {  	p2 =	seq.s32 s10, $0x1;
	s10 =	sld [smem:$0x3FB4]  }
0x3d: {  	_ =	shalt  }
0x3e: {  	_ =	shalt  }
0x3f: {  	_ =	shalt  }
0x40: {  	_ =	shalt  }
0x41: {  	_ =	shalt  }
0x42: {  	_ =	shalt  }
0x43: {  	_ =	shalt  }
0x44: {  	_ =	shalt  }
0x45: {  	_ =	shalt  }
0x46: {  	_ =	shalt  }
0x47: {  	_ =	shalt  }
0x48: {  	_ =	shalt  }
0x49: {  	_ =	shalt  }
0x4a: {  	_ =	shalt  }
0x4b: {  	_ =	shalt  }
0x4c: {  	_ =	shalt  }
0x4d: {  	_ =	shalt  }
0x4e: {  	_ =	shalt  }
0x4f: {  	_ =	shalt  }
0x50: {  	_ =	shalt  }
0x51: {  	_ =	shalt  }
0x52: {  	_ =	shalt  }
0x53: {  	_ =	shalt  }
0x54: {  	_ =	shalt  }
0x55: {  	_ =	shalt  }
0x56: {  	_ =	shalt  }
0x57: {  	_ =	shalt  }
0x58: {  	_ =	shalt  }
0x59: {  	_ =	shalt  }
0x5a: {  	_ =	shalt  }
0x5b: {  	_ =	shalt  }
0x5c: {  	_ =	shalt  }
0x5d: {  	_ =	shalt  }
0x5e: {  	_ =	shalt  }
0x5f: {  	_ =	shalt  }
0x60: {  	_ =	shalt  }
0x61: {  	_ =	shalt  }
0x62: {  	_ =	shalt  }
0x63: {  	_ =	shalt  }
0x64: {  	_ =	shalt  }
0x65: {  	_ =	shalt  }
0x66: {  	_ =	shalt  }
0x67: {  	_ =	shalt  }
0x68: {  	_ =	shalt  }
0x69: {  	_ =	shalt  }
0x6a: {  	_ =	shalt  }
0x6b: {  	_ =	shalt  }
0x6c: {  	_ =	shalt  }
0x6d: {  	_ =	shalt  }
0x6e: {  	_ =	shalt  }
0x6f: {  	_ =	shalt  }
0x70: {  	_ =	shalt  }
0x71: {  	_ =	shalt  }
0x72: {  	_ =	shalt  }
0x73: {  	_ =	shalt  }
0x74: {  	_ =	shalt  }
0x75: {  	_ =	shalt  }
0x76: {  	_ =	shalt  }
0x77: {  	_ =	shalt  }
0x78: {  	_ =	shalt  }
0x79: {  	_ =	shalt  }
0x7a: {  	_ =	shalt  }
0x7b: {  	_ =	shalt  }
0x7c: {  	_ =	shalt  }
0x7d: {  	_ =	shalt  }
0x7e: {  	_ =	shalt  }
0x7f: {  	_ =	shalt  }
0x80: {  	_ =	shalt  }
0x81: {  	_ =	shalt  }
0x82: {  	_ =	shalt  }
0x83: {  	_ =	shalt  }
0x84: {  	_ =	shalt  }
0x85: {  	_ =	shalt  }
0x86: {  	_ =	shalt  }
0x87: {  	_ =	shalt  }
.Lfunc_end0:
.L_simem_size_0:
called_computation_lowered:
.L_overlay_start_0:
0x88: {  	s2 =	sld [smem:$0x3FD9]  }
0x89: {  	s3 =	sld [smem:$0x3FFE];
	_ =	sdelay $0x1  }
0x8a: {  	s1 =	srdreg.scid  }
0x8b: {  	s0 =	sand.u32 $0x1, s1  }
0x8c: {  	s17 =	sshll.u32 s0, $0xA;
	s2 =	sadd.s32 s3, s2  }
0x8d: {  	s2 =	sadd.s32 s2, s17  }
0x8e: {  	[smem:$0x3FC0] =	sst s2  }
0x8f: {  	_ = 	snop  }
0x90: {  	s2 =	sld [smem:$0x3FC6]  }
0x91: {  	s18 =	sld [smem:$0x3FD0];
	(tm) =	ssettm $0x1  }
0x92: {  	s4 =	sld [smem:$0x3FFB];
	_ =	sdelay $0x3  }
0x93: {  	_ =	strace s4  }
0x94: {  	s4 =	sld [smem:$0x3FFC];
	_ =	sdelay $0x3  }
0x95: {  	_ =	strace s4  }
0x96: {  	s4 =	sld [smem:$0x3FFD];
	_ =	sdelay $0x3  }
0x97: {  	_ =	strace s4  }
0x98: {  	_ =	strace $0x8FFFFFFF  }
0x99: {  	s19 =	sld [smem:$0x3FDB];
	_ =	sdelay $0x1  }
0x9a: {  	s5 =	simm.s32 $_scs_section_size  }
0x9b: {  	s6 =	simm.s32 $_size__tile_overlayer_lowered;
	s7 =	simm.s32 $_tile_overlayer_lowered  }
0x9c: {  	s22 =	simm.s32 $0x1BFF;
	s21 =	sshll.u32 s7, $0x1;
	s4 =	sadd.s32 s5, s19  }
0x9d: {  	s8 =	simm.s32 $0x0;
	s20 =	sshll.u32 s6, $0x1;
	s6 =	sadd.s32 s21, s4  }
0x9e: {  	[timem:s8], [sflag:s22] =	dma.local [hbm:s6], s20  }
0x9f: {  	_ =	swait.ge [sflag:s22], s20  }
0xa0: {  	s5 =	ssub.s32 $0x0, s20;
	[sflag:s22] =	ssyncset.done $0x0  }
0xa1: {  	[sflag:s22] =	ssyncadd.s32 s5;
	_ =	sdelay $0x1  }
0xa2: {  	s23 =	simm.s32 $0x1B8B  }
0xa3: {  	_ =	swait.ge [sflag:s23], $0x1  }
0xa4: {  	[sflag:s23] =	ssyncset.done $0x0  }
0xa5: {  	s25 =	simm.s32 $0x1B8E;
	s24 =	sld [smem:$0x3FFE];
	[sflag:s23] =	ssyncadd.s32 $0xFFFFFFFF  }
0xa6: {  	s26 =	simm.s32 $execute0_lowered;
	[smem:$0x3FD2] =	sst s25  }
0xa7: {  	s6 =	sshll.u32 s26, $0x1;
	_ =	strace $0x80000046;
	[dreg:$0x1] =	wrdreg $0xFFFFFFFF  }
0xa8: {  	s28 =	simm.s32 $_size_execute0_lowered;
	s4 =	sadd.s32 s4, s6;
	[dreg:$0x0] =	wrdreg $0x0  }
0xa9: {  	s6 =	sshll.u32 s28, $0x1;
	[dreg:$0x2] =	wrdreg s4  }
0xaa: {  	[dreg:$0x3] =	wrdreg s6  }
0xab: {  	[dreg:$0x4] =	wrdreg $0xC0  }
0xac: {  	_ =	task [dreg:s8], $0x5FFFF  }
0xad: {  	[dreg:$0x1] =	wrdreg $0xFFFFFFFF  }
0xae: {  	[dreg:$0x0] =	wrdreg $0x60  }
0xaf: {  	[dreg:$0x2] =	wrdreg s2  }
0xb0: {  	[dreg:$0x3] =	wrdreg s24  }
0xb1: {  	[dreg:$0x4] =	wrdreg s18  }
0xb2: {  	[dreg:$0x5] =	wrdreg $0x9  }
0xb3: {  	_ =	task.clear_ibuf [dreg:s8], $0x6FFFF;
	_ =	strace $0x90000046  }
0xb4: {  	s29 =	simm.s32 $0x9;
	_ =	strace $0x80000048  }
0xb5: {  	_ =	swait.ge [sflag:s29], $0x1  }
0xb6: {  	[sflag:s29] =	ssyncadd.s32 $0xFFFFFFFF  }
0xb7: {  	_ =	strace $0x90000048  }
0xb8: {  	_ =	sfence  }
0xb9: {  	s30 =	sld [smem:$0x0];
	_ =	sdelay $0x2  }
0xba: {  	s31 =	sshll.u32 s1, $0xD;
	s1 =	sshrl.u32 s1, $0x2  }
0xbb: {  	s3 =	sand.u32 $0x4000, s31;
	s1 =	sadd.s32 s1, s30  }
0xbc: {  	s0 =	sor.u32 s3, s0;
	s1 =	sshll.u32 s1, $0x11  }
0xbd: {  	s0 =	sor.u32 s1, s0  }
0xbe: {  	s0 =	sadd.s32 $0x8F2B, s0  }
0xbf: {  	[sflag:s0] =	ssyncadd.remote.s32 $0x1  }
0xc0: {  	_ =	sfence.sel $0xFFFF  }
0xc1: {  	[dreg:$0x0] =	wrdreg $0xFFFFFFFF;
	(pc) =	sbr.abs _section_cstart, $3  }
0xc2: {  	[dreg:$0x1] =	wrdreg $0xFFFFFFFF  }
0xc3: {  	_ =	task.clear_ibuf [dreg:s8], $0x2FFFF;
	_ =	strace $0x9FFFFFFF  }
0xc4: {  	(tm) =	ssettm $0x7FFFFFFF  }
0xc5: {  	_ =	shalt  }
tec
execute0_lowered:
.L_overlay_start_1:
0x0: {  	(tag) =	ssettag $0x1  }
0x1: {  	v0 =	vimm.s32 $0xEDCBA987  }
0x2: {  	v0 =	vunpack.c.l.s4.s8 v0  }
0x3: {  	s0 =	rddreg [dreg:$0x0];
	v1 =	vimm.s32 $0x65432100  }
0x4: {  	s1 =	rddreg [dreg:$0x1];
	v2 =	vimm.s32 $0xDCBA9876;
	v1 =	vunpack.c.l.s4.s8 v1;
	v0 =	vunpack.c.0.s8.s32 v0  }
0x5: {  	s2 =	rddreg [dreg:$0x2];
	v2 =	vunpack.c.l.s4.s8 v2  }
0x6: {  	s9 =	simm.s32 $0x0;
	s3 =	srdreg.scid;
	s7 =	stileid.u32;
	v1 =	vunpack.c.0.s8.s32 v1;
	v3 =	vand.u32 $0xF, v0;
	v0 =	vimm.s32 $0x54321000  }
0x7: {  	v5 =	vimm.s32 $0xE40000;
	s11 =	simm.s32 $0x1;
	s12 =	simm.s32 $0x2;
	s13 =	simm.s32 $0x1000;
	v2 =	vunpack.c.0.s8.s32 v2;
	v4 =	vunpack.c.l.s4.s8 v0  }
0x8: {  	v6 =	vimm.s32 $0x32100000;
	s14 =	simm.s32 $0x3;
	s15 =	simm.s32 $0x80;
	s30 =	simm.s32 $0x0;
	v1 =	vcombine.low v1, v3;
	v3 =	vunpack.c.l.s2.s4 v5  }
0x9: {  	[smem:$0x7FF] =	sst s9;
	s3 =	sand.u32 $0x1, s3;
	s4 =	sadd.s32 $0x1400, s1;
	v5 =	vand.u32 $0xF, v2;
	v2 =	vimm.s32 $0xBA987654;
	v4 =	vunpack.c.0.s8.s32 v4  }
0xa: {  	vm0 =	vmmov $0x3;
	s6 =	sshll.u32 s7, $0x8;
	s29 =	ssub.s32 $0x2, s3;
	s3 =	sshll.u32 s3, $0x7;
	v7 =	vunpack.c.l.s4.s8 v2;
	v8 =	vunpack.c.l.s4.s8 v3  }
0xb: {  	vm2 =	vcmask $0x3F30;
	s31 =	sshll.u32 s7, $0xB;
	_ =	strace $0x80000047;
	s3 =	sor.u32 s3, s6;
	v3 =	vcombine.low v4, v5;
	v4 =	vunpack.c.l.s4.s8 v6  }
.Ltmp0:
0xc: {  	s5 =	sshrl.u32 s29, $0x1;
	s6 =	sshll.u32 s3, $0xA;
	v5 =	vunpack.c.0.s8.s32 v7;
	v6 =	vimm.s32 $0x7060504;
	v7 =	vunpack.c.0.s8.s32 v8;
	(pc) =	sbr.rel .LBB2_1-.Ltmp0, $4  }
0xd: {  	vm1 =	vmmov $0xf;
	s1 =	ssub.s32 s29, s5;
	s8 =	sshll.u32 s3, $0x4;
	s6 =	sadd.s32 s0, s6;
	v6 =	vunpack.c.0.s8.s32 v6;
	v4 =	vunpack.c.0.s8.s32 v4  }
0xe: {  	s5 =	sand.u32 $0x6000, s31;
	s2 =	sadd.s32 s2, s8;
	v0 =	vimm.s32 $0x0;
	[dreg:$0x4] =	wrdreg s6;
	v5 =	vand.u32 $0xF, v5;
	v7 =	vand.u32 $0x3, v7  }
0xf: {  	s7 =	sshrl.u32 s3, $0x3;
	s1 =	smax.u32 s1, $0x1;
	[dreg:$0x5] =	wrdreg s2;
	v2 =	vlaneseq.u32;
	v4 =	vcombine.low v4, v5;
	v5 =	vsel vm2, v6, v7  }
0x10: {  	s10 =	sor.u32 $0x200, s5;
	[dreg:$0x6] =	wrdreg s1;
	s2 =	simm.s32 $0x0;
	vm2 =	vmmov $0xff;
	v6 =	vimm.s32 $0x7;
	v7 =	vadd.s32 $0x1, v2  }
.LBB2_26:
0x11: {  	s9 =	simm.s32 $0x0;
	s1 =	rddreg [dreg:$0x5];
	s2 =	simm.s32 $0x12280  }
0x12: {  	[hbm4b:s1+s9] =	stream.linear.scatter [tilespmem:s2], [sflag:$0x3], $0x4000, $0x38;
	[tilespmem:$0x16280] =	vst v63  }
0x13: {  	_ =	swait.ge [sflag:s14], $0x4000  }
0x14: {  	s29 =	rddreg [dreg:$0x7]  }
0x15: {  	s31 =	rddreg [dreg:$0x6];
	s2 =	sadd.s32 $0x1, s29  }
0x16: {  	p0 =	sne.s32 s2, s31  }
.Ltmp1:
0x17: {  	_ = 	snop;
	(pc) =	sbr.rel @!p0 .LBB2_27-.Ltmp1, $3  }
0x18: {  	_ =	sdelay $0x1  }
0x19: {  	[sflag:s14] =	ssyncset.done $0x0  }
0x1a: {  	[sflag:s14] =	ssyncadd.s32 $0xFFFFC000  }
.LBB2_1:
.Ltmp2:
0x1b: {  	(pc) =	sbr.rel .LBB2_2-.Ltmp2, $4  }
0x1c: {  	[dreg:$0x7] =	wrdreg s2  }
0x1d: {  	s1 =	rddreg [dreg:$0x4]  }
0x1e: {  	p0 =	por $0x1, $0x1;
	s18 =	simm.s32 $0x11E80;
	s19 =	simm.s32 $0x0  }
0x1f: {  	[tilespmem:s9], [sflag:$0x2] =	stream.linear.gather [hbm4b:s1+s9], $0x800, $0x38;
	[tilespmem:$0x16280] =	vst v63  }
.LBB2_20:
0x20: {  	p1 =	sne.s32 s19, $0x10  }
.Ltmp3:
0x21: {  	s1 =	sshll.u32 s20, $0xF;
	(pc) =	sbr.rel @!p1 .LBB2_21-.Ltmp3, $4  }
0x22: {  	s31 =	sadd.s32 $0x2100, s21;
	s2 =	sor.u32 $0x2280, s1  }
0x23: {  	[tilespmem:s2], [sflag:$0x1] =	stream.indirect.gather [hbm4b:s4+s15], $0x80, s24, s15, $0xb8;
	[tilespmem:$0x16280] =	vst v63  }
0x24: {  	p0 =	por !p0, !p0;
	s18 =	sadd.s32 $0x400, s18;
	s1 =	sor.u32 $0x6280, s1  }
0x25: {  	[tilespmem:s1], [sflag:$0x1] =	stream.indirect.gather [hbm4b:s4+s15], $0x80, s31, s15, $0xb8;
	[tilespmem:$0x16280] =	vst v63  }
.LBB2_2:
0x26: {  	s1 =	simm.s32 $0x1;
	s25 =	smov.u32 s19;
	_ =	swait.ge [sflag:s12], $0x800  }
0x27: {  	s19 =	sadd.s32 $0x1, s19;
	s31 =	simm.s32 $0x0;
	s1 =	simm.s32 @!p0 $0x0  }
0x28: {  	p1 =	seq.s32 s25, $0xF;
	s20 =	sand.u32 $0x1, s25;
	[sflag:s12] =	ssyncset.done $0x0  }
0x29: {  	s21 =	sadd.s32 s7, s25;
	s2 =	sshll.u32 s1, $0xF;
	s3 =	sadd.s32 @!p1 s7, s19  }
0x2a: {  	s6 =	sxor.u32 $0x1, s20;
	[sflag:s12] =	ssyncadd.s32 $0xFFFFF800;
	s8 =	simm.s32 @!p1 $0x0  }
.Ltmp4:
0x2b: {  	s23 =	sshll.u32 s1, $0x3;
	s24 =	sshll.u32 s21, $0xD;
	(pc) =	sbr.rel .LBB2_3-.Ltmp4, $4  }
0x2c: {  	s21 =	sshll.u32 s20, $0x8;
	s26 =	sshll.u32 s20, $0xB;
	s29 =	sshll.u32 s20, $0x3  }
0x2d: {  	s3 =	sshll.u32 @!p1 s3, $0xD;
	s6 =	sshll.u32 @!p1 s6, $0xB;
	s22 =	sor.u32 $0x2A80, s2  }
0x2e: {  	s28 =	sadd.s32 s0, s24;
	s24 =	sor.u32 $0x2080, s21;
	s3 =	sadd.s32 @!p1 s0, s3  }
0x2f: {  	[tilespmem:s6], [sflag:$0x2] =	stream.linear.gather @!p1 [hbm4b:s3+s8], $0x800, $0x38;
	[tilespmem:$0x16280] =	vst v63  }
.LBB2_13:
0x30: {  	v8 =	vld [tilespmem:$0x2000];
	_ =	sdelay $0x4  }
0x31: {  	p1 =	slt.s32 s1, $0x20;
	s2 =	smov.u32 s1;
	v8 =	vperm.xlane v8, v0  }
0x32: {  	s2 =	simm.s32 @!p1 $0x20  }
0x33: {  	[tilespmem:s2+$0x2000] =	vst v8  }
0x34: {  	[tilespmem:s2+$0x2010] =	vst v8  }
0x35: {  	v8 =	vld [tilespmem:$0x2000]  }
0x36: {  	s16 =	sshll.u32 s31, $0x5  }
0x37: {  	s3 =	sand.u32 $0x80, s16  }
0x38: {  	s3 =	sadd.s32 s3, s24;
	s2 =	sand.u32 $0x60, s16  }
0x39: {  	s2 =	sadd.s32 s2, s3  }
0x3a: {  	s17 =	sadd.s32 s31, s29;
	s31 =	sadd.s32 $0x1, s31;
	[tilespmem:s2+$0x0] =	vst v8  }
0x3b: {  	p1 =	sne.s32 s31, $0x8;
	v8 =	vld [tilespmem:$0x2010]  }
.Ltmp5:
0x3c: {  	_ = 	snop;
	(pc) =	sbr.rel @!p1 .LBB2_14-.Ltmp5, $2  }
0x3d: {  	_ =	sdelay $0x2  }
0x3e: {  	[smem:s17] =	sst s1;
	[tilespmem:s2+$0x10] =	vst v8  }
.LBB2_3:
.Ltmp6:
0x3f: {  	(pc) =	sbr.rel .LBB2_4-.Ltmp6, $3  }
0x40: {  	_ =	sdelay $0x1  }
0x41: {  	[smem:$0x80] =	sst s30;
	s3 =	sshll.u32 s31, $0x7  }
0x42: {  	s16 =	simm.s32 $0x0;
	s2 =	simm.s32 $0x0;
	s1 =	simm.s32 $0x0;
	v8 =	vmov s3  }
.LBB2_6:
0x43: {  	s2 =	sadd.s32 $0x40, s2  }
0x44: {  	p1 =	sne.s32 s2, $0x100  }
.Ltmp7:
0x45: {  	_ = 	snop;
	(pc) =	sbr.rel @!p1 .LBB2_7-.Ltmp7, $2  }
0x46: {  	_ =	sdelay $0x2  }
0x47: {  	s16 =	sadd.s32 $0x200, s16  }
.LBB2_4:
0x48: {  	p1 =	sgt.s32 s1, $0x1F  }
.Ltmp8:
0x49: {  	_ = 	snop;
	(pc) =	sbr.rel @p1 .LBB2_6-.Ltmp8, $1  }
0x4a: {  	_ =	sdelay $0x3  }
0x4b: {  	_ = 	snop  }
0x4c: {  	s6 =	sand.u32 $0x400, s16  }
0x4d: {  	s8 =	sand.u32 $0x40, s2;
	s6 =	sadd.s32 s6, s26  }
0x4e: {  	s8 =	sadd.s32 s8, s6  }
0x4f: {  	v9 =	vld.idx.msk [tilespmem:v8+s8+$0x0 ss:$0x1], $0xffff;
	_ =	sdelay $0x4  }
0x50: {  	vm3 =	vlt.f32 v9, $3.600000140e-01  }
0x51: {  	v9 =	vsel vm3, $0x1, v0  }
0x52: {  	v10 =	vperm.xlane v9, v1  }
0x53: {  	vm3 =	veq.s32 v2, $0x0  }
0x54: {  	v10 =	vsel vm3, $0x0, v10  }
0x55: {  	v9 =	vadd.s32 v9, v10  }
0x56: {  	v10 =	vperm.xlane v9, v3;
	_ =	sdelay $0x1  }
0x57: {  	v10 =	vsel vm0, $0x0, v10  }
0x58: {  	v9 =	vadd.s32 v10, v9  }
0x59: {  	v10 =	vperm.xlane v9, v4;
	_ =	sdelay $0x1  }
0x5a: {  	v10 =	vsel vm1, $0x0, v10  }
0x5b: {  	v9 =	vadd.s32 v10, v9  }
0x5c: {  	v10 =	vperm.xlane v9, v5;
	_ =	sdelay $0x1  }
0x5d: {  	v10 =	vsel vm2, $0x0, v10  }
0x5e: {  	v9 =	vadd.s32 v10, v9  }
0x5f: {  	v10 =	vperm.xlane v9, v6;
	_ =	sdelay $0x1  }
0x60: {  	vm4 =	vlt.s32 v10, v7  }
0x61: {  	v10 =	vsel vm4, $0x8, v0  }
0x62: {  	v11 =	vor.u32 $0x3, v10  }
0x63: {  	v11 =	vperm.xlane v9, v11;
	_ =	sdelay $0x1  }
0x64: {  	v12 =	vor.u32 $0x4, v10;
	vm10 =	vlt.s32 v11, v7  }
0x65: {  	v10 =	vsel vm10, v12, v10  }
0x66: {  	v11 =	vor.u32 $0x1, v10  }
0x67: {  	v11 =	vperm.xlane v9, v11;
	_ =	sdelay $0x1  }
0x68: {  	v12 =	vor.u32 $0x2, v10;
	vm11 =	vlt.s32 v11, v7  }
0x69: {  	v10 =	vsel vm11, v12, v10  }
0x6a: {  	v11 =	vperm.xlane v9, v10;
	_ =	sdelay $0x1  }
0x6b: {  	vm12 =	vlt.s32 v11, v7  }
0x6c: {  	s8 =	sadd.s32 s2, s5;
	v11 =	vsel vm12, $0x1, v0  }
0x6d: {  	s9 =	sadd.s32 $0x10, s2;
	v11 =	vor.u32 s8, v11  }
0x6e: {  	s9 =	sand.u32 $0x50, s9;
	v10 =	vor.u32 v10, v11  }
0x6f: {  	s9 =	sadd.s32 s9, s6;
	[tilespmem:s1+$0x2000] =	vst v10  }
0x70: {  	v10 =	vld.idx.msk [tilespmem:v8+s9+$0x0 ss:$0x1], $0xffff;
	_ =	sdelay $0x4  }
0x71: {  	vm13 =	vlt.f32 v10, $3.600000140e-01  }
0x72: {  	v10 =	vsel vm13, $0x1, v0  }
0x73: {  	v11 =	vperm.xlane v10, v1;
	_ =	sdelay $0x1  }
0x74: {  	v11 =	vsel vm3, $0x0, v11  }
0x75: {  	v10 =	vadd.s32 v10, v11  }
0x76: {  	v11 =	vperm.xlane v10, v3;
	_ =	sdelay $0x1  }
0x77: {  	v11 =	vsel vm0, $0x0, v11  }
0x78: {  	v10 =	vadd.s32 v11, v10  }
0x79: {  	v11 =	vperm.xlane v10, v4;
	_ =	sdelay $0x1  }
0x7a: {  	v11 =	vsel vm1, $0x0, v11  }
0x7b: {  	v10 =	vadd.s32 v11, v10  }
0x7c: {  	v11 =	vperm.xlane v10, v5;
	_ =	sdelay $0x1  }
0x7d: {  	v11 =	vsel vm2, $0x0, v11  }
0x7e: {  	v10 =	vadd.s32 v11, v10  }
0x7f: {  	v11 =	vperm.xlane v10, v6  }
0x80: {  	(v2sf) =	vpush v9, $0xF  }
0x81: {  	(v2sf) =	vpush v10, $0xF;
	vm14 =	vlt.s32 v11, v7  }
0x82: {  	v9 =	vsel vm14, $0x8, v0  }
0x83: {  	v11 =	vor.u32 $0x3, v9  }
0x84: {  	v11 =	vperm.xlane v10, v11;
	_ =	sdelay $0x1  }
0x85: {  	v61 =	vor.u32 $0x4, v9;
	vm15 =	vlt.s32 v11, v7  }
0x86: {  	v9 =	vsel vm15, v61, v9  }
0x87: {  	v11 =	vor.u32 $0x1, v9  }
0x88: {  	v11 =	vperm.xlane v10, v11;
	_ =	sdelay $0x1  }
0x89: {  	v12 =	vor.u32 $0x2, v9;
	vm8 =	vlt.s32 v11, v7  }
0x8a: {  	v9 =	vsel vm8, v12, v9  }
0x8b: {  	v10 =	vperm.xlane v10, v9;
	_ =	sdelay $0x1  }
0x8c: {  	s17 =	spop (v2sf);
	vm9 =	vlt.s32 v10, v7  }
0x8d: {  	s1 =	sadd.s32 s1, s17;
	s9 =	sadd.s32 $0x10, s8;
	s17 =	spop (v2sf);
	v10 =	vsel vm9, $0x1, v0  }
0x8e: {  	p1 =	slt.s32 s1, $0x22;
	v10 =	vor.u32 s9, v10;
	s9 =	sadd.s32 s1, s17;
	s17 =	sadd.s32 $0x20, s2  }
0x8f: {  	s1 =	simm.s32 @!p1 $0x22;
	v9 =	vor.u32 v9, v10;
	s17 =	sand.u32 $0x60, s17  }
0x90: {  	[tilespmem:s1+$0x2000] =	vst v9;
	s17 =	sadd.s32 s17, s6  }
0x91: {  	v9 =	vld.idx.msk [tilespmem:v8+s17+$0x0 ss:$0x1], $0xffff;
	_ =	sdelay $0x4  }
0x92: {  	vm10 =	vlt.f32 v9, $3.600000140e-01  }
0x93: {  	v9 =	vsel vm10, $0x1, v0  }
0x94: {  	v10 =	vperm.xlane v9, v1;
	_ =	sdelay $0x1  }
0x95: {  	v10 =	vsel vm3, $0x0, v10  }
0x96: {  	v9 =	vadd.s32 v9, v10  }
0x97: {  	v10 =	vperm.xlane v9, v3;
	_ =	sdelay $0x1  }
0x98: {  	v10 =	vsel vm0, $0x0, v10  }
0x99: {  	v9 =	vadd.s32 v10, v9  }
0x9a: {  	v10 =	vperm.xlane v9, v4;
	_ =	sdelay $0x1  }
0x9b: {  	v10 =	vsel vm1, $0x0, v10  }
0x9c: {  	v9 =	vadd.s32 v10, v9  }
0x9d: {  	v10 =	vperm.xlane v9, v5;
	_ =	sdelay $0x1  }
0x9e: {  	v10 =	vsel vm2, $0x0, v10  }
0x9f: {  	v9 =	vadd.s32 v10, v9  }
0xa0: {  	v10 =	vperm.xlane v9, v6;
	_ =	sdelay $0x1  }
0xa1: {  	vm11 =	vlt.s32 v10, v7  }
0xa2: {  	(v2sf) =	vpush v9, $0xF;
	v10 =	vsel vm11, $0x8, v0  }
0xa3: {  	v11 =	vor.u32 $0x3, v10  }
0xa4: {  	v11 =	vperm.xlane v9, v11;
	_ =	sdelay $0x1  }
0xa5: {  	v62 =	vor.u32 $0x4, v10;
	vm12 =	vlt.s32 v11, v7  }
0xa6: {  	v10 =	vsel vm12, v62, v10  }
0xa7: {  	v11 =	vor.u32 $0x1, v10  }
0xa8: {  	v11 =	vperm.xlane v9, v11;
	_ =	sdelay $0x1  }
0xa9: {  	v12 =	vor.u32 $0x2, v10;
	vm13 =	vlt.s32 v11, v7  }
0xaa: {  	v10 =	vsel vm13, v12, v10  }
0xab: {  	v9 =	vperm.xlane v9, v10;
	_ =	sdelay $0x1  }
0xac: {  	vm14 =	vlt.s32 v9, v7  }
0xad: {  	s1 =	sadd.s32 $0x20, s8;
	v9 =	vsel vm14, $0x1, v0  }
0xae: {  	p1 =	slt.s32 s9, $0x22;
	s17 =	spop (v2sf);
	v9 =	vor.u32 s1, v9;
	s1 =	sadd.s32 $0x30, s2  }
0xaf: {  	s17 =	sadd.s32 s9, s17;
	s9 =	simm.s32 @!p1 $0x22;
	v9 =	vor.u32 v10, v9;
	s1 =	sand.u32 $0x70, s1  }
0xb0: {  	[tilespmem:s9+$0x2000] =	vst v9;
	s1 =	sadd.s32 s1, s6  }
0xb1: {  	v9 =	vld.idx.msk [tilespmem:v8+s1+$0x0 ss:$0x1], $0xffff;
	_ =	sdelay $0x4  }
0xb2: {  	vm15 =	vlt.f32 v9, $3.600000140e-01  }
0xb3: {  	v9 =	vsel vm15, $0x1, v0  }
0xb4: {  	v10 =	vperm.xlane v9, v1;
	_ =	sdelay $0x1  }
0xb5: {  	v10 =	vsel vm3, $0x0, v10  }
0xb6: {  	v9 =	vadd.s32 v9, v10  }
0xb7: {  	v10 =	vperm.xlane v9, v3;
	_ =	sdelay $0x1  }
0xb8: {  	v10 =	vsel vm0, $0x0, v10  }
0xb9: {  	v9 =	vadd.s32 v10, v9  }
0xba: {  	v10 =	vperm.xlane v9, v4;
	_ =	sdelay $0x1  }
0xbb: {  	v10 =	vsel vm1, $0x0, v10  }
0xbc: {  	v9 =	vadd.s32 v10, v9  }
0xbd: {  	v10 =	vperm.xlane v9, v5;
	_ =	sdelay $0x1  }
0xbe: {  	v10 =	vsel vm2, $0x0, v10  }
0xbf: {  	v9 =	vadd.s32 v10, v9  }
0xc0: {  	v10 =	vperm.xlane v9, v6;
	_ =	sdelay $0x1  }
0xc1: {  	vm3 =	vlt.s32 v10, v7  }
0xc2: {  	(v2sf) =	vpush v9, $0xF;
	v10 =	vsel vm3, $0x8, v0  }
0xc3: {  	v11 =	vor.u32 $0x3, v10  }
0xc4: {  	v11 =	vperm.xlane v9, v11;
	_ =	sdelay $0x1  }
0xc5: {  	v63 =	vor.u32 $0x4, v10;
	vm3 =	vlt.s32 v11, v7  }
0xc6: {  	v10 =	vsel vm3, v63, v10  }
0xc7: {  	v11 =	vor.u32 $0x1, v10  }
0xc8: {  	v11 =	vperm.xlane v9, v11;
	_ =	sdelay $0x1  }
0xc9: {  	v12 =	vor.u32 $0x2, v10;
	vm3 =	vlt.s32 v11, v7  }
0xca: {  	v10 =	vsel vm3, v12, v10  }
0xcb: {  	v9 =	vperm.xlane v9, v10;
	_ =	sdelay $0x1  }
.Ltmp9:
0xcc: {  	vm3 =	vlt.s32 v9, v7;
	(pc) =	sbr.rel .LBB2_6-.Ltmp9, $4  }
0xcd: {  	s8 =	sadd.s32 $0x30, s8;
	v9 =	vsel vm3, $0x1, v0  }
0xce: {  	p1 =	slt.s32 s17, $0x22;
	s9 =	spop (v2sf);
	v9 =	vor.u32 s8, v9  }
0xcf: {  	s1 =	sadd.s32 s17, s9;
	s17 =	simm.s32 @!p1 $0x22;
	v9 =	vor.u32 v10, v9  }
0xd0: {  	[smem:$0x80] =	sst s1;
	[tilespmem:s17+$0x2000] =	vst v9  }
.LBB2_7:
0xd1: {  	p1 =	sgt.s32 s1, $0x1F  }
.Ltmp10:
0xd2: {  	_ = 	snop;
	(pc) =	sbr.rel @p1 .LBB2_13-.Ltmp10, $1  }
0xd3: {  	_ =	sdelay $0x3  }
.Ltmp11:
0xd4: {  	(pc) =	sbr.rel .LBB2_9-.Ltmp11, $3  }
0xd5: {  	_ =	sdelay $0x1  }
0xd6: {  	s2 =	sand.u32 $0x3FFFFF80, s3  }
0xd7: {  	s3 =	simm.s32 $0x1;
	s6 =	smov.u32 s10;
	s2 =	sadd.s32 $0x1000, s2  }
.LBB2_12:
0xd8: {  	s3 =	sadd.s32 $0x1, s3  }
0xd9: {  	p1 =	sne.s32 s3, $0x10  }
.Ltmp12:
0xda: {  	_ = 	snop;
	(pc) =	sbr.rel @!p1 .LBB2_13-.Ltmp12, $2  }
0xdb: {  	_ =	sdelay $0x2  }
0xdc: {  	s6 =	sadd.s32 $0x200, s6  }
.LBB2_9:
0xdd: {  	p1 =	sgt.s32 s1, $0x1F  }
.Ltmp13:
0xde: {  	_ = 	snop;
	(pc) =	sbr.rel @p1 .LBB2_12-.Ltmp13, $1  }
0xdf: {  	_ =	sdelay $0x3  }
0xe0: {  	s8 =	sshll.u32 s3, $0x9  }
0xe1: {  	s9 =	sadd.s32 s8, s28;
	s8 =	simm.s32 $0x0  }
0xe2: {  	[tilespmem:s13], [sflag:$0x3] =	stream.linear.gather [hbm4b:s9+s8], $0x1000, $0x38;
	[tilespmem:$0x16280] =	vst v63  }
0xe3: {  	_ =	swait.ge [sflag:s14], $0x1000  }
0xe4: {  	[sflag:s14] =	ssyncset.done $0x0  }
0xe5: {  	s16 =	simm.s32 $0x0;
	[sflag:s14] =	ssyncadd.s32 $0xFFFFF000  }
.LBB2_11:
0xe6: {  	p1 =	sgt.s32 s1, $0x1F  }
0xe7: {  	s9 =	sand.u32 @!p1 $0xC00, s8  }
0xe8: {  	s17 =	sand.u32 @!p1 $0x70, s16;
	s9 =	sadd.s32 @!p1 s9, s2  }
0xe9: {  	s9 =	sadd.s32 @!p1 s17, s9  }
0xea: {  	v8 =	vld @!p1 [tilespmem:s9+$0x0];
	_ =	sdelay $0x4  }
0xeb: {  	vm3 =	vlt.f32 @!p1 v8, $3.600000140e-01  }
0xec: {  	v8 =	vsel @!p1 vm3, $0x1, v0  }
0xed: {  	v9 =	vperm.xlane @!p1 v8, v1  }
0xee: {  	vm3 =	veq.s32 @!p1 v2, $0x0  }
0xef: {  	v9 =	vsel @!p1 vm3, $0x0, v9  }
0xf0: {  	v8 =	vadd.s32 @!p1 v8, v9  }
0xf1: {  	v9 =	vperm.xlane @!p1 v8, v3;
	_ =	sdelay $0x1  }
0xf2: {  	v9 =	vsel @!p1 vm0, $0x0, v9  }
0xf3: {  	v8 =	vadd.s32 @!p1 v9, v8  }
0xf4: {  	v9 =	vperm.xlane @!p1 v8, v4;
	_ =	sdelay $0x1  }
0xf5: {  	v9 =	vsel @!p1 vm1, $0x0, v9  }
0xf6: {  	v8 =	vadd.s32 @!p1 v9, v8  }
0xf7: {  	v9 =	vperm.xlane @!p1 v8, v5;
	_ =	sdelay $0x1  }
0xf8: {  	v9 =	vsel @!p1 vm2, $0x0, v9  }
0xf9: {  	v8 =	vadd.s32 @!p1 v9, v8  }
0xfa: {  	v9 =	vperm.xlane @!p1 v8, v6;
	_ =	sdelay $0x1  }
0xfb: {  	vm3 =	vlt.s32 @!p1 v9, v7  }
0xfc: {  	v9 =	vsel @!p1 vm3, $0x8, v0  }
0xfd: {  	(v2sf) =	vpush @!p1 v8, $0xF;
	v10 =	vor.u32 @!p1 $0x3, v9  }
0xfe: {  	v10 =	vperm.xlane @!p1 v8, v10;
	_ =	sdelay $0x1  }
0xff: {  	v11 =	vor.u32 @!p1 $0x4, v9;
	vm3 =	vlt.s32 @!p1 v10, v7  }
0x100: {  	v9 =	vsel @!p1 vm3, v11, v9  }
0x101: {  	v10 =	vor.u32 @!p1 $0x1, v9  }
0x102: {  	v10 =	vperm.xlane @!p1 v8, v10;
	_ =	sdelay $0x1  }
0x103: {  	v11 =	vor.u32 @!p1 $0x2, v9;
	vm3 =	vlt.s32 @!p1 v10, v7  }
0x104: {  	v9 =	vsel @!p1 vm3, v11, v9  }
0x105: {  	v8 =	vperm.xlane @!p1 v8, v9;
	_ =	sdelay $0x1  }
0x106: {  	vm3 =	vlt.s32 @!p1 v8, v7  }
0x107: {  	s9 =	sadd.s32 @!p1 s16, s6;
	v8 =	vsel @!p1 vm3, $0x1, v0  }
0x108: {  	v8 =	vor.u32 @!p1 s9, v8  }
0x109: {  	s9 =	spop @!p1 (v2sf);
	v8 =	vor.u32 @!p1 v9, v8  }
0x10a: {  	s16 =	sadd.s32 $0x10, s16;
	[tilespmem:s1+$0x2000] =	vst @!p1 v8;
	s1 =	sadd.s32 @!p1 s1, s9  }
0x10b: {  	[smem:$0x80] =	sst @!p1 s1;
	p1 =	sne.s32 s16, $0x200  }
.Ltmp14:
0x10c: {  	_ = 	snop;
	(pc) =	sbr.rel @p1 .LBB2_11-.Ltmp14, $2  }
0x10d: {  	_ =	sdelay $0x2  }
0x10e: {  	s8 =	sadd.s32 $0x80, s8  }
.Ltmp15:
0x10f: {  	_ = 	snop;
	(pc) =	sbr.rel .LBB2_12-.Ltmp15, $1  }
0x110: {  	_ =	sdelay $0x3  }
.LBB2_14:
0x111: {  	p1 =	seq.s32 s25, $0x0  }
.Ltmp16:
0x112: {  	_ = 	snop;
	(pc) =	sbr.rel @p1 .LBB2_20-.Ltmp16, $1  }
0x113: {  	_ =	sdelay $0x3  }
0x114: {  	_ =	swait.ge [sflag:s11], $0x4000  }
.Ltmp17:
0x115: {  	[sflag:s11] =	ssyncset.done $0x0;
	(pc) =	sbr.rel .LBB2_16-.Ltmp17, $4  }
0x116: {  	[sflag:s11] =	ssyncadd.s32 $0xFFFFC000  }
0x117: {  	_ =	swait.ge [sflag:s11], $0x4000  }
0x118: {  	[sflag:s11] =	ssyncset.done $0x0  }
0x119: {  	s25 =	simm.s32 $0x0;
	s26 =	smov.u32 s18;
	[sflag:s11] =	ssyncadd.s32 $0xFFFFC000  }
.LBB2_18:
0x11a: {  	v29 =	vld [tilespmem:s22+$0xFFFFF830]  }
0x11b: {  	v30 =	vld [tilespmem:s22+$0xFFFFF8B0]  }
0x11c: {  	v32 =	vld [tilespmem:s22+$0xFFFFF930]  }
0x11d: {  	v33 =	vld [tilespmem:s22+$0xFFFFF9B0]  }
0x11e: {  	v34 =	vld [tilespmem:s22+$0xFFFFFA30]  }
0x11f: {  	v35 =	vld [tilespmem:s22+$0xFFFFFAB0]  }
0x120: {  	v36 =	vld [tilespmem:s22+$0xFFFFFB30]  }
0x121: {  	v37 =	vld [tilespmem:s22+$0xFFFFFBB0]  }
0x122: {  	v38 =	vld [tilespmem:s22+$0xFFFFFC30]  }
0x123: {  	v39 =	vld [tilespmem:s22+$0xFFFFFCB0]  }
0x124: {  	v40 =	vld [tilespmem:s22+$0xFFFFFD30]  }
0x125: {  	v41 =	vld [tilespmem:s22+$0xFFFFFDB0]  }
0x126: {  	v42 =	vld [tilespmem:s22+$0xFFFFFE30]  }
0x127: {  	v43 =	vld [tilespmem:s22+$0xFFFFFEB0]  }
0x128: {  	v8 =	vld [tilespmem:s22+$0x20]  }
0x129: {  	v44 =	vld [tilespmem:s22+$0xFFFFFF30]  }
0x12a: {  	v45 =	vld [tilespmem:s22+$0xFFFFFFB0]  }
0x12b: {  	v46 =	vld [tilespmem:s22+$0x30]  }
0x12c: {  	v47 =	vld [tilespmem:s22+$0xB0]  }
0x12d: {  	[tilespmem:$0x1FF00] =	vst v8;
	v8 =	vld [tilespmem:s22+$0xA0]  }
0x12e: {  	v48 =	vld [tilespmem:s22+$0x130]  }
0x12f: {  	v49 =	vld [tilespmem:s22+$0x1B0]  }
0x130: {  	v50 =	vld [tilespmem:s22+$0x230]  }
0x131: {  	v51 =	vld [tilespmem:s22+$0x2B0]  }
0x132: {  	[tilespmem:$0x1FF10] =	vst v8;
	v8 =	vld [tilespmem:s22+$0x120]  }
0x133: {  	v52 =	vld [tilespmem:s22+$0x330]  }
0x134: {  	v53 =	vld [tilespmem:s22+$0x3B0]  }
0x135: {  	v54 =	vld [tilespmem:s22+$0x430]  }
0x136: {  	v55 =	vld [tilespmem:s22+$0x4B0]  }
0x137: {  	[tilespmem:$0x1FF20] =	vst v8;
	v8 =	vld [tilespmem:s22+$0x1A0]  }
0x138: {  	v56 =	vld [tilespmem:s22+$0x530]  }
0x139: {  	v57 =	vld [tilespmem:s22+$0x5B0]  }
0x13a: {  	v58 =	vld [tilespmem:s22+$0x630]  }
0x13b: {  	v59 =	vld [tilespmem:s22+$0x6B0]  }
0x13c: {  	[tilespmem:$0x1FF30] =	vst v8;
	v8 =	vld [tilespmem:s22+$0x220]  }
0x13d: {  	v60 =	vld [tilespmem:s22+$0x730]  }
0x13e: {  	v61 =	vld [tilespmem:s22+$0x7B0]  }
0x13f: {  	v62 =	vld [tilespmem:s22+$0xFFFFF820]  }
0x140: {  	v63 =	vld [tilespmem:s22+$0xFFFFF8A0]  }
0x141: {  	[tilespmem:$0x1FF40] =	vst v8;
	v8 =	vld [tilespmem:s22+$0x2A0]  }
0x142: {  	v15 =	vld [tilespmem:s22+$0xFFFFF920]  }
0x143: {  	v16 =	vld [tilespmem:s22+$0xFFFFF9A0]  }
0x144: {  	v17 =	vld [tilespmem:s22+$0xFFFFFA20]  }
0x145: {  	v18 =	vld [tilespmem:s22+$0xFFFFFAA0]  }
0x146: {  	[tilespmem:$0x1FF50] =	vst v8;
	v8 =	vld [tilespmem:s22+$0x320]  }
0x147: {  	v19 =	vld [tilespmem:s22+$0xFFFFFB20]  }
0x148: {  	v20 =	vld [tilespmem:s22+$0xFFFFFBA0]  }
0x149: {  	v21 =	vld [tilespmem:s22+$0xFFFFFC20]  }
0x14a: {  	v22 =	vld [tilespmem:s22+$0xFFFFFCA0]  }
0x14b: {  	[tilespmem:$0x1FF60] =	vst v8;
	v8 =	vld [tilespmem:s22+$0x3A0]  }
0x14c: {  	v31 =	vld [tilespmem:s22+$0xFFFFFD20]  }
0x14d: {  	v28 =	vld [tilespmem:s22+$0xFFFFFDA0]  }
0x14e: {  	v27 =	vld [tilespmem:s22+$0xFFFFFE20]  }
0x14f: {  	v26 =	vld [tilespmem:s22+$0xFFFFFEA0]  }
0x150: {  	[tilespmem:$0x1FF70] =	vst v8;
	v8 =	vld [tilespmem:s22+$0x420]  }
0x151: {  	v25 =	vld [tilespmem:s22+$0xFFFFFF20]  }
0x152: {  	v24 =	vld [tilespmem:s22+$0xFFFFFFA0]  }
0x153: {  	v9 =	vld [tilespmem:s22+$0xFFFFF890]  }
0x154: {  	v10 =	vld [tilespmem:s22+$0xFFFFF910]  }
0x155: {  	[tilespmem:$0x1FF80] =	vst v8;
	v8 =	vld [tilespmem:s22+$0x4A0]  }
0x156: {  	v11 =	vld [tilespmem:s22+$0xFFFFF990]  }
0x157: {  	v12 =	vld [tilespmem:s22+$0xFFFFFA10]  }
0x158: {  	v13 =	vld [tilespmem:s22+$0xFFFFFA90]  }
0x159: {  	v14 =	vld [tilespmem:s22+$0xFFFFFB10]  }
0x15a: {  	v29 =	vmax.f32 v29, $-3.000000010e+38;
	[tilespmem:$0x1FF90] =	vst v8;
	v8 =	vld [tilespmem:s22+$0x520]  }
0x15b: {  	v23 =	vld [tilespmem:s22+$0x590];
	v29 =	vmax.f32 v29, v30  }
0x15c: {  	v29 =	vmax.f32 v29, v32;
	v32 =	vld [tilespmem:s22+$0xFFFFFB90]  }
0x15d: {  	v29 =	vmax.f32 v29, v33;
	v33 =	vld [tilespmem:s22+$0xFFFFFC10]  }
0x15e: {  	v29 =	vmax.f32 v29, v34;
	v34 =	vld [tilespmem:s22+$0xFFFFFC90]  }
0x15f: {  	v29 =	vmax.f32 v29, v35;
	[tilespmem:$0x1FFA0] =	vst v8;
	v8 =	vld [tilespmem:s22+$0x5A0]  }
0x160: {  	v35 =	vld [tilespmem:s22+$0xFFFFFD10];
	v29 =	vmax.f32 v29, v36  }
0x161: {  	v36 =	vld [tilespmem:s22+$0xFFFFFD90];
	v29 =	vmax.f32 v29, v37  }
0x162: {  	v37 =	vld [tilespmem:s22+$0xFFFFFE10];
	v29 =	vmax.f32 v29, v38  }
0x163: {  	v38 =	vld [tilespmem:s22+$0xFFFFFE90];
	v29 =	vmax.f32 v29, v39  }
0x164: {  	v29 =	vmax.f32 v29, v40;
	[tilespmem:$0x1FFB0] =	vst v8;
	v8 =	vld [tilespmem:s22+$0x620]  }
0x165: {  	v39 =	vld [tilespmem:s22+$0xFFFFFF10];
	v29 =	vmax.f32 v29, v41  }
0x166: {  	v40 =	vld [tilespmem:s22+$0xFFFFFF90];
	v29 =	vmax.f32 v29, v42  }
0x167: {  	v41 =	vld [tilespmem:s22+$0x10];
	v29 =	vmax.f32 v29, v43  }
0x168: {  	v42 =	vld [tilespmem:s22+$0x90];
	v29 =	vmax.f32 v29, v44  }
0x169: {  	v29 =	vmax.f32 v29, v45;
	[tilespmem:$0x1FFC0] =	vst v8;
	v8 =	vld [tilespmem:s22+$0x6A0]  }
0x16a: {  	v43 =	vld [tilespmem:s22+$0x110];
	v29 =	vmax.f32 v29, v46  }
0x16b: {  	v44 =	vld [tilespmem:s22+$0x190];
	v29 =	vmax.f32 v29, v47  }
0x16c: {  	v45 =	vld [tilespmem:s22+$0x210];
	v29 =	vmax.f32 v29, v48  }
0x16d: {  	v46 =	vld [tilespmem:s22+$0x290];
	v29 =	vmax.f32 v29, v49  }
0x16e: {  	v29 =	vmax.f32 v29, v50;
	[tilespmem:$0x1FFD0] =	vst v8;
	v8 =	vld [tilespmem:s22+$0x720]  }
0x16f: {  	v47 =	vld [tilespmem:s22+$0x310];
	v29 =	vmax.f32 v29, v51  }
0x170: {  	v48 =	vld [tilespmem:s22+$0x390];
	v29 =	vmax.f32 v29, v52  }
0x171: {  	v49 =	vld [tilespmem:s22+$0x410];
	v29 =	vmax.f32 v29, v53  }
0x172: {  	v50 =	vld [tilespmem:s22+$0x490];
	v29 =	vmax.f32 v29, v54  }
0x173: {  	v29 =	vmax.f32 v29, v55;
	[tilespmem:$0x1FFE0] =	vst v8;
	v8 =	vld [tilespmem:s22+$0x7A0]  }
0x174: {  	v55 =	vld [tilespmem:s22+$0xFFFFF800];
	v30 =	vmax.f32 v29, v56  }
0x175: {  	v56 =	vld [tilespmem:s22+$0xFFFFF880];
	v30 =	vmax.f32 v30, v57  }
0x176: {  	v57 =	vld [tilespmem:s22+$0xFFFFF900];
	v30 =	vmax.f32 v30, v58  }
0x177: {  	v58 =	vld [tilespmem:s22+$0xFFFFF980];
	v30 =	vmax.f32 v30, v59  }
0x178: {  	v30 =	vmax.f32 v30, v60;
	v60 =	vmax.f32 v62, $-3.000000010e+38;
	[tilespmem:$0x1FFF0] =	vst v8;
	v8 =	vld [tilespmem:s22+$0xFFFFF810]  }
0x179: {  	v59 =	vld [tilespmem:s22+$0xFFFFFA00];
	v60 =	vmax.f32 v60, v63  }
0x17a: {  	v62 =	vld [tilespmem:s22+$0xFFFFFB00];
	v15 =	vmax.f32 v60, v15  }
0x17b: {  	v30 =	vmax.f32 v30, v61;
	v61 =	vld [tilespmem:s22+$0xFFFFFA80];
	v15 =	vmax.f32 v15, v16  }
0x17c: {  	v63 =	vld [tilespmem:s22+$0xFFFFFC80];
	v15 =	vmax.f32 v15, v17  }
0x17d: {  	v55 =	vmax.f32 v55, $-3.000000010e+38;
	v15 =	vmax.f32 v15, v18;
	v18 =	vld [tilespmem:s22+$0xFFFFFD00];
	v8 =	vmax.f32 v8, $-3.000000010e+38  }
0x17e: {  	v15 =	vmax.f32 v15, v19;
	v19 =	vld [tilespmem:s22+$0xFFFFFD80];
	v8 =	vmax.f32 v8, v9;
	v9 =	vmax.f32 v55, v56  }
0x17f: {  	v8 =	vmax.f32 v8, v10;
	v9 =	vmax.f32 v9, v57;
	v10 =	vld [tilespmem:s22+$0xFFFFFB80]  }
0x180: {  	v55 =	vld [tilespmem:$0x1FF60];
	v9 =	vmax.f32 v9, v58  }
0x181: {  	v8 =	vmax.f32 v8, v11;
	v11 =	vld [tilespmem:s22+$0xFFFFFC00];
	v9 =	vmax.f32 v9, v59  }
0x182: {  	v56 =	vld [tilespmem:$0x1FF70];
	v8 =	vmax.f32 v8, v12;
	v9 =	vmax.f32 v9, v61  }
0x183: {  	v57 =	vld [tilespmem:$0x1FF80];
	v8 =	vmax.f32 v8, v13;
	v9 =	vmax.f32 v9, v62  }
0x184: {  	v8 =	vmax.f32 v8, v14;
	v9 =	vmax.f32 v9, v10;
	v10 =	vld [tilespmem:s22+$0xFFFFFE00]  }
0x185: {  	v8 =	vmax.f32 v8, v32;
	v32 =	vld [tilespmem:s22+$0xFFFFFF00]  }
0x186: {  	v9 =	vmax.f32 v9, v11;
	v11 =	vld [tilespmem:s22+$0xFFFFFE80]  }
0x187: {  	v8 =	vmax.f32 v8, v33;
	v33 =	vld [tilespmem:s22+$0xFFFFFF80]  }
0x188: {  	v8 =	vmax.f32 v8, v34;
	v9 =	vmax.f32 v9, v63;
	v34 =	vld [tilespmem:s22+$0x0]  }
0x189: {  	v8 =	vmax.f32 v8, v35;
	v9 =	vmax.f32 v9, v18;
	v35 =	vld [tilespmem:s22+$0x180]  }
0x18a: {  	v8 =	vmax.f32 v8, v36;
	v9 =	vmax.f32 v9, v19;
	v36 =	vld [tilespmem:s22+$0x200]  }
0x18b: {  	v9 =	vmax.f32 v9, v10;
	v10 =	vld [tilespmem:s22+$0x80]  }
0x18c: {  	v8 =	vmax.f32 v8, v37;
	v37 =	vld [tilespmem:$0x1FF00]  }
0x18d: {  	v9 =	vmax.f32 v9, v11;
	v11 =	vld [tilespmem:s22+$0x100]  }
0x18e: {  	v15 =	vmax.f32 v15, v20;
	v8 =	vmax.f32 v8, v38;
	v38 =	vld [tilespmem:s22+$0x280]  }
0x18f: {  	v15 =	vmax.f32 v15, v21;
	v8 =	vmax.f32 v8, v39;
	v9 =	vmax.f32 v9, v32;
	v39 =	vld [tilespmem:$0x1FF10]  }
0x190: {  	v15 =	vmax.f32 v15, v22;
	v8 =	vmax.f32 v8, v40;
	v9 =	vmax.f32 v9, v33;
	v40 =	vld [tilespmem:$0x1FF20]  }
0x191: {  	v15 =	vmax.f32 v15, v31;
	v8 =	vmax.f32 v8, v41;
	v9 =	vmax.f32 v9, v34;
	v41 =	vld [tilespmem:$0x1FF30]  }
0x192: {  	v15 =	vmax.f32 v15, v28;
	v9 =	vmax.f32 v9, v10;
	v10 =	vld [tilespmem:s22+$0x300]  }
0x193: {  	v15 =	vmax.f32 v15, v27;
	v8 =	vmax.f32 v8, v42;
	v42 =	vld [tilespmem:s22+$0x400]  }
0x194: {  	v15 =	vmax.f32 v15, v26;
	v9 =	vmax.f32 v9, v11;
	v11 =	vld [tilespmem:s22+$0x380]  }
0x195: {  	v15 =	vmax.f32 v15, v25;
	v8 =	vmax.f32 v8, v43;
	v43 =	vld [tilespmem:$0x1FF40]  }
0x196: {  	v15 =	vmax.f32 v15, v24;
	v8 =	vmax.f32 v8, v44;
	v9 =	vmax.f32 v9, v35;
	v44 =	vld [tilespmem:s22+$0x480]  }
0x197: {  	v15 =	vmax.f32 v15, v37;
	v8 =	vmax.f32 v8, v45;
	v9 =	vmax.f32 v9, v36;
	v45 =	vld [tilespmem:$0x1FF50]  }
0x198: {  	v15 =	vmax.f32 v15, v39;
	v8 =	vmax.f32 v8, v46;
	v9 =	vmax.f32 v9, v38;
	v46 =	vld [tilespmem:s22+$0x500]  }
0x199: {  	v15 =	vmax.f32 v15, v40;
	v9 =	vmax.f32 v9, v10;
	v10 =	vld [tilespmem:s22+$0x580]  }
0x19a: {  	v15 =	vmax.f32 v15, v41;
	v9 =	vmax.f32 v9, v11;
	v11 =	vld [tilespmem:s22+$0x600]  }
0x19b: {  	v59 =	vld [tilespmem:$0x1FF90];
	v15 =	vmax.f32 v15, v43;
	v9 =	vmax.f32 v9, v42  }
0x19c: {  	v61 =	vld [tilespmem:$0x1FFA0];
	v15 =	vmax.f32 v15, v45;
	v9 =	vmax.f32 v9, v44  }
0x19d: {  	v63 =	vld [tilespmem:$0x1FFB0];
	v15 =	vmax.f32 v15, v55;
	v9 =	vmax.f32 v9, v46  }
0x19e: {  	v15 =	vmax.f32 v15, v56;
	v9 =	vmax.f32 v9, v10;
	v10 =	vld [tilespmem:$0x1FFC0]  }
0x19f: {  	v15 =	vmax.f32 v15, v57;
	v9 =	vmax.f32 v9, v11;
	v11 =	vld [tilespmem:$0x1FFD0]  }
0x1a0: {  	v51 =	vld [tilespmem:s22+$0x510];
	v15 =	vmax.f32 v15, v59  }
0x1a1: {  	v52 =	vld [tilespmem:s22+$0x610];
	v8 =	vmax.f32 v8, v47;
	v15 =	vmax.f32 v15, v61  }
0x1a2: {  	v53 =	vld [tilespmem:s22+$0x710];
	v8 =	vmax.f32 v8, v48;
	v15 =	vmax.f32 v15, v63  }
0x1a3: {  	v54 =	vld [tilespmem:s22+$0x690];
	v8 =	vmax.f32 v8, v49;
	v10 =	vmax.f32 v15, v10  }
0x1a4: {  	v8 =	vmax.f32 v8, v50;
	v10 =	vmax.f32 v10, v11;
	v11 =	vld [tilespmem:$0x1FFE0]  }
0x1a5: {  	v29 =	vld [tilespmem:s22+$0x790];
	v8 =	vmax.f32 v8, v51  }
0x1a6: {  	v60 =	vld [tilespmem:s22+$0x700];
	v8 =	vmax.f32 v8, v23  }
0x1a7: {  	v58 =	vld [tilespmem:s22+$0x680];
	v8 =	vmax.f32 v8, v52  }
0x1a8: {  	v62 =	vld [tilespmem:s22+$0x780];
	v8 =	vmax.f32 v8, v54  }
0x1a9: {  	v10 =	vmax.f32 v10, v11;
	v11 =	vmax.f32 v8, v53;
	v8 =	vld [tilespmem:$0x1FFF0];
	_ =	sdelay $0x2  }
0x1aa: {  	v9 =	vmax.f32 v9, v58  }
0x1ab: {  	v12 =	vmax.f32 v9, v60  }
0x1ac: {  	v9 =	vmax.f32 v11, v29;
	v8 =	vmax.f32 v10, v8;
	v10 =	vmax.f32 v12, v62  }
.LBB2_19:
0x1ad: {  	s25 =	sadd.s32 $0x4, s25  }
0x1ae: {  	p1 =	sne.s32 s25, $0x20  }
.Ltmp18:
0x1af: {  	_ = 	snop;
	(pc) =	sbr.rel @!p1 .LBB2_20-.Ltmp18, $4  }
0x1b0: {  	[tilespmem:s26+$0x0] =	vst v10  }
0x1b1: {  	[tilespmem:s26+$0x10] =	vst v9  }
0x1b2: {  	[tilespmem:s26+$0x20] =	vst v8  }
0x1b3: {  	[tilespmem:s26+$0x30] =	vst v30;
	s22 =	sadd.s32 $0x1000, s22;
	s26 =	sadd.s32 $0x80, s26  }
.LBB2_16:
0x1b4: {  	s1 =	sshra.s32 s25, $0x2  }
0x1b5: {  	s1 =	sld [smem:s23+s1];
	_ =	sdelay $0x2  }
0x1b6: {  	p1 =	slt.s32 s1, $0x1  }
.Ltmp19:
0x1b7: {  	_ = 	snop;
	(pc) =	sbr.rel @!p1 .LBB2_18-.Ltmp19, $1  }
0x1b8: {  	_ =	sdelay $0x3  }
.Ltmp20:
0x1b9: {  	(pc) =	sbr.rel .LBB2_19-.Ltmp20, $3  }
0x1ba: {  	_ =	sdelay $0x1  }
0x1bb: {  	v10 =	vimm.f32 $-3.000000010e+38  }
0x1bc: {  	v9 =	vimm.f32 $-3.000000010e+38;
	v8 =	vimm.f32 $-3.000000010e+38;
	v30 =	vimm.f32 $-3.000000010e+38  }
.LBB2_21:
0x1bd: {  	_ =	swait.ge [sflag:s11], $0x4000  }
.Ltmp21:
0x1be: {  	[sflag:s11] =	ssyncset.done $0x0;
	(pc) =	sbr.rel .LBB2_22-.Ltmp21, $4  }
0x1bf: {  	[sflag:s11] =	ssyncadd.s32 $0xFFFFC000  }
0x1c0: {  	_ =	swait.ge [sflag:s11], $0x4000  }
0x1c1: {  	s18 =	simm.s32 $0x0;
	[sflag:s11] =	ssyncset.done $0x0  }
0x1c2: {  	s19 =	simm.s32 $0x15EB0;
	s20 =	simm.s32 $0x8;
	[sflag:s11] =	ssyncadd.s32 $0xFFFFC000  }
.LBB2_24:
0x1c3: {  	s21 =	sshra.s32 s18, $0x2  }
0x1c4: {  	v29 =	vld [tilespmem:s21+$0xA2B0]  }
0x1c5: {  	v30 =	vld [tilespmem:s21+$0xA330]  }
0x1c6: {  	v32 =	vld [tilespmem:s21+$0xA3B0]  }
0x1c7: {  	v33 =	vld [tilespmem:s21+$0xA430]  }
0x1c8: {  	v34 =	vld [tilespmem:s21+$0xA4B0]  }
0x1c9: {  	v35 =	vld [tilespmem:s21+$0xA530]  }
0x1ca: {  	v36 =	vld [tilespmem:s21+$0xA5B0]  }
0x1cb: {  	v37 =	vld [tilespmem:s21+$0xA630]  }
0x1cc: {  	v38 =	vld [tilespmem:s21+$0xA6B0]  }
0x1cd: {  	v39 =	vld [tilespmem:s21+$0xA730]  }
0x1ce: {  	v40 =	vld [tilespmem:s21+$0xA7B0]  }
0x1cf: {  	v41 =	vld [tilespmem:s21+$0xA830]  }
0x1d0: {  	v42 =	vld [tilespmem:s21+$0xA8B0]  }
0x1d1: {  	v43 =	vld [tilespmem:s21+$0xA930]  }
0x1d2: {  	v8 =	vld [tilespmem:s21+$0xAAA0]  }
0x1d3: {  	v44 =	vld [tilespmem:s21+$0xA9B0]  }
0x1d4: {  	v45 =	vld [tilespmem:s21+$0xAA30]  }
0x1d5: {  	v46 =	vld [tilespmem:s21+$0xAAB0]  }
0x1d6: {  	v47 =	vld [tilespmem:s21+$0xAB30]  }
0x1d7: {  	[tilespmem:$0x1FE00] =	vst v8;
	v8 =	vld [tilespmem:s21+$0xAB20]  }
0x1d8: {  	v48 =	vld [tilespmem:s21+$0xABB0]  }
0x1d9: {  	v49 =	vld [tilespmem:s21+$0xAC30]  }
0x1da: {  	v50 =	vld [tilespmem:s21+$0xACB0]  }
0x1db: {  	v51 =	vld [tilespmem:s21+$0xAD30]  }
0x1dc: {  	[tilespmem:$0x1FE10] =	vst v8;
	v8 =	vld [tilespmem:s21+$0xABA0]  }
0x1dd: {  	v52 =	vld [tilespmem:s21+$0xADB0]  }
0x1de: {  	v53 =	vld [tilespmem:s21+$0xAE30]  }
0x1df: {  	v54 =	vld [tilespmem:s21+$0xAEB0]  }
0x1e0: {  	v55 =	vld [tilespmem:s21+$0xAF30]  }
0x1e1: {  	[tilespmem:$0x1FE20] =	vst v8;
	v8 =	vld [tilespmem:s21+$0xAC20]  }
0x1e2: {  	v56 =	vld [tilespmem:s21+$0xAFB0]  }
0x1e3: {  	v57 =	vld [tilespmem:s21+$0xB030]  }
0x1e4: {  	v58 =	vld [tilespmem:s21+$0xB0B0]  }
0x1e5: {  	v59 =	vld [tilespmem:s21+$0xB130]  }
0x1e6: {  	[tilespmem:$0x1FE30] =	vst v8;
	v8 =	vld [tilespmem:s21+$0xACA0]  }
0x1e7: {  	v60 =	vld [tilespmem:s21+$0xB1B0]  }
0x1e8: {  	v61 =	vld [tilespmem:s21+$0xB230]  }
0x1e9: {  	v62 =	vld [tilespmem:s21+$0xA2A0]  }
0x1ea: {  	v63 =	vld [tilespmem:s21+$0xA320]  }
0x1eb: {  	[tilespmem:$0x1FE40] =	vst v8;
	v8 =	vld [tilespmem:s21+$0xAD20]  }
0x1ec: {  	v15 =	vld [tilespmem:s21+$0xA3A0]  }
0x1ed: {  	v16 =	vld [tilespmem:s21+$0xA420]  }
0x1ee: {  	v17 =	vld [tilespmem:s21+$0xA4A0]  }
0x1ef: {  	v18 =	vld [tilespmem:s21+$0xA520]  }
0x1f0: {  	[tilespmem:$0x1FE50] =	vst v8;
	v8 =	vld [tilespmem:s21+$0xADA0]  }
0x1f1: {  	v19 =	vld [tilespmem:s21+$0xA5A0]  }
0x1f2: {  	v20 =	vld [tilespmem:s21+$0xA620]  }
0x1f3: {  	v21 =	vld [tilespmem:s21+$0xA6A0]  }
0x1f4: {  	v22 =	vld [tilespmem:s21+$0xA720]  }
0x1f5: {  	[tilespmem:$0x1FE60] =	vst v8;
	v8 =	vld [tilespmem:s21+$0xAE20]  }
0x1f6: {  	v31 =	vld [tilespmem:s21+$0xA7A0]  }
0x1f7: {  	v28 =	vld [tilespmem:s21+$0xA820]  }
0x1f8: {  	v27 =	vld [tilespmem:s21+$0xA8A0]  }
0x1f9: {  	v26 =	vld [tilespmem:s21+$0xA920]  }
0x1fa: {  	[tilespmem:$0x1FE70] =	vst v8;
	v8 =	vld [tilespmem:s21+$0xAEA0]  }
0x1fb: {  	v25 =	vld [tilespmem:s21+$0xA9A0]  }
0x1fc: {  	v24 =	vld [tilespmem:s21+$0xAA20]  }
0x1fd: {  	v9 =	vld [tilespmem:s21+$0xA310]  }
0x1fe: {  	v10 =	vld [tilespmem:s21+$0xA390]  }
0x1ff: {  	[tilespmem:$0x1FE80] =	vst v8;
	v8 =	vld [tilespmem:s21+$0xAF20]  }
0x200: {  	v11 =	vld [tilespmem:s21+$0xA410]  }
0x201: {  	v12 =	vld [tilespmem:s21+$0xA490]  }
0x202: {  	v13 =	vld [tilespmem:s21+$0xA510]  }
0x203: {  	v14 =	vld [tilespmem:s21+$0xA590]  }
0x204: {  	v29 =	vmax.f32 v29, $-3.000000010e+38;
	[tilespmem:$0x1FE90] =	vst v8;
	v8 =	vld [tilespmem:s21+$0xAFA0]  }
0x205: {  	v23 =	vld [tilespmem:s21+$0xB010];
	v29 =	vmax.f32 v29, v30  }
0x206: {  	v29 =	vmax.f32 v29, v32;
	v32 =	vld [tilespmem:s21+$0xA610]  }
0x207: {  	v29 =	vmax.f32 v29, v33;
	v33 =	vld [tilespmem:s21+$0xA690]  }
0x208: {  	v29 =	vmax.f32 v29, v34;
	v34 =	vld [tilespmem:s21+$0xA710]  }
0x209: {  	v29 =	vmax.f32 v29, v35;
	[tilespmem:$0x1FEA0] =	vst v8;
	v8 =	vld [tilespmem:s21+$0xB020]  }
0x20a: {  	v35 =	vld [tilespmem:s21+$0xA790];
	v29 =	vmax.f32 v29, v36  }
0x20b: {  	v36 =	vld [tilespmem:s21+$0xA810];
	v29 =	vmax.f32 v29, v37  }
0x20c: {  	v37 =	vld [tilespmem:s21+$0xA890];
	v29 =	vmax.f32 v29, v38  }
0x20d: {  	v38 =	vld [tilespmem:s21+$0xA910];
	v29 =	vmax.f32 v29, v39  }
0x20e: {  	v29 =	vmax.f32 v29, v40;
	[tilespmem:$0x1FEB0] =	vst v8;
	v8 =	vld [tilespmem:s21+$0xB0A0]  }
0x20f: {  	v39 =	vld [tilespmem:s21+$0xA990];
	v29 =	vmax.f32 v29, v41  }
0x210: {  	v40 =	vld [tilespmem:s21+$0xAA10];
	v29 =	vmax.f32 v29, v42  }
0x211: {  	v41 =	vld [tilespmem:s21+$0xAA90];
	v29 =	vmax.f32 v29, v43  }
0x212: {  	v42 =	vld [tilespmem:s21+$0xAB10];
	v29 =	vmax.f32 v29, v44  }
0x213: {  	v29 =	vmax.f32 v29, v45;
	[tilespmem:$0x1FEC0] =	vst v8;
	v8 =	vld [tilespmem:s21+$0xB120]  }
0x214: {  	v43 =	vld [tilespmem:s21+$0xAB90];
	v29 =	vmax.f32 v29, v46  }
0x215: {  	v44 =	vld [tilespmem:s21+$0xAC10];
	v29 =	vmax.f32 v29, v47  }
0x216: {  	v45 =	vld [tilespmem:s21+$0xAC90];
	v29 =	vmax.f32 v29, v48  }
0x217: {  	v46 =	vld [tilespmem:s21+$0xAD10];
	v29 =	vmax.f32 v29, v49  }
0x218: {  	v29 =	vmax.f32 v29, v50;
	[tilespmem:$0x1FED0] =	vst v8;
	v8 =	vld [tilespmem:s21+$0xB1A0]  }
0x219: {  	v47 =	vld [tilespmem:s21+$0xAD90];
	v29 =	vmax.f32 v29, v51  }
0x21a: {  	v48 =	vld [tilespmem:s21+$0xAE10];
	v29 =	vmax.f32 v29, v52  }
0x21b: {  	v49 =	vld [tilespmem:s21+$0xAE90];
	v29 =	vmax.f32 v29, v53  }
0x21c: {  	v50 =	vld [tilespmem:s21+$0xAF10];
	v29 =	vmax.f32 v29, v54  }
0x21d: {  	v29 =	vmax.f32 v29, v55;
	[tilespmem:$0x1FEE0] =	vst v8;
	v8 =	vld [tilespmem:s21+$0xB220]  }
0x21e: {  	v55 =	vld [tilespmem:s21+$0xA280];
	v30 =	vmax.f32 v29, v56  }
0x21f: {  	v56 =	vld [tilespmem:s21+$0xA300];
	v30 =	vmax.f32 v30, v57  }
0x220: {  	v57 =	vld [tilespmem:s21+$0xA380];
	v30 =	vmax.f32 v30, v58  }
0x221: {  	v58 =	vld [tilespmem:s21+$0xA400];
	v30 =	vmax.f32 v30, v59  }
0x222: {  	v30 =	vmax.f32 v30, v60;
	v60 =	vmax.f32 v62, $-3.000000010e+38;
	[tilespmem:$0x1FEF0] =	vst v8;
	v8 =	vld [tilespmem:s21+$0xA290]  }
0x223: {  	v59 =	vld [tilespmem:s21+$0xA480];
	v60 =	vmax.f32 v60, v63  }
0x224: {  	v62 =	vld [tilespmem:s21+$0xA580];
	v15 =	vmax.f32 v60, v15  }
0x225: {  	v30 =	vmax.f32 v30, v61;
	v61 =	vld [tilespmem:s21+$0xA500];
	v15 =	vmax.f32 v15, v16  }
0x226: {  	v63 =	vld [tilespmem:s21+$0xA700];
	v15 =	vmax.f32 v15, v17  }
0x227: {  	v55 =	vmax.f32 v55, $-3.000000010e+38;
	v15 =	vmax.f32 v15, v18;
	v18 =	vld [tilespmem:s21+$0xA780];
	v8 =	vmax.f32 v8, $-3.000000010e+38  }
0x228: {  	v15 =	vmax.f32 v15, v19;
	v19 =	vld [tilespmem:s21+$0xA800];
	v8 =	vmax.f32 v8, v9;
	v9 =	vmax.f32 v55, v56  }
0x229: {  	v8 =	vmax.f32 v8, v10;
	v9 =	vmax.f32 v9, v57;
	v10 =	vld [tilespmem:s21+$0xA600]  }
0x22a: {  	v55 =	vld [tilespmem:$0x1FE60];
	v9 =	vmax.f32 v9, v58  }
0x22b: {  	v8 =	vmax.f32 v8, v11;
	v11 =	vld [tilespmem:s21+$0xA680];
	v9 =	vmax.f32 v9, v59  }
0x22c: {  	v56 =	vld [tilespmem:$0x1FE70];
	v8 =	vmax.f32 v8, v12;
	v9 =	vmax.f32 v9, v61  }
0x22d: {  	v57 =	vld [tilespmem:$0x1FE80];
	v8 =	vmax.f32 v8, v13;
	v9 =	vmax.f32 v9, v62  }
0x22e: {  	v8 =	vmax.f32 v8, v14;
	v9 =	vmax.f32 v9, v10;
	v10 =	vld [tilespmem:s21+$0xA880]  }
0x22f: {  	v8 =	vmax.f32 v8, v32;
	v32 =	vld [tilespmem:s21+$0xA980]  }
0x230: {  	v9 =	vmax.f32 v9, v11;
	v11 =	vld [tilespmem:s21+$0xA900]  }
0x231: {  	v8 =	vmax.f32 v8, v33;
	v33 =	vld [tilespmem:s21+$0xAA00]  }
0x232: {  	v8 =	vmax.f32 v8, v34;
	v9 =	vmax.f32 v9, v63;
	v34 =	vld [tilespmem:s21+$0xAA80]  }
0x233: {  	v8 =	vmax.f32 v8, v35;
	v9 =	vmax.f32 v9, v18;
	v35 =	vld [tilespmem:s21+$0xAC00]  }
0x234: {  	v8 =	vmax.f32 v8, v36;
	v9 =	vmax.f32 v9, v19;
	v36 =	vld [tilespmem:s21+$0xAC80]  }
0x235: {  	v9 =	vmax.f32 v9, v10;
	v10 =	vld [tilespmem:s21+$0xAB00]  }
0x236: {  	v8 =	vmax.f32 v8, v37;
	v37 =	vld [tilespmem:$0x1FE00]  }
0x237: {  	v9 =	vmax.f32 v9, v11;
	v11 =	vld [tilespmem:s21+$0xAB80]  }
0x238: {  	v15 =	vmax.f32 v15, v20;
	v8 =	vmax.f32 v8, v38;
	v38 =	vld [tilespmem:s21+$0xAD00]  }
0x239: {  	v15 =	vmax.f32 v15, v21;
	v8 =	vmax.f32 v8, v39;
	v9 =	vmax.f32 v9, v32;
	v39 =	vld [tilespmem:$0x1FE10]  }
0x23a: {  	v15 =	vmax.f32 v15, v22;
	v8 =	vmax.f32 v8, v40;
	v9 =	vmax.f32 v9, v33;
	v40 =	vld [tilespmem:$0x1FE20]  }
0x23b: {  	v15 =	vmax.f32 v15, v31;
	v8 =	vmax.f32 v8, v41;
	v9 =	vmax.f32 v9, v34;
	v41 =	vld [tilespmem:$0x1FE30]  }
0x23c: {  	v15 =	vmax.f32 v15, v28;
	v9 =	vmax.f32 v9, v10;
	v10 =	vld [tilespmem:s21+$0xAD80]  }
0x23d: {  	v15 =	vmax.f32 v15, v27;
	v8 =	vmax.f32 v8, v42;
	v42 =	vld [tilespmem:s21+$0xAE80]  }
0x23e: {  	v15 =	vmax.f32 v15, v26;
	v9 =	vmax.f32 v9, v11;
	v11 =	vld [tilespmem:s21+$0xAE00]  }
0x23f: {  	v15 =	vmax.f32 v15, v25;
	v8 =	vmax.f32 v8, v43;
	v43 =	vld [tilespmem:$0x1FE40]  }
0x240: {  	v15 =	vmax.f32 v15, v24;
	v8 =	vmax.f32 v8, v44;
	v9 =	vmax.f32 v9, v35;
	v44 =	vld [tilespmem:s21+$0xAF00]  }
0x241: {  	v15 =	vmax.f32 v15, v37;
	v8 =	vmax.f32 v8, v45;
	v9 =	vmax.f32 v9, v36;
	v45 =	vld [tilespmem:$0x1FE50]  }
0x242: {  	v15 =	vmax.f32 v15, v39;
	v8 =	vmax.f32 v8, v46;
	v9 =	vmax.f32 v9, v38;
	v46 =	vld [tilespmem:s21+$0xAF80]  }
0x243: {  	v15 =	vmax.f32 v15, v40;
	v9 =	vmax.f32 v9, v10;
	v10 =	vld [tilespmem:s21+$0xB000]  }
0x244: {  	v15 =	vmax.f32 v15, v41;
	v9 =	vmax.f32 v9, v11;
	v11 =	vld [tilespmem:s21+$0xB080]  }
0x245: {  	v59 =	vld [tilespmem:$0x1FE90];
	v15 =	vmax.f32 v15, v43;
	v9 =	vmax.f32 v9, v42  }
0x246: {  	v61 =	vld [tilespmem:$0x1FEA0];
	v15 =	vmax.f32 v15, v45;
	v9 =	vmax.f32 v9, v44  }
0x247: {  	v63 =	vld [tilespmem:$0x1FEB0];
	v15 =	vmax.f32 v15, v55;
	v9 =	vmax.f32 v9, v46  }
0x248: {  	v15 =	vmax.f32 v15, v56;
	v9 =	vmax.f32 v9, v10;
	v10 =	vld [tilespmem:$0x1FEC0]  }
0x249: {  	v15 =	vmax.f32 v15, v57;
	v9 =	vmax.f32 v9, v11;
	v11 =	vld [tilespmem:$0x1FED0]  }
0x24a: {  	v51 =	vld [tilespmem:s21+$0xAF90];
	v15 =	vmax.f32 v15, v59  }
0x24b: {  	v52 =	vld [tilespmem:s21+$0xB090];
	v8 =	vmax.f32 v8, v47;
	v15 =	vmax.f32 v15, v61  }
0x24c: {  	v53 =	vld [tilespmem:s21+$0xB190];
	v8 =	vmax.f32 v8, v48;
	v15 =	vmax.f32 v15, v63  }
0x24d: {  	v54 =	vld [tilespmem:s21+$0xB110];
	v8 =	vmax.f32 v8, v49;
	v10 =	vmax.f32 v15, v10  }
0x24e: {  	v8 =	vmax.f32 v8, v50;
	v10 =	vmax.f32 v10, v11;
	v11 =	vld [tilespmem:$0x1FEE0]  }
0x24f: {  	v29 =	vld [tilespmem:s21+$0xB210];
	v8 =	vmax.f32 v8, v51  }
0x250: {  	v60 =	vld [tilespmem:s21+$0xB180];
	v8 =	vmax.f32 v8, v23  }
0x251: {  	v58 =	vld [tilespmem:s21+$0xB100];
	v8 =	vmax.f32 v8, v52  }
0x252: {  	v62 =	vld [tilespmem:s21+$0xB200];
	v8 =	vmax.f32 v8, v54  }
0x253: {  	v10 =	vmax.f32 v10, v11;
	v11 =	vmax.f32 v8, v53;
	v8 =	vld [tilespmem:$0x1FEF0];
	_ =	sdelay $0x2  }
0x254: {  	v9 =	vmax.f32 v9, v58  }
0x255: {  	v12 =	vmax.f32 v9, v60  }
0x256: {  	v9 =	vmax.f32 v11, v29;
	v8 =	vmax.f32 v10, v8;
	v10 =	vmax.f32 v12, v62  }
.LBB2_25:
0x257: {  	s18 =	sadd.s32 $0x4000, s18  }
0x258: {  	p0 =	sne.s32 s18, $0x20000  }
.Ltmp22:
0x259: {  	_ = 	snop;
	(pc) =	sbr.rel @!p0 .LBB2_26-.Ltmp22, $4  }
0x25a: {  	[tilespmem:s19+$0xFFFFFFD0] =	vst v10  }
0x25b: {  	[tilespmem:s19+$0xFFFFFFE0] =	vst v9  }
0x25c: {  	[tilespmem:s19+$0xFFFFFFF0] =	vst v8  }
0x25d: {  	[tilespmem:s19+$0x0] =	vst v30;
	s19 =	sadd.s32 $0x80, s19;
	s20 =	sadd.s32 $0x1, s20  }
.LBB2_22:
0x25e: {  	s1 =	sld [smem:s20+$0x0];
	_ =	sdelay $0x2  }
0x25f: {  	p0 =	slt.s32 s1, $0x1  }
.Ltmp23:
0x260: {  	_ = 	snop;
	(pc) =	sbr.rel @!p0 .LBB2_24-.Ltmp23, $1  }
0x261: {  	_ =	sdelay $0x3  }
.Ltmp24:
0x262: {  	(pc) =	sbr.rel .LBB2_25-.Ltmp24, $3  }
0x263: {  	_ =	sdelay $0x1  }
0x264: {  	v10 =	vimm.f32 $-3.000000010e+38  }
0x265: {  	v9 =	vimm.f32 $-3.000000010e+38;
	v8 =	vimm.f32 $-3.000000010e+38;
	v30 =	vimm.f32 $-3.000000010e+38  }
.LBB2_27:
0x266: {  	_ =	sfence.sel $0x180000  }
0x267: {  	[bflag:$0x0] =	sbarrier.arrive $0xFFFF  }
0x268: {  	_ =	strace $0x90000047  }
0x269: {  	s0 =	stileid.u32;
	[bflag:$0x2] =	sbarrier.arrive $0xFFFF  }
0x26a: {  	p0 =	sne.s32 s0, $0x0;
	s0 =	rddreg [dreg:$0x3]  }
0x26b: {  	s0 =	sadd.s32 @!p0 $0x100000, s0  }
0x26c: {  	[sflag:s0] =	ssyncadd.tile.s32 @!p0 $0x1;
	_ =	shalt  }
.Lfunc_end2:
_tile_overlayer_lowered:
.L_overlay_start_2:
0x26d: {  	(tag) =	ssettag $0x2  }
0x26e: {  	s0 =	rddreg [dreg:$0x0];
	s2 =	stileid.u32  }
0x26f: {  	s1 =	rddreg [dreg:$0x1];
	p0 =	sne.s32 s2, $0x0  }
0x270: {  	s3 =	rddreg [dreg:$0x2];
	[bflag:$0x3] =	sbarrier.arrive $0xFFFF;
	s2 =	simm.s32 @!p0 $0x1C03  }
0x271: {  	[timem:s3], [sflag:s2] =	dma.local @!p0 [hbm:s0], s1  }
0x272: {  	s0 =	simm.s32 @!p0 $0x3  }
0x273: {  	_ =	swait.ge @!p0 [sflag:s0], s1  }
0x274: {  	s1 =	ssub.s32 @!p0 $0x0, s1;
	[sflag:s0] =	ssyncset.done @!p0 $0x0  }
0x275: {  	[sflag:s0] =	ssyncadd.s32 @!p0 s1  }
0x276: {  	[bflag:$0x3] =	sbarrier.arrive $0xFFFF  }
0x277: {  	_ =	shalt  }

</sc_bundles>
